<compile_context>
chip_gen: v7x
topology: tpu7x:2x2x1
jax: 0.10.2.dev20260603
libtpu: 0.0.44.dev20260713+nightly
codegen_flags: <defaults>
</compile_context>

<pallas_src>
import functools

import jax
import jax.numpy as jnp
import numpy as np
from jax import lax
from jax.experimental import pallas as pl
from jax.experimental.pallas import tpu as pltpu
from jax.experimental.pallas import tpu_sc as plsc

_NC = None
_NS = None
_NW = None
_CHUNK = 128

_HP = jax.lax.Precision.HIGHEST
_EPS = 1e-16


def _sc_geom():
    global _NC, _NS, _NW
    if _NW is None:
        info = plsc.get_sparse_core_info()
        _NC, _NS = info.num_cores, info.num_subcores
        _NW = _NC * _NS
    return _NC, _NS, _NW


def _mesh():
    return plsc.VectorSubcoreMesh(core_axis_name="c", subcore_axis_name="s")




@functools.lru_cache(maxsize=None)
def _sc_gather2(n, d, e, nch_pad):
    per_w = e // _NW
    nchunks = per_w // _CHUNK
    kdep = max(1, min(nchunks, (420 * 1024) // (2 * _CHUNK * d * 4)))

    @functools.partial(
        pl.kernel,
        out_type=(jax.ShapeDtypeStruct((e, d), jnp.float32),
                  jax.ShapeDtypeStruct((e, d), jnp.float32)),
        mesh=_mesh(),
        scratch_types=[
            pltpu.VMEM((nch_pad, _CHUNK), jnp.int32),
            pltpu.VMEM((nch_pad, _CHUNK), jnp.int32),
        ] + [pltpu.VMEM((_CHUNK, d), jnp.float32)
             for _ in range(2 * kdep)]
          + [pltpu.SemaphoreType.DMA for _ in range(2 * kdep)],
    )
    def k(ta, tb, ia, ib, oa, ob, ia_v, ib_v, *bufs):
        ras = bufs[:kdep]
        rbs = bufs[kdep:2 * kdep]
        sas = bufs[2 * kdep:3 * kdep]
        sbs = bufs[3 * kdep:4 * kdep]
        wid = lax.axis_index("s") * _NC + lax.axis_index("c")
        base = wid * per_w
        pltpu.sync_copy(ia.at[wid], ia_v)
        pltpu.sync_copy(ib.at[wid], ib_v)

        def group(j0, cnt):
            cs = []
            for q in range(cnt):
                j = j0 + q
                cs.append((pltpu.async_copy(ta.at[ia_v.at[j]], ras[q], sas[q]),
                           pltpu.async_copy(tb.at[ib_v.at[j]], rbs[q], sbs[q])))
            for q in range(cnt):
                j = j0 + q
                off = base + j * _CHUNK
                ca, cb = cs[q]
                ca.wait()
                pltpu.sync_copy(ras[q], oa.at[pl.ds(off, _CHUNK)])
                cb.wait()
                pltpu.sync_copy(rbs[q], ob.at[pl.ds(off, _CHUNK)])

        def body(g, carry):
            group(g * kdep, kdep)
            return carry

        lax.fori_loop(0, nchunks // kdep, body, 0)
        if nchunks % kdep:
            group(nchunks // kdep * kdep, nchunks % kdep)

    return k


@functools.lru_cache(maxsize=None)
def _sc_scatter(npad, e):
    per_w = e // _NW
    nchunks = per_w // _CHUNK
    rows_t = npad // _NS

    @functools.partial(
        pl.kernel,
        out_type=jax.ShapeDtypeStruct((_NC, npad, _CHUNK), jnp.float32),
        mesh=_mesh(),
        scratch_types=[
            pltpu.VMEM_SHARED((npad, _CHUNK), jnp.float32),
            pltpu.VMEM((nchunks, _CHUNK), jnp.int32),
            pltpu.VMEM((_CHUNK, _CHUNK), jnp.float32),
            pltpu.VMEM((_CHUNK, _CHUNK), jnp.float32),
            pltpu.SemaphoreType.DMA,
            pltpu.SemaphoreType.DMA,
        ],
    )
    def k(w_h, idx_h, zeros_h, wout, wacc, idx_v, w_v, w_v2, s0, s1):
        cid = lax.axis_index("c")
        sid = lax.axis_index("s")
        wid = sid * _NC + cid
        r0 = sid * rows_t
        pltpu.sync_copy(zeros_h.at[pl.ds(r0, rows_t)],
                        wacc.at[pl.ds(r0, rows_t)])
        plsc.subcore_barrier()
        pltpu.sync_copy(idx_h.at[wid], idx_v)

        def body(p, carry):
            j0 = p * 2
            off0 = wid * per_w + j0 * _CHUNK
            c0 = pltpu.async_copy(w_h.at[pl.ds(off0, _CHUNK)], w_v, s0)
            c1 = pltpu.async_copy(w_h.at[pl.ds(off0 + _CHUNK, _CHUNK)],
                                  w_v2, s1)
            c0.wait()
            pltpu.sync_copy(w_v, wacc.at[idx_v.at[j0]], add=True)
            c1.wait()
            pltpu.sync_copy(w_v2, wacc.at[idx_v.at[j0 + 1]], add=True)
            return carry

        lax.fori_loop(0, nchunks // 2, body, 0)
        for j in range(nchunks // 2 * 2, nchunks):
            off = wid * per_w + j * _CHUNK
            pltpu.sync_copy(w_h.at[pl.ds(off, _CHUNK)], w_v)
            pltpu.sync_copy(w_v, wacc.at[idx_v.at[j]], add=True)
        plsc.subcore_barrier()
        pltpu.sync_copy(wacc.at[pl.ds(r0, rows_t)],
                        wout.at[cid, pl.ds(r0, rows_t)])

    return k


@functools.lru_cache(maxsize=None)
def _sc_scatter3(npad, e):
    per_w = e // _NW
    nchunks = per_w // _CHUNK
    rows_t = npad // _NS

    @functools.partial(
        pl.kernel,
        out_type=tuple(jax.ShapeDtypeStruct((_NC, npad, _CHUNK), jnp.float32)
                       for _ in range(3)),
        mesh=_mesh(),
        scratch_types=[
            pltpu.VMEM_SHARED((npad, _CHUNK), jnp.float32),
            pltpu.VMEM((nchunks, _CHUNK), jnp.int32),
            pltpu.VMEM((_CHUNK, _CHUNK), jnp.float32),
            pltpu.VMEM((_CHUNK, _CHUNK), jnp.float32),
            pltpu.SemaphoreType.DMA,
            pltpu.SemaphoreType.DMA,
        ],
    )
    def k(wa_h, wb_h, wc_h, idx_h, zeros_h, oa, ob, oc, wacc, idx_v, w_v,
          w_v2, s0, s1):
        cid = lax.axis_index("c")
        sid = lax.axis_index("s")
        wid = sid * _NC + cid
        r0 = sid * rows_t
        pltpu.sync_copy(idx_h.at[wid], idx_v)
        for w_h, out in ((wa_h, oa), (wb_h, ob), (wc_h, oc)):
            pltpu.sync_copy(zeros_h.at[pl.ds(r0, rows_t)],
                            wacc.at[pl.ds(r0, rows_t)])
            plsc.subcore_barrier()

            def body(p, carry, w_h=w_h):
                j0 = p * 2
                off0 = wid * per_w + j0 * _CHUNK
                c0 = pltpu.async_copy(w_h.at[pl.ds(off0, _CHUNK)], w_v, s0)
                c1 = pltpu.async_copy(w_h.at[pl.ds(off0 + _CHUNK, _CHUNK)],
                                      w_v2, s1)
                c0.wait()
                pltpu.sync_copy(w_v, wacc.at[idx_v.at[j0]], add=True)
                c1.wait()
                pltpu.sync_copy(w_v2, wacc.at[idx_v.at[j0 + 1]], add=True)
                return carry

            lax.fori_loop(0, nchunks // 2, body, 0)
            for j in range(nchunks // 2 * 2, nchunks):
                off = wid * per_w + j * _CHUNK
                pltpu.sync_copy(w_h.at[pl.ds(off, _CHUNK)], w_v)
                pltpu.sync_copy(w_v, wacc.at[idx_v.at[j]], add=True)
            plsc.subcore_barrier()
            pltpu.sync_copy(wacc.at[pl.ds(r0, rows_t)],
                            out.at[cid, pl.ds(r0, rows_t)])
            plsc.subcore_barrier()

    return k




def _full(shape):
    return pl.BlockSpec(shape, lambda i: tuple(0 for _ in shape))


def _row_block(b, d):
    return pl.BlockSpec((b, d), lambda i: (i, 0))


def _eemb_call(ea, we0, we1, we2):
    e = ea.shape[0]
    be = 1280

    def body(ea_ref, w0_ref, w1_ref, w2_ref, o0_ref, o1_ref, o2_ref):
        a = ea_ref[...]
        o0_ref[...] = jnp.dot(a, w0_ref[...], precision=_HP)
        o1_ref[...] = jnp.dot(a, w1_ref[...], precision=_HP)
        o2_ref[...] = jnp.dot(a, w2_ref[...], precision=_HP)

    return pl.pallas_call(
        body,
        grid=(e // be,),
        in_specs=[
            _row_block(be, ea.shape[1]),
            _full(we0.shape), _full(we1.shape), _full(we2.shape),
        ],
        out_specs=[
            _row_block(be, we0.shape[1]),
            _row_block(be, we1.shape[1]),
            _row_block(be, we2.shape[1]),
        ],
        out_shape=[
            jax.ShapeDtypeStruct((e, we0.shape[1]), jnp.float32),
            jax.ShapeDtypeStruct((e, we1.shape[1]), jnp.float32),
            jax.ShapeDtypeStruct((e, we2.shape[1]), jnp.float32),
        ],
    )(ea, we0, we1, we2)


def _proj0_call(x, wlr, blr):
    n = x.shape[0]
    bn = 400

    def body(x_ref, w_ref, b_ref, o_ref):
        o_ref[...] = (jnp.dot(x_ref[...], w_ref[...], precision=_HP)
                      + b_ref[...])

    return pl.pallas_call(
        body,
        grid=(n // bn,),
        in_specs=[_row_block(bn, x.shape[1]), _full(wlr.shape),
                  _full(blr.shape)],
        out_specs=_row_block(bn, wlr.shape[1]),
        out_shape=jax.ShapeDtypeStruct((n, wlr.shape[1]), jnp.float32),
    )(x, wlr, blr)


def _edge01_call(xjs, xjd, ee, attf, p1, p2, bht, mask, e16pad, sel):
    e = xjs.shape[0]
    be = 1280
    hid = ee.shape[1]

    def body(s_ref, d_ref, ee_ref, att_ref, p1_ref, p2_ref, bht_ref,
             msk_ref, e16_ref, sel_ref, o_ref):
        s = s_ref[...]
        xj = jnp.dot(s, p1_ref[...], precision=_HP)
        xrd = jnp.dot(d_ref[...], p2_ref[...], precision=_HP)
        m = xj + xrd + ee_ref[...]
        m = jnp.where(m >= 0.0, m, 0.2 * m)
        t = m * att_ref[...]
        lg = jnp.dot(t, bht_ref[...], precision=_HP)
        ex = jnp.exp(lg) * msk_ref[...]
        o_ref[...] = (s * jnp.dot(ex, e16_ref[...], precision=_HP)
                      + jnp.dot(ex, sel_ref[...], precision=_HP))

    return pl.pallas_call(
        body,
        grid=(e // be,),
        in_specs=[
            _row_block(be, 128), _row_block(be, 128), _row_block(be, hid),
            _full(attf.shape), _full(p1.shape), _full(p2.shape),
            _full(bht.shape), _full(mask.shape), _full(e16pad.shape),
            _full(sel.shape),
        ],
        out_specs=_row_block(be, 128),
        out_shape=jax.ShapeDtypeStruct((e, 128), jnp.float32),
    )(xjs, xjd, ee, attf, p1, p2, bht, mask, e16pad, sel)


def _edge2_call(xj2, xrd2, ee2, attf, bht, mask, e16, padw):
    e, d = xj2.shape
    be = 1280

    def body(xj_ref, xr_ref, ee_ref, att_ref, bht_ref, msk_ref, e16_ref,
             padw_ref, oa_ref, ob_ref, oe_ref):
        xj = xj_ref[...]
        m = xj + xr_ref[...] + ee_ref[...]
        m = jnp.where(m >= 0.0, m, 0.2 * m)
        t = m * att_ref[...]
        lg = jnp.dot(t, bht_ref[...], precision=_HP)
        ex = jnp.exp(lg) * msk_ref[...]
        w = xj * jnp.dot(ex, e16_ref[...], precision=_HP)
        oa_ref[...] = w[:, :128]
        ob_ref[...] = w[:, 128:]
        oe_ref[...] = jnp.dot(ex, padw_ref[...], precision=_HP)

    return pl.pallas_call(
        body,
        grid=(e // be,),
        in_specs=[
            _row_block(be, d), _row_block(be, d), _row_block(be, d),
            _full(attf.shape), _full(bht.shape), _full(mask.shape),
            _full(e16.shape), _full(padw.shape),
        ],
        out_specs=[_row_block(be, 128), _row_block(be, 128),
                   _row_block(be, 128)],
        out_shape=[
            jax.ShapeDtypeStruct((e, 128), jnp.float32),
            jax.ShapeDtypeStruct((e, 128), jnp.float32),
            jax.ShapeDtypeStruct((e, 128), jnp.float32),
        ],
    )(xj2, xrd2, ee2, attf, bht, mask, e16, padw)


def _post_concat_call(n, wpart, pw, sb, bias, wbs):
    bn = 400

    def body(*refs):
        wp_ref, pw_ref, sb_ref, b_ref = refs[:4]
        wrefs = refs[4:4 + len(wbs)]
        brefs = refs[4 + len(wbs):4 + 2 * len(wbs)]
        orefs = refs[4 + 2 * len(wbs):]
        blk = wp_ref[0] + wp_ref[1]
        w = jnp.dot(blk, pw_ref[...], precision=_HP)
        denb = jnp.dot(blk, sb_ref[...], precision=_HP) + _EPS
        h = w / denb + b_ref[...]
        h = jnp.where(h > 0.0, h, jnp.exp(jnp.minimum(h, 0.0)) - 1.0)
        for w_r, b_r, o_r in zip(wrefs, brefs, orefs):
            o_r[...] = jnp.dot(h, w_r[...], precision=_HP) + b_r[...]

    in_specs = [pl.BlockSpec((2, bn, 128), lambda i: (0, i, 0)),
                _full(pw.shape), _full(sb.shape), _full(bias.shape)]
    args = [wpart, pw, sb, bias]
    for w, _ in wbs:
        in_specs.append(_full(w.shape))
        args.append(w)
    for _, b in wbs:
        in_specs.append(_full(b.shape))
        args.append(b)
    out_specs = [_row_block(bn, w.shape[1]) for w, _ in wbs]
    out_shape = [jax.ShapeDtypeStruct((n, w.shape[1]), jnp.float32)
                 for w, _ in wbs]
    res = pl.pallas_call(
        body, grid=(n // bn,), in_specs=in_specs, out_specs=out_specs,
        out_shape=out_shape)(*args)
    return res


def _post_mean_call(n, wpa, wpb, expart, s0, e16a, e16b, mixa, mixb, bias,
                    epad):
    bn = 400

    def body(wa_ref, wb_ref, ex_ref, s0_ref, ea_ref, eb_ref, ma_ref, mb_ref,
             b_ref, ep_ref, h_ref, hs_ref):
        wa = wa_ref[0] + wa_ref[1]
        wb = wb_ref[0] + wb_ref[1]
        den = jnp.dot(ex_ref[0] + ex_ref[1], s0_ref[...], precision=_HP)
        dba = jnp.dot(den, ea_ref[...], precision=_HP) + _EPS
        dbb = jnp.dot(den, eb_ref[...], precision=_HP) + _EPS
        hm = (jnp.dot(wa / dba, ma_ref[...], precision=_HP)
              + jnp.dot(wb / dbb, mb_ref[...], precision=_HP) + b_ref[...])
        h = jnp.where(hm > 0.0, hm, jnp.exp(jnp.minimum(hm, 0.0)) - 1.0)
        h128 = jnp.dot(h, ep_ref[...], precision=_HP)
        h_ref[...] = h128

        @pl.when(pl.program_id(0) == 0)
        def _():
            hs_ref[...] = jnp.zeros_like(hs_ref)

        hs_ref[...] += jnp.sum(h128, axis=0, keepdims=True)

    return pl.pallas_call(
        body,
        grid=(n // bn,),
        in_specs=[
            pl.BlockSpec((2, bn, 128), lambda i: (0, i, 0)),
            pl.BlockSpec((2, bn, 128), lambda i: (0, i, 0)),
            pl.BlockSpec((2, bn, 128), lambda i: (0, i, 0)),
            _full(s0.shape), _full(e16a.shape), _full(e16b.shape),
            _full(mixa.shape), _full(mixb.shape), _full(bias.shape),
            _full(epad.shape),
        ],
        out_specs=[_row_block(bn, 128), pl.BlockSpec((1, 128), lambda i: (0, 0))],
        out_shape=[
            jax.ShapeDtypeStruct((n, 128), jnp.float32),
            jax.ShapeDtypeStruct((1, 128), jnp.float32),
        ],
    )(wpa, wpb, expart, s0, e16a, e16b, mixa, mixb, bias, epad)


def _mlp_call(es, et, w0a, w0b, b0, w1, b1, w2, b2):
    m = es.shape[0]
    bm = 1024

    def body(es_ref, et_ref, w0a_ref, w0b_ref, b0_ref, w1_ref, b1_ref,
             w2_ref, b2_ref, o_ref):
        z1 = jnp.maximum(
            jnp.dot(es_ref[...], w0a_ref[...], precision=_HP)
            + jnp.dot(et_ref[...], w0b_ref[...], precision=_HP)
            + b0_ref[...], 0.0)
        z2 = jnp.maximum(
            jnp.dot(z1, w1_ref[...], precision=_HP) + b1_ref[...], 0.0)
        o_ref[...] = jnp.dot(z2, w2_ref[...], precision=_HP) + b2_ref[...]

    return pl.pallas_call(
        body,
        grid=(m // bm,),
        in_specs=[
            _row_block(bm, 128), _row_block(bm, 128),
            _full(w0a.shape), _full(w0b.shape), _full(b0.shape),
            _full(w1.shape), _full(b1.shape),
            _full(w2.shape), _full(b2.shape),
        ],
        out_specs=_row_block(bm, 1),
        out_shape=jax.ShapeDtypeStruct((m, 1), jnp.float32),
    )(es, et, w0a, w0b, b0, w1, b1, w2, b2)


def _value_call(hsum, n, v0, vb0, v1, vb1):
    def body(hs_ref, v0_ref, vb0_ref, v1_ref, vb1_ref, o_ref):
        g = hs_ref[...] * (1.0 / n)
        v = jnp.maximum(
            jnp.dot(g, v0_ref[...], precision=_HP) + vb0_ref[...], 0.0)
        o_ref[...] = jnp.tanh(
            jnp.dot(v, v1_ref[...], precision=_HP) + vb1_ref[...])

    return pl.pallas_call(
        body,
        out_shape=jax.ShapeDtypeStruct((1, 1), jnp.float32),
    )(hsum, v0, vb0, v1, vb1)




@functools.lru_cache(maxsize=None)
def _patterns(heads, c):
    d = heads * c
    bht = np.zeros((d, 16), np.float32)
    e16 = np.zeros((16, d), np.float32)
    for h in range(heads):
        bht[h * c:(h + 1) * c, h] = 1.0
        e16[h, h * c:(h + 1) * c] = 1.0
    mask = np.zeros((1, 16), np.float32)
    mask[0, :heads] = 1.0
    return jnp.asarray(bht), jnp.asarray(e16), jnp.asarray(mask)


@functools.lru_cache(maxsize=None)
def _consts(heads, c01, c2):
    hid = heads * c01
    d2 = heads * c2
    o = {}
    p1 = np.zeros((128, hid), np.float32)
    p1[:hid, :] = np.eye(hid, dtype=np.float32)
    p2 = np.zeros((128, hid), np.float32)
    p2[hid:2 * hid, :] = np.eye(hid, dtype=np.float32)
    o["p1"], o["p2"] = jnp.asarray(p1), jnp.asarray(p2)
    e16pad = np.zeros((16, 128), np.float32)
    for h in range(heads):
        e16pad[h, h * c01:(h + 1) * c01] = 1.0
    o["e16pad"] = jnp.asarray(e16pad)
    sel = np.zeros((16, 128), np.float32)
    for i in range(16):
        sel[i, hid + i] = 1.0
    o["sel"] = jnp.asarray(sel)
    pw = np.zeros((128, hid), np.float32)
    pw[:hid, :] = np.eye(hid, dtype=np.float32)
    o["pw"] = jnp.asarray(pw)
    sb = np.zeros((128, hid), np.float32)
    for h in range(heads):
        sb[hid + h, h * c01:(h + 1) * c01] = 1.0
    o["sb"] = jnp.asarray(sb)
    padw = np.zeros((16, 128), np.float32)
    padw[:, :16] = np.eye(16, dtype=np.float32)
    o["padw"] = jnp.asarray(padw)
    s0 = np.zeros((128, 16), np.float32)
    s0[:16, :] = np.eye(16, dtype=np.float32)
    o["s0"] = jnp.asarray(s0)
    mix = np.zeros((d2, c2), np.float32)
    for h in range(heads):
        mix[h * c2:(h + 1) * c2, :] = np.eye(c2, dtype=np.float32) / heads
    o["mixa"], o["mixb"] = jnp.asarray(mix[:128]), jnp.asarray(mix[128:])
    epad = np.zeros((c2, 128), np.float32)
    epad[:, :c2] = np.eye(c2, dtype=np.float32)
    o["epad"] = jnp.asarray(epad)
    return o




def kernel(x, edge_index, edge_attr, candidate_moves, params):
    _sc_geom()
    n = x.shape[0]
    e = edge_index.shape[1]
    m = candidate_moves.shape[0]
    heads, c2 = params["gat2"]["att"].shape
    c01 = params["gat0"]["att"].shape[1]
    hid = heads * c01
    d2 = heads * c2
    p0, p1, p2 = params["gat0"], params["gat1"], params["gat2"]
    cn = _consts(heads, c01, c2)
    bht01, e16_01, mask01 = _patterns(heads, c01)
    bht2, e16_2, mask2 = _patterns(heads, c2)

    grain = _NW * _CHUNK
    npad = ((n + 8 * _NS - 1) // (8 * _NS)) * (8 * _NS)

    epad_e = ((e + grain - 1) // grain) * grain
    src = jnp.pad(edge_index[0].astype(jnp.int32), (0, epad_e - e))
    dst = jnp.pad(edge_index[1].astype(jnp.int32), (0, epad_e - e),
                  constant_values=n)
    ea_p = jnp.pad(edge_attr, ((0, epad_e - e), (0, 0)))

    def idx3d(v, length):
        nch = length // (_NW * _CHUNK)
        nch_pad = ((nch + 7) // 8) * 8
        a = v.reshape(_NW, nch, _CHUNK)
        return jnp.pad(a, ((0, 0), (0, nch_pad - nch), (0, 0))), nch_pad

    src3, src_nchp = idx3d(src, epad_e)
    dst3, _ = idx3d(dst, epad_e)

    mpad = ((m + grain - 1) // grain) * grain
    ca = jnp.pad(candidate_moves[:, 0].astype(jnp.int32), (0, mpad - m))
    cb = jnp.pad(candidate_moves[:, 1].astype(jnp.int32), (0, mpad - m))
    ca3, cand_nchp = idx3d(ca, mpad)
    cb3, _ = idx3d(cb, mpad)

    zeros128 = jnp.zeros((npad, 128), jnp.float32)

    def r2(v):
        return v.reshape(1, -1)

    ee0, ee1, ee2 = _eemb_call(ea_p, p0["We"], p1["We"], p2["We"])

    wlr0 = jnp.concatenate([p0["Wl"], p0["Wr"]], axis=1)
    blr0 = jnp.concatenate([p0["bl"], p0["br"]]).reshape(1, -1)
    xlr = _proj0_call(x, wlr0, blr0)

    for p, pn, ee in ((p0, p1, ee0), (p1, p2, ee1)):
        xjs, xjd = _sc_gather2(n, 128, epad_e, src_nchp)(
            xlr, xlr, src3, dst3)
        w = _edge01_call(xjs, xjd, ee, r2(p["att"].reshape(-1)),
                         cn["p1"], cn["p2"], bht01, mask01, cn["e16pad"],
                         cn["sel"])
        wpart = _sc_scatter(npad, epad_e)(w, dst3, zeros128)
        if pn is p1:
            wlr1 = jnp.concatenate([p1["Wl"], p1["Wr"]], axis=1)
            blr1 = jnp.concatenate([p1["bl"], p1["br"]]).reshape(1, -1)
            (xlr,) = _post_concat_call(
                n, wpart, cn["pw"], cn["sb"], r2(p["bias"]),
                ((wlr1, blr1),))
        else:
            xl2, xr2 = _post_concat_call(
                n, wpart, cn["pw"], cn["sb"], r2(p["bias"]),
                ((p2["Wl"], r2(p2["bl"])), (p2["Wr"], r2(p2["br"]))))

    xj2, xrd2 = _sc_gather2(n, d2, epad_e, src_nchp)(xl2, xr2, src3, dst3)
    w2a, w2b, exw = _edge2_call(xj2, xrd2, ee2, r2(p2["att"].reshape(-1)),
                                bht2, mask2, e16_2, cn["padw"])
    wpa, wpb, expart = _sc_scatter3(npad, epad_e)(
        w2a, w2b, exw, dst3, zeros128)
    h128, hsum = _post_mean_call(
        n, wpa, wpb, expart, cn["s0"], e16_2[:, :128], e16_2[:, 128:],
        cn["mixa"], cn["mixb"], r2(p2["bias"]), cn["epad"])

    es, et = _sc_gather2(n, 128, mpad, cand_nchp)(h128, h128, ca3, cb3)
    ep = params["edge_pred"]
    w0a = jnp.pad(ep["W0"][:hid], ((0, 128 - hid), (0, 0)))
    w0b = jnp.pad(ep["W0"][hid:], ((0, 128 - hid), (0, 0)))
    logits = _mlp_call(es, et, w0a, w0b, r2(ep["b0"]),
                       ep["W1"], r2(ep["b1"]), ep["W2"], r2(ep["b2"]))
    move_logits = logits[:m]

    vp = params["value"]
    v0 = jnp.pad(vp["W0"], ((0, 128 - hid), (0, 0)))
    value = _value_call(hsum, float(n), v0, r2(vp["b0"]),
                        vp["W1"], r2(vp["b1"]))

    return move_logits, value

# --- scband reference (transcript-rebuilt; emitter-appended) ---
"""Pipeline reference for scband-hive-gnn-model-71356586655930 (READ-ONLY COPY).

The authoritative reference and input builder live on the scoring server;
editing this copy changes nothing except your own understanding.
"""

import jax, jax.numpy as jnp
import numpy as np

N = 10000
E = 160000
M = 50000
F_IN = 14
D_E = 5
HEADS = 4
HID = 64


def _lin(key, fin, fout, bias=True):
    k1, k2 = jax.random.split(key)
    w = jax.random.normal(k1, (fin, fout), jnp.float32) / np.sqrt(fin)
    if bias:
        b = jax.random.normal(k2, (fout,), jnp.float32) * 0.01
        return w, b
    return w


def _gat_params(key, fin, heads, c_out, concat):
    ks = jax.random.split(key, 5)
    Wl, bl = _lin(ks[0], fin, heads * c_out)
    Wr, br = _lin(ks[1], fin, heads * c_out)
    We = _lin(ks[2], D_E, heads * c_out, bias=False)
    att = jax.random.normal(ks[3], (heads, c_out), jnp.float32) / np.sqrt(c_out)
    bo = jnp.zeros((heads * c_out if concat else c_out,), jnp.float32)
    return {"Wl": Wl, "bl": bl, "Wr": Wr, "br": br, "We": We, "att": att, "bias": bo}


def setup_inputs(seed: int = 0) -> dict:
    key = jax.random.key(seed)
    ks = jax.random.split(key, 12)
    params = {
        "gat0": _gat_params(ks[4], F_IN, HEADS, HID // HEADS, True),
        "gat1": _gat_params(ks[5], HID, HEADS, HID // HEADS, True),
        "gat2": _gat_params(ks[6], HID, HEADS, HID, False),
    }
    W0, b0 = _lin(ks[7], 2 * HID, HID)
    W1, b1 = _lin(ks[8], HID, HID // 2)
    W2, b2 = _lin(ks[9], HID // 2, 1)
    params["edge_pred"] = {"W0": W0, "b0": b0, "W1": W1, "b1": b1, "W2": W2, "b2": b2}
    V0, vb0 = _lin(ks[10], HID, HID // 2)
    V1, vb1 = _lin(ks[11], HID // 2, 1)
    params["value"] = {"W0": V0, "b0": vb0, "W1": V1, "b1": vb1}
    return {
        "x": jax.random.normal(ks[0], (N, F_IN), jnp.float32),
        "edge_index": jax.random.randint(ks[1], (2, E), 0, N),
        "edge_attr": jax.random.normal(ks[2], (E, D_E), jnp.float32),
        "candidate_moves": jax.random.randint(ks[3], (M, 2), 0, N),
        "params": params,
    }


def _gat(x, ei, ea, p, concat):
    heads, c = p["att"].shape
    n = x.shape[0]
    src, dst = ei[0], ei[1]
    xl = (x @ p["Wl"] + p["bl"]).reshape(n, heads, c)
    xr = (x @ p["Wr"] + p["br"]).reshape(n, heads, c)
    eemb = (ea @ p["We"]).reshape(-1, heads, c)
    xj = xl[src]
    m = xj + xr[dst] + eemb
    m = jax.nn.leaky_relu(m, 0.2)
    logit = (m * p["att"][None]).sum(-1)
    mx = jax.ops.segment_max(logit, dst, num_segments=n)
    mx = jnp.where(jnp.isfinite(mx), mx, 0.0)
    ex = jnp.exp(logit - mx[dst])
    den = jax.ops.segment_sum(ex, dst, num_segments=n)
    alpha = ex / (den[dst] + 1e-16)
    out = jax.ops.segment_sum(xj * alpha[..., None], dst, num_segments=n)
    out = out.reshape(n, heads * c) if concat else out.mean(axis=1)
    return out + p["bias"]


def reference(x, edge_index, edge_attr, candidate_moves, params):
    h = x
    for name, concat in (("gat0", True), ("gat1", True), ("gat2", False)):
        h = jax.nn.elu(_gat(h, edge_index, edge_attr, params[name], concat))
    es = h[candidate_moves[:, 0]]
    et = h[candidate_moves[:, 1]]
    z = jnp.concatenate([es, et], axis=-1)
    ep = params["edge_pred"]
    z = jax.nn.relu(z @ ep["W0"] + ep["b0"])
    z = jax.nn.relu(z @ ep["W1"] + ep["b1"])
    move_logits = z @ ep["W2"] + ep["b2"]
    g = h.mean(axis=0, keepdims=True)
    vp = params["value"]
    v = jax.nn.relu(g @ vp["W0"] + vp["b0"])
    value = jnp.tanh(v @ vp["W1"] + vp["b1"])
    return move_logits, value

if __name__ == "__main__":
    import jax
    _d = setup_inputs()
    print(jax.jit(kernel)(*tuple(_d.values())))

</pallas_src>

<mosaic_0001>
#map = affine_map<(d0, d1) -> (0, 0)>
#map1 = affine_map<(d0, d1) -> (0, 0, 0)>
module attributes {stable_mosaic.version = 14 : i64} {
  func.func @k(%arg0: i32, %arg1: i32, %arg2: memref<10000x128xf32, #tpu.memory_space<hbm>>, %arg3: memref<10000x128xf32, #tpu.memory_space<hbm>>, %arg4: memref<32x40x128xi32, #tpu.memory_space<hbm>>, %arg5: memref<32x40x128xi32, #tpu.memory_space<hbm>>, %arg6: memref<163840x128xf32, #tpu.memory_space<hbm>>, %arg7: memref<163840x128xf32, #tpu.memory_space<hbm>>, %arg8: memref<40x128xi32, #tpu.memory_space<vmem>>, %arg9: memref<40x128xi32, #tpu.memory_space<vmem>>, %arg10: memref<128x128xf32, #tpu.memory_space<vmem>>, %arg11: memref<128x128xf32, #tpu.memory_space<vmem>>, %arg12: memref<128x128xf32, #tpu.memory_space<vmem>>, %arg13: memref<128x128xf32, #tpu.memory_space<vmem>>, %arg14: memref<128x128xf32, #tpu.memory_space<vmem>>, %arg15: memref<128x128xf32, #tpu.memory_space<vmem>>, %arg16: memref<!tpu.dma_semaphore, #tpu.memory_space<semaphore_mem>>, %arg17: memref<!tpu.dma_semaphore, #tpu.memory_space<semaphore_mem>>, %arg18: memref<!tpu.dma_semaphore, #tpu.memory_space<semaphore_mem>>, %arg19: memref<!tpu.dma_semaphore, #tpu.memory_space<semaphore_mem>>, %arg20: memref<!tpu.dma_semaphore, #tpu.memory_space<semaphore_mem>>, %arg21: memref<!tpu.dma_semaphore, #tpu.memory_space<semaphore_mem>>) attributes {dimension_semantics = [#tpu.dimension_semantics<core_parallel>, #tpu.dimension_semantics<subcore_parallel>], iteration_bounds = array<i64: 2, 16>, scalar_prefetch = 0 : i64, scratch_operands = 14 : i64, tpu.core_type = #tpu.core_type<sc_vector_subcore>, window_params = [{transform_indices = #map}, {transform_indices = #map}, {transform_indices = #map1}, {transform_indices = #map1}, {transform_indices = #map}, {transform_indices = #map}]} {
    %mul3A = arith.constant 2 : i32
    %mul3A_0 = arith.muli %arg1, %mul3A : i32
    %add3A = arith.addi %mul3A_0, %arg0 : i32
    %mul3A_1 = arith.constant 5120 : i32
    %mul3A_2 = arith.muli %add3A, %mul3A_1 : i32
    "tpu.region"() ({
      %run_scoped3A = tpu.sem_alloc : memref<!tpu.dma_semaphore, #tpu.memory_space<semaphore_mem>>
      %dma_start3A_36 = arith.constant 0 : i32
      %dma_start3A_37 = arith.constant 0 : i32
      %dma_start3A_38 = tpu.memref_slice %arg4[%add3A, %dma_start3A_36, %dma_start3A_37] : memref<32x40x128xi32, #tpu.memory_space<hbm>> -> memref<1x40x128xi32, #tpu.memory_space<hbm>>
      %dma_start3A_39 = tpu.memref_squeeze %dma_start3A_38 : memref<1x40x128xi32, #tpu.memory_space<hbm>> -> memref<40x128xi32, #tpu.memory_space<hbm>>
      %dma_start3A_40 = arith.constant 0 : i32
      %dma_start3A_41 = arith.constant 0 : i32
      %dma_start3A_42 = tpu.memref_slice %arg4[%add3A, %dma_start3A_40, %dma_start3A_41] : memref<32x40x128xi32, #tpu.memory_space<hbm>> -> memref<1x40x128xi32, #tpu.memory_space<hbm>>
      %dma_start3A_43 = tpu.memref_squeeze %dma_start3A_42 : memref<1x40x128xi32, #tpu.memory_space<hbm>> -> memref<40x128xi32, #tpu.memory_space<hbm>>
      tpu.enqueue_dma source(%dma_start3A_43 : memref<40x128xi32, #tpu.memory_space<hbm>>) target(%arg8 : memref<40x128xi32, #tpu.memory_space<vmem>>) target_semaphore(%run_scoped3A : memref<!tpu.dma_semaphore, #tpu.memory_space<semaphore_mem>>)
      %dma_wait3A_44 = arith.constant 0 : i32
      %dma_wait3A_45 = arith.constant 0 : i32
      %dma_wait3A_46 = tpu.memref_slice %arg4[%add3A, %dma_wait3A_44, %dma_wait3A_45] : memref<32x40x128xi32, #tpu.memory_space<hbm>> -> memref<1x40x128xi32, #tpu.memory_space<hbm>>
      %dma_wait3A_47 = tpu.memref_squeeze %dma_wait3A_46 : memref<1x40x128xi32, #tpu.memory_space<hbm>> -> memref<40x128xi32, #tpu.memory_space<hbm>>
      %dma_wait3A_48 = arith.constant 0 : i32
      %dma_wait3A_49 = arith.constant 0 : i32
      %dma_wait3A_50 = tpu.memref_slice %arg4[%add3A, %dma_wait3A_48, %dma_wait3A_49] : memref<32x40x128xi32, #tpu.memory_space<hbm>> -> memref<1x40x128xi32, #tpu.memory_space<hbm>>
      %dma_wait3A_51 = tpu.memref_squeeze %dma_wait3A_50 : memref<1x40x128xi32, #tpu.memory_space<hbm>> -> memref<40x128xi32, #tpu.memory_space<hbm>>
      tpu.wait_dma2 semaphore(%run_scoped3A : memref<!tpu.dma_semaphore, #tpu.memory_space<semaphore_mem>>) src(%dma_wait3A_51 : memref<40x128xi32, #tpu.memory_space<hbm>>) dst(%arg8 : memref<40x128xi32, #tpu.memory_space<vmem>>)
      tpu.yield
    }) : () -> ()
    "tpu.region"() ({
      %run_scoped3A = tpu.sem_alloc : memref<!tpu.dma_semaphore, #tpu.memory_space<semaphore_mem>>
      %dma_start3A_36 = arith.constant 0 : i32
      %dma_start3A_37 = arith.constant 0 : i32
      %dma_start3A_38 = tpu.memref_slice %arg5[%add3A, %dma_start3A_36, %dma_start3A_37] : memref<32x40x128xi32, #tpu.memory_space<hbm>> -> memref<1x40x128xi32, #tpu.memory_space<hbm>>
      %dma_start3A_39 = tpu.memref_squeeze %dma_start3A_38 : memref<1x40x128xi32, #tpu.memory_space<hbm>> -> memref<40x128xi32, #tpu.memory_space<hbm>>
      %dma_start3A_40 = arith.constant 0 : i32
      %dma_start3A_41 = arith.constant 0 : i32
      %dma_start3A_42 = tpu.memref_slice %arg5[%add3A, %dma_start3A_40, %dma_start3A_41] : memref<32x40x128xi32, #tpu.memory_space<hbm>> -> memref<1x40x128xi32, #tpu.memory_space<hbm>>
      %dma_start3A_43 = tpu.memref_squeeze %dma_start3A_42 : memref<1x40x128xi32, #tpu.memory_space<hbm>> -> memref<40x128xi32, #tpu.memory_space<hbm>>
      tpu.enqueue_dma source(%dma_start3A_43 : memref<40x128xi32, #tpu.memory_space<hbm>>) target(%arg9 : memref<40x128xi32, #tpu.memory_space<vmem>>) target_semaphore(%run_scoped3A : memref<!tpu.dma_semaphore, #tpu.memory_space<semaphore_mem>>)
      %dma_wait3A_44 = arith.constant 0 : i32
      %dma_wait3A_45 = arith.constant 0 : i32
      %dma_wait3A_46 = tpu.memref_slice %arg5[%add3A, %dma_wait3A_44, %dma_wait3A_45] : memref<32x40x128xi32, #tpu.memory_space<hbm>> -> memref<1x40x128xi32, #tpu.memory_space<hbm>>
      %dma_wait3A_47 = tpu.memref_squeeze %dma_wait3A_46 : memref<1x40x128xi32, #tpu.memory_space<hbm>> -> memref<40x128xi32, #tpu.memory_space<hbm>>
      %dma_wait3A_48 = arith.constant 0 : i32
      %dma_wait3A_49 = arith.constant 0 : i32
      %dma_wait3A_50 = tpu.memref_slice %arg5[%add3A, %dma_wait3A_48, %dma_wait3A_49] : memref<32x40x128xi32, #tpu.memory_space<hbm>> -> memref<1x40x128xi32, #tpu.memory_space<hbm>>
      %dma_wait3A_51 = tpu.memref_squeeze %dma_wait3A_50 : memref<1x40x128xi32, #tpu.memory_space<hbm>> -> memref<40x128xi32, #tpu.memory_space<hbm>>
      tpu.wait_dma2 semaphore(%run_scoped3A : memref<!tpu.dma_semaphore, #tpu.memory_space<semaphore_mem>>) src(%dma_wait3A_51 : memref<40x128xi32, #tpu.memory_space<hbm>>) dst(%arg9 : memref<40x128xi32, #tpu.memory_space<vmem>>)
      tpu.yield
    }) : () -> ()
    %scan3A = arith.constant 0 : i32
    %scan3A_3 = arith.constant 0 : i32
    %scan3A_4 = arith.constant 13 : i32
    %scan3A_5 = arith.addi %scan3A_3, %scan3A_4 : i32
    %scan3A_6 = arith.constant 1 : i32
    scf.for %scan3A_36 = %scan3A_3 to %scan3A_5 step %scan3A_6  : i32 {
      %mul3A_37 = arith.constant 3 : i32
      %mul3A_38 = arith.muli %scan3A_36, %mul3A_37 : i32
      %add3A_39 = arith.constant 0 : i32
      %add3A_40 = arith.addi %mul3A_38, %add3A_39 : i32
      %dma_start3A_41 = arith.constant 0 : i32
      %dma_start3A_42 = tpu.memref_slice %arg8[%add3A_40, %dma_start3A_41] : memref<40x128xi32, #tpu.memory_space<vmem>> -> memref<1x128xi32, #tpu.memory_space<vmem>>
      %dma_start3A_43 = tpu.memref_squeeze %dma_start3A_42 : memref<1x128xi32, #tpu.memory_space<vmem>> -> memref<128xi32, #tpu.memory_space<vmem>>
      %dma_start3A_44 = arith.constant 0 : i32
      %dma_start3A_45 = arith.constant 0 : i32
      %dma_start3A_46 = tpu.memref_slice %arg2[%dma_start3A_44, %dma_start3A_45] : memref<10000x128xf32, #tpu.memory_space<hbm>> -> memref<10000x128xf32, #tpu.memory_space<hbm>>
      tpu.enqueue_indirect_dma source(%dma_start3A_46 : memref<10000x128xf32, #tpu.memory_space<hbm>>) target(%arg10 : memref<128x128xf32, #tpu.memory_space<vmem>>) offsets(%dma_start3A_43 : memref<128xi32, #tpu.memory_space<vmem>>) semaphore(%arg16 : memref<!tpu.dma_semaphore, #tpu.memory_space<semaphore_mem>>)
      %dma_start3A_47 = arith.constant 0 : i32
      %dma_start3A_48 = tpu.memref_slice %arg9[%add3A_40, %dma_start3A_47] : memref<40x128xi32, #tpu.memory_space<vmem>> -> memref<1x128xi32, #tpu.memory_space<vmem>>
      %dma_start3A_49 = tpu.memref_squeeze %dma_start3A_48 : memref<1x128xi32, #tpu.memory_space<vmem>> -> memref<128xi32, #tpu.memory_space<vmem>>
      %dma_start3A_50 = arith.constant 0 : i32
      %dma_start3A_51 = arith.constant 0 : i32
      %dma_start3A_52 = tpu.memref_slice %arg3[%dma_start3A_50, %dma_start3A_51] : memref<10000x128xf32, #tpu.memory_space<hbm>> -> memref<10000x128xf32, #tpu.memory_space<hbm>>
      tpu.enqueue_indirect_dma source(%dma_start3A_52 : memref<10000x128xf32, #tpu.memory_space<hbm>>) target(%arg13 : memref<128x128xf32, #tpu.memory_space<vmem>>) offsets(%dma_start3A_49 : memref<128xi32, #tpu.memory_space<vmem>>) semaphore(%arg19 : memref<!tpu.dma_semaphore, #tpu.memory_space<semaphore_mem>>)
      %add3A_53 = arith.constant 1 : i32
      %add3A_54 = arith.addi %mul3A_38, %add3A_53 : i32
      %dma_start3A_55 = arith.constant 0 : i32
      %dma_start3A_56 = tpu.memref_slice %arg8[%add3A_54, %dma_start3A_55] : memref<40x128xi32, #tpu.memory_space<vmem>> -> memref<1x128xi32, #tpu.memory_space<vmem>>
      %dma_start3A_57 = tpu.memref_squeeze %dma_start3A_56 : memref<1x128xi32, #tpu.memory_space<vmem>> -> memref<128xi32, #tpu.memory_space<vmem>>
      %dma_start3A_58 = arith.constant 0 : i32
      %dma_start3A_59 = arith.constant 0 : i32
      %dma_start3A_60 = tpu.memref_slice %arg2[%dma_start3A_58, %dma_start3A_59] : memref<10000x128xf32, #tpu.memory_space<hbm>> -> memref<10000x128xf32, #tpu.memory_space<hbm>>
      tpu.enqueue_indirect_dma source(%dma_start3A_60 : memref<10000x128xf32, #tpu.memory_space<hbm>>) target(%arg11 : memref<128x128xf32, #tpu.memory_space<vmem>>) offsets(%dma_start3A_57 : memref<128xi32, #tpu.memory_space<vmem>>) semaphore(%arg17 : memref<!tpu.dma_semaphore, #tpu.memory_space<semaphore_mem>>)
      %dma_start3A_61 = arith.constant 0 : i32
      %dma_start3A_62 = tpu.memref_slice %arg9[%add3A_54, %dma_start3A_61] : memref<40x128xi32, #tpu.memory_space<vmem>> -> memref<1x128xi32, #tpu.memory_space<vmem>>
      %dma_start3A_63 = tpu.memref_squeeze %dma_start3A_62 : memref<1x128xi32, #tpu.memory_space<vmem>> -> memref<128xi32, #tpu.memory_space<vmem>>
      %dma_start3A_64 = arith.constant 0 : i32
      %dma_start3A_65 = arith.constant 0 : i32
      %dma_start3A_66 = tpu.memref_slice %arg3[%dma_start3A_64, %dma_start3A_65] : memref<10000x128xf32, #tpu.memory_space<hbm>> -> memref<10000x128xf32, #tpu.memory_space<hbm>>
      tpu.enqueue_indirect_dma source(%dma_start3A_66 : memref<10000x128xf32, #tpu.memory_space<hbm>>) target(%arg14 : memref<128x128xf32, #tpu.memory_space<vmem>>) offsets(%dma_start3A_63 : memref<128xi32, #tpu.memory_space<vmem>>) semaphore(%arg20 : memref<!tpu.dma_semaphore, #tpu.memory_space<semaphore_mem>>)
      %add3A_67 = arith.constant 2 : i32
      %add3A_68 = arith.addi %mul3A_38, %add3A_67 : i32
      %dma_start3A_69 = arith.constant 0 : i32
      %dma_start3A_70 = tpu.memref_slice %arg8[%add3A_68, %dma_start3A_69] : memref<40x128xi32, #tpu.memory_space<vmem>> -> memref<1x128xi32, #tpu.memory_space<vmem>>
      %dma_start3A_71 = tpu.memref_squeeze %dma_start3A_70 : memref<1x128xi32, #tpu.memory_space<vmem>> -> memref<128xi32, #tpu.memory_space<vmem>>
      %dma_start3A_72 = arith.constant 0 : i32
      %dma_start3A_73 = arith.constant 0 : i32
      %dma_start3A_74 = tpu.memref_slice %arg2[%dma_start3A_72, %dma_start3A_73] : memref<10000x128xf32, #tpu.memory_space<hbm>> -> memref<10000x128xf32, #tpu.memory_space<hbm>>
      tpu.enqueue_indirect_dma source(%dma_start3A_74 : memref<10000x128xf32, #tpu.memory_space<hbm>>) target(%arg12 : memref<128x128xf32, #tpu.memory_space<vmem>>) offsets(%dma_start3A_71 : memref<128xi32, #tpu.memory_space<vmem>>) semaphore(%arg18 : memref<!tpu.dma_semaphore, #tpu.memory_space<semaphore_mem>>)
      %dma_start3A_75 = arith.constant 0 : i32
      %dma_start3A_76 = tpu.memref_slice %arg9[%add3A_68, %dma_start3A_75] : memref<40x128xi32, #tpu.memory_space<vmem>> -> memref<1x128xi32, #tpu.memory_space<vmem>>
      %dma_start3A_77 = tpu.memref_squeeze %dma_start3A_76 : memref<1x128xi32, #tpu.memory_space<vmem>> -> memref<128xi32, #tpu.memory_space<vmem>>
      %dma_start3A_78 = arith.constant 0 : i32
      %dma_start3A_79 = arith.constant 0 : i32
      %dma_start3A_80 = tpu.memref_slice %arg3[%dma_start3A_78, %dma_start3A_79] : memref<10000x128xf32, #tpu.memory_space<hbm>> -> memref<10000x128xf32, #tpu.memory_space<hbm>>
      tpu.enqueue_indirect_dma source(%dma_start3A_80 : memref<10000x128xf32, #tpu.memory_space<hbm>>) target(%arg15 : memref<128x128xf32, #tpu.memory_space<vmem>>) offsets(%dma_start3A_77 : memref<128xi32, #tpu.memory_space<vmem>>) semaphore(%arg21 : memref<!tpu.dma_semaphore, #tpu.memory_space<semaphore_mem>>)
      %add3A_81 = arith.constant 0 : i32
      %add3A_82 = arith.addi %mul3A_38, %add3A_81 : i32
      %mul3A_83 = arith.constant 128 : i32
      %mul3A_84 = arith.muli %add3A_82, %mul3A_83 : i32
      %add3A_85 = arith.addi %mul3A_2, %mul3A_84 : i32
      %dma_wait3A_86 = arith.constant 0 : i32
      %dma_wait3A_87 = tpu.memref_slice %arg8[%add3A_40, %dma_wait3A_86] : memref<40x128xi32, #tpu.memory_space<vmem>> -> memref<1x128xi32, #tpu.memory_space<vmem>>
      %dma_wait3A_88 = tpu.memref_squeeze %dma_wait3A_87 : memref<1x128xi32, #tpu.memory_space<vmem>> -> memref<128xi32, #tpu.memory_space<vmem>>
      %dma_wait3A_89 = arith.constant 0 : i32
      %dma_wait3A_90 = arith.constant 0 : i32
      %dma_wait3A_91 = tpu.memref_slice %arg2[%dma_wait3A_89, %dma_wait3A_90] : memref<10000x128xf32, #tpu.memory_space<hbm>> -> memref<10000x128xf32, #tpu.memory_space<hbm>>
      tpu.wait_indirect_dma semaphore(%arg16 : memref<!tpu.dma_semaphore, #tpu.memory_space<semaphore_mem>>) src(%dma_wait3A_91 : memref<10000x128xf32, #tpu.memory_space<hbm>>) dst(%arg10 : memref<128x128xf32, #tpu.memory_space<vmem>>)
      "tpu.region"() ({
        %run_scoped3A = tpu.sem_alloc : memref<!tpu.dma_semaphore, #tpu.memory_space<semaphore_mem>>
        %dma_start3A_132 = arith.constant 0 : i32
        %dma_start3A_133 = tpu.memref_slice %arg6[%add3A_85, %dma_start3A_132] : memref<163840x128xf32, #tpu.memory_space<hbm>> -> memref<128x128xf32, #tpu.memory_space<hbm>>
        %dma_start3A_134 = arith.constant 0 : i32
        %dma_start3A_135 = tpu.memref_slice %arg6[%add3A_85, %dma_start3A_134] : memref<163840x128xf32, #tpu.memory_space<hbm>> -> memref<128x128xf32, #tpu.memory_space<hbm>>
        tpu.enqueue_dma source(%arg10 : memref<128x128xf32, #tpu.memory_space<vmem>>) target(%dma_start3A_135 : memref<128x128xf32, #tpu.memory_space<hbm>>) target_semaphore(%run_scoped3A : memref<!tpu.dma_semaphore, #tpu.memory_space<semaphore_mem>>)
        %dma_wait3A_136 = arith.constant 0 : i32
        %dma_wait3A_137 = tpu.memref_slice %arg6[%add3A_85, %dma_wait3A_136] : memref<163840x128xf32, #tpu.memory_space<hbm>> -> memref<128x128xf32, #tpu.memory_space<hbm>>
        %dma_wait3A_138 = arith.constant 0 : i32
        %dma_wait3A_139 = tpu.memref_slice %arg6[%add3A_85, %dma_wait3A_138] : memref<163840x128xf32, #tpu.memory_space<hbm>> -> memref<128x128xf32, #tpu.memory_space<hbm>>
        tpu.wait_dma2 semaphore(%run_scoped3A : memref<!tpu.dma_semaphore, #tpu.memory_space<semaphore_mem>>) src(%arg10 : memref<128x128xf32, #tpu.memory_space<vmem>>) dst(%dma_wait3A_139 : memref<128x128xf32, #tpu.memory_space<hbm>>)
        tpu.yield
      }) : () -> ()
      %dma_wait3A_92 = arith.constant 0 : i32
      %dma_wait3A_93 = tpu.memref_slice %arg9[%add3A_40, %dma_wait3A_92] : memref<40x128xi32, #tpu.memory_space<vmem>> -> memref<1x128xi32, #tpu.memory_space<vmem>>
      %dma_wait3A_94 = tpu.memref_squeeze %dma_wait3A_93 : memref<1x128xi32, #tpu.memory_space<vmem>> -> memref<128xi32, #tpu.memory_space<vmem>>
      %dma_wait3A_95 = arith.constant 0 : i32
      %dma_wait3A_96 = arith.constant 0 : i32
      %dma_wait3A_97 = tpu.memref_slice %arg3[%dma_wait3A_95, %dma_wait3A_96] : memref<10000x128xf32, #tpu.memory_space<hbm>> -> memref<10000x128xf32, #tpu.memory_space<hbm>>
      tpu.wait_indirect_dma semaphore(%arg19 : memref<!tpu.dma_semaphore, #tpu.memory_space<semaphore_mem>>) src(%dma_wait3A_97 : memref<10000x128xf32, #tpu.memory_space<hbm>>) dst(%arg13 : memref<128x128xf32, #tpu.memory_space<vmem>>)
      "tpu.region"() ({
        %run_scoped3A = tpu.sem_alloc : memref<!tpu.dma_semaphore, #tpu.memory_space<semaphore_mem>>
        %dma_start3A_132 = arith.constant 0 : i32
        %dma_start3A_133 = tpu.memref_slice %arg7[%add3A_85, %dma_start3A_132] : memref<163840x128xf32, #tpu.memory_space<hbm>> -> memref<128x128xf32, #tpu.memory_space<hbm>>
        %dma_start3A_134 = arith.constant 0 : i32
        %dma_start3A_135 = tpu.memref_slice %arg7[%add3A_85, %dma_start3A_134] : memref<163840x128xf32, #tpu.memory_space<hbm>> -> memref<128x128xf32, #tpu.memory_space<hbm>>
        tpu.enqueue_dma source(%arg13 : memref<128x128xf32, #tpu.memory_space<vmem>>) target(%dma_start3A_135 : memref<128x128xf32, #tpu.memory_space<hbm>>) target_semaphore(%run_scoped3A : memref<!tpu.dma_semaphore, #tpu.memory_space<semaphore_mem>>)
        %dma_wait3A_136 = arith.constant 0 : i32
        %dma_wait3A_137 = tpu.memref_slice %arg7[%add3A_85, %dma_wait3A_136] : memref<163840x128xf32, #tpu.memory_space<hbm>> -> memref<128x128xf32, #tpu.memory_space<hbm>>
        %dma_wait3A_138 = arith.constant 0 : i32
        %dma_wait3A_139 = tpu.memref_slice %arg7[%add3A_85, %dma_wait3A_138] : memref<163840x128xf32, #tpu.memory_space<hbm>> -> memref<128x128xf32, #tpu.memory_space<hbm>>
        tpu.wait_dma2 semaphore(%run_scoped3A : memref<!tpu.dma_semaphore, #tpu.memory_space<semaphore_mem>>) src(%arg13 : memref<128x128xf32, #tpu.memory_space<vmem>>) dst(%dma_wait3A_139 : memref<128x128xf32, #tpu.memory_space<hbm>>)
        tpu.yield
      }) : () -> ()
      %add3A_98 = arith.constant 1 : i32
      %add3A_99 = arith.addi %mul3A_38, %add3A_98 : i32
      %mul3A_100 = arith.constant 128 : i32
      %mul3A_101 = arith.muli %add3A_99, %mul3A_100 : i32
      %add3A_102 = arith.addi %mul3A_2, %mul3A_101 : i32
      %dma_wait3A_103 = arith.constant 0 : i32
      %dma_wait3A_104 = tpu.memref_slice %arg8[%add3A_54, %dma_wait3A_103] : memref<40x128xi32, #tpu.memory_space<vmem>> -> memref<1x128xi32, #tpu.memory_space<vmem>>
      %dma_wait3A_105 = tpu.memref_squeeze %dma_wait3A_104 : memref<1x128xi32, #tpu.memory_space<vmem>> -> memref<128xi32, #tpu.memory_space<vmem>>
      %dma_wait3A_106 = arith.constant 0 : i32
      %dma_wait3A_107 = arith.constant 0 : i32
      %dma_wait3A_108 = tpu.memref_slice %arg2[%dma_wait3A_106, %dma_wait3A_107] : memref<10000x128xf32, #tpu.memory_space<hbm>> -> memref<10000x128xf32, #tpu.memory_space<hbm>>
      tpu.wait_indirect_dma semaphore(%arg17 : memref<!tpu.dma_semaphore, #tpu.memory_space<semaphore_mem>>) src(%dma_wait3A_108 : memref<10000x128xf32, #tpu.memory_space<hbm>>) dst(%arg11 : memref<128x128xf32, #tpu.memory_space<vmem>>)
      "tpu.region"() ({
        %run_scoped3A = tpu.sem_alloc : memref<!tpu.dma_semaphore, #tpu.memory_space<semaphore_mem>>
        %dma_start3A_132 = arith.constant 0 : i32
        %dma_start3A_133 = tpu.memref_slice %arg6[%add3A_102, %dma_start3A_132] : memref<163840x128xf32, #tpu.memory_space<hbm>> -> memref<128x128xf32, #tpu.memory_space<hbm>>
        %dma_start3A_134 = arith.constant 0 : i32
        %dma_start3A_135 = tpu.memref_slice %arg6[%add3A_102, %dma_start3A_134] : memref<163840x128xf32, #tpu.memory_space<hbm>> -> memref<128x128xf32, #tpu.memory_space<hbm>>
        tpu.enqueue_dma source(%arg11 : memref<128x128xf32, #tpu.memory_space<vmem>>) target(%dma_start3A_135 : memref<128x128xf32, #tpu.memory_space<hbm>>) target_semaphore(%run_scoped3A : memref<!tpu.dma_semaphore, #tpu.memory_space<semaphore_mem>>)
        %dma_wait3A_136 = arith.constant 0 : i32
        %dma_wait3A_137 = tpu.memref_slice %arg6[%add3A_102, %dma_wait3A_136] : memref<163840x128xf32, #tpu.memory_space<hbm>> -> memref<128x128xf32, #tpu.memory_space<hbm>>
        %dma_wait3A_138 = arith.constant 0 : i32
        %dma_wait3A_139 = tpu.memref_slice %arg6[%add3A_102, %dma_wait3A_138] : memref<163840x128xf32, #tpu.memory_space<hbm>> -> memref<128x128xf32, #tpu.memory_space<hbm>>
        tpu.wait_dma2 semaphore(%run_scoped3A : memref<!tpu.dma_semaphore, #tpu.memory_space<semaphore_mem>>) src(%arg11 : memref<128x128xf32, #tpu.memory_space<vmem>>) dst(%dma_wait3A_139 : memref<128x128xf32, #tpu.memory_space<hbm>>)
        tpu.yield
      }) : () -> ()
      %dma_wait3A_109 = arith.constant 0 : i32
      %dma_wait3A_110 = tpu.memref_slice %arg9[%add3A_54, %dma_wait3A_109] : memref<40x128xi32, #tpu.memory_space<vmem>> -> memref<1x128xi32, #tpu.memory_space<vmem>>
      %dma_wait3A_111 = tpu.memref_squeeze %dma_wait3A_110 : memref<1x128xi32, #tpu.memory_space<vmem>> -> memref<128xi32, #tpu.memory_space<vmem>>
      %dma_wait3A_112 = arith.constant 0 : i32
      %dma_wait3A_113 = arith.constant 0 : i32
      %dma_wait3A_114 = tpu.memref_slice %arg3[%dma_wait3A_112, %dma_wait3A_113] : memref<10000x128xf32, #tpu.memory_space<hbm>> -> memref<10000x128xf32, #tpu.memory_space<hbm>>
      tpu.wait_indirect_dma semaphore(%arg20 : memref<!tpu.dma_semaphore, #tpu.memory_space<semaphore_mem>>) src(%dma_wait3A_114 : memref<10000x128xf32, #tpu.memory_space<hbm>>) dst(%arg14 : memref<128x128xf32, #tpu.memory_space<vmem>>)
      "tpu.region"() ({
        %run_scoped3A = tpu.sem_alloc : memref<!tpu.dma_semaphore, #tpu.memory_space<semaphore_mem>>
        %dma_start3A_132 = arith.constant 0 : i32
        %dma_start3A_133 = tpu.memref_slice %arg7[%add3A_102, %dma_start3A_132] : memref<163840x128xf32, #tpu.memory_space<hbm>> -> memref<128x128xf32, #tpu.memory_space<hbm>>
        %dma_start3A_134 = arith.constant 0 : i32
        %dma_start3A_135 = tpu.memref_slice %arg7[%add3A_102, %dma_start3A_134] : memref<163840x128xf32, #tpu.memory_space<hbm>> -> memref<128x128xf32, #tpu.memory_space<hbm>>
        tpu.enqueue_dma source(%arg14 : memref<128x128xf32, #tpu.memory_space<vmem>>) target(%dma_start3A_135 : memref<128x128xf32, #tpu.memory_space<hbm>>) target_semaphore(%run_scoped3A : memref<!tpu.dma_semaphore, #tpu.memory_space<semaphore_mem>>)
        %dma_wait3A_136 = arith.constant 0 : i32
        %dma_wait3A_137 = tpu.memref_slice %arg7[%add3A_102, %dma_wait3A_136] : memref<163840x128xf32, #tpu.memory_space<hbm>> -> memref<128x128xf32, #tpu.memory_space<hbm>>
        %dma_wait3A_138 = arith.constant 0 : i32
        %dma_wait3A_139 = tpu.memref_slice %arg7[%add3A_102, %dma_wait3A_138] : memref<163840x128xf32, #tpu.memory_space<hbm>> -> memref<128x128xf32, #tpu.memory_space<hbm>>
        tpu.wait_dma2 semaphore(%run_scoped3A : memref<!tpu.dma_semaphore, #tpu.memory_space<semaphore_mem>>) src(%arg14 : memref<128x128xf32, #tpu.memory_space<vmem>>) dst(%dma_wait3A_139 : memref<128x128xf32, #tpu.memory_space<hbm>>)
        tpu.yield
      }) : () -> ()
      %add3A_115 = arith.constant 2 : i32
      %add3A_116 = arith.addi %mul3A_38, %add3A_115 : i32
      %mul3A_117 = arith.constant 128 : i32
      %mul3A_118 = arith.muli %add3A_116, %mul3A_117 : i32
      %add3A_119 = arith.addi %mul3A_2, %mul3A_118 : i32
      %dma_wait3A_120 = arith.constant 0 : i32
      %dma_wait3A_121 = tpu.memref_slice %arg8[%add3A_68, %dma_wait3A_120] : memref<40x128xi32, #tpu.memory_space<vmem>> -> memref<1x128xi32, #tpu.memory_space<vmem>>
      %dma_wait3A_122 = tpu.memref_squeeze %dma_wait3A_121 : memref<1x128xi32, #tpu.memory_space<vmem>> -> memref<128xi32, #tpu.memory_space<vmem>>
      %dma_wait3A_123 = arith.constant 0 : i32
      %dma_wait3A_124 = arith.constant 0 : i32
      %dma_wait3A_125 = tpu.memref_slice %arg2[%dma_wait3A_123, %dma_wait3A_124] : memref<10000x128xf32, #tpu.memory_space<hbm>> -> memref<10000x128xf32, #tpu.memory_space<hbm>>
      tpu.wait_indirect_dma semaphore(%arg18 : memref<!tpu.dma_semaphore, #tpu.memory_space<semaphore_mem>>) src(%dma_wait3A_125 : memref<10000x128xf32, #tpu.memory_space<hbm>>) dst(%arg12 : memref<128x128xf32, #tpu.memory_space<vmem>>)
      "tpu.region"() ({
        %run_scoped3A = tpu.sem_alloc : memref<!tpu.dma_semaphore, #tpu.memory_space<semaphore_mem>>
        %dma_start3A_132 = arith.constant 0 : i32
        %dma_start3A_133 = tpu.memref_slice %arg6[%add3A_119, %dma_start3A_132] : memref<163840x128xf32, #tpu.memory_space<hbm>> -> memref<128x128xf32, #tpu.memory_space<hbm>>
        %dma_start3A_134 = arith.constant 0 : i32
        %dma_start3A_135 = tpu.memref_slice %arg6[%add3A_119, %dma_start3A_134] : memref<163840x128xf32, #tpu.memory_space<hbm>> -> memref<128x128xf32, #tpu.memory_space<hbm>>
        tpu.enqueue_dma source(%arg12 : memref<128x128xf32, #tpu.memory_space<vmem>>) target(%dma_start3A_135 : memref<128x128xf32, #tpu.memory_space<hbm>>) target_semaphore(%run_scoped3A : memref<!tpu.dma_semaphore, #tpu.memory_space<semaphore_mem>>)
        %dma_wait3A_136 = arith.constant 0 : i32
        %dma_wait3A_137 = tpu.memref_slice %arg6[%add3A_119, %dma_wait3A_136] : memref<163840x128xf32, #tpu.memory_space<hbm>> -> memref<128x128xf32, #tpu.memory_space<hbm>>
        %dma_wait3A_138 = arith.constant 0 : i32
        %dma_wait3A_139 = tpu.memref_slice %arg6[%add3A_119, %dma_wait3A_138] : memref<163840x128xf32, #tpu.memory_space<hbm>> -> memref<128x128xf32, #tpu.memory_space<hbm>>
        tpu.wait_dma2 semaphore(%run_scoped3A : memref<!tpu.dma_semaphore, #tpu.memory_space<semaphore_mem>>) src(%arg12 : memref<128x128xf32, #tpu.memory_space<vmem>>) dst(%dma_wait3A_139 : memref<128x128xf32, #tpu.memory_space<hbm>>)
        tpu.yield
      }) : () -> ()
      %dma_wait3A_126 = arith.constant 0 : i32
      %dma_wait3A_127 = tpu.memref_slice %arg9[%add3A_68, %dma_wait3A_126] : memref<40x128xi32, #tpu.memory_space<vmem>> -> memref<1x128xi32, #tpu.memory_space<vmem>>
      %dma_wait3A_128 = tpu.memref_squeeze %dma_wait3A_127 : memref<1x128xi32, #tpu.memory_space<vmem>> -> memref<128xi32, #tpu.memory_space<vmem>>
      %dma_wait3A_129 = arith.constant 0 : i32
      %dma_wait3A_130 = arith.constant 0 : i32
      %dma_wait3A_131 = tpu.memref_slice %arg3[%dma_wait3A_129, %dma_wait3A_130] : memref<10000x128xf32, #tpu.memory_space<hbm>> -> memref<10000x128xf32, #tpu.memory_space<hbm>>
      tpu.wait_indirect_dma semaphore(%arg21 : memref<!tpu.dma_semaphore, #tpu.memory_space<semaphore_mem>>) src(%dma_wait3A_131 : memref<10000x128xf32, #tpu.memory_space<hbm>>) dst(%arg15 : memref<128x128xf32, #tpu.memory_space<vmem>>)
      "tpu.region"() ({
        %run_scoped3A = tpu.sem_alloc : memref<!tpu.dma_semaphore, #tpu.memory_space<semaphore_mem>>
        %dma_start3A_132 = arith.constant 0 : i32
        %dma_start3A_133 = tpu.memref_slice %arg7[%add3A_119, %dma_start3A_132] : memref<163840x128xf32, #tpu.memory_space<hbm>> -> memref<128x128xf32, #tpu.memory_space<hbm>>
        %dma_start3A_134 = arith.constant 0 : i32
        %dma_start3A_135 = tpu.memref_slice %arg7[%add3A_119, %dma_start3A_134] : memref<163840x128xf32, #tpu.memory_space<hbm>> -> memref<128x128xf32, #tpu.memory_space<hbm>>
        tpu.enqueue_dma source(%arg15 : memref<128x128xf32, #tpu.memory_space<vmem>>) target(%dma_start3A_135 : memref<128x128xf32, #tpu.memory_space<hbm>>) target_semaphore(%run_scoped3A : memref<!tpu.dma_semaphore, #tpu.memory_space<semaphore_mem>>)
        %dma_wait3A_136 = arith.constant 0 : i32
        %dma_wait3A_137 = tpu.memref_slice %arg7[%add3A_119, %dma_wait3A_136] : memref<163840x128xf32, #tpu.memory_space<hbm>> -> memref<128x128xf32, #tpu.memory_space<hbm>>
        %dma_wait3A_138 = arith.constant 0 : i32
        %dma_wait3A_139 = tpu.memref_slice %arg7[%add3A_119, %dma_wait3A_138] : memref<163840x128xf32, #tpu.memory_space<hbm>> -> memref<128x128xf32, #tpu.memory_space<hbm>>
        tpu.wait_dma2 semaphore(%run_scoped3A : memref<!tpu.dma_semaphore, #tpu.memory_space<semaphore_mem>>) src(%arg15 : memref<128x128xf32, #tpu.memory_space<vmem>>) dst(%dma_wait3A_139 : memref<128x128xf32, #tpu.memory_space<hbm>>)
        tpu.yield
      }) : () -> ()
    }
    %scan3A_7 = arith.constant 13 : i32
    %dma_start3A = arith.constant 39 : i32
    %dma_start3A_8 = arith.constant 0 : i32
    %dma_start3A_9 = tpu.memref_slice %arg8[%dma_start3A, %dma_start3A_8] : memref<40x128xi32, #tpu.memory_space<vmem>> -> memref<1x128xi32, #tpu.memory_space<vmem>>
    %dma_start3A_10 = tpu.memref_squeeze %dma_start3A_9 : memref<1x128xi32, #tpu.memory_space<vmem>> -> memref<128xi32, #tpu.memory_space<vmem>>
    %dma_start3A_11 = arith.constant 0 : i32
    %dma_start3A_12 = arith.constant 0 : i32
    %dma_start3A_13 = tpu.memref_slice %arg2[%dma_start3A_11, %dma_start3A_12] : memref<10000x128xf32, #tpu.memory_space<hbm>> -> memref<10000x128xf32, #tpu.memory_space<hbm>>
    tpu.enqueue_indirect_dma source(%dma_start3A_13 : memref<10000x128xf32, #tpu.memory_space<hbm>>) target(%arg10 : memref<128x128xf32, #tpu.memory_space<vmem>>) offsets(%dma_start3A_10 : memref<128xi32, #tpu.memory_space<vmem>>) semaphore(%arg16 : memref<!tpu.dma_semaphore, #tpu.memory_space<semaphore_mem>>)
    %dma_start3A_14 = arith.constant 39 : i32
    %dma_start3A_15 = arith.constant 0 : i32
    %dma_start3A_16 = tpu.memref_slice %arg9[%dma_start3A_14, %dma_start3A_15] : memref<40x128xi32, #tpu.memory_space<vmem>> -> memref<1x128xi32, #tpu.memory_space<vmem>>
    %dma_start3A_17 = tpu.memref_squeeze %dma_start3A_16 : memref<1x128xi32, #tpu.memory_space<vmem>> -> memref<128xi32, #tpu.memory_space<vmem>>
    %dma_start3A_18 = arith.constant 0 : i32
    %dma_start3A_19 = arith.constant 0 : i32
    %dma_start3A_20 = tpu.memref_slice %arg3[%dma_start3A_18, %dma_start3A_19] : memref<10000x128xf32, #tpu.memory_space<hbm>> -> memref<10000x128xf32, #tpu.memory_space<hbm>>
    tpu.enqueue_indirect_dma source(%dma_start3A_20 : memref<10000x128xf32, #tpu.memory_space<hbm>>) target(%arg13 : memref<128x128xf32, #tpu.memory_space<vmem>>) offsets(%dma_start3A_17 : memref<128xi32, #tpu.memory_space<vmem>>) semaphore(%arg19 : memref<!tpu.dma_semaphore, #tpu.memory_space<semaphore_mem>>)
    %add3A_21 = arith.constant 4992 : i32
    %add3A_22 = arith.addi %mul3A_2, %add3A_21 : i32
    %dma_wait3A = arith.constant 39 : i32
    %dma_wait3A_23 = arith.constant 0 : i32
    %dma_wait3A_24 = tpu.memref_slice %arg8[%dma_wait3A, %dma_wait3A_23] : memref<40x128xi32, #tpu.memory_space<vmem>> -> memref<1x128xi32, #tpu.memory_space<vmem>>
    %dma_wait3A_25 = tpu.memref_squeeze %dma_wait3A_24 : memref<1x128xi32, #tpu.memory_space<vmem>> -> memref<128xi32, #tpu.memory_space<vmem>>
    %dma_wait3A_26 = arith.constant 0 : i32
    %dma_wait3A_27 = arith.constant 0 : i32
    %dma_wait3A_28 = tpu.memref_slice %arg2[%dma_wait3A_26, %dma_wait3A_27] : memref<10000x128xf32, #tpu.memory_space<hbm>> -> memref<10000x128xf32, #tpu.memory_space<hbm>>
    tpu.wait_indirect_dma semaphore(%arg16 : memref<!tpu.dma_semaphore, #tpu.memory_space<semaphore_mem>>) src(%dma_wait3A_28 : memref<10000x128xf32, #tpu.memory_space<hbm>>) dst(%arg10 : memref<128x128xf32, #tpu.memory_space<vmem>>)
    "tpu.region"() ({
      %run_scoped3A = tpu.sem_alloc : memref<!tpu.dma_semaphore, #tpu.memory_space<semaphore_mem>>
      %dma_start3A_36 = arith.constant 0 : i32
      %dma_start3A_37 = tpu.memref_slice %arg6[%add3A_22, %dma_start3A_36] : memref<163840x128xf32, #tpu.memory_space<hbm>> -> memref<128x128xf32, #tpu.memory_space<hbm>>
      %dma_start3A_38 = arith.constant 0 : i32
      %dma_start3A_39 = tpu.memref_slice %arg6[%add3A_22, %dma_start3A_38] : memref<163840x128xf32, #tpu.memory_space<hbm>> -> memref<128x128xf32, #tpu.memory_space<hbm>>
      tpu.enqueue_dma source(%arg10 : memref<128x128xf32, #tpu.memory_space<vmem>>) target(%dma_start3A_39 : memref<128x128xf32, #tpu.memory_space<hbm>>) target_semaphore(%run_scoped3A : memref<!tpu.dma_semaphore, #tpu.memory_space<semaphore_mem>>)
      %dma_wait3A_40 = arith.constant 0 : i32
      %dma_wait3A_41 = tpu.memref_slice %arg6[%add3A_22, %dma_wait3A_40] : memref<163840x128xf32, #tpu.memory_space<hbm>> -> memref<128x128xf32, #tpu.memory_space<hbm>>
      %dma_wait3A_42 = arith.constant 0 : i32
      %dma_wait3A_43 = tpu.memref_slice %arg6[%add3A_22, %dma_wait3A_42] : memref<163840x128xf32, #tpu.memory_space<hbm>> -> memref<128x128xf32, #tpu.memory_space<hbm>>
      tpu.wait_dma2 semaphore(%run_scoped3A : memref<!tpu.dma_semaphore, #tpu.memory_space<semaphore_mem>>) src(%arg10 : memref<128x128xf32, #tpu.memory_space<vmem>>) dst(%dma_wait3A_43 : memref<128x128xf32, #tpu.memory_space<hbm>>)
      tpu.yield
    }) : () -> ()
    %dma_wait3A_29 = arith.constant 39 : i32
    %dma_wait3A_30 = arith.constant 0 : i32
    %dma_wait3A_31 = tpu.memref_slice %arg9[%dma_wait3A_29, %dma_wait3A_30] : memref<40x128xi32, #tpu.memory_space<vmem>> -> memref<1x128xi32, #tpu.memory_space<vmem>>
    %dma_wait3A_32 = tpu.memref_squeeze %dma_wait3A_31 : memref<1x128xi32, #tpu.memory_space<vmem>> -> memref<128xi32, #tpu.memory_space<vmem>>
    %dma_wait3A_33 = arith.constant 0 : i32
    %dma_wait3A_34 = arith.constant 0 : i32
    %dma_wait3A_35 = tpu.memref_slice %arg3[%dma_wait3A_33, %dma_wait3A_34] : memref<10000x128xf32, #tpu.memory_space<hbm>> -> memref<10000x128xf32, #tpu.memory_space<hbm>>
    tpu.wait_indirect_dma semaphore(%arg19 : memref<!tpu.dma_semaphore, #tpu.memory_space<semaphore_mem>>) src(%dma_wait3A_35 : memref<10000x128xf32, #tpu.memory_space<hbm>>) dst(%arg13 : memref<128x128xf32, #tpu.memory_space<vmem>>)
    "tpu.region"() ({
      %run_scoped3A = tpu.sem_alloc : memref<!tpu.dma_semaphore, #tpu.memory_space<semaphore_mem>>
      %dma_start3A_36 = arith.constant 0 : i32
      %dma_start3A_37 = tpu.memref_slice %arg7[%add3A_22, %dma_start3A_36] : memref<163840x128xf32, #tpu.memory_space<hbm>> -> memref<128x128xf32, #tpu.memory_space<hbm>>
      %dma_start3A_38 = arith.constant 0 : i32
      %dma_start3A_39 = tpu.memref_slice %arg7[%add3A_22, %dma_start3A_38] : memref<163840x128xf32, #tpu.memory_space<hbm>> -> memref<128x128xf32, #tpu.memory_space<hbm>>
      tpu.enqueue_dma source(%arg13 : memref<128x128xf32, #tpu.memory_space<vmem>>) target(%dma_start3A_39 : memref<128x128xf32, #tpu.memory_space<hbm>>) target_semaphore(%run_scoped3A : memref<!tpu.dma_semaphore, #tpu.memory_space<semaphore_mem>>)
      %dma_wait3A_40 = arith.constant 0 : i32
      %dma_wait3A_41 = tpu.memref_slice %arg7[%add3A_22, %dma_wait3A_40] : memref<163840x128xf32, #tpu.memory_space<hbm>> -> memref<128x128xf32, #tpu.memory_space<hbm>>
      %dma_wait3A_42 = arith.constant 0 : i32
      %dma_wait3A_43 = tpu.memref_slice %arg7[%add3A_22, %dma_wait3A_42] : memref<163840x128xf32, #tpu.memory_space<hbm>> -> memref<128x128xf32, #tpu.memory_space<hbm>>
      tpu.wait_dma2 semaphore(%run_scoped3A : memref<!tpu.dma_semaphore, #tpu.memory_space<semaphore_mem>>) src(%arg13 : memref<128x128xf32, #tpu.memory_space<vmem>>) dst(%dma_wait3A_43 : memref<128x128xf32, #tpu.memory_space<hbm>>)
      tpu.yield
    }) : () -> ()
    return
  }
}

#map = affine_map<(d0, d1) -> (0, 0)>
#map1 = affine_map<(d0, d1) -> (0, 0, 0)>
module attributes {stable_mosaic.version = 14 : i64} {
  func.func @k(%arg0: i32, %arg1: i32, %arg2: memref<10000x128xf32, #tpu.memory_space<hbm>>, %arg3: memref<10000x128xf32, #tpu.memory_space<hbm>>, %arg4: memref<32x40x128xi32, #tpu.memory_space<hbm>>, %arg5: memref<32x40x128xi32, #tpu.memory_space<hbm>>, %arg6: memref<163840x128xf32, #tpu.memory_space<hbm>>, %arg7: memref<163840x128xf32, #tpu.memory_space<hbm>>, %arg8: memref<40x128xi32, #tpu.memory_space<vmem>>, %arg9: memref<40x128xi32, #tpu.memory_space<vmem>>, %arg10: memref<128x128xf32, #tpu.memory_space<vmem>>, %arg11: memref<128x128xf32, #tpu.memory_space<vmem>>, %arg12: memref<128x128xf32, #tpu.memory_space<vmem>>, %arg13: memref<128x128xf32, #tpu.memory_space<vmem>>, %arg14: memref<128x128xf32, #tpu.memory_space<vmem>>, %arg15: memref<128x128xf32, #tpu.memory_space<vmem>>, %arg16: memref<!tpu.dma_semaphore, #tpu.memory_space<semaphore_mem>>, %arg17: memref<!tpu.dma_semaphore, #tpu.memory_space<semaphore_mem>>, %arg18: memref<!tpu.dma_semaphore, #tpu.memory_space<semaphore_mem>>, %arg19: memref<!tpu.dma_semaphore, #tpu.memory_space<semaphore_mem>>, %arg20: memref<!tpu.dma_semaphore, #tpu.memory_space<semaphore_mem>>, %arg21: memref<!tpu.dma_semaphore, #tpu.memory_space<semaphore_mem>>) attributes {dimension_semantics = [#tpu.dimension_semantics<core_parallel>, #tpu.dimension_semantics<subcore_parallel>], iteration_bounds = array<i64: 2, 16>, scalar_prefetch = 0 : i64, scratch_operands = 14 : i64, tpu.core_type = #tpu.core_type<sc_vector_subcore>, window_params = [{transform_indices = #map}, {transform_indices = #map}, {transform_indices = #map1}, {transform_indices = #map1}, {transform_indices = #map}, {transform_indices = #map}]} {
    %mul3A = arith.constant 2 : i32
    %mul3A_0 = arith.muli %arg1, %mul3A : i32
    %add3A = arith.addi %mul3A_0, %arg0 : i32
    %mul3A_1 = arith.constant 5120 : i32
    %mul3A_2 = arith.muli %add3A, %mul3A_1 : i32
    "tpu.region"() ({
      %run_scoped3A = tpu.sem_alloc : memref<!tpu.dma_semaphore, #tpu.memory_space<semaphore_mem>>
      %dma_start3A_36 = arith.constant 0 : i32
      %dma_start3A_37 = arith.constant 0 : i32
      %dma_start3A_38 = tpu.memref_slice %arg4[%add3A, %dma_start3A_36, %dma_start3A_37] : memref<32x40x128xi32, #tpu.memory_space<hbm>> -> memref<1x40x128xi32, #tpu.memory_space<hbm>>
      %dma_start3A_39 = tpu.memref_squeeze %dma_start3A_38 : memref<1x40x128xi32, #tpu.memory_space<hbm>> -> memref<40x128xi32, #tpu.memory_space<hbm>>
      %dma_start3A_40 = arith.constant 0 : i32
      %dma_start3A_41 = arith.constant 0 : i32
      %dma_start3A_42 = tpu.memref_slice %arg4[%add3A, %dma_start3A_40, %dma_start3A_41] : memref<32x40x128xi32, #tpu.memory_space<hbm>> -> memref<1x40x128xi32, #tpu.memory_space<hbm>>
      %dma_start3A_43 = tpu.memref_squeeze %dma_start3A_42 : memref<1x40x128xi32, #tpu.memory_space<hbm>> -> memref<40x128xi32, #tpu.memory_space<hbm>>
      tpu.enqueue_dma source(%dma_start3A_43 : memref<40x128xi32, #tpu.memory_space<hbm>>) target(%arg8 : memref<40x128xi32, #tpu.memory_space<vmem>>) target_semaphore(%run_scoped3A : memref<!tpu.dma_semaphore, #tpu.memory_space<semaphore_mem>>)
      %dma_wait3A_44 = arith.constant 0 : i32
      %dma_wait3A_45 = arith.constant 0 : i32
      %dma_wait3A_46 = tpu.memref_slice %arg4[%add3A, %dma_wait3A_44, %dma_wait3A_45] : memref<32x40x128xi32, #tpu.memory_space<hbm>> -> memref<1x40x128xi32, #tpu.memory_space<hbm>>
      %dma_wait3A_47 = tpu.memref_squeeze %dma_wait3A_46 : memref<1x40x128xi32, #tpu.memory_space<hbm>> -> memref<40x128xi32, #tpu.memory_space<hbm>>
      %dma_wait3A_48 = arith.constant 0 : i32
      %dma_wait3A_49 = arith.constant 0 : i32
      %dma_wait3A_50 = tpu.memref_slice %arg4[%add3A, %dma_wait3A_48, %dma_wait3A_49] : memref<32x40x128xi32, #tpu.memory_space<hbm>> -> memref<1x40x128xi32, #tpu.memory_space<hbm>>
      %dma_wait3A_51 = tpu.memref_squeeze %dma_wait3A_50 : memref<1x40x128xi32, #tpu.memory_space<hbm>> -> memref<40x128xi32, #tpu.memory_space<hbm>>
      tpu.wait_dma2 semaphore(%run_scoped3A : memref<!tpu.dma_semaphore, #tpu.memory_space<semaphore_mem>>) src(%dma_wait3A_51 : memref<40x128xi32, #tpu.memory_space<hbm>>) dst(%arg8 : memref<40x128xi32, #tpu.memory_space<vmem>>)
      tpu.yield
    }) : () -> ()
    "tpu.region"() ({
      %run_scoped3A = tpu.sem_alloc : memref<!tpu.dma_semaphore, #tpu.memory_space<semaphore_mem>>
      %dma_start3A_36 = arith.constant 0 : i32
      %dma_start3A_37 = arith.constant 0 : i32
      %dma_start3A_38 = tpu.memref_slice %arg5[%add3A, %dma_start3A_36, %dma_start3A_37] : memref<32x40x128xi32, #tpu.memory_space<hbm>> -> memref<1x40x128xi32, #tpu.memory_space<hbm>>
      %dma_start3A_39 = tpu.memref_squeeze %dma_start3A_38 : memref<1x40x128xi32, #tpu.memory_space<hbm>> -> memref<40x128xi32, #tpu.memory_space<hbm>>
      %dma_start3A_40 = arith.constant 0 : i32
      %dma_start3A_41 = arith.constant 0 : i32
      %dma_start3A_42 = tpu.memref_slice %arg5[%add3A, %dma_start3A_40, %dma_start3A_41] : memref<32x40x128xi32, #tpu.memory_space<hbm>> -> memref<1x40x128xi32, #tpu.memory_space<hbm>>
      %dma_start3A_43 = tpu.memref_squeeze %dma_start3A_42 : memref<1x40x128xi32, #tpu.memory_space<hbm>> -> memref<40x128xi32, #tpu.memory_space<hbm>>
      tpu.enqueue_dma source(%dma_start3A_43 : memref<40x128xi32, #tpu.memory_space<hbm>>) target(%arg9 : memref<40x128xi32, #tpu.memory_space<vmem>>) target_semaphore(%run_scoped3A : memref<!tpu.dma_semaphore, #tpu.memory_space<semaphore_mem>>)
      %dma_wait3A_44 = arith.constant 0 : i32
      %dma_wait3A_45 = arith.constant 0 : i32
      %dma_wait3A_46 = tpu.memref_slice %arg5[%add3A, %dma_wait3A_44, %dma_wait3A_45] : memref<32x40x128xi32, #tpu.memory_space<hbm>> -> memref<1x40x128xi32, #tpu.memory_space<hbm>>
      %dma_wait3A_47 = tpu.memref_squeeze %dma_wait3A_46 : memref<1x40x128xi32, #tpu.memory_space<hbm>> -> memref<40x128xi32, #tpu.memory_space<hbm>>
      %dma_wait3A_48 = arith.constant 0 : i32
      %dma_wait3A_49 = arith.constant 0 : i32
      %dma_wait3A_50 = tpu.memref_slice %arg5[%add3A, %dma_wait3A_48, %dma_wait3A_49] : memref<32x40x128xi32, #tpu.memory_space<hbm>> -> memref<1x40x128xi32, #tpu.memory_space<hbm>>
      %dma_wait3A_51 = tpu.memref_squeeze %dma_wait3A_50 : memref<1x40x128xi32, #tpu.memory_space<hbm>> -> memref<40x128xi32, #tpu.memory_space<hbm>>
      tpu.wait_dma2 semaphore(%run_scoped3A : memref<!tpu.dma_semaphore, #tpu.memory_space<semaphore_mem>>) src(%dma_wait3A_51 : memref<40x128xi32, #tpu.memory_space<hbm>>) dst(%arg9 : memref<40x128xi32, #tpu.memory_space<vmem>>)
      tpu.yield
    }) : () -> ()
    %scan3A = arith.constant 0 : i32
    %scan3A_3 = arith.constant 0 : i32
    %scan3A_4 = arith.constant 13 : i32
    %scan3A_5 = arith.addi %scan3A_3, %scan3A_4 : i32
    %scan3A_6 = arith.constant 1 : i32
    scf.for %scan3A_36 = %scan3A_3 to %scan3A_5 step %scan3A_6  : i32 {
      %mul3A_37 = arith.constant 3 : i32
      %mul3A_38 = arith.muli %scan3A_36, %mul3A_37 : i32
      %add3A_39 = arith.constant 0 : i32
      %add3A_40 = arith.addi %mul3A_38, %add3A_39 : i32
      %dma_start3A_41 = arith.constant 0 : i32
      %dma_start3A_42 = tpu.memref_slice %arg8[%add3A_40, %dma_start3A_41] : memref<40x128xi32, #tpu.memory_space<vmem>> -> memref<1x128xi32, #tpu.memory_space<vmem>>
      %dma_start3A_43 = tpu.memref_squeeze %dma_start3A_42 : memref<1x128xi32, #tpu.memory_space<vmem>> -> memref<128xi32, #tpu.memory_space<vmem>>
      %dma_start3A_44 = arith.constant 0 : i32
      %dma_start3A_45 = arith.constant 0 : i32
      %dma_start3A_46 = tpu.memref_slice %arg2[%dma_start3A_44, %dma_start3A_45] : memref<10000x128xf32, #tpu.memory_space<hbm>> -> memref<10000x128xf32, #tpu.memory_space<hbm>>
      tpu.enqueue_indirect_dma source(%dma_start3A_46 : memref<10000x128xf32, #tpu.memory_space<hbm>>) target(%arg10 : memref<128x128xf32, #tpu.memory_space<vmem>>) offsets(%dma_start3A_43 : memref<128xi32, #tpu.memory_space<vmem>>) semaphore(%arg16 : memref<!tpu.dma_semaphore, #tpu.memory_space<semaphore_mem>>)
      %dma_start3A_47 = arith.constant 0 : i32
      %dma_start3A_48 = tpu.memref_slice %arg9[%add3A_40, %dma_start3A_47] : memref<40x128xi32, #tpu.memory_space<vmem>> -> memref<1x128xi32, #tpu.memory_space<vmem>>
      %dma_start3A_49 = tpu.memref_squeeze %dma_start3A_48 : memref<1x128xi32, #tpu.memory_space<vmem>> -> memref<128xi32, #tpu.memory_space<vmem>>
      %dma_start3A_50 = arith.constant 0 : i32
      %dma_start3A_51 = arith.constant 0 : i32
      %dma_start3A_52 = tpu.memref_slice %arg3[%dma_start3A_50, %dma_start3A_51] : memref<10000x128xf32, #tpu.memory_space<hbm>> -> memref<10000x128xf32, #tpu.memory_space<hbm>>
      tpu.enqueue_indirect_dma source(%dma_start3A_52 : memref<10000x128xf32, #tpu.memory_space<hbm>>) target(%arg13 : memref<128x128xf32, #tpu.memory_space<vmem>>) offsets(%dma_start3A_49 : memref<128xi32, #tpu.memory_space<vmem>>) semaphore(%arg19 : memref<!tpu.dma_semaphore, #tpu.memory_space<semaphore_mem>>)
      %add3A_53 = arith.constant 1 : i32
      %add3A_54 = arith.addi %mul3A_38, %add3A_53 : i32
      %dma_start3A_55 = arith.constant 0 : i32
      %dma_start3A_56 = tpu.memref_slice %arg8[%add3A_54, %dma_start3A_55] : memref<40x128xi32, #tpu.memory_space<vmem>> -> memref<1x128xi32, #tpu.memory_space<vmem>>
      %dma_start3A_57 = tpu.memref_squeeze %dma_start3A_56 : memref<1x128xi32, #tpu.memory_space<vmem>> -> memref<128xi32, #tpu.memory_space<vmem>>
      %dma_start3A_58 = arith.constant 0 : i32
      %dma_start3A_59 = arith.constant 0 : i32
      %dma_start3A_60 = tpu.memref_slice %arg2[%dma_start3A_58, %dma_start3A_59] : memref<10000x128xf32, #tpu.memory_space<hbm>> -> memref<10000x128xf32, #tpu.memory_space<hbm>>
      tpu.enqueue_indirect_dma source(%dma_start3A_60 : memref<10000x128xf32, #tpu.memory_space<hbm>>) target(%arg11 : memref<128x128xf32, #tpu.memory_space<vmem>>) offsets(%dma_start3A_57 : memref<128xi32, #tpu.memory_space<vmem>>) semaphore(%arg17 : memref<!tpu.dma_semaphore, #tpu.memory_space<semaphore_mem>>)
      %dma_start3A_61 = arith.constant 0 : i32
      %dma_start3A_62 = tpu.memref_slice %arg9[%add3A_54, %dma_start3A_61] : memref<40x128xi32, #tpu.memory_space<vmem>> -> memref<1x128xi32, #tpu.memory_space<vmem>>
      %dma_start3A_63 = tpu.memref_squeeze %dma_start3A_62 : memref<1x128xi32, #tpu.memory_space<vmem>> -> memref<128xi32, #tpu.memory_space<vmem>>
      %dma_start3A_64 = arith.constant 0 : i32
      %dma_start3A_65 = arith.constant 0 : i32
      %dma_start3A_66 = tpu.memref_slice %arg3[%dma_start3A_64, %dma_start3A_65] : memref<10000x128xf32, #tpu.memory_space<hbm>> -> memref<10000x128xf32, #tpu.memory_space<hbm>>
      tpu.enqueue_indirect_dma source(%dma_start3A_66 : memref<10000x128xf32, #tpu.memory_space<hbm>>) target(%arg14 : memref<128x128xf32, #tpu.memory_space<vmem>>) offsets(%dma_start3A_63 : memref<128xi32, #tpu.memory_space<vmem>>) semaphore(%arg20 : memref<!tpu.dma_semaphore, #tpu.memory_space<semaphore_mem>>)
      %add3A_67 = arith.constant 2 : i32
      %add3A_68 = arith.addi %mul3A_38, %add3A_67 : i32
      %dma_start3A_69 = arith.constant 0 : i32
      %dma_start3A_70 = tpu.memref_slice %arg8[%add3A_68, %dma_start3A_69] : memref<40x128xi32, #tpu.memory_space<vmem>> -> memref<1x128xi32, #tpu.memory_space<vmem>>
      %dma_start3A_71 = tpu.memref_squeeze %dma_start3A_70 : memref<1x128xi32, #tpu.memory_space<vmem>> -> memref<128xi32, #tpu.memory_space<vmem>>
      %dma_start3A_72 = arith.constant 0 : i32
      %dma_start3A_73 = arith.constant 0 : i32
      %dma_start3A_74 = tpu.memref_slice %arg2[%dma_start3A_72, %dma_start3A_73] : memref<10000x128xf32, #tpu.memory_space<hbm>> -> memref<10000x128xf32, #tpu.memory_space<hbm>>
      tpu.enqueue_indirect_dma source(%dma_start3A_74 : memref<10000x128xf32, #tpu.memory_space<hbm>>) target(%arg12 : memref<128x128xf32, #tpu.memory_space<vmem>>) offsets(%dma_start3A_71 : memref<128xi32, #tpu.memory_space<vmem>>) semaphore(%arg18 : memref<!tpu.dma_semaphore, #tpu.memory_space<semaphore_mem>>)
      %dma_start3A_75 = arith.constant 0 : i32
      %dma_start3A_76 = tpu.memref_slice %arg9[%add3A_68, %dma_start3A_75] : memref<40x128xi32, #tpu.memory_space<vmem>> -> memref<1x128xi32, #tpu.memory_space<vmem>>
      %dma_start3A_77 = tpu.memref_squeeze %dma_start3A_76 : memref<1x128xi32, #tpu.memory_space<vmem>> -> memref<128xi32, #tpu.memory_space<vmem>>
      %dma_start3A_78 = arith.constant 0 : i32
      %dma_start3A_79 = arith.constant 0 : i32
      %dma_start3A_80 = tpu.memref_slice %arg3[%dma_start3A_78, %dma_start3A_79] : memref<10000x128xf32, #tpu.memory_space<hbm>> -> memref<10000x128xf32, #tpu.memory_space<hbm>>
      tpu.enqueue_indirect_dma source(%dma_start3A_80 : memref<10000x128xf32, #tpu.memory_space<hbm>>) target(%arg15 : memref<128x128xf32, #tpu.memory_space<vmem>>) offsets(%dma_start3A_77 : memref<128xi32, #tpu.memory_space<vmem>>) semaphore(%arg21 : memref<!tpu.dma_semaphore, #tpu.memory_space<semaphore_mem>>)
      %add3A_81 = arith.constant 0 : i32
      %add3A_82 = arith.addi %mul3A_38, %add3A_81 : i32
      %mul3A_83 = arith.constant 128 : i32
      %mul3A_84 = arith.muli %add3A_82, %mul3A_83 : i32
      %add3A_85 = arith.addi %mul3A_2, %mul3A_84 : i32
      %dma_wait3A_86 = arith.constant 0 : i32
      %dma_wait3A_87 = tpu.memref_slice %arg8[%add3A_40, %dma_wait3A_86] : memref<40x128xi32, #tpu.memory_space<vmem>> -> memref<1x128xi32, #tpu.memory_space<vmem>>
      %dma_wait3A_88 = tpu.memref_squeeze %dma_wait3A_87 : memref<1x128xi32, #tpu.memory_space<vmem>> -> memref<128xi32, #tpu.memory_space<vmem>>
      %dma_wait3A_89 = arith.constant 0 : i32
      %dma_wait3A_90 = arith.constant 0 : i32
      %dma_wait3A_91 = tpu.memref_slice %arg2[%dma_wait3A_89, %dma_wait3A_90] : memref<10000x128xf32, #tpu.memory_space<hbm>> -> memref<10000x128xf32, #tpu.memory_space<hbm>>
      tpu.wait_indirect_dma semaphore(%arg16 : memref<!tpu.dma_semaphore, #tpu.memory_space<semaphore_mem>>) src(%dma_wait3A_91 : memref<10000x128xf32, #tpu.memory_space<hbm>>) dst(%arg10 : memref<128x128xf32, #tpu.memory_space<vmem>>)
      "tpu.region"() ({
        %run_scoped3A = tpu.sem_alloc : memref<!tpu.dma_semaphore, #tpu.memory_space<semaphore_mem>>
        %dma_start3A_132 = arith.constant 0 : i32
        %dma_start3A_133 = tpu.memref_slice %arg6[%add3A_85, %dma_start3A_132] : memref<163840x128xf32, #tpu.memory_space<hbm>> -> memref<128x128xf32, #tpu.memory_space<hbm>>
        %dma_start3A_134 = arith.constant 0 : i32
        %dma_start3A_135 = tpu.memref_slice %arg6[%add3A_85, %dma_start3A_134] : memref<163840x128xf32, #tpu.memory_space<hbm>> -> memref<128x128xf32, #tpu.memory_space<hbm>>
        tpu.enqueue_dma source(%arg10 : memref<128x128xf32, #tpu.memory_space<vmem>>) target(%dma_start3A_135 : memref<128x128xf32, #tpu.memory_space<hbm>>) target_semaphore(%run_scoped3A : memref<!tpu.dma_semaphore, #tpu.memory_space<semaphore_mem>>)
        %dma_wait3A_136 = arith.constant 0 : i32
        %dma_wait3A_137 = tpu.memref_slice %arg6[%add3A_85, %dma_wait3A_136] : memref<163840x128xf32, #tpu.memory_space<hbm>> -> memref<128x128xf32, #tpu.memory_space<hbm>>
        %dma_wait3A_138 = arith.constant 0 : i32
        %dma_wait3A_139 = tpu.memref_slice %arg6[%add3A_85, %dma_wait3A_138] : memref<163840x128xf32, #tpu.memory_space<hbm>> -> memref<128x128xf32, #tpu.memory_space<hbm>>
        tpu.wait_dma2 semaphore(%run_scoped3A : memref<!tpu.dma_semaphore, #tpu.memory_space<semaphore_mem>>) src(%arg10 : memref<128x128xf32, #tpu.memory_space<vmem>>) dst(%dma_wait3A_139 : memref<128x128xf32, #tpu.memory_space<hbm>>)
        tpu.yield
      }) : () -> ()
      %dma_wait3A_92 = arith.constant 0 : i32
      %dma_wait3A_93 = tpu.memref_slice %arg9[%add3A_40, %dma_wait3A_92] : memref<40x128xi32, #tpu.memory_space<vmem>> -> memref<1x128xi32, #tpu.memory_space<vmem>>
      %dma_wait3A_94 = tpu.memref_squeeze %dma_wait3A_93 : memref<1x128xi32, #tpu.memory_space<vmem>> -> memref<128xi32, #tpu.memory_space<vmem>>
      %dma_wait3A_95 = arith.constant 0 : i32
      %dma_wait3A_96 = arith.constant 0 : i32
      %dma_wait3A_97 = tpu.memref_slice %arg3[%dma_wait3A_95, %dma_wait3A_96] : memref<10000x128xf32, #tpu.memory_space<hbm>> -> memref<10000x128xf32, #tpu.memory_space<hbm>>
      tpu.wait_indirect_dma semaphore(%arg19 : memref<!tpu.dma_semaphore, #tpu.memory_space<semaphore_mem>>) src(%dma_wait3A_97 : memref<10000x128xf32, #tpu.memory_space<hbm>>) dst(%arg13 : memref<128x128xf32, #tpu.memory_space<vmem>>)
      "tpu.region"() ({
        %run_scoped3A = tpu.sem_alloc : memref<!tpu.dma_semaphore, #tpu.memory_space<semaphore_mem>>
        %dma_start3A_132 = arith.constant 0 : i32
        %dma_start3A_133 = tpu.memref_slice %arg7[%add3A_85, %dma_start3A_132] : memref<163840x128xf32, #tpu.memory_space<hbm>> -> memref<128x128xf32, #tpu.memory_space<hbm>>
        %dma_start3A_134 = arith.constant 0 : i32
        %dma_start3A_135 = tpu.memref_slice %arg7[%add3A_85, %dma_start3A_134] : memref<163840x128xf32, #tpu.memory_space<hbm>> -> memref<128x128xf32, #tpu.memory_space<hbm>>
        tpu.enqueue_dma source(%arg13 : memref<128x128xf32, #tpu.memory_space<vmem>>) target(%dma_start3A_135 : memref<128x128xf32, #tpu.memory_space<hbm>>) target_semaphore(%run_scoped3A : memref<!tpu.dma_semaphore, #tpu.memory_space<semaphore_mem>>)
        %dma_wait3A_136 = arith.constant 0 : i32
        %dma_wait3A_137 = tpu.memref_slice %arg7[%add3A_85, %dma_wait3A_136] : memref<163840x128xf32, #tpu.memory_space<hbm>> -> memref<128x128xf32, #tpu.memory_space<hbm>>
        %dma_wait3A_138 = arith.constant 0 : i32
        %dma_wait3A_139 = tpu.memref_slice %arg7[%add3A_85, %dma_wait3A_138] : memref<163840x128xf32, #tpu.memory_space<hbm>> -> memref<128x128xf32, #tpu.memory_space<hbm>>
        tpu.wait_dma2 semaphore(%run_scoped3A : memref<!tpu.dma_semaphore, #tpu.memory_space<semaphore_mem>>) src(%arg13 : memref<128x128xf32, #tpu.memory_space<vmem>>) dst(%dma_wait3A_139 : memref<128x128xf32, #tpu.memory_space<hbm>>)
        tpu.yield
      }) : () -> ()
      %add3A_98 = arith.constant 1 : i32
      %add3A_99 = arith.addi %mul3A_38, %add3A_98 : i32
      %mul3A_100 = arith.constant 128 : i32
      %mul3A_101 = arith.muli %add3A_99, %mul3A_100 : i32
      %add3A_102 = arith.addi %mul3A_2, %mul3A_101 : i32
      %dma_wait3A_103 = arith.constant 0 : i32
      %dma_wait3A_104 = tpu.memref_slice %arg8[%add3A_54, %dma_wait3A_103] : memref<40x128xi32, #tpu.memory_space<vmem>> -> memref<1x128xi32, #tpu.memory_space<vmem>>
      %dma_wait3A_105 = tpu.memref_squeeze %dma_wait3A_104 : memref<1x128xi32, #tpu.memory_space<vmem>> -> memref<128xi32, #tpu.memory_space<vmem>>
      %dma_wait3A_106 = arith.constant 0 : i32
      %dma_wait3A_107 = arith.constant 0 : i32
      %dma_wait3A_108 = tpu.memref_slice %arg2[%dma_wait3A_106, %dma_wait3A_107] : memref<10000x128xf32, #tpu.memory_space<hbm>> -> memref<10000x128xf32, #tpu.memory_space<hbm>>
      tpu.wait_indirect_dma semaphore(%arg17 : memref<!tpu.dma_semaphore, #tpu.memory_space<semaphore_mem>>) src(%dma_wait3A_108 : memref<10000x128xf32, #tpu.memory_space<hbm>>) dst(%arg11 : memref<128x128xf32, #tpu.memory_space<vmem>>)
      "tpu.region"() ({
        %run_scoped3A = tpu.sem_alloc : memref<!tpu.dma_semaphore, #tpu.memory_space<semaphore_mem>>
        %dma_start3A_132 = arith.constant 0 : i32
        %dma_start3A_133 = tpu.memref_slice %arg6[%add3A_102, %dma_start3A_132] : memref<163840x128xf32, #tpu.memory_space<hbm>> -> memref<128x128xf32, #tpu.memory_space<hbm>>
        %dma_start3A_134 = arith.constant 0 : i32
        %dma_start3A_135 = tpu.memref_slice %arg6[%add3A_102, %dma_start3A_134] : memref<163840x128xf32, #tpu.memory_space<hbm>> -> memref<128x128xf32, #tpu.memory_space<hbm>>
        tpu.enqueue_dma source(%arg11 : memref<128x128xf32, #tpu.memory_space<vmem>>) target(%dma_start3A_135 : memref<128x128xf32, #tpu.memory_space<hbm>>) target_semaphore(%run_scoped3A : memref<!tpu.dma_semaphore, #tpu.memory_space<semaphore_mem>>)
        %dma_wait3A_136 = arith.constant 0 : i32
        %dma_wait3A_137 = tpu.memref_slice %arg6[%add3A_102, %dma_wait3A_136] : memref<163840x128xf32, #tpu.memory_space<hbm>> -> memref<128x128xf32, #tpu.memory_space<hbm>>
        %dma_wait3A_138 = arith.constant 0 : i32
        %dma_wait3A_139 = tpu.memref_slice %arg6[%add3A_102, %dma_wait3A_138] : memref<163840x128xf32, #tpu.memory_space<hbm>> -> memref<128x128xf32, #tpu.memory_space<hbm>>
        tpu.wait_dma2 semaphore(%run_scoped3A : memref<!tpu.dma_semaphore, #tpu.memory_space<semaphore_mem>>) src(%arg11 : memref<128x128xf32, #tpu.memory_space<vmem>>) dst(%dma_wait3A_139 : memref<128x128xf32, #tpu.memory_space<hbm>>)
        tpu.yield
      }) : () -> ()
      %dma_wait3A_109 = arith.constant 0 : i32
      %dma_wait3A_110 = tpu.memref_slice %arg9[%add3A_54, %dma_wait3A_109] : memref<40x128xi32, #tpu.memory_space<vmem>> -> memref<1x128xi32, #tpu.memory_space<vmem>>
      %dma_wait3A_111 = tpu.memref_squeeze %dma_wait3A_110 : memref<1x128xi32, #tpu.memory_space<vmem>> -> memref<128xi32, #tpu.memory_space<vmem>>
      %dma_wait3A_112 = arith.constant 0 : i32
      %dma_wait3A_113 = arith.constant 0 : i32
      %dma_wait3A_114 = tpu.memref_slice %arg3[%dma_wait3A_112, %dma_wait3A_113] : memref<10000x128xf32, #tpu.memory_space<hbm>> -> memref<10000x128xf32, #tpu.memory_space<hbm>>
      tpu.wait_indirect_dma semaphore(%arg20 : memref<!tpu.dma_semaphore, #tpu.memory_space<semaphore_mem>>) src(%dma_wait3A_114 : memref<10000x128xf32, #tpu.memory_space<hbm>>) dst(%arg14 : memref<128x128xf32, #tpu.memory_space<vmem>>)
      "tpu.region"() ({
        %run_scoped3A = tpu.sem_alloc : memref<!tpu.dma_semaphore, #tpu.memory_space<semaphore_mem>>
        %dma_start3A_132 = arith.constant 0 : i32
        %dma_start3A_133 = tpu.memref_slice %arg7[%add3A_102, %dma_start3A_132] : memref<163840x128xf32, #tpu.memory_space<hbm>> -> memref<128x128xf32, #tpu.memory_space<hbm>>
        %dma_start3A_134 = arith.constant 0 : i32
        %dma_start3A_135 = tpu.memref_slice %arg7[%add3A_102, %dma_start3A_134] : memref<163840x128xf32, #tpu.memory_space<hbm>> -> memref<128x128xf32, #tpu.memory_space<hbm>>
        tpu.enqueue_dma source(%arg14 : memref<128x128xf32, #tpu.memory_space<vmem>>) target(%dma_start3A_135 : memref<128x128xf32, #tpu.memory_space<hbm>>) target_semaphore(%run_scoped3A : memref<!tpu.dma_semaphore, #tpu.memory_space<semaphore_mem>>)
        %dma_wait3A_136 = arith.constant 0 : i32
        %dma_wait3A_137 = tpu.memref_slice %arg7[%add3A_102, %dma_wait3A_136] : memref<163840x128xf32, #tpu.memory_space<hbm>> -> memref<128x128xf32, #tpu.memory_space<hbm>>
        %dma_wait3A_138 = arith.constant 0 : i32
        %dma_wait3A_139 = tpu.memref_slice %arg7[%add3A_102, %dma_wait3A_138] : memref<163840x128xf32, #tpu.memory_space<hbm>> -> memref<128x128xf32, #tpu.memory_space<hbm>>
        tpu.wait_dma2 semaphore(%run_scoped3A : memref<!tpu.dma_semaphore, #tpu.memory_space<semaphore_mem>>) src(%arg14 : memref<128x128xf32, #tpu.memory_space<vmem>>) dst(%dma_wait3A_139 : memref<128x128xf32, #tpu.memory_space<hbm>>)
        tpu.yield
      }) : () -> ()
      %add3A_115 = arith.constant 2 : i32
      %add3A_116 = arith.addi %mul3A_38, %add3A_115 : i32
      %mul3A_117 = arith.constant 128 : i32
      %mul3A_118 = arith.muli %add3A_116, %mul3A_117 : i32
      %add3A_119 = arith.addi %mul3A_2, %mul3A_118 : i32
      %dma_wait3A_120 = arith.constant 0 : i32
      %dma_wait3A_121 = tpu.memref_slice %arg8[%add3A_68, %dma_wait3A_120] : memref<40x128xi32, #tpu.memory_space<vmem>> -> memref<1x128xi32, #tpu.memory_space<vmem>>
      %dma_wait3A_122 = tpu.memref_squeeze %dma_wait3A_121 : memref<1x128xi32, #tpu.memory_space<vmem>> -> memref<128xi32, #tpu.memory_space<vmem>>
      %dma_wait3A_123 = arith.constant 0 : i32
      %dma_wait3A_124 = arith.constant 0 : i32
      %dma_wait3A_125 = tpu.memref_slice %arg2[%dma_wait3A_123, %dma_wait3A_124] : memref<10000x128xf32, #tpu.memory_space<hbm>> -> memref<10000x128xf32, #tpu.memory_space<hbm>>
      tpu.wait_indirect_dma semaphore(%arg18 : memref<!tpu.dma_semaphore, #tpu.memory_space<semaphore_mem>>) src(%dma_wait3A_125 : memref<10000x128xf32, #tpu.memory_space<hbm>>) dst(%arg12 : memref<128x128xf32, #tpu.memory_space<vmem>>)
      "tpu.region"() ({
        %run_scoped3A = tpu.sem_alloc : memref<!tpu.dma_semaphore, #tpu.memory_space<semaphore_mem>>
        %dma_start3A_132 = arith.constant 0 : i32
        %dma_start3A_133 = tpu.memref_slice %arg6[%add3A_119, %dma_start3A_132] : memref<163840x128xf32, #tpu.memory_space<hbm>> -> memref<128x128xf32, #tpu.memory_space<hbm>>
        %dma_start3A_134 = arith.constant 0 : i32
        %dma_start3A_135 = tpu.memref_slice %arg6[%add3A_119, %dma_start3A_134] : memref<163840x128xf32, #tpu.memory_space<hbm>> -> memref<128x128xf32, #tpu.memory_space<hbm>>
        tpu.enqueue_dma source(%arg12 : memref<128x128xf32, #tpu.memory_space<vmem>>) target(%dma_start3A_135 : memref<128x128xf32, #tpu.memory_space<hbm>>) target_semaphore(%run_scoped3A : memref<!tpu.dma_semaphore, #tpu.memory_space<semaphore_mem>>)
        %dma_wait3A_136 = arith.constant 0 : i32
        %dma_wait3A_137 = tpu.memref_slice %arg6[%add3A_119, %dma_wait3A_136] : memref<163840x128xf32, #tpu.memory_space<hbm>> -> memref<128x128xf32, #tpu.memory_space<hbm>>
        %dma_wait3A_138 = arith.constant 0 : i32
        %dma_wait3A_139 = tpu.memref_slice %arg6[%add3A_119, %dma_wait3A_138] : memref<163840x128xf32, #tpu.memory_space<hbm>> -> memref<128x128xf32, #tpu.memory_space<hbm>>
        tpu.wait_dma2 semaphore(%run_scoped3A : memref<!tpu.dma_semaphore, #tpu.memory_space<semaphore_mem>>) src(%arg12 : memref<128x128xf32, #tpu.memory_space<vmem>>) dst(%dma_wait3A_139 : memref<128x128xf32, #tpu.memory_space<hbm>>)
        tpu.yield
      }) : () -> ()
      %dma_wait3A_126 = arith.constant 0 : i32
      %dma_wait3A_127 = tpu.memref_slice %arg9[%add3A_68, %dma_wait3A_126] : memref<40x128xi32, #tpu.memory_space<vmem>> -> memref<1x128xi32, #tpu.memory_space<vmem>>
      %dma_wait3A_128 = tpu.memref_squeeze %dma_wait3A_127 : memref<1x128xi32, #tpu.memory_space<vmem>> -> memref<128xi32, #tpu.memory_space<vmem>>
      %dma_wait3A_129 = arith.constant 0 : i32
      %dma_wait3A_130 = arith.constant 0 : i32
      %dma_wait3A_131 = tpu.memref_slice %arg3[%dma_wait3A_129, %dma_wait3A_130] : memref<10000x128xf32, #tpu.memory_space<hbm>> -> memref<10000x128xf32, #tpu.memory_space<hbm>>
      tpu.wait_indirect_dma semaphore(%arg21 : memref<!tpu.dma_semaphore, #tpu.memory_space<semaphore_mem>>) src(%dma_wait3A_131 : memref<10000x128xf32, #tpu.memory_space<hbm>>) dst(%arg15 : memref<128x128xf32, #tpu.memory_space<vmem>>)
      "tpu.region"() ({
        %run_scoped3A = tpu.sem_alloc : memref<!tpu.dma_semaphore, #tpu.memory_space<semaphore_mem>>
        %dma_start3A_132 = arith.constant 0 : i32
        %dma_start3A_133 = tpu.memref_slice %arg7[%add3A_119, %dma_start3A_132] : memref<163840x128xf32, #tpu.memory_space<hbm>> -> memref<128x128xf32, #tpu.memory_space<hbm>>
        %dma_start3A_134 = arith.constant 0 : i32
        %dma_start3A_135 = tpu.memref_slice %arg7[%add3A_119, %dma_start3A_134] : memref<163840x128xf32, #tpu.memory_space<hbm>> -> memref<128x128xf32, #tpu.memory_space<hbm>>
        tpu.enqueue_dma source(%arg15 : memref<128x128xf32, #tpu.memory_space<vmem>>) target(%dma_start3A_135 : memref<128x128xf32, #tpu.memory_space<hbm>>) target_semaphore(%run_scoped3A : memref<!tpu.dma_semaphore, #tpu.memory_space<semaphore_mem>>)
        %dma_wait3A_136 = arith.constant 0 : i32
        %dma_wait3A_137 = tpu.memref_slice %arg7[%add3A_119, %dma_wait3A_136] : memref<163840x128xf32, #tpu.memory_space<hbm>> -> memref<128x128xf32, #tpu.memory_space<hbm>>
        %dma_wait3A_138 = arith.constant 0 : i32
        %dma_wait3A_139 = tpu.memref_slice %arg7[%add3A_119, %dma_wait3A_138] : memref<163840x128xf32, #tpu.memory_space<hbm>> -> memref<128x128xf32, #tpu.memory_space<hbm>>
        tpu.wait_dma2 semaphore(%run_scoped3A : memref<!tpu.dma_semaphore, #tpu.memory_space<semaphore_mem>>) src(%arg15 : memref<128x128xf32, #tpu.memory_space<vmem>>) dst(%dma_wait3A_139 : memref<128x128xf32, #tpu.memory_space<hbm>>)
        tpu.yield
      }) : () -> ()
    }
    %scan3A_7 = arith.constant 13 : i32
    %dma_start3A = arith.constant 39 : i32
    %dma_start3A_8 = arith.constant 0 : i32
    %dma_start3A_9 = tpu.memref_slice %arg8[%dma_start3A, %dma_start3A_8] : memref<40x128xi32, #tpu.memory_space<vmem>> -> memref<1x128xi32, #tpu.memory_space<vmem>>
    %dma_start3A_10 = tpu.memref_squeeze %dma_start3A_9 : memref<1x128xi32, #tpu.memory_space<vmem>> -> memref<128xi32, #tpu.memory_space<vmem>>
    %dma_start3A_11 = arith.constant 0 : i32
    %dma_start3A_12 = arith.constant 0 : i32
    %dma_start3A_13 = tpu.memref_slice %arg2[%dma_start3A_11, %dma_start3A_12] : memref<10000x128xf32, #tpu.memory_space<hbm>> -> memref<10000x128xf32, #tpu.memory_space<hbm>>
    tpu.enqueue_indirect_dma source(%dma_start3A_13 : memref<10000x128xf32, #tpu.memory_space<hbm>>) target(%arg10 : memref<128x128xf32, #tpu.memory_space<vmem>>) offsets(%dma_start3A_10 : memref<128xi32, #tpu.memory_space<vmem>>) semaphore(%arg16 : memref<!tpu.dma_semaphore, #tpu.memory_space<semaphore_mem>>)
    %dma_start3A_14 = arith.constant 39 : i32
    %dma_start3A_15 = arith.constant 0 : i32
    %dma_start3A_16 = tpu.memref_slice %arg9[%dma_start3A_14, %dma_start3A_15] : memref<40x128xi32, #tpu.memory_space<vmem>> -> memref<1x128xi32, #tpu.memory_space<vmem>>
    %dma_start3A_17 = tpu.memref_squeeze %dma_start3A_16 : memref<1x128xi32, #tpu.memory_space<vmem>> -> memref<128xi32, #tpu.memory_space<vmem>>
    %dma_start3A_18 = arith.constant 0 : i32
    %dma_start3A_19 = arith.constant 0 : i32
    %dma_start3A_20 = tpu.memref_slice %arg3[%dma_start3A_18, %dma_start3A_19] : memref<10000x128xf32, #tpu.memory_space<hbm>> -> memref<10000x128xf32, #tpu.memory_space<hbm>>
    tpu.enqueue_indirect_dma source(%dma_start3A_20 : memref<10000x128xf32, #tpu.memory_space<hbm>>) target(%arg13 : memref<128x128xf32, #tpu.memory_space<vmem>>) offsets(%dma_start3A_17 : memref<128xi32, #tpu.memory_space<vmem>>) semaphore(%arg19 : memref<!tpu.dma_semaphore, #tpu.memory_space<semaphore_mem>>)
    %add3A_21 = arith.constant 4992 : i32
    %add3A_22 = arith.addi %mul3A_2, %add3A_21 : i32
    %dma_wait3A = arith.constant 39 : i32
    %dma_wait3A_23 = arith.constant 0 : i32
    %dma_wait3A_24 = tpu.memref_slice %arg8[%dma_wait3A, %dma_wait3A_23] : memref<40x128xi32, #tpu.memory_space<vmem>> -> memref<1x128xi32, #tpu.memory_space<vmem>>
    %dma_wait3A_25 = tpu.memref_squeeze %dma_wait3A_24 : memref<1x128xi32, #tpu.memory_space<vmem>> -> memref<128xi32, #tpu.memory_space<vmem>>
    %dma_wait3A_26 = arith.constant 0 : i32
    %dma_wait3A_27 = arith.constant 0 : i32
    %dma_wait3A_28 = tpu.memref_slice %arg2[%dma_wait3A_26, %dma_wait3A_27] : memref<10000x128xf32, #tpu.memory_space<hbm>> -> memref<10000x128xf32, #tpu.memory_space<hbm>>
    tpu.wait_indirect_dma semaphore(%arg16 : memref<!tpu.dma_semaphore, #tpu.memory_space<semaphore_mem>>) src(%dma_wait3A_28 : memref<10000x128xf32, #tpu.memory_space<hbm>>) dst(%arg10 : memref<128x128xf32, #tpu.memory_space<vmem>>)
    "tpu.region"() ({
      %run_scoped3A = tpu.sem_alloc : memref<!tpu.dma_semaphore, #tpu.memory_space<semaphore_mem>>
      %dma_start3A_36 = arith.constant 0 : i32
      %dma_start3A_37 = tpu.memref_slice %arg6[%add3A_22, %dma_start3A_36] : memref<163840x128xf32, #tpu.memory_space<hbm>> -> memref<128x128xf32, #tpu.memory_space<hbm>>
      %dma_start3A_38 = arith.constant 0 : i32
      %dma_start3A_39 = tpu.memref_slice %arg6[%add3A_22, %dma_start3A_38] : memref<163840x128xf32, #tpu.memory_space<hbm>> -> memref<128x128xf32, #tpu.memory_space<hbm>>
      tpu.enqueue_dma source(%arg10 : memref<128x128xf32, #tpu.memory_space<vmem>>) target(%dma_start3A_39 : memref<128x128xf32, #tpu.memory_space<hbm>>) target_semaphore(%run_scoped3A : memref<!tpu.dma_semaphore, #tpu.memory_space<semaphore_mem>>)
      %dma_wait3A_40 = arith.constant 0 : i32
      %dma_wait3A_41 = tpu.memref_slice %arg6[%add3A_22, %dma_wait3A_40] : memref<163840x128xf32, #tpu.memory_space<hbm>> -> memref<128x128xf32, #tpu.memory_space<hbm>>
      %dma_wait3A_42 = arith.constant 0 : i32
      %dma_wait3A_43 = tpu.memref_slice %arg6[%add3A_22, %dma_wait3A_42] : memref<163840x128xf32, #tpu.memory_space<hbm>> -> memref<128x128xf32, #tpu.memory_space<hbm>>
      tpu.wait_dma2 semaphore(%run_scoped3A : memref<!tpu.dma_semaphore, #tpu.memory_space<semaphore_mem>>) src(%arg10 : memref<128x128xf32, #tpu.memory_space<vmem>>) dst(%dma_wait3A_43 : memref<128x128xf32, #tpu.memory_space<hbm>>)
      tpu.yield
    }) : () -> ()
    %dma_wait3A_29 = arith.constant 39 : i32
    %dma_wait3A_30 = arith.constant 0 : i32
    %dma_wait3A_31 = tpu.memref_slice %arg9[%dma_wait3A_29, %dma_wait3A_30] : memref<40x128xi32, #tpu.memory_space<vmem>> -> memref<1x128xi32, #tpu.memory_space<vmem>>
    %dma_wait3A_32 = tpu.memref_squeeze %dma_wait3A_31 : memref<1x128xi32, #tpu.memory_space<vmem>> -> memref<128xi32, #tpu.memory_space<vmem>>
    %dma_wait3A_33 = arith.constant 0 : i32
    %dma_wait3A_34 = arith.constant 0 : i32
    %dma_wait3A_35 = tpu.memref_slice %arg3[%dma_wait3A_33, %dma_wait3A_34] : memref<10000x128xf32, #tpu.memory_space<hbm>> -> memref<10000x128xf32, #tpu.memory_space<hbm>>
    tpu.wait_indirect_dma semaphore(%arg19 : memref<!tpu.dma_semaphore, #tpu.memory_space<semaphore_mem>>) src(%dma_wait3A_35 : memref<10000x128xf32, #tpu.memory_space<hbm>>) dst(%arg13 : memref<128x128xf32, #tpu.memory_space<vmem>>)
    "tpu.region"() ({
      %run_scoped3A = tpu.sem_alloc : memref<!tpu.dma_semaphore, #tpu.memory_space<semaphore_mem>>
      %dma_start3A_36 = arith.constant 0 : i32
      %dma_start3A_37 = tpu.memref_slice %arg7[%add3A_22, %dma_start3A_36] : memref<163840x128xf32, #tpu.memory_space<hbm>> -> memref<128x128xf32, #tpu.memory_space<hbm>>
      %dma_start3A_38 = arith.constant 0 : i32
      %dma_start3A_39 = tpu.memref_slice %arg7[%add3A_22, %dma_start3A_38] : memref<163840x128xf32, #tpu.memory_space<hbm>> -> memref<128x128xf32, #tpu.memory_space<hbm>>
      tpu.enqueue_dma source(%arg13 : memref<128x128xf32, #tpu.memory_space<vmem>>) target(%dma_start3A_39 : memref<128x128xf32, #tpu.memory_space<hbm>>) target_semaphore(%run_scoped3A : memref<!tpu.dma_semaphore, #tpu.memory_space<semaphore_mem>>)
      %dma_wait3A_40 = arith.constant 0 : i32
      %dma_wait3A_41 = tpu.memref_slice %arg7[%add3A_22, %dma_wait3A_40] : memref<163840x128xf32, #tpu.memory_space<hbm>> -> memref<128x128xf32, #tpu.memory_space<hbm>>
      %dma_wait3A_42 = arith.constant 0 : i32
      %dma_wait3A_43 = tpu.memref_slice %arg7[%add3A_22, %dma_wait3A_42] : memref<163840x128xf32, #tpu.memory_space<hbm>> -> memref<128x128xf32, #tpu.memory_space<hbm>>
      tpu.wait_dma2 semaphore(%run_scoped3A : memref<!tpu.dma_semaphore, #tpu.memory_space<semaphore_mem>>) src(%arg13 : memref<128x128xf32, #tpu.memory_space<vmem>>) dst(%dma_wait3A_43 : memref<128x128xf32, #tpu.memory_space<hbm>>)
      tpu.yield
    }) : () -> ()
    return
  }
}

#map = affine_map<(d0, d1) -> (0, 0)>
#map1 = affine_map<(d0, d1) -> (0, 0, 0)>
module attributes {stable_mosaic.version = 14 : i64} {
  func.func @k(%arg0: i32, %arg1: i32, %arg2: memref<163840x128xf32, #tpu.memory_space<hbm>>, %arg3: memref<32x40x128xi32, #tpu.memory_space<hbm>>, %arg4: memref<10112x128xf32, #tpu.memory_space<hbm>>, %arg5: memref<2x10112x128xf32, #tpu.memory_space<hbm>>, %arg6: memref<10112x128xf32, #tpu.memory_space<vmem_shared>>, %arg7: memref<40x128xi32, #tpu.memory_space<vmem>>, %arg8: memref<128x128xf32, #tpu.memory_space<vmem>>, %arg9: memref<128x128xf32, #tpu.memory_space<vmem>>, %arg10: memref<!tpu.dma_semaphore, #tpu.memory_space<semaphore_mem>>, %arg11: memref<!tpu.dma_semaphore, #tpu.memory_space<semaphore_mem>>) attributes {dimension_semantics = [#tpu.dimension_semantics<core_parallel>, #tpu.dimension_semantics<subcore_parallel>], iteration_bounds = array<i64: 2, 16>, scalar_prefetch = 0 : i64, scratch_operands = 6 : i64, tpu.core_type = #tpu.core_type<sc_vector_subcore>, window_params = [{transform_indices = #map}, {transform_indices = #map1}, {transform_indices = #map}, {transform_indices = #map1}]} {
    %mul3A = arith.constant 2 : i32
    %mul3A_0 = arith.muli %arg1, %mul3A : i32
    %add3A = arith.addi %mul3A_0, %arg0 : i32
    %mul3A_1 = arith.constant 632 : i32
    %mul3A_2 = arith.muli %arg1, %mul3A_1 : i32
    "tpu.region"() ({
      %run_scoped3A = tpu.sem_alloc : memref<!tpu.dma_semaphore, #tpu.memory_space<semaphore_mem>>
      %dma_start3A = arith.constant 0 : i32
      %dma_start3A_9 = tpu.memref_slice %arg6[%mul3A_2, %dma_start3A] : memref<10112x128xf32, #tpu.memory_space<vmem_shared>> -> memref<632x128xf32, #tpu.memory_space<vmem_shared>>
      %dma_start3A_10 = arith.constant 0 : i32
      %dma_start3A_11 = tpu.memref_slice %arg4[%mul3A_2, %dma_start3A_10] : memref<10112x128xf32, #tpu.memory_space<hbm>> -> memref<632x128xf32, #tpu.memory_space<hbm>>
      tpu.enqueue_dma source(%dma_start3A_11 : memref<632x128xf32, #tpu.memory_space<hbm>>) target(%dma_start3A_9 : memref<632x128xf32, #tpu.memory_space<vmem_shared>>) target_semaphore(%run_scoped3A : memref<!tpu.dma_semaphore, #tpu.memory_space<semaphore_mem>>)
      %dma_wait3A = arith.constant 0 : i32
      %dma_wait3A_12 = tpu.memref_slice %arg6[%mul3A_2, %dma_wait3A] : memref<10112x128xf32, #tpu.memory_space<vmem_shared>> -> memref<632x128xf32, #tpu.memory_space<vmem_shared>>
      %dma_wait3A_13 = arith.constant 0 : i32
      %dma_wait3A_14 = tpu.memref_slice %arg4[%mul3A_2, %dma_wait3A_13] : memref<10112x128xf32, #tpu.memory_space<hbm>> -> memref<632x128xf32, #tpu.memory_space<hbm>>
      tpu.wait_dma2 semaphore(%run_scoped3A : memref<!tpu.dma_semaphore, #tpu.memory_space<semaphore_mem>>) src(%dma_wait3A_14 : memref<632x128xf32, #tpu.memory_space<hbm>>) dst(%dma_wait3A_12 : memref<632x128xf32, #tpu.memory_space<vmem_shared>>)
      tpu.yield
    }) : () -> ()
    %barrier3A = arith.constant 0 : index
    tpu.barrier barrier_id(%barrier3A)
    "tpu.region"() ({
      %run_scoped3A = tpu.sem_alloc : memref<!tpu.dma_semaphore, #tpu.memory_space<semaphore_mem>>
      %dma_start3A = arith.constant 0 : i32
      %dma_start3A_9 = arith.constant 0 : i32
      %dma_start3A_10 = tpu.memref_slice %arg3[%add3A, %dma_start3A, %dma_start3A_9] : memref<32x40x128xi32, #tpu.memory_space<hbm>> -> memref<1x40x128xi32, #tpu.memory_space<hbm>>
      %dma_start3A_11 = tpu.memref_squeeze %dma_start3A_10 : memref<1x40x128xi32, #tpu.memory_space<hbm>> -> memref<40x128xi32, #tpu.memory_space<hbm>>
      %dma_start3A_12 = arith.constant 0 : i32
      %dma_start3A_13 = arith.constant 0 : i32
      %dma_start3A_14 = tpu.memref_slice %arg3[%add3A, %dma_start3A_12, %dma_start3A_13] : memref<32x40x128xi32, #tpu.memory_space<hbm>> -> memref<1x40x128xi32, #tpu.memory_space<hbm>>
      %dma_start3A_15 = tpu.memref_squeeze %dma_start3A_14 : memref<1x40x128xi32, #tpu.memory_space<hbm>> -> memref<40x128xi32, #tpu.memory_space<hbm>>
      tpu.enqueue_dma source(%dma_start3A_15 : memref<40x128xi32, #tpu.memory_space<hbm>>) target(%arg7 : memref<40x128xi32, #tpu.memory_space<vmem>>) target_semaphore(%run_scoped3A : memref<!tpu.dma_semaphore, #tpu.memory_space<semaphore_mem>>)
      %dma_wait3A = arith.constant 0 : i32
      %dma_wait3A_16 = arith.constant 0 : i32
      %dma_wait3A_17 = tpu.memref_slice %arg3[%add3A, %dma_wait3A, %dma_wait3A_16] : memref<32x40x128xi32, #tpu.memory_space<hbm>> -> memref<1x40x128xi32, #tpu.memory_space<hbm>>
      %dma_wait3A_18 = tpu.memref_squeeze %dma_wait3A_17 : memref<1x40x128xi32, #tpu.memory_space<hbm>> -> memref<40x128xi32, #tpu.memory_space<hbm>>
      %dma_wait3A_19 = arith.constant 0 : i32
      %dma_wait3A_20 = arith.constant 0 : i32
      %dma_wait3A_21 = tpu.memref_slice %arg3[%add3A, %dma_wait3A_19, %dma_wait3A_20] : memref<32x40x128xi32, #tpu.memory_space<hbm>> -> memref<1x40x128xi32, #tpu.memory_space<hbm>>
      %dma_wait3A_22 = tpu.memref_squeeze %dma_wait3A_21 : memref<1x40x128xi32, #tpu.memory_space<hbm>> -> memref<40x128xi32, #tpu.memory_space<hbm>>
      tpu.wait_dma2 semaphore(%run_scoped3A : memref<!tpu.dma_semaphore, #tpu.memory_space<semaphore_mem>>) src(%dma_wait3A_22 : memref<40x128xi32, #tpu.memory_space<hbm>>) dst(%arg7 : memref<40x128xi32, #tpu.memory_space<vmem>>)
      tpu.yield
    }) : () -> ()
    %scan3A = arith.constant 0 : i32
    %scan3A_3 = arith.constant 0 : i32
    %scan3A_4 = arith.constant 20 : i32
    %scan3A_5 = arith.addi %scan3A_3, %scan3A_4 : i32
    %scan3A_6 = arith.constant 1 : i32
    scf.for %scan3A_9 = %scan3A_3 to %scan3A_5 step %scan3A_6  : i32 {
      %mul3A_10 = arith.constant 2 : i32
      %mul3A_11 = arith.muli %scan3A_9, %mul3A_10 : i32
      %mul3A_12 = arith.constant 5120 : i32
      %mul3A_13 = arith.muli %add3A, %mul3A_12 : i32
      %mul3A_14 = arith.constant 128 : i32
      %mul3A_15 = arith.muli %mul3A_11, %mul3A_14 : i32
      %add3A_16 = arith.addi %mul3A_13, %mul3A_15 : i32
      %dma_start3A = arith.constant 0 : i32
      %dma_start3A_17 = tpu.memref_slice %arg2[%add3A_16, %dma_start3A] : memref<163840x128xf32, #tpu.memory_space<hbm>> -> memref<128x128xf32, #tpu.memory_space<hbm>>
      %dma_start3A_18 = arith.constant 0 : i32
      %dma_start3A_19 = tpu.memref_slice %arg2[%add3A_16, %dma_start3A_18] : memref<163840x128xf32, #tpu.memory_space<hbm>> -> memref<128x128xf32, #tpu.memory_space<hbm>>
      tpu.enqueue_dma source(%dma_start3A_19 : memref<128x128xf32, #tpu.memory_space<hbm>>) target(%arg8 : memref<128x128xf32, #tpu.memory_space<vmem>>) target_semaphore(%arg10 : memref<!tpu.dma_semaphore, #tpu.memory_space<semaphore_mem>>)
      %add3A_20 = arith.constant 128 : i32
      %add3A_21 = arith.addi %add3A_16, %add3A_20 : i32
      %dma_start3A_22 = arith.constant 0 : i32
      %dma_start3A_23 = tpu.memref_slice %arg2[%add3A_21, %dma_start3A_22] : memref<163840x128xf32, #tpu.memory_space<hbm>> -> memref<128x128xf32, #tpu.memory_space<hbm>>
      %dma_start3A_24 = arith.constant 0 : i32
      %dma_start3A_25 = tpu.memref_slice %arg2[%add3A_21, %dma_start3A_24] : memref<163840x128xf32, #tpu.memory_space<hbm>> -> memref<128x128xf32, #tpu.memory_space<hbm>>
      tpu.enqueue_dma source(%dma_start3A_25 : memref<128x128xf32, #tpu.memory_space<hbm>>) target(%arg9 : memref<128x128xf32, #tpu.memory_space<vmem>>) target_semaphore(%arg11 : memref<!tpu.dma_semaphore, #tpu.memory_space<semaphore_mem>>)
      %dma_wait3A = arith.constant 0 : i32
      %dma_wait3A_26 = tpu.memref_slice %arg2[%add3A_16, %dma_wait3A] : memref<163840x128xf32, #tpu.memory_space<hbm>> -> memref<128x128xf32, #tpu.memory_space<hbm>>
      %dma_wait3A_27 = arith.constant 0 : i32
      %dma_wait3A_28 = tpu.memref_slice %arg2[%add3A_16, %dma_wait3A_27] : memref<163840x128xf32, #tpu.memory_space<hbm>> -> memref<128x128xf32, #tpu.memory_space<hbm>>
      tpu.wait_dma2 semaphore(%arg10 : memref<!tpu.dma_semaphore, #tpu.memory_space<semaphore_mem>>) src(%dma_wait3A_28 : memref<128x128xf32, #tpu.memory_space<hbm>>) dst(%arg8 : memref<128x128xf32, #tpu.memory_space<vmem>>)
      "tpu.region"() ({
        %run_scoped3A = tpu.sem_alloc : memref<!tpu.dma_semaphore, #tpu.memory_space<semaphore_mem>>
        %dma_start3A_35 = arith.constant 0 : i32
        %dma_start3A_36 = tpu.memref_slice %arg7[%mul3A_11, %dma_start3A_35] : memref<40x128xi32, #tpu.memory_space<vmem>> -> memref<1x128xi32, #tpu.memory_space<vmem>>
        %dma_start3A_37 = tpu.memref_squeeze %dma_start3A_36 : memref<1x128xi32, #tpu.memory_space<vmem>> -> memref<128xi32, #tpu.memory_space<vmem>>
        %dma_start3A_38 = arith.constant 0 : i32
        %dma_start3A_39 = arith.constant 0 : i32
        %dma_start3A_40 = tpu.memref_slice %arg6[%dma_start3A_38, %dma_start3A_39] : memref<10112x128xf32, #tpu.memory_space<vmem_shared>> -> memref<10112x128xf32, #tpu.memory_space<vmem_shared>>
        tpu.enqueue_indirect_dma source(%arg8 : memref<128x128xf32, #tpu.memory_space<vmem>>) target(%dma_start3A_40 : memref<10112x128xf32, #tpu.memory_space<vmem_shared>>) offsets(%dma_start3A_37 : memref<128xi32, #tpu.memory_space<vmem>>) semaphore(%run_scoped3A : memref<!tpu.dma_semaphore, #tpu.memory_space<semaphore_mem>>) {add = true}
        %dma_wait3A_41 = arith.constant 0 : i32
        %dma_wait3A_42 = tpu.memref_slice %arg7[%mul3A_11, %dma_wait3A_41] : memref<40x128xi32, #tpu.memory_space<vmem>> -> memref<1x128xi32, #tpu.memory_space<vmem>>
        %dma_wait3A_43 = tpu.memref_squeeze %dma_wait3A_42 : memref<1x128xi32, #tpu.memory_space<vmem>> -> memref<128xi32, #tpu.memory_space<vmem>>
        %dma_wait3A_44 = arith.constant 0 : i32
        %dma_wait3A_45 = arith.constant 0 : i32
        %dma_wait3A_46 = tpu.memref_slice %arg6[%dma_wait3A_44, %dma_wait3A_45] : memref<10112x128xf32, #tpu.memory_space<vmem_shared>> -> memref<10112x128xf32, #tpu.memory_space<vmem_shared>>
        tpu.wait_indirect_dma semaphore(%run_scoped3A : memref<!tpu.dma_semaphore, #tpu.memory_space<semaphore_mem>>) src(%arg8 : memref<128x128xf32, #tpu.memory_space<vmem>>) dst(%dma_wait3A_46 : memref<10112x128xf32, #tpu.memory_space<vmem_shared>>)
        tpu.yield
      }) : () -> ()
      %dma_wait3A_29 = arith.constant 0 : i32
      %dma_wait3A_30 = tpu.memref_slice %arg2[%add3A_21, %dma_wait3A_29] : memref<163840x128xf32, #tpu.memory_space<hbm>> -> memref<128x128xf32, #tpu.memory_space<hbm>>
      %dma_wait3A_31 = arith.constant 0 : i32
      %dma_wait3A_32 = tpu.memref_slice %arg2[%add3A_21, %dma_wait3A_31] : memref<163840x128xf32, #tpu.memory_space<hbm>> -> memref<128x128xf32, #tpu.memory_space<hbm>>
      tpu.wait_dma2 semaphore(%arg11 : memref<!tpu.dma_semaphore, #tpu.memory_space<semaphore_mem>>) src(%dma_wait3A_32 : memref<128x128xf32, #tpu.memory_space<hbm>>) dst(%arg9 : memref<128x128xf32, #tpu.memory_space<vmem>>)
      %add3A_33 = arith.constant 1 : i32
      %add3A_34 = arith.addi %mul3A_11, %add3A_33 : i32
      "tpu.region"() ({
        %run_scoped3A = tpu.sem_alloc : memref<!tpu.dma_semaphore, #tpu.memory_space<semaphore_mem>>
        %dma_start3A_35 = arith.constant 0 : i32
        %dma_start3A_36 = tpu.memref_slice %arg7[%add3A_34, %dma_start3A_35] : memref<40x128xi32, #tpu.memory_space<vmem>> -> memref<1x128xi32, #tpu.memory_space<vmem>>
        %dma_start3A_37 = tpu.memref_squeeze %dma_start3A_36 : memref<1x128xi32, #tpu.memory_space<vmem>> -> memref<128xi32, #tpu.memory_space<vmem>>
        %dma_start3A_38 = arith.constant 0 : i32
        %dma_start3A_39 = arith.constant 0 : i32
        %dma_start3A_40 = tpu.memref_slice %arg6[%dma_start3A_38, %dma_start3A_39] : memref<10112x128xf32, #tpu.memory_space<vmem_shared>> -> memref<10112x128xf32, #tpu.memory_space<vmem_shared>>
        tpu.enqueue_indirect_dma source(%arg9 : memref<128x128xf32, #tpu.memory_space<vmem>>) target(%dma_start3A_40 : memref<10112x128xf32, #tpu.memory_space<vmem_shared>>) offsets(%dma_start3A_37 : memref<128xi32, #tpu.memory_space<vmem>>) semaphore(%run_scoped3A : memref<!tpu.dma_semaphore, #tpu.memory_space<semaphore_mem>>) {add = true}
        %dma_wait3A_41 = arith.constant 0 : i32
        %dma_wait3A_42 = tpu.memref_slice %arg7[%add3A_34, %dma_wait3A_41] : memref<40x128xi32, #tpu.memory_space<vmem>> -> memref<1x128xi32, #tpu.memory_space<vmem>>
        %dma_wait3A_43 = tpu.memref_squeeze %dma_wait3A_42 : memref<1x128xi32, #tpu.memory_space<vmem>> -> memref<128xi32, #tpu.memory_space<vmem>>
        %dma_wait3A_44 = arith.constant 0 : i32
        %dma_wait3A_45 = arith.constant 0 : i32
        %dma_wait3A_46 = tpu.memref_slice %arg6[%dma_wait3A_44, %dma_wait3A_45] : memref<10112x128xf32, #tpu.memory_space<vmem_shared>> -> memref<10112x128xf32, #tpu.memory_space<vmem_shared>>
        tpu.wait_indirect_dma semaphore(%run_scoped3A : memref<!tpu.dma_semaphore, #tpu.memory_space<semaphore_mem>>) src(%arg9 : memref<128x128xf32, #tpu.memory_space<vmem>>) dst(%dma_wait3A_46 : memref<10112x128xf32, #tpu.memory_space<vmem_shared>>)
        tpu.yield
      }) : () -> ()
    }
    %scan3A_7 = arith.constant 20 : i32
    %barrier3A_8 = arith.constant 0 : index
    tpu.barrier barrier_id(%barrier3A_8)
    "tpu.region"() ({
      %run_scoped3A = tpu.sem_alloc : memref<!tpu.dma_semaphore, #tpu.memory_space<semaphore_mem>>
      %dma_start3A = arith.constant 0 : i32
      %dma_start3A_9 = tpu.memref_slice %arg5[%arg0, %mul3A_2, %dma_start3A] : memref<2x10112x128xf32, #tpu.memory_space<hbm>> -> memref<1x632x128xf32, #tpu.memory_space<hbm>>
      %dma_start3A_10 = tpu.memref_squeeze %dma_start3A_9 : memref<1x632x128xf32, #tpu.memory_space<hbm>> -> memref<632x128xf32, #tpu.memory_space<hbm>>
      %dma_start3A_11 = arith.constant 0 : i32
      %dma_start3A_12 = tpu.memref_slice %arg6[%mul3A_2, %dma_start3A_11] : memref<10112x128xf32, #tpu.memory_space<vmem_shared>> -> memref<632x128xf32, #tpu.memory_space<vmem_shared>>
      tpu.enqueue_dma source(%dma_start3A_12 : memref<632x128xf32, #tpu.memory_space<vmem_shared>>) target(%dma_start3A_10 : memref<632x128xf32, #tpu.memory_space<hbm>>) target_semaphore(%run_scoped3A : memref<!tpu.dma_semaphore, #tpu.memory_space<semaphore_mem>>)
      %dma_wait3A = arith.constant 0 : i32
      %dma_wait3A_13 = tpu.memref_slice %arg5[%arg0, %mul3A_2, %dma_wait3A] : memref<2x10112x128xf32, #tpu.memory_space<hbm>> -> memref<1x632x128xf32, #tpu.memory_space<hbm>>
      %dma_wait3A_14 = tpu.memref_squeeze %dma_wait3A_13 : memref<1x632x128xf32, #tpu.memory_space<hbm>> -> memref<632x128xf32, #tpu.memory_space<hbm>>
      %dma_wait3A_15 = arith.constant 0 : i32
      %dma_wait3A_16 = tpu.memref_slice %arg6[%mul3A_2, %dma_wait3A_15] : memref<10112x128xf32, #tpu.memory_space<vmem_shared>> -> memref<632x128xf32, #tpu.memory_space<vmem_shared>>
      tpu.wait_dma2 semaphore(%run_scoped3A : memref<!tpu.dma_semaphore, #tpu.memory_space<semaphore_mem>>) src(%dma_wait3A_16 : memref<632x128xf32, #tpu.memory_space<vmem_shared>>) dst(%dma_wait3A_14 : memref<632x128xf32, #tpu.memory_space<hbm>>)
      tpu.yield
    }) : () -> ()
    return
  }
}

#map = affine_map<(d0, d1) -> (0, 0)>
#map1 = affine_map<(d0, d1) -> (0, 0, 0)>
module attributes {stable_mosaic.version = 14 : i64} {
  func.func @k(%arg0: i32, %arg1: i32, %arg2: memref<163840x128xf32, #tpu.memory_space<hbm>>, %arg3: memref<32x40x128xi32, #tpu.memory_space<hbm>>, %arg4: memref<10112x128xf32, #tpu.memory_space<hbm>>, %arg5: memref<2x10112x128xf32, #tpu.memory_space<hbm>>, %arg6: memref<10112x128xf32, #tpu.memory_space<vmem_shared>>, %arg7: memref<40x128xi32, #tpu.memory_space<vmem>>, %arg8: memref<128x128xf32, #tpu.memory_space<vmem>>, %arg9: memref<128x128xf32, #tpu.memory_space<vmem>>, %arg10: memref<!tpu.dma_semaphore, #tpu.memory_space<semaphore_mem>>, %arg11: memref<!tpu.dma_semaphore, #tpu.memory_space<semaphore_mem>>) attributes {dimension_semantics = [#tpu.dimension_semantics<core_parallel>, #tpu.dimension_semantics<subcore_parallel>], iteration_bounds = array<i64: 2, 16>, scalar_prefetch = 0 : i64, scratch_operands = 6 : i64, tpu.core_type = #tpu.core_type<sc_vector_subcore>, window_params = [{transform_indices = #map}, {transform_indices = #map1}, {transform_indices = #map}, {transform_indices = #map1}]} {
    %mul3A = arith.constant 2 : i32
    %mul3A_0 = arith.muli %arg1, %mul3A : i32
    %add3A = arith.addi %mul3A_0, %arg0 : i32
    %mul3A_1 = arith.constant 632 : i32
    %mul3A_2 = arith.muli %arg1, %mul3A_1 : i32
    "tpu.region"() ({
      %run_scoped3A = tpu.sem_alloc : memref<!tpu.dma_semaphore, #tpu.memory_space<semaphore_mem>>
      %dma_start3A = arith.constant 0 : i32
      %dma_start3A_9 = tpu.memref_slice %arg6[%mul3A_2, %dma_start3A] : memref<10112x128xf32, #tpu.memory_space<vmem_shared>> -> memref<632x128xf32, #tpu.memory_space<vmem_shared>>
      %dma_start3A_10 = arith.constant 0 : i32
      %dma_start3A_11 = tpu.memref_slice %arg4[%mul3A_2, %dma_start3A_10] : memref<10112x128xf32, #tpu.memory_space<hbm>> -> memref<632x128xf32, #tpu.memory_space<hbm>>
      tpu.enqueue_dma source(%dma_start3A_11 : memref<632x128xf32, #tpu.memory_space<hbm>>) target(%dma_start3A_9 : memref<632x128xf32, #tpu.memory_space<vmem_shared>>) target_semaphore(%run_scoped3A : memref<!tpu.dma_semaphore, #tpu.memory_space<semaphore_mem>>)
      %dma_wait3A = arith.constant 0 : i32
      %dma_wait3A_12 = tpu.memref_slice %arg6[%mul3A_2, %dma_wait3A] : memref<10112x128xf32, #tpu.memory_space<vmem_shared>> -> memref<632x128xf32, #tpu.memory_space<vmem_shared>>
      %dma_wait3A_13 = arith.constant 0 : i32
      %dma_wait3A_14 = tpu.memref_slice %arg4[%mul3A_2, %dma_wait3A_13] : memref<10112x128xf32, #tpu.memory_space<hbm>> -> memref<632x128xf32, #tpu.memory_space<hbm>>
      tpu.wait_dma2 semaphore(%run_scoped3A : memref<!tpu.dma_semaphore, #tpu.memory_space<semaphore_mem>>) src(%dma_wait3A_14 : memref<632x128xf32, #tpu.memory_space<hbm>>) dst(%dma_wait3A_12 : memref<632x128xf32, #tpu.memory_space<vmem_shared>>)
      tpu.yield
    }) : () -> ()
    %barrier3A = arith.constant 0 : index
    tpu.barrier barrier_id(%barrier3A)
    "tpu.region"() ({
      %run_scoped3A = tpu.sem_alloc : memref<!tpu.dma_semaphore, #tpu.memory_space<semaphore_mem>>
      %dma_start3A = arith.constant 0 : i32
      %dma_start3A_9 = arith.constant 0 : i32
      %dma_start3A_10 = tpu.memref_slice %arg3[%add3A, %dma_start3A, %dma_start3A_9] : memref<32x40x128xi32, #tpu.memory_space<hbm>> -> memref<1x40x128xi32, #tpu.memory_space<hbm>>
      %dma_start3A_11 = tpu.memref_squeeze %dma_start3A_10 : memref<1x40x128xi32, #tpu.memory_space<hbm>> -> memref<40x128xi32, #tpu.memory_space<hbm>>
      %dma_start3A_12 = arith.constant 0 : i32
      %dma_start3A_13 = arith.constant 0 : i32
      %dma_start3A_14 = tpu.memref_slice %arg3[%add3A, %dma_start3A_12, %dma_start3A_13] : memref<32x40x128xi32, #tpu.memory_space<hbm>> -> memref<1x40x128xi32, #tpu.memory_space<hbm>>
      %dma_start3A_15 = tpu.memref_squeeze %dma_start3A_14 : memref<1x40x128xi32, #tpu.memory_space<hbm>> -> memref<40x128xi32, #tpu.memory_space<hbm>>
      tpu.enqueue_dma source(%dma_start3A_15 : memref<40x128xi32, #tpu.memory_space<hbm>>) target(%arg7 : memref<40x128xi32, #tpu.memory_space<vmem>>) target_semaphore(%run_scoped3A : memref<!tpu.dma_semaphore, #tpu.memory_space<semaphore_mem>>)
      %dma_wait3A = arith.constant 0 : i32
      %dma_wait3A_16 = arith.constant 0 : i32
      %dma_wait3A_17 = tpu.memref_slice %arg3[%add3A, %dma_wait3A, %dma_wait3A_16] : memref<32x40x128xi32, #tpu.memory_space<hbm>> -> memref<1x40x128xi32, #tpu.memory_space<hbm>>
      %dma_wait3A_18 = tpu.memref_squeeze %dma_wait3A_17 : memref<1x40x128xi32, #tpu.memory_space<hbm>> -> memref<40x128xi32, #tpu.memory_space<hbm>>
      %dma_wait3A_19 = arith.constant 0 : i32
      %dma_wait3A_20 = arith.constant 0 : i32
      %dma_wait3A_21 = tpu.memref_slice %arg3[%add3A, %dma_wait3A_19, %dma_wait3A_20] : memref<32x40x128xi32, #tpu.memory_space<hbm>> -> memref<1x40x128xi32, #tpu.memory_space<hbm>>
      %dma_wait3A_22 = tpu.memref_squeeze %dma_wait3A_21 : memref<1x40x128xi32, #tpu.memory_space<hbm>> -> memref<40x128xi32, #tpu.memory_space<hbm>>
      tpu.wait_dma2 semaphore(%run_scoped3A : memref<!tpu.dma_semaphore, #tpu.memory_space<semaphore_mem>>) src(%dma_wait3A_22 : memref<40x128xi32, #tpu.memory_space<hbm>>) dst(%arg7 : memref<40x128xi32, #tpu.memory_space<vmem>>)
      tpu.yield
    }) : () -> ()
    %scan3A = arith.constant 0 : i32
    %scan3A_3 = arith.constant 0 : i32
    %scan3A_4 = arith.constant 20 : i32
    %scan3A_5 = arith.addi %scan3A_3, %scan3A_4 : i32
    %scan3A_6 = arith.constant 1 : i32
    scf.for %scan3A_9 = %scan3A_3 to %scan3A_5 step %scan3A_6  : i32 {
      %mul3A_10 = arith.constant 2 : i32
      %mul3A_11 = arith.muli %scan3A_9, %mul3A_10 : i32
      %mul3A_12 = arith.constant 5120 : i32
      %mul3A_13 = arith.muli %add3A, %mul3A_12 : i32
      %mul3A_14 = arith.constant 128 : i32
      %mul3A_15 = arith.muli %mul3A_11, %mul3A_14 : i32
      %add3A_16 = arith.addi %mul3A_13, %mul3A_15 : i32
      %dma_start3A = arith.constant 0 : i32
      %dma_start3A_17 = tpu.memref_slice %arg2[%add3A_16, %dma_start3A] : memref<163840x128xf32, #tpu.memory_space<hbm>> -> memref<128x128xf32, #tpu.memory_space<hbm>>
      %dma_start3A_18 = arith.constant 0 : i32
      %dma_start3A_19 = tpu.memref_slice %arg2[%add3A_16, %dma_start3A_18] : memref<163840x128xf32, #tpu.memory_space<hbm>> -> memref<128x128xf32, #tpu.memory_space<hbm>>
      tpu.enqueue_dma source(%dma_start3A_19 : memref<128x128xf32, #tpu.memory_space<hbm>>) target(%arg8 : memref<128x128xf32, #tpu.memory_space<vmem>>) target_semaphore(%arg10 : memref<!tpu.dma_semaphore, #tpu.memory_space<semaphore_mem>>)
      %add3A_20 = arith.constant 128 : i32
      %add3A_21 = arith.addi %add3A_16, %add3A_20 : i32
      %dma_start3A_22 = arith.constant 0 : i32
      %dma_start3A_23 = tpu.memref_slice %arg2[%add3A_21, %dma_start3A_22] : memref<163840x128xf32, #tpu.memory_space<hbm>> -> memref<128x128xf32, #tpu.memory_space<hbm>>
      %dma_start3A_24 = arith.constant 0 : i32
      %dma_start3A_25 = tpu.memref_slice %arg2[%add3A_21, %dma_start3A_24] : memref<163840x128xf32, #tpu.memory_space<hbm>> -> memref<128x128xf32, #tpu.memory_space<hbm>>
      tpu.enqueue_dma source(%dma_start3A_25 : memref<128x128xf32, #tpu.memory_space<hbm>>) target(%arg9 : memref<128x128xf32, #tpu.memory_space<vmem>>) target_semaphore(%arg11 : memref<!tpu.dma_semaphore, #tpu.memory_space<semaphore_mem>>)
      %dma_wait3A = arith.constant 0 : i32
      %dma_wait3A_26 = tpu.memref_slice %arg2[%add3A_16, %dma_wait3A] : memref<163840x128xf32, #tpu.memory_space<hbm>> -> memref<128x128xf32, #tpu.memory_space<hbm>>
      %dma_wait3A_27 = arith.constant 0 : i32
      %dma_wait3A_28 = tpu.memref_slice %arg2[%add3A_16, %dma_wait3A_27] : memref<163840x128xf32, #tpu.memory_space<hbm>> -> memref<128x128xf32, #tpu.memory_space<hbm>>
      tpu.wait_dma2 semaphore(%arg10 : memref<!tpu.dma_semaphore, #tpu.memory_space<semaphore_mem>>) src(%dma_wait3A_28 : memref<128x128xf32, #tpu.memory_space<hbm>>) dst(%arg8 : memref<128x128xf32, #tpu.memory_space<vmem>>)
      "tpu.region"() ({
        %run_scoped3A = tpu.sem_alloc : memref<!tpu.dma_semaphore, #tpu.memory_space<semaphore_mem>>
        %dma_start3A_35 = arith.constant 0 : i32
        %dma_start3A_36 = tpu.memref_slice %arg7[%mul3A_11, %dma_start3A_35] : memref<40x128xi32, #tpu.memory_space<vmem>> -> memref<1x128xi32, #tpu.memory_space<vmem>>
        %dma_start3A_37 = tpu.memref_squeeze %dma_start3A_36 : memref<1x128xi32, #tpu.memory_space<vmem>> -> memref<128xi32, #tpu.memory_space<vmem>>
        %dma_start3A_38 = arith.constant 0 : i32
        %dma_start3A_39 = arith.constant 0 : i32
        %dma_start3A_40 = tpu.memref_slice %arg6[%dma_start3A_38, %dma_start3A_39] : memref<10112x128xf32, #tpu.memory_space<vmem_shared>> -> memref<10112x128xf32, #tpu.memory_space<vmem_shared>>
        tpu.enqueue_indirect_dma source(%arg8 : memref<128x128xf32, #tpu.memory_space<vmem>>) target(%dma_start3A_40 : memref<10112x128xf32, #tpu.memory_space<vmem_shared>>) offsets(%dma_start3A_37 : memref<128xi32, #tpu.memory_space<vmem>>) semaphore(%run_scoped3A : memref<!tpu.dma_semaphore, #tpu.memory_space<semaphore_mem>>) {add = true}
        %dma_wait3A_41 = arith.constant 0 : i32
        %dma_wait3A_42 = tpu.memref_slice %arg7[%mul3A_11, %dma_wait3A_41] : memref<40x128xi32, #tpu.memory_space<vmem>> -> memref<1x128xi32, #tpu.memory_space<vmem>>
        %dma_wait3A_43 = tpu.memref_squeeze %dma_wait3A_42 : memref<1x128xi32, #tpu.memory_space<vmem>> -> memref<128xi32, #tpu.memory_space<vmem>>
        %dma_wait3A_44 = arith.constant 0 : i32
        %dma_wait3A_45 = arith.constant 0 : i32
        %dma_wait3A_46 = tpu.memref_slice %arg6[%dma_wait3A_44, %dma_wait3A_45] : memref<10112x128xf32, #tpu.memory_space<vmem_shared>> -> memref<10112x128xf32, #tpu.memory_space<vmem_shared>>
        tpu.wait_indirect_dma semaphore(%run_scoped3A : memref<!tpu.dma_semaphore, #tpu.memory_space<semaphore_mem>>) src(%arg8 : memref<128x128xf32, #tpu.memory_space<vmem>>) dst(%dma_wait3A_46 : memref<10112x128xf32, #tpu.memory_space<vmem_shared>>)
        tpu.yield
      }) : () -> ()
      %dma_wait3A_29 = arith.constant 0 : i32
      %dma_wait3A_30 = tpu.memref_slice %arg2[%add3A_21, %dma_wait3A_29] : memref<163840x128xf32, #tpu.memory_space<hbm>> -> memref<128x128xf32, #tpu.memory_space<hbm>>
      %dma_wait3A_31 = arith.constant 0 : i32
      %dma_wait3A_32 = tpu.memref_slice %arg2[%add3A_21, %dma_wait3A_31] : memref<163840x128xf32, #tpu.memory_space<hbm>> -> memref<128x128xf32, #tpu.memory_space<hbm>>
      tpu.wait_dma2 semaphore(%arg11 : memref<!tpu.dma_semaphore, #tpu.memory_space<semaphore_mem>>) src(%dma_wait3A_32 : memref<128x128xf32, #tpu.memory_space<hbm>>) dst(%arg9 : memref<128x128xf32, #tpu.memory_space<vmem>>)
      %add3A_33 = arith.constant 1 : i32
      %add3A_34 = arith.addi %mul3A_11, %add3A_33 : i32
      "tpu.region"() ({
        %run_scoped3A = tpu.sem_alloc : memref<!tpu.dma_semaphore, #tpu.memory_space<semaphore_mem>>
        %dma_start3A_35 = arith.constant 0 : i32
        %dma_start3A_36 = tpu.memref_slice %arg7[%add3A_34, %dma_start3A_35] : memref<40x128xi32, #tpu.memory_space<vmem>> -> memref<1x128xi32, #tpu.memory_space<vmem>>
        %dma_start3A_37 = tpu.memref_squeeze %dma_start3A_36 : memref<1x128xi32, #tpu.memory_space<vmem>> -> memref<128xi32, #tpu.memory_space<vmem>>
        %dma_start3A_38 = arith.constant 0 : i32
        %dma_start3A_39 = arith.constant 0 : i32
        %dma_start3A_40 = tpu.memref_slice %arg6[%dma_start3A_38, %dma_start3A_39] : memref<10112x128xf32, #tpu.memory_space<vmem_shared>> -> memref<10112x128xf32, #tpu.memory_space<vmem_shared>>
        tpu.enqueue_indirect_dma source(%arg9 : memref<128x128xf32, #tpu.memory_space<vmem>>) target(%dma_start3A_40 : memref<10112x128xf32, #tpu.memory_space<vmem_shared>>) offsets(%dma_start3A_37 : memref<128xi32, #tpu.memory_space<vmem>>) semaphore(%run_scoped3A : memref<!tpu.dma_semaphore, #tpu.memory_space<semaphore_mem>>) {add = true}
        %dma_wait3A_41 = arith.constant 0 : i32
        %dma_wait3A_42 = tpu.memref_slice %arg7[%add3A_34, %dma_wait3A_41] : memref<40x128xi32, #tpu.memory_space<vmem>> -> memref<1x128xi32, #tpu.memory_space<vmem>>
        %dma_wait3A_43 = tpu.memref_squeeze %dma_wait3A_42 : memref<1x128xi32, #tpu.memory_space<vmem>> -> memref<128xi32, #tpu.memory_space<vmem>>
        %dma_wait3A_44 = arith.constant 0 : i32
        %dma_wait3A_45 = arith.constant 0 : i32
        %dma_wait3A_46 = tpu.memref_slice %arg6[%dma_wait3A_44, %dma_wait3A_45] : memref<10112x128xf32, #tpu.memory_space<vmem_shared>> -> memref<10112x128xf32, #tpu.memory_space<vmem_shared>>
        tpu.wait_indirect_dma semaphore(%run_scoped3A : memref<!tpu.dma_semaphore, #tpu.memory_space<semaphore_mem>>) src(%arg9 : memref<128x128xf32, #tpu.memory_space<vmem>>) dst(%dma_wait3A_46 : memref<10112x128xf32, #tpu.memory_space<vmem_shared>>)
        tpu.yield
      }) : () -> ()
    }
    %scan3A_7 = arith.constant 20 : i32
    %barrier3A_8 = arith.constant 0 : index
    tpu.barrier barrier_id(%barrier3A_8)
    "tpu.region"() ({
      %run_scoped3A = tpu.sem_alloc : memref<!tpu.dma_semaphore, #tpu.memory_space<semaphore_mem>>
      %dma_start3A = arith.constant 0 : i32
      %dma_start3A_9 = tpu.memref_slice %arg5[%arg0, %mul3A_2, %dma_start3A] : memref<2x10112x128xf32, #tpu.memory_space<hbm>> -> memref<1x632x128xf32, #tpu.memory_space<hbm>>
      %dma_start3A_10 = tpu.memref_squeeze %dma_start3A_9 : memref<1x632x128xf32, #tpu.memory_space<hbm>> -> memref<632x128xf32, #tpu.memory_space<hbm>>
      %dma_start3A_11 = arith.constant 0 : i32
      %dma_start3A_12 = tpu.memref_slice %arg6[%mul3A_2, %dma_start3A_11] : memref<10112x128xf32, #tpu.memory_space<vmem_shared>> -> memref<632x128xf32, #tpu.memory_space<vmem_shared>>
      tpu.enqueue_dma source(%dma_start3A_12 : memref<632x128xf32, #tpu.memory_space<vmem_shared>>) target(%dma_start3A_10 : memref<632x128xf32, #tpu.memory_space<hbm>>) target_semaphore(%run_scoped3A : memref<!tpu.dma_semaphore, #tpu.memory_space<semaphore_mem>>)
      %dma_wait3A = arith.constant 0 : i32
      %dma_wait3A_13 = tpu.memref_slice %arg5[%arg0, %mul3A_2, %dma_wait3A] : memref<2x10112x128xf32, #tpu.memory_space<hbm>> -> memref<1x632x128xf32, #tpu.memory_space<hbm>>
      %dma_wait3A_14 = tpu.memref_squeeze %dma_wait3A_13 : memref<1x632x128xf32, #tpu.memory_space<hbm>> -> memref<632x128xf32, #tpu.memory_space<hbm>>
      %dma_wait3A_15 = arith.constant 0 : i32
      %dma_wait3A_16 = tpu.memref_slice %arg6[%mul3A_2, %dma_wait3A_15] : memref<10112x128xf32, #tpu.memory_space<vmem_shared>> -> memref<632x128xf32, #tpu.memory_space<vmem_shared>>
      tpu.wait_dma2 semaphore(%run_scoped3A : memref<!tpu.dma_semaphore, #tpu.memory_space<semaphore_mem>>) src(%dma_wait3A_16 : memref<632x128xf32, #tpu.memory_space<vmem_shared>>) dst(%dma_wait3A_14 : memref<632x128xf32, #tpu.memory_space<hbm>>)
      tpu.yield
    }) : () -> ()
    return
  }
}

#map = affine_map<(d0, d1) -> (0, 0)>
#map1 = affine_map<(d0, d1) -> (0, 0, 0)>
module attributes {stable_mosaic.version = 14 : i64} {
  func.func @k(%arg0: i32, %arg1: i32, %arg2: memref<10000x256xf32, #tpu.memory_space<hbm>>, %arg3: memref<10000x256xf32, #tpu.memory_space<hbm>>, %arg4: memref<32x40x128xi32, #tpu.memory_space<hbm>>, %arg5: memref<32x40x128xi32, #tpu.memory_space<hbm>>, %arg6: memref<163840x256xf32, #tpu.memory_space<hbm>>, %arg7: memref<163840x256xf32, #tpu.memory_space<hbm>>, %arg8: memref<40x128xi32, #tpu.memory_space<vmem>>, %arg9: memref<40x128xi32, #tpu.memory_space<vmem>>, %arg10: memref<128x256xf32, #tpu.memory_space<vmem>>, %arg11: memref<128x256xf32, #tpu.memory_space<vmem>>, %arg12: memref<!tpu.dma_semaphore, #tpu.memory_space<semaphore_mem>>, %arg13: memref<!tpu.dma_semaphore, #tpu.memory_space<semaphore_mem>>) attributes {dimension_semantics = [#tpu.dimension_semantics<core_parallel>, #tpu.dimension_semantics<subcore_parallel>], iteration_bounds = array<i64: 2, 16>, scalar_prefetch = 0 : i64, scratch_operands = 6 : i64, tpu.core_type = #tpu.core_type<sc_vector_subcore>, window_params = [{transform_indices = #map}, {transform_indices = #map}, {transform_indices = #map1}, {transform_indices = #map1}, {transform_indices = #map}, {transform_indices = #map}]} {
    %mul3A = arith.constant 2 : i32
    %mul3A_0 = arith.muli %arg1, %mul3A : i32
    %add3A = arith.addi %mul3A_0, %arg0 : i32
    %mul3A_1 = arith.constant 5120 : i32
    %mul3A_2 = arith.muli %add3A, %mul3A_1 : i32
    "tpu.region"() ({
      %run_scoped3A = tpu.sem_alloc : memref<!tpu.dma_semaphore, #tpu.memory_space<semaphore_mem>>
      %dma_start3A = arith.constant 0 : i32
      %dma_start3A_8 = arith.constant 0 : i32
      %dma_start3A_9 = tpu.memref_slice %arg4[%add3A, %dma_start3A, %dma_start3A_8] : memref<32x40x128xi32, #tpu.memory_space<hbm>> -> memref<1x40x128xi32, #tpu.memory_space<hbm>>
      %dma_start3A_10 = tpu.memref_squeeze %dma_start3A_9 : memref<1x40x128xi32, #tpu.memory_space<hbm>> -> memref<40x128xi32, #tpu.memory_space<hbm>>
      %dma_start3A_11 = arith.constant 0 : i32
      %dma_start3A_12 = arith.constant 0 : i32
      %dma_start3A_13 = tpu.memref_slice %arg4[%add3A, %dma_start3A_11, %dma_start3A_12] : memref<32x40x128xi32, #tpu.memory_space<hbm>> -> memref<1x40x128xi32, #tpu.memory_space<hbm>>
      %dma_start3A_14 = tpu.memref_squeeze %dma_start3A_13 : memref<1x40x128xi32, #tpu.memory_space<hbm>> -> memref<40x128xi32, #tpu.memory_space<hbm>>
      tpu.enqueue_dma source(%dma_start3A_14 : memref<40x128xi32, #tpu.memory_space<hbm>>) target(%arg8 : memref<40x128xi32, #tpu.memory_space<vmem>>) target_semaphore(%run_scoped3A : memref<!tpu.dma_semaphore, #tpu.memory_space<semaphore_mem>>)
      %dma_wait3A = arith.constant 0 : i32
      %dma_wait3A_15 = arith.constant 0 : i32
      %dma_wait3A_16 = tpu.memref_slice %arg4[%add3A, %dma_wait3A, %dma_wait3A_15] : memref<32x40x128xi32, #tpu.memory_space<hbm>> -> memref<1x40x128xi32, #tpu.memory_space<hbm>>
      %dma_wait3A_17 = tpu.memref_squeeze %dma_wait3A_16 : memref<1x40x128xi32, #tpu.memory_space<hbm>> -> memref<40x128xi32, #tpu.memory_space<hbm>>
      %dma_wait3A_18 = arith.constant 0 : i32
      %dma_wait3A_19 = arith.constant 0 : i32
      %dma_wait3A_20 = tpu.memref_slice %arg4[%add3A, %dma_wait3A_18, %dma_wait3A_19] : memref<32x40x128xi32, #tpu.memory_space<hbm>> -> memref<1x40x128xi32, #tpu.memory_space<hbm>>
      %dma_wait3A_21 = tpu.memref_squeeze %dma_wait3A_20 : memref<1x40x128xi32, #tpu.memory_space<hbm>> -> memref<40x128xi32, #tpu.memory_space<hbm>>
      tpu.wait_dma2 semaphore(%run_scoped3A : memref<!tpu.dma_semaphore, #tpu.memory_space<semaphore_mem>>) src(%dma_wait3A_21 : memref<40x128xi32, #tpu.memory_space<hbm>>) dst(%arg8 : memref<40x128xi32, #tpu.memory_space<vmem>>)
      tpu.yield
    }) : () -> ()
    "tpu.region"() ({
      %run_scoped3A = tpu.sem_alloc : memref<!tpu.dma_semaphore, #tpu.memory_space<semaphore_mem>>
      %dma_start3A = arith.constant 0 : i32
      %dma_start3A_8 = arith.constant 0 : i32
      %dma_start3A_9 = tpu.memref_slice %arg5[%add3A, %dma_start3A, %dma_start3A_8] : memref<32x40x128xi32, #tpu.memory_space<hbm>> -> memref<1x40x128xi32, #tpu.memory_space<hbm>>
      %dma_start3A_10 = tpu.memref_squeeze %dma_start3A_9 : memref<1x40x128xi32, #tpu.memory_space<hbm>> -> memref<40x128xi32, #tpu.memory_space<hbm>>
      %dma_start3A_11 = arith.constant 0 : i32
      %dma_start3A_12 = arith.constant 0 : i32
      %dma_start3A_13 = tpu.memref_slice %arg5[%add3A, %dma_start3A_11, %dma_start3A_12] : memref<32x40x128xi32, #tpu.memory_space<hbm>> -> memref<1x40x128xi32, #tpu.memory_space<hbm>>
      %dma_start3A_14 = tpu.memref_squeeze %dma_start3A_13 : memref<1x40x128xi32, #tpu.memory_space<hbm>> -> memref<40x128xi32, #tpu.memory_space<hbm>>
      tpu.enqueue_dma source(%dma_start3A_14 : memref<40x128xi32, #tpu.memory_space<hbm>>) target(%arg9 : memref<40x128xi32, #tpu.memory_space<vmem>>) target_semaphore(%run_scoped3A : memref<!tpu.dma_semaphore, #tpu.memory_space<semaphore_mem>>)
      %dma_wait3A = arith.constant 0 : i32
      %dma_wait3A_15 = arith.constant 0 : i32
      %dma_wait3A_16 = tpu.memref_slice %arg5[%add3A, %dma_wait3A, %dma_wait3A_15] : memref<32x40x128xi32, #tpu.memory_space<hbm>> -> memref<1x40x128xi32, #tpu.memory_space<hbm>>
      %dma_wait3A_17 = tpu.memref_squeeze %dma_wait3A_16 : memref<1x40x128xi32, #tpu.memory_space<hbm>> -> memref<40x128xi32, #tpu.memory_space<hbm>>
      %dma_wait3A_18 = arith.constant 0 : i32
      %dma_wait3A_19 = arith.constant 0 : i32
      %dma_wait3A_20 = tpu.memref_slice %arg5[%add3A, %dma_wait3A_18, %dma_wait3A_19] : memref<32x40x128xi32, #tpu.memory_space<hbm>> -> memref<1x40x128xi32, #tpu.memory_space<hbm>>
      %dma_wait3A_21 = tpu.memref_squeeze %dma_wait3A_20 : memref<1x40x128xi32, #tpu.memory_space<hbm>> -> memref<40x128xi32, #tpu.memory_space<hbm>>
      tpu.wait_dma2 semaphore(%run_scoped3A : memref<!tpu.dma_semaphore, #tpu.memory_space<semaphore_mem>>) src(%dma_wait3A_21 : memref<40x128xi32, #tpu.memory_space<hbm>>) dst(%arg9 : memref<40x128xi32, #tpu.memory_space<vmem>>)
      tpu.yield
    }) : () -> ()
    %scan3A = arith.constant 0 : i32
    %scan3A_3 = arith.constant 0 : i32
    %scan3A_4 = arith.constant 40 : i32
    %scan3A_5 = arith.addi %scan3A_3, %scan3A_4 : i32
    %scan3A_6 = arith.constant 1 : i32
    scf.for %scan3A_8 = %scan3A_3 to %scan3A_5 step %scan3A_6  : i32 {
      %mul3A_9 = arith.constant 1 : i32
      %mul3A_10 = arith.muli %scan3A_8, %mul3A_9 : i32
      %add3A_11 = arith.constant 0 : i32
      %add3A_12 = arith.addi %mul3A_10, %add3A_11 : i32
      %dma_start3A = arith.constant 0 : i32
      %dma_start3A_13 = tpu.memref_slice %arg8[%add3A_12, %dma_start3A] : memref<40x128xi32, #tpu.memory_space<vmem>> -> memref<1x128xi32, #tpu.memory_space<vmem>>
      %dma_start3A_14 = tpu.memref_squeeze %dma_start3A_13 : memref<1x128xi32, #tpu.memory_space<vmem>> -> memref<128xi32, #tpu.memory_space<vmem>>
      %dma_start3A_15 = arith.constant 0 : i32
      %dma_start3A_16 = arith.constant 0 : i32
      %dma_start3A_17 = tpu.memref_slice %arg2[%dma_start3A_15, %dma_start3A_16] : memref<10000x256xf32, #tpu.memory_space<hbm>> -> memref<10000x256xf32, #tpu.memory_space<hbm>>
      tpu.enqueue_indirect_dma source(%dma_start3A_17 : memref<10000x256xf32, #tpu.memory_space<hbm>>) target(%arg10 : memref<128x256xf32, #tpu.memory_space<vmem>>) offsets(%dma_start3A_14 : memref<128xi32, #tpu.memory_space<vmem>>) semaphore(%arg12 : memref<!tpu.dma_semaphore, #tpu.memory_space<semaphore_mem>>)
      %dma_start3A_18 = arith.constant 0 : i32
      %dma_start3A_19 = tpu.memref_slice %arg9[%add3A_12, %dma_start3A_18] : memref<40x128xi32, #tpu.memory_space<vmem>> -> memref<1x128xi32, #tpu.memory_space<vmem>>
      %dma_start3A_20 = tpu.memref_squeeze %dma_start3A_19 : memref<1x128xi32, #tpu.memory_space<vmem>> -> memref<128xi32, #tpu.memory_space<vmem>>
      %dma_start3A_21 = arith.constant 0 : i32
      %dma_start3A_22 = arith.constant 0 : i32
      %dma_start3A_23 = tpu.memref_slice %arg3[%dma_start3A_21, %dma_start3A_22] : memref<10000x256xf32, #tpu.memory_space<hbm>> -> memref<10000x256xf32, #tpu.memory_space<hbm>>
      tpu.enqueue_indirect_dma source(%dma_start3A_23 : memref<10000x256xf32, #tpu.memory_space<hbm>>) target(%arg11 : memref<128x256xf32, #tpu.memory_space<vmem>>) offsets(%dma_start3A_20 : memref<128xi32, #tpu.memory_space<vmem>>) semaphore(%arg13 : memref<!tpu.dma_semaphore, #tpu.memory_space<semaphore_mem>>)
      %add3A_24 = arith.constant 0 : i32
      %add3A_25 = arith.addi %mul3A_10, %add3A_24 : i32
      %mul3A_26 = arith.constant 128 : i32
      %mul3A_27 = arith.muli %add3A_25, %mul3A_26 : i32
      %add3A_28 = arith.addi %mul3A_2, %mul3A_27 : i32
      %dma_wait3A = arith.constant 0 : i32
      %dma_wait3A_29 = tpu.memref_slice %arg8[%add3A_12, %dma_wait3A] : memref<40x128xi32, #tpu.memory_space<vmem>> -> memref<1x128xi32, #tpu.memory_space<vmem>>
      %dma_wait3A_30 = tpu.memref_squeeze %dma_wait3A_29 : memref<1x128xi32, #tpu.memory_space<vmem>> -> memref<128xi32, #tpu.memory_space<vmem>>
      %dma_wait3A_31 = arith.constant 0 : i32
      %dma_wait3A_32 = arith.constant 0 : i32
      %dma_wait3A_33 = tpu.memref_slice %arg2[%dma_wait3A_31, %dma_wait3A_32] : memref<10000x256xf32, #tpu.memory_space<hbm>> -> memref<10000x256xf32, #tpu.memory_space<hbm>>
      tpu.wait_indirect_dma semaphore(%arg12 : memref<!tpu.dma_semaphore, #tpu.memory_space<semaphore_mem>>) src(%dma_wait3A_33 : memref<10000x256xf32, #tpu.memory_space<hbm>>) dst(%arg10 : memref<128x256xf32, #tpu.memory_space<vmem>>)
      "tpu.region"() ({
        %run_scoped3A = tpu.sem_alloc : memref<!tpu.dma_semaphore, #tpu.memory_space<semaphore_mem>>
        %dma_start3A_40 = arith.constant 0 : i32
        %dma_start3A_41 = tpu.memref_slice %arg6[%add3A_28, %dma_start3A_40] : memref<163840x256xf32, #tpu.memory_space<hbm>> -> memref<128x256xf32, #tpu.memory_space<hbm>>
        %dma_start3A_42 = arith.constant 0 : i32
        %dma_start3A_43 = tpu.memref_slice %arg6[%add3A_28, %dma_start3A_42] : memref<163840x256xf32, #tpu.memory_space<hbm>> -> memref<128x256xf32, #tpu.memory_space<hbm>>
        tpu.enqueue_dma source(%arg10 : memref<128x256xf32, #tpu.memory_space<vmem>>) target(%dma_start3A_43 : memref<128x256xf32, #tpu.memory_space<hbm>>) target_semaphore(%run_scoped3A : memref<!tpu.dma_semaphore, #tpu.memory_space<semaphore_mem>>)
        %dma_wait3A_44 = arith.constant 0 : i32
        %dma_wait3A_45 = tpu.memref_slice %arg6[%add3A_28, %dma_wait3A_44] : memref<163840x256xf32, #tpu.memory_space<hbm>> -> memref<128x256xf32, #tpu.memory_space<hbm>>
        %dma_wait3A_46 = arith.constant 0 : i32
        %dma_wait3A_47 = tpu.memref_slice %arg6[%add3A_28, %dma_wait3A_46] : memref<163840x256xf32, #tpu.memory_space<hbm>> -> memref<128x256xf32, #tpu.memory_space<hbm>>
        tpu.wait_dma2 semaphore(%run_scoped3A : memref<!tpu.dma_semaphore, #tpu.memory_space<semaphore_mem>>) src(%arg10 : memref<128x256xf32, #tpu.memory_space<vmem>>) dst(%dma_wait3A_47 : memref<128x256xf32, #tpu.memory_space<hbm>>)
        tpu.yield
      }) : () -> ()
      %dma_wait3A_34 = arith.constant 0 : i32
      %dma_wait3A_35 = tpu.memref_slice %arg9[%add3A_12, %dma_wait3A_34] : memref<40x128xi32, #tpu.memory_space<vmem>> -> memref<1x128xi32, #tpu.memory_space<vmem>>
      %dma_wait3A_36 = tpu.memref_squeeze %dma_wait3A_35 : memref<1x128xi32, #tpu.memory_space<vmem>> -> memref<128xi32, #tpu.memory_space<vmem>>
      %dma_wait3A_37 = arith.constant 0 : i32
      %dma_wait3A_38 = arith.constant 0 : i32
      %dma_wait3A_39 = tpu.memref_slice %arg3[%dma_wait3A_37, %dma_wait3A_38] : memref<10000x256xf32, #tpu.memory_space<hbm>> -> memref<10000x256xf32, #tpu.memory_space<hbm>>
      tpu.wait_indirect_dma semaphore(%arg13 : memref<!tpu.dma_semaphore, #tpu.memory_space<semaphore_mem>>) src(%dma_wait3A_39 : memref<10000x256xf32, #tpu.memory_space<hbm>>) dst(%arg11 : memref<128x256xf32, #tpu.memory_space<vmem>>)
      "tpu.region"() ({
        %run_scoped3A = tpu.sem_alloc : memref<!tpu.dma_semaphore, #tpu.memory_space<semaphore_mem>>
        %dma_start3A_40 = arith.constant 0 : i32
        %dma_start3A_41 = tpu.memref_slice %arg7[%add3A_28, %dma_start3A_40] : memref<163840x256xf32, #tpu.memory_space<hbm>> -> memref<128x256xf32, #tpu.memory_space<hbm>>
        %dma_start3A_42 = arith.constant 0 : i32
        %dma_start3A_43 = tpu.memref_slice %arg7[%add3A_28, %dma_start3A_42] : memref<163840x256xf32, #tpu.memory_space<hbm>> -> memref<128x256xf32, #tpu.memory_space<hbm>>
        tpu.enqueue_dma source(%arg11 : memref<128x256xf32, #tpu.memory_space<vmem>>) target(%dma_start3A_43 : memref<128x256xf32, #tpu.memory_space<hbm>>) target_semaphore(%run_scoped3A : memref<!tpu.dma_semaphore, #tpu.memory_space<semaphore_mem>>)
        %dma_wait3A_44 = arith.constant 0 : i32
        %dma_wait3A_45 = tpu.memref_slice %arg7[%add3A_28, %dma_wait3A_44] : memref<163840x256xf32, #tpu.memory_space<hbm>> -> memref<128x256xf32, #tpu.memory_space<hbm>>
        %dma_wait3A_46 = arith.constant 0 : i32
        %dma_wait3A_47 = tpu.memref_slice %arg7[%add3A_28, %dma_wait3A_46] : memref<163840x256xf32, #tpu.memory_space<hbm>> -> memref<128x256xf32, #tpu.memory_space<hbm>>
        tpu.wait_dma2 semaphore(%run_scoped3A : memref<!tpu.dma_semaphore, #tpu.memory_space<semaphore_mem>>) src(%arg11 : memref<128x256xf32, #tpu.memory_space<vmem>>) dst(%dma_wait3A_47 : memref<128x256xf32, #tpu.memory_space<hbm>>)
        tpu.yield
      }) : () -> ()
    }
    %scan3A_7 = arith.constant 40 : i32
    return
  }
}

#map = affine_map<(d0, d1) -> (0, 0)>
#map1 = affine_map<(d0, d1) -> (0, 0, 0)>
module attributes {stable_mosaic.version = 14 : i64} {
  func.func @k(%arg0: i32, %arg1: i32, %arg2: memref<163840x128xf32, #tpu.memory_space<hbm>>, %arg3: memref<163840x128xf32, #tpu.memory_space<hbm>>, %arg4: memref<163840x128xf32, #tpu.memory_space<hbm>>, %arg5: memref<32x40x128xi32, #tpu.memory_space<hbm>>, %arg6: memref<10112x128xf32, #tpu.memory_space<hbm>>, %arg7: memref<2x10112x128xf32, #tpu.memory_space<hbm>>, %arg8: memref<2x10112x128xf32, #tpu.memory_space<hbm>>, %arg9: memref<2x10112x128xf32, #tpu.memory_space<hbm>>, %arg10: memref<10112x128xf32, #tpu.memory_space<vmem_shared>>, %arg11: memref<40x128xi32, #tpu.memory_space<vmem>>, %arg12: memref<128x128xf32, #tpu.memory_space<vmem>>, %arg13: memref<128x128xf32, #tpu.memory_space<vmem>>, %arg14: memref<!tpu.dma_semaphore, #tpu.memory_space<semaphore_mem>>, %arg15: memref<!tpu.dma_semaphore, #tpu.memory_space<semaphore_mem>>) attributes {dimension_semantics = [#tpu.dimension_semantics<core_parallel>, #tpu.dimension_semantics<subcore_parallel>], iteration_bounds = array<i64: 2, 16>, scalar_prefetch = 0 : i64, scratch_operands = 6 : i64, tpu.core_type = #tpu.core_type<sc_vector_subcore>, window_params = [{transform_indices = #map}, {transform_indices = #map}, {transform_indices = #map}, {transform_indices = #map1}, {transform_indices = #map}, {transform_indices = #map1}, {transform_indices = #map1}, {transform_indices = #map1}]} {
    %mul3A = arith.constant 2 : i32
    %mul3A_0 = arith.muli %arg1, %mul3A : i32
    %add3A = arith.addi %mul3A_0, %arg0 : i32
    %mul3A_1 = arith.constant 632 : i32
    %mul3A_2 = arith.muli %arg1, %mul3A_1 : i32
    "tpu.region"() ({
      %run_scoped3A = tpu.sem_alloc : memref<!tpu.dma_semaphore, #tpu.memory_space<semaphore_mem>>
      %dma_start3A = arith.constant 0 : i32
      %dma_start3A_28 = arith.constant 0 : i32
      %dma_start3A_29 = tpu.memref_slice %arg5[%add3A, %dma_start3A, %dma_start3A_28] : memref<32x40x128xi32, #tpu.memory_space<hbm>> -> memref<1x40x128xi32, #tpu.memory_space<hbm>>
      %dma_start3A_30 = tpu.memref_squeeze %dma_start3A_29 : memref<1x40x128xi32, #tpu.memory_space<hbm>> -> memref<40x128xi32, #tpu.memory_space<hbm>>
      %dma_start3A_31 = arith.constant 0 : i32
      %dma_start3A_32 = arith.constant 0 : i32
      %dma_start3A_33 = tpu.memref_slice %arg5[%add3A, %dma_start3A_31, %dma_start3A_32] : memref<32x40x128xi32, #tpu.memory_space<hbm>> -> memref<1x40x128xi32, #tpu.memory_space<hbm>>
      %dma_start3A_34 = tpu.memref_squeeze %dma_start3A_33 : memref<1x40x128xi32, #tpu.memory_space<hbm>> -> memref<40x128xi32, #tpu.memory_space<hbm>>
      tpu.enqueue_dma source(%dma_start3A_34 : memref<40x128xi32, #tpu.memory_space<hbm>>) target(%arg11 : memref<40x128xi32, #tpu.memory_space<vmem>>) target_semaphore(%run_scoped3A : memref<!tpu.dma_semaphore, #tpu.memory_space<semaphore_mem>>)
      %dma_wait3A = arith.constant 0 : i32
      %dma_wait3A_35 = arith.constant 0 : i32
      %dma_wait3A_36 = tpu.memref_slice %arg5[%add3A, %dma_wait3A, %dma_wait3A_35] : memref<32x40x128xi32, #tpu.memory_space<hbm>> -> memref<1x40x128xi32, #tpu.memory_space<hbm>>
      %dma_wait3A_37 = tpu.memref_squeeze %dma_wait3A_36 : memref<1x40x128xi32, #tpu.memory_space<hbm>> -> memref<40x128xi32, #tpu.memory_space<hbm>>
      %dma_wait3A_38 = arith.constant 0 : i32
      %dma_wait3A_39 = arith.constant 0 : i32
      %dma_wait3A_40 = tpu.memref_slice %arg5[%add3A, %dma_wait3A_38, %dma_wait3A_39] : memref<32x40x128xi32, #tpu.memory_space<hbm>> -> memref<1x40x128xi32, #tpu.memory_space<hbm>>
      %dma_wait3A_41 = tpu.memref_squeeze %dma_wait3A_40 : memref<1x40x128xi32, #tpu.memory_space<hbm>> -> memref<40x128xi32, #tpu.memory_space<hbm>>
      tpu.wait_dma2 semaphore(%run_scoped3A : memref<!tpu.dma_semaphore, #tpu.memory_space<semaphore_mem>>) src(%dma_wait3A_41 : memref<40x128xi32, #tpu.memory_space<hbm>>) dst(%arg11 : memref<40x128xi32, #tpu.memory_space<vmem>>)
      tpu.yield
    }) : () -> ()
    "tpu.region"() ({
      %run_scoped3A = tpu.sem_alloc : memref<!tpu.dma_semaphore, #tpu.memory_space<semaphore_mem>>
      %dma_start3A = arith.constant 0 : i32
      %dma_start3A_28 = tpu.memref_slice %arg10[%mul3A_2, %dma_start3A] : memref<10112x128xf32, #tpu.memory_space<vmem_shared>> -> memref<632x128xf32, #tpu.memory_space<vmem_shared>>
      %dma_start3A_29 = arith.constant 0 : i32
      %dma_start3A_30 = tpu.memref_slice %arg6[%mul3A_2, %dma_start3A_29] : memref<10112x128xf32, #tpu.memory_space<hbm>> -> memref<632x128xf32, #tpu.memory_space<hbm>>
      tpu.enqueue_dma source(%dma_start3A_30 : memref<632x128xf32, #tpu.memory_space<hbm>>) target(%dma_start3A_28 : memref<632x128xf32, #tpu.memory_space<vmem_shared>>) target_semaphore(%run_scoped3A : memref<!tpu.dma_semaphore, #tpu.memory_space<semaphore_mem>>)
      %dma_wait3A = arith.constant 0 : i32
      %dma_wait3A_31 = tpu.memref_slice %arg10[%mul3A_2, %dma_wait3A] : memref<10112x128xf32, #tpu.memory_space<vmem_shared>> -> memref<632x128xf32, #tpu.memory_space<vmem_shared>>
      %dma_wait3A_32 = arith.constant 0 : i32
      %dma_wait3A_33 = tpu.memref_slice %arg6[%mul3A_2, %dma_wait3A_32] : memref<10112x128xf32, #tpu.memory_space<hbm>> -> memref<632x128xf32, #tpu.memory_space<hbm>>
      tpu.wait_dma2 semaphore(%run_scoped3A : memref<!tpu.dma_semaphore, #tpu.memory_space<semaphore_mem>>) src(%dma_wait3A_33 : memref<632x128xf32, #tpu.memory_space<hbm>>) dst(%dma_wait3A_31 : memref<632x128xf32, #tpu.memory_space<vmem_shared>>)
      tpu.yield
    }) : () -> ()
    %barrier3A = arith.constant 0 : index
    tpu.barrier barrier_id(%barrier3A)
    %scan3A = arith.constant 0 : i32
    %scan3A_3 = arith.constant 0 : i32
    %scan3A_4 = arith.constant 20 : i32
    %scan3A_5 = arith.addi %scan3A_3, %scan3A_4 : i32
    %scan3A_6 = arith.constant 1 : i32
    scf.for %scan3A_28 = %scan3A_3 to %scan3A_5 step %scan3A_6  : i32 {
      %mul3A_29 = arith.constant 2 : i32
      %mul3A_30 = arith.muli %scan3A_28, %mul3A_29 : i32
      %mul3A_31 = arith.constant 5120 : i32
      %mul3A_32 = arith.muli %add3A, %mul3A_31 : i32
      %mul3A_33 = arith.constant 128 : i32
      %mul3A_34 = arith.muli %mul3A_30, %mul3A_33 : i32
      %add3A_35 = arith.addi %mul3A_32, %mul3A_34 : i32
      %dma_start3A = arith.constant 0 : i32
      %dma_start3A_36 = tpu.memref_slice %arg2[%add3A_35, %dma_start3A] : memref<163840x128xf32, #tpu.memory_space<hbm>> -> memref<128x128xf32, #tpu.memory_space<hbm>>
      %dma_start3A_37 = arith.constant 0 : i32
      %dma_start3A_38 = tpu.memref_slice %arg2[%add3A_35, %dma_start3A_37] : memref<163840x128xf32, #tpu.memory_space<hbm>> -> memref<128x128xf32, #tpu.memory_space<hbm>>
      tpu.enqueue_dma source(%dma_start3A_38 : memref<128x128xf32, #tpu.memory_space<hbm>>) target(%arg12 : memref<128x128xf32, #tpu.memory_space<vmem>>) target_semaphore(%arg14 : memref<!tpu.dma_semaphore, #tpu.memory_space<semaphore_mem>>)
      %add3A_39 = arith.constant 128 : i32
      %add3A_40 = arith.addi %add3A_35, %add3A_39 : i32
      %dma_start3A_41 = arith.constant 0 : i32
      %dma_start3A_42 = tpu.memref_slice %arg2[%add3A_40, %dma_start3A_41] : memref<163840x128xf32, #tpu.memory_space<hbm>> -> memref<128x128xf32, #tpu.memory_space<hbm>>
      %dma_start3A_43 = arith.constant 0 : i32
      %dma_start3A_44 = tpu.memref_slice %arg2[%add3A_40, %dma_start3A_43] : memref<163840x128xf32, #tpu.memory_space<hbm>> -> memref<128x128xf32, #tpu.memory_space<hbm>>
      tpu.enqueue_dma source(%dma_start3A_44 : memref<128x128xf32, #tpu.memory_space<hbm>>) target(%arg13 : memref<128x128xf32, #tpu.memory_space<vmem>>) target_semaphore(%arg15 : memref<!tpu.dma_semaphore, #tpu.memory_space<semaphore_mem>>)
      %dma_wait3A = arith.constant 0 : i32
      %dma_wait3A_45 = tpu.memref_slice %arg2[%add3A_35, %dma_wait3A] : memref<163840x128xf32, #tpu.memory_space<hbm>> -> memref<128x128xf32, #tpu.memory_space<hbm>>
      %dma_wait3A_46 = arith.constant 0 : i32
      %dma_wait3A_47 = tpu.memref_slice %arg2[%add3A_35, %dma_wait3A_46] : memref<163840x128xf32, #tpu.memory_space<hbm>> -> memref<128x128xf32, #tpu.memory_space<hbm>>
      tpu.wait_dma2 semaphore(%arg14 : memref<!tpu.dma_semaphore, #tpu.memory_space<semaphore_mem>>) src(%dma_wait3A_47 : memref<128x128xf32, #tpu.memory_space<hbm>>) dst(%arg12 : memref<128x128xf32, #tpu.memory_space<vmem>>)
      "tpu.region"() ({
        %run_scoped3A = tpu.sem_alloc : memref<!tpu.dma_semaphore, #tpu.memory_space<semaphore_mem>>
        %dma_start3A_54 = arith.constant 0 : i32
        %dma_start3A_55 = tpu.memref_slice %arg11[%mul3A_30, %dma_start3A_54] : memref<40x128xi32, #tpu.memory_space<vmem>> -> memref<1x128xi32, #tpu.memory_space<vmem>>
        %dma_start3A_56 = tpu.memref_squeeze %dma_start3A_55 : memref<1x128xi32, #tpu.memory_space<vmem>> -> memref<128xi32, #tpu.memory_space<vmem>>
        %dma_start3A_57 = arith.constant 0 : i32
        %dma_start3A_58 = arith.constant 0 : i32
        %dma_start3A_59 = tpu.memref_slice %arg10[%dma_start3A_57, %dma_start3A_58] : memref<10112x128xf32, #tpu.memory_space<vmem_shared>> -> memref<10112x128xf32, #tpu.memory_space<vmem_shared>>
        tpu.enqueue_indirect_dma source(%arg12 : memref<128x128xf32, #tpu.memory_space<vmem>>) target(%dma_start3A_59 : memref<10112x128xf32, #tpu.memory_space<vmem_shared>>) offsets(%dma_start3A_56 : memref<128xi32, #tpu.memory_space<vmem>>) semaphore(%run_scoped3A : memref<!tpu.dma_semaphore, #tpu.memory_space<semaphore_mem>>) {add = true}
        %dma_wait3A_60 = arith.constant 0 : i32
        %dma_wait3A_61 = tpu.memref_slice %arg11[%mul3A_30, %dma_wait3A_60] : memref<40x128xi32, #tpu.memory_space<vmem>> -> memref<1x128xi32, #tpu.memory_space<vmem>>
        %dma_wait3A_62 = tpu.memref_squeeze %dma_wait3A_61 : memref<1x128xi32, #tpu.memory_space<vmem>> -> memref<128xi32, #tpu.memory_space<vmem>>
        %dma_wait3A_63 = arith.constant 0 : i32
        %dma_wait3A_64 = arith.constant 0 : i32
        %dma_wait3A_65 = tpu.memref_slice %arg10[%dma_wait3A_63, %dma_wait3A_64] : memref<10112x128xf32, #tpu.memory_space<vmem_shared>> -> memref<10112x128xf32, #tpu.memory_space<vmem_shared>>
        tpu.wait_indirect_dma semaphore(%run_scoped3A : memref<!tpu.dma_semaphore, #tpu.memory_space<semaphore_mem>>) src(%arg12 : memref<128x128xf32, #tpu.memory_space<vmem>>) dst(%dma_wait3A_65 : memref<10112x128xf32, #tpu.memory_space<vmem_shared>>)
        tpu.yield
      }) : () -> ()
      %dma_wait3A_48 = arith.constant 0 : i32
      %dma_wait3A_49 = tpu.memref_slice %arg2[%add3A_40, %dma_wait3A_48] : memref<163840x128xf32, #tpu.memory_space<hbm>> -> memref<128x128xf32, #tpu.memory_space<hbm>>
      %dma_wait3A_50 = arith.constant 0 : i32
      %dma_wait3A_51 = tpu.memref_slice %arg2[%add3A_40, %dma_wait3A_50] : memref<163840x128xf32, #tpu.memory_space<hbm>> -> memref<128x128xf32, #tpu.memory_space<hbm>>
      tpu.wait_dma2 semaphore(%arg15 : memref<!tpu.dma_semaphore, #tpu.memory_space<semaphore_mem>>) src(%dma_wait3A_51 : memref<128x128xf32, #tpu.memory_space<hbm>>) dst(%arg13 : memref<128x128xf32, #tpu.memory_space<vmem>>)
      %add3A_52 = arith.constant 1 : i32
      %add3A_53 = arith.addi %mul3A_30, %add3A_52 : i32
      "tpu.region"() ({
        %run_scoped3A = tpu.sem_alloc : memref<!tpu.dma_semaphore, #tpu.memory_space<semaphore_mem>>
        %dma_start3A_54 = arith.constant 0 : i32
        %dma_start3A_55 = tpu.memref_slice %arg11[%add3A_53, %dma_start3A_54] : memref<40x128xi32, #tpu.memory_space<vmem>> -> memref<1x128xi32, #tpu.memory_space<vmem>>
        %dma_start3A_56 = tpu.memref_squeeze %dma_start3A_55 : memref<1x128xi32, #tpu.memory_space<vmem>> -> memref<128xi32, #tpu.memory_space<vmem>>
        %dma_start3A_57 = arith.constant 0 : i32
        %dma_start3A_58 = arith.constant 0 : i32
        %dma_start3A_59 = tpu.memref_slice %arg10[%dma_start3A_57, %dma_start3A_58] : memref<10112x128xf32, #tpu.memory_space<vmem_shared>> -> memref<10112x128xf32, #tpu.memory_space<vmem_shared>>
        tpu.enqueue_indirect_dma source(%arg13 : memref<128x128xf32, #tpu.memory_space<vmem>>) target(%dma_start3A_59 : memref<10112x128xf32, #tpu.memory_space<vmem_shared>>) offsets(%dma_start3A_56 : memref<128xi32, #tpu.memory_space<vmem>>) semaphore(%run_scoped3A : memref<!tpu.dma_semaphore, #tpu.memory_space<semaphore_mem>>) {add = true}
        %dma_wait3A_60 = arith.constant 0 : i32
        %dma_wait3A_61 = tpu.memref_slice %arg11[%add3A_53, %dma_wait3A_60] : memref<40x128xi32, #tpu.memory_space<vmem>> -> memref<1x128xi32, #tpu.memory_space<vmem>>
        %dma_wait3A_62 = tpu.memref_squeeze %dma_wait3A_61 : memref<1x128xi32, #tpu.memory_space<vmem>> -> memref<128xi32, #tpu.memory_space<vmem>>
        %dma_wait3A_63 = arith.constant 0 : i32
        %dma_wait3A_64 = arith.constant 0 : i32
        %dma_wait3A_65 = tpu.memref_slice %arg10[%dma_wait3A_63, %dma_wait3A_64] : memref<10112x128xf32, #tpu.memory_space<vmem_shared>> -> memref<10112x128xf32, #tpu.memory_space<vmem_shared>>
        tpu.wait_indirect_dma semaphore(%run_scoped3A : memref<!tpu.dma_semaphore, #tpu.memory_space<semaphore_mem>>) src(%arg13 : memref<128x128xf32, #tpu.memory_space<vmem>>) dst(%dma_wait3A_65 : memref<10112x128xf32, #tpu.memory_space<vmem_shared>>)
        tpu.yield
      }) : () -> ()
    }
    %scan3A_7 = arith.constant 20 : i32
    %barrier3A_8 = arith.constant 0 : index
    tpu.barrier barrier_id(%barrier3A_8)
    "tpu.region"() ({
      %run_scoped3A = tpu.sem_alloc : memref<!tpu.dma_semaphore, #tpu.memory_space<semaphore_mem>>
      %dma_start3A = arith.constant 0 : i32
      %dma_start3A_28 = tpu.memref_slice %arg7[%arg0, %mul3A_2, %dma_start3A] : memref<2x10112x128xf32, #tpu.memory_space<hbm>> -> memref<1x632x128xf32, #tpu.memory_space<hbm>>
      %dma_start3A_29 = tpu.memref_squeeze %dma_start3A_28 : memref<1x632x128xf32, #tpu.memory_space<hbm>> -> memref<632x128xf32, #tpu.memory_space<hbm>>
      %dma_start3A_30 = arith.constant 0 : i32
      %dma_start3A_31 = tpu.memref_slice %arg10[%mul3A_2, %dma_start3A_30] : memref<10112x128xf32, #tpu.memory_space<vmem_shared>> -> memref<632x128xf32, #tpu.memory_space<vmem_shared>>
      tpu.enqueue_dma source(%dma_start3A_31 : memref<632x128xf32, #tpu.memory_space<vmem_shared>>) target(%dma_start3A_29 : memref<632x128xf32, #tpu.memory_space<hbm>>) target_semaphore(%run_scoped3A : memref<!tpu.dma_semaphore, #tpu.memory_space<semaphore_mem>>)
      %dma_wait3A = arith.constant 0 : i32
      %dma_wait3A_32 = tpu.memref_slice %arg7[%arg0, %mul3A_2, %dma_wait3A] : memref<2x10112x128xf32, #tpu.memory_space<hbm>> -> memref<1x632x128xf32, #tpu.memory_space<hbm>>
      %dma_wait3A_33 = tpu.memref_squeeze %dma_wait3A_32 : memref<1x632x128xf32, #tpu.memory_space<hbm>> -> memref<632x128xf32, #tpu.memory_space<hbm>>
      %dma_wait3A_34 = arith.constant 0 : i32
      %dma_wait3A_35 = tpu.memref_slice %arg10[%mul3A_2, %dma_wait3A_34] : memref<10112x128xf32, #tpu.memory_space<vmem_shared>> -> memref<632x128xf32, #tpu.memory_space<vmem_shared>>
      tpu.wait_dma2 semaphore(%run_scoped3A : memref<!tpu.dma_semaphore, #tpu.memory_space<semaphore_mem>>) src(%dma_wait3A_35 : memref<632x128xf32, #tpu.memory_space<vmem_shared>>) dst(%dma_wait3A_33 : memref<632x128xf32, #tpu.memory_space<hbm>>)
      tpu.yield
    }) : () -> ()
    %barrier3A_9 = arith.constant 0 : index
    tpu.barrier barrier_id(%barrier3A_9)
    "tpu.region"() ({
      %run_scoped3A = tpu.sem_alloc : memref<!tpu.dma_semaphore, #tpu.memory_space<semaphore_mem>>
      %dma_start3A = arith.constant 0 : i32
      %dma_start3A_28 = tpu.memref_slice %arg10[%mul3A_2, %dma_start3A] : memref<10112x128xf32, #tpu.memory_space<vmem_shared>> -> memref<632x128xf32, #tpu.memory_space<vmem_shared>>
      %dma_start3A_29 = arith.constant 0 : i32
      %dma_start3A_30 = tpu.memref_slice %arg6[%mul3A_2, %dma_start3A_29] : memref<10112x128xf32, #tpu.memory_space<hbm>> -> memref<632x128xf32, #tpu.memory_space<hbm>>
      tpu.enqueue_dma source(%dma_start3A_30 : memref<632x128xf32, #tpu.memory_space<hbm>>) target(%dma_start3A_28 : memref<632x128xf32, #tpu.memory_space<vmem_shared>>) target_semaphore(%run_scoped3A : memref<!tpu.dma_semaphore, #tpu.memory_space<semaphore_mem>>)
      %dma_wait3A = arith.constant 0 : i32
      %dma_wait3A_31 = tpu.memref_slice %arg10[%mul3A_2, %dma_wait3A] : memref<10112x128xf32, #tpu.memory_space<vmem_shared>> -> memref<632x128xf32, #tpu.memory_space<vmem_shared>>
      %dma_wait3A_32 = arith.constant 0 : i32
      %dma_wait3A_33 = tpu.memref_slice %arg6[%mul3A_2, %dma_wait3A_32] : memref<10112x128xf32, #tpu.memory_space<hbm>> -> memref<632x128xf32, #tpu.memory_space<hbm>>
      tpu.wait_dma2 semaphore(%run_scoped3A : memref<!tpu.dma_semaphore, #tpu.memory_space<semaphore_mem>>) src(%dma_wait3A_33 : memref<632x128xf32, #tpu.memory_space<hbm>>) dst(%dma_wait3A_31 : memref<632x128xf32, #tpu.memory_space<vmem_shared>>)
      tpu.yield
    }) : () -> ()
    %barrier3A_10 = arith.constant 0 : index
    tpu.barrier barrier_id(%barrier3A_10)
    %scan3A_11 = arith.constant 0 : i32
    %scan3A_12 = arith.constant 0 : i32
    %scan3A_13 = arith.constant 20 : i32
    %scan3A_14 = arith.addi %scan3A_12, %scan3A_13 : i32
    %scan3A_15 = arith.constant 1 : i32
    scf.for %scan3A_28 = %scan3A_12 to %scan3A_14 step %scan3A_15  : i32 {
      %mul3A_29 = arith.constant 2 : i32
      %mul3A_30 = arith.muli %scan3A_28, %mul3A_29 : i32
      %mul3A_31 = arith.constant 5120 : i32
      %mul3A_32 = arith.muli %add3A, %mul3A_31 : i32
      %mul3A_33 = arith.constant 128 : i32
      %mul3A_34 = arith.muli %mul3A_30, %mul3A_33 : i32
      %add3A_35 = arith.addi %mul3A_32, %mul3A_34 : i32
      %dma_start3A = arith.constant 0 : i32
      %dma_start3A_36 = tpu.memref_slice %arg3[%add3A_35, %dma_start3A] : memref<163840x128xf32, #tpu.memory_space<hbm>> -> memref<128x128xf32, #tpu.memory_space<hbm>>
      %dma_start3A_37 = arith.constant 0 : i32
      %dma_start3A_38 = tpu.memref_slice %arg3[%add3A_35, %dma_start3A_37] : memref<163840x128xf32, #tpu.memory_space<hbm>> -> memref<128x128xf32, #tpu.memory_space<hbm>>
      tpu.enqueue_dma source(%dma_start3A_38 : memref<128x128xf32, #tpu.memory_space<hbm>>) target(%arg12 : memref<128x128xf32, #tpu.memory_space<vmem>>) target_semaphore(%arg14 : memref<!tpu.dma_semaphore, #tpu.memory_space<semaphore_mem>>)
      %add3A_39 = arith.constant 128 : i32
      %add3A_40 = arith.addi %add3A_35, %add3A_39 : i32
      %dma_start3A_41 = arith.constant 0 : i32
      %dma_start3A_42 = tpu.memref_slice %arg3[%add3A_40, %dma_start3A_41] : memref<163840x128xf32, #tpu.memory_space<hbm>> -> memref<128x128xf32, #tpu.memory_space<hbm>>
      %dma_start3A_43 = arith.constant 0 : i32
      %dma_start3A_44 = tpu.memref_slice %arg3[%add3A_40, %dma_start3A_43] : memref<163840x128xf32, #tpu.memory_space<hbm>> -> memref<128x128xf32, #tpu.memory_space<hbm>>
      tpu.enqueue_dma source(%dma_start3A_44 : memref<128x128xf32, #tpu.memory_space<hbm>>) target(%arg13 : memref<128x128xf32, #tpu.memory_space<vmem>>) target_semaphore(%arg15 : memref<!tpu.dma_semaphore, #tpu.memory_space<semaphore_mem>>)
      %dma_wait3A = arith.constant 0 : i32
      %dma_wait3A_45 = tpu.memref_slice %arg3[%add3A_35, %dma_wait3A] : memref<163840x128xf32, #tpu.memory_space<hbm>> -> memref<128x128xf32, #tpu.memory_space<hbm>>
      %dma_wait3A_46 = arith.constant 0 : i32
      %dma_wait3A_47 = tpu.memref_slice %arg3[%add3A_35, %dma_wait3A_46] : memref<163840x128xf32, #tpu.memory_space<hbm>> -> memref<128x128xf32, #tpu.memory_space<hbm>>
      tpu.wait_dma2 semaphore(%arg14 : memref<!tpu.dma_semaphore, #tpu.memory_space<semaphore_mem>>) src(%dma_wait3A_47 : memref<128x128xf32, #tpu.memory_space<hbm>>) dst(%arg12 : memref<128x128xf32, #tpu.memory_space<vmem>>)
      "tpu.region"() ({
        %run_scoped3A = tpu.sem_alloc : memref<!tpu.dma_semaphore, #tpu.memory_space<semaphore_mem>>
        %dma_start3A_54 = arith.constant 0 : i32
        %dma_start3A_55 = tpu.memref_slice %arg11[%mul3A_30, %dma_start3A_54] : memref<40x128xi32, #tpu.memory_space<vmem>> -> memref<1x128xi32, #tpu.memory_space<vmem>>
        %dma_start3A_56 = tpu.memref_squeeze %dma_start3A_55 : memref<1x128xi32, #tpu.memory_space<vmem>> -> memref<128xi32, #tpu.memory_space<vmem>>
        %dma_start3A_57 = arith.constant 0 : i32
        %dma_start3A_58 = arith.constant 0 : i32
        %dma_start3A_59 = tpu.memref_slice %arg10[%dma_start3A_57, %dma_start3A_58] : memref<10112x128xf32, #tpu.memory_space<vmem_shared>> -> memref<10112x128xf32, #tpu.memory_space<vmem_shared>>
        tpu.enqueue_indirect_dma source(%arg12 : memref<128x128xf32, #tpu.memory_space<vmem>>) target(%dma_start3A_59 : memref<10112x128xf32, #tpu.memory_space<vmem_shared>>) offsets(%dma_start3A_56 : memref<128xi32, #tpu.memory_space<vmem>>) semaphore(%run_scoped3A : memref<!tpu.dma_semaphore, #tpu.memory_space<semaphore_mem>>) {add = true}
        %dma_wait3A_60 = arith.constant 0 : i32
        %dma_wait3A_61 = tpu.memref_slice %arg11[%mul3A_30, %dma_wait3A_60] : memref<40x128xi32, #tpu.memory_space<vmem>> -> memref<1x128xi32, #tpu.memory_space<vmem>>
        %dma_wait3A_62 = tpu.memref_squeeze %dma_wait3A_61 : memref<1x128xi32, #tpu.memory_space<vmem>> -> memref<128xi32, #tpu.memory_space<vmem>>
        %dma_wait3A_63 = arith.constant 0 : i32
        %dma_wait3A_64 = arith.constant 0 : i32
        %dma_wait3A_65 = tpu.memref_slice %arg10[%dma_wait3A_63, %dma_wait3A_64] : memref<10112x128xf32, #tpu.memory_space<vmem_shared>> -> memref<10112x128xf32, #tpu.memory_space<vmem_shared>>
        tpu.wait_indirect_dma semaphore(%run_scoped3A : memref<!tpu.dma_semaphore, #tpu.memory_space<semaphore_mem>>) src(%arg12 : memref<128x128xf32, #tpu.memory_space<vmem>>) dst(%dma_wait3A_65 : memref<10112x128xf32, #tpu.memory_space<vmem_shared>>)
        tpu.yield
      }) : () -> ()
      %dma_wait3A_48 = arith.constant 0 : i32
      %dma_wait3A_49 = tpu.memref_slice %arg3[%add3A_40, %dma_wait3A_48] : memref<163840x128xf32, #tpu.memory_space<hbm>> -> memref<128x128xf32, #tpu.memory_space<hbm>>
      %dma_wait3A_50 = arith.constant 0 : i32
      %dma_wait3A_51 = tpu.memref_slice %arg3[%add3A_40, %dma_wait3A_50] : memref<163840x128xf32, #tpu.memory_space<hbm>> -> memref<128x128xf32, #tpu.memory_space<hbm>>
      tpu.wait_dma2 semaphore(%arg15 : memref<!tpu.dma_semaphore, #tpu.memory_space<semaphore_mem>>) src(%dma_wait3A_51 : memref<128x128xf32, #tpu.memory_space<hbm>>) dst(%arg13 : memref<128x128xf32, #tpu.memory_space<vmem>>)
      %add3A_52 = arith.constant 1 : i32
      %add3A_53 = arith.addi %mul3A_30, %add3A_52 : i32
      "tpu.region"() ({
        %run_scoped3A = tpu.sem_alloc : memref<!tpu.dma_semaphore, #tpu.memory_space<semaphore_mem>>
        %dma_start3A_54 = arith.constant 0 : i32
        %dma_start3A_55 = tpu.memref_slice %arg11[%add3A_53, %dma_start3A_54] : memref<40x128xi32, #tpu.memory_space<vmem>> -> memref<1x128xi32, #tpu.memory_space<vmem>>
        %dma_start3A_56 = tpu.memref_squeeze %dma_start3A_55 : memref<1x128xi32, #tpu.memory_space<vmem>> -> memref<128xi32, #tpu.memory_space<vmem>>
        %dma_start3A_57 = arith.constant 0 : i32
        %dma_start3A_58 = arith.constant 0 : i32
        %dma_start3A_59 = tpu.memref_slice %arg10[%dma_start3A_57, %dma_start3A_58] : memref<10112x128xf32, #tpu.memory_space<vmem_shared>> -> memref<10112x128xf32, #tpu.memory_space<vmem_shared>>
        tpu.enqueue_indirect_dma source(%arg13 : memref<128x128xf32, #tpu.memory_space<vmem>>) target(%dma_start3A_59 : memref<10112x128xf32, #tpu.memory_space<vmem_shared>>) offsets(%dma_start3A_56 : memref<128xi32, #tpu.memory_space<vmem>>) semaphore(%run_scoped3A : memref<!tpu.dma_semaphore, #tpu.memory_space<semaphore_mem>>) {add = true}
        %dma_wait3A_60 = arith.constant 0 : i32
        %dma_wait3A_61 = tpu.memref_slice %arg11[%add3A_53, %dma_wait3A_60] : memref<40x128xi32, #tpu.memory_space<vmem>> -> memref<1x128xi32, #tpu.memory_space<vmem>>
        %dma_wait3A_62 = tpu.memref_squeeze %dma_wait3A_61 : memref<1x128xi32, #tpu.memory_space<vmem>> -> memref<128xi32, #tpu.memory_space<vmem>>
        %dma_wait3A_63 = arith.constant 0 : i32
        %dma_wait3A_64 = arith.constant 0 : i32
        %dma_wait3A_65 = tpu.memref_slice %arg10[%dma_wait3A_63, %dma_wait3A_64] : memref<10112x128xf32, #tpu.memory_space<vmem_shared>> -> memref<10112x128xf32, #tpu.memory_space<vmem_shared>>
        tpu.wait_indirect_dma semaphore(%run_scoped3A : memref<!tpu.dma_semaphore, #tpu.memory_space<semaphore_mem>>) src(%arg13 : memref<128x128xf32, #tpu.memory_space<vmem>>) dst(%dma_wait3A_65 : memref<10112x128xf32, #tpu.memory_space<vmem_shared>>)
        tpu.yield
      }) : () -> ()
    }
    %scan3A_16 = arith.constant 20 : i32
    %barrier3A_17 = arith.constant 0 : index
    tpu.barrier barrier_id(%barrier3A_17)
    "tpu.region"() ({
      %run_scoped3A = tpu.sem_alloc : memref<!tpu.dma_semaphore, #tpu.memory_space<semaphore_mem>>
      %dma_start3A = arith.constant 0 : i32
      %dma_start3A_28 = tpu.memref_slice %arg8[%arg0, %mul3A_2, %dma_start3A] : memref<2x10112x128xf32, #tpu.memory_space<hbm>> -> memref<1x632x128xf32, #tpu.memory_space<hbm>>
      %dma_start3A_29 = tpu.memref_squeeze %dma_start3A_28 : memref<1x632x128xf32, #tpu.memory_space<hbm>> -> memref<632x128xf32, #tpu.memory_space<hbm>>
      %dma_start3A_30 = arith.constant 0 : i32
      %dma_start3A_31 = tpu.memref_slice %arg10[%mul3A_2, %dma_start3A_30] : memref<10112x128xf32, #tpu.memory_space<vmem_shared>> -> memref<632x128xf32, #tpu.memory_space<vmem_shared>>
      tpu.enqueue_dma source(%dma_start3A_31 : memref<632x128xf32, #tpu.memory_space<vmem_shared>>) target(%dma_start3A_29 : memref<632x128xf32, #tpu.memory_space<hbm>>) target_semaphore(%run_scoped3A : memref<!tpu.dma_semaphore, #tpu.memory_space<semaphore_mem>>)
      %dma_wait3A = arith.constant 0 : i32
      %dma_wait3A_32 = tpu.memref_slice %arg8[%arg0, %mul3A_2, %dma_wait3A] : memref<2x10112x128xf32, #tpu.memory_space<hbm>> -> memref<1x632x128xf32, #tpu.memory_space<hbm>>
      %dma_wait3A_33 = tpu.memref_squeeze %dma_wait3A_32 : memref<1x632x128xf32, #tpu.memory_space<hbm>> -> memref<632x128xf32, #tpu.memory_space<hbm>>
      %dma_wait3A_34 = arith.constant 0 : i32
      %dma_wait3A_35 = tpu.memref_slice %arg10[%mul3A_2, %dma_wait3A_34] : memref<10112x128xf32, #tpu.memory_space<vmem_shared>> -> memref<632x128xf32, #tpu.memory_space<vmem_shared>>
      tpu.wait_dma2 semaphore(%run_scoped3A : memref<!tpu.dma_semaphore, #tpu.memory_space<semaphore_mem>>) src(%dma_wait3A_35 : memref<632x128xf32, #tpu.memory_space<vmem_shared>>) dst(%dma_wait3A_33 : memref<632x128xf32, #tpu.memory_space<hbm>>)
      tpu.yield
    }) : () -> ()
    %barrier3A_18 = arith.constant 0 : index
    tpu.barrier barrier_id(%barrier3A_18)
    "tpu.region"() ({
      %run_scoped3A = tpu.sem_alloc : memref<!tpu.dma_semaphore, #tpu.memory_space<semaphore_mem>>
      %dma_start3A = arith.constant 0 : i32
      %dma_start3A_28 = tpu.memref_slice %arg10[%mul3A_2, %dma_start3A] : memref<10112x128xf32, #tpu.memory_space<vmem_shared>> -> memref<632x128xf32, #tpu.memory_space<vmem_shared>>
      %dma_start3A_29 = arith.constant 0 : i32
      %dma_start3A_30 = tpu.memref_slice %arg6[%mul3A_2, %dma_start3A_29] : memref<10112x128xf32, #tpu.memory_space<hbm>> -> memref<632x128xf32, #tpu.memory_space<hbm>>
      tpu.enqueue_dma source(%dma_start3A_30 : memref<632x128xf32, #tpu.memory_space<hbm>>) target(%dma_start3A_28 : memref<632x128xf32, #tpu.memory_space<vmem_shared>>) target_semaphore(%run_scoped3A : memref<!tpu.dma_semaphore, #tpu.memory_space<semaphore_mem>>)
      %dma_wait3A = arith.constant 0 : i32
      %dma_wait3A_31 = tpu.memref_slice %arg10[%mul3A_2, %dma_wait3A] : memref<10112x128xf32, #tpu.memory_space<vmem_shared>> -> memref<632x128xf32, #tpu.memory_space<vmem_shared>>
      %dma_wait3A_32 = arith.constant 0 : i32
      %dma_wait3A_33 = tpu.memref_slice %arg6[%mul3A_2, %dma_wait3A_32] : memref<10112x128xf32, #tpu.memory_space<hbm>> -> memref<632x128xf32, #tpu.memory_space<hbm>>
      tpu.wait_dma2 semaphore(%run_scoped3A : memref<!tpu.dma_semaphore, #tpu.memory_space<semaphore_mem>>) src(%dma_wait3A_33 : memref<632x128xf32, #tpu.memory_space<hbm>>) dst(%dma_wait3A_31 : memref<632x128xf32, #tpu.memory_space<vmem_shared>>)
      tpu.yield
    }) : () -> ()
    %barrier3A_19 = arith.constant 0 : index
    tpu.barrier barrier_id(%barrier3A_19)
    %scan3A_20 = arith.constant 0 : i32
    %scan3A_21 = arith.constant 0 : i32
    %scan3A_22 = arith.constant 20 : i32
    %scan3A_23 = arith.addi %scan3A_21, %scan3A_22 : i32
    %scan3A_24 = arith.constant 1 : i32
    scf.for %scan3A_28 = %scan3A_21 to %scan3A_23 step %scan3A_24  : i32 {
      %mul3A_29 = arith.constant 2 : i32
      %mul3A_30 = arith.muli %scan3A_28, %mul3A_29 : i32
      %mul3A_31 = arith.constant 5120 : i32
      %mul3A_32 = arith.muli %add3A, %mul3A_31 : i32
      %mul3A_33 = arith.constant 128 : i32
      %mul3A_34 = arith.muli %mul3A_30, %mul3A_33 : i32
      %add3A_35 = arith.addi %mul3A_32, %mul3A_34 : i32
      %dma_start3A = arith.constant 0 : i32
      %dma_start3A_36 = tpu.memref_slice %arg4[%add3A_35, %dma_start3A] : memref<163840x128xf32, #tpu.memory_space<hbm>> -> memref<128x128xf32, #tpu.memory_space<hbm>>
      %dma_start3A_37 = arith.constant 0 : i32
      %dma_start3A_38 = tpu.memref_slice %arg4[%add3A_35, %dma_start3A_37] : memref<163840x128xf32, #tpu.memory_space<hbm>> -> memref<128x128xf32, #tpu.memory_space<hbm>>
      tpu.enqueue_dma source(%dma_start3A_38 : memref<128x128xf32, #tpu.memory_space<hbm>>) target(%arg12 : memref<128x128xf32, #tpu.memory_space<vmem>>) target_semaphore(%arg14 : memref<!tpu.dma_semaphore, #tpu.memory_space<semaphore_mem>>)
      %add3A_39 = arith.constant 128 : i32
      %add3A_40 = arith.addi %add3A_35, %add3A_39 : i32
      %dma_start3A_41 = arith.constant 0 : i32
      %dma_start3A_42 = tpu.memref_slice %arg4[%add3A_40, %dma_start3A_41] : memref<163840x128xf32, #tpu.memory_space<hbm>> -> memref<128x128xf32, #tpu.memory_space<hbm>>
      %dma_start3A_43 = arith.constant 0 : i32
      %dma_start3A_44 = tpu.memref_slice %arg4[%add3A_40, %dma_start3A_43] : memref<163840x128xf32, #tpu.memory_space<hbm>> -> memref<128x128xf32, #tpu.memory_space<hbm>>
      tpu.enqueue_dma source(%dma_start3A_44 : memref<128x128xf32, #tpu.memory_space<hbm>>) target(%arg13 : memref<128x128xf32, #tpu.memory_space<vmem>>) target_semaphore(%arg15 : memref<!tpu.dma_semaphore, #tpu.memory_space<semaphore_mem>>)
      %dma_wait3A = arith.constant 0 : i32
      %dma_wait3A_45 = tpu.memref_slice %arg4[%add3A_35, %dma_wait3A] : memref<163840x128xf32, #tpu.memory_space<hbm>> -> memref<128x128xf32, #tpu.memory_space<hbm>>
      %dma_wait3A_46 = arith.constant 0 : i32
      %dma_wait3A_47 = tpu.memref_slice %arg4[%add3A_35, %dma_wait3A_46] : memref<163840x128xf32, #tpu.memory_space<hbm>> -> memref<128x128xf32, #tpu.memory_space<hbm>>
      tpu.wait_dma2 semaphore(%arg14 : memref<!tpu.dma_semaphore, #tpu.memory_space<semaphore_mem>>) src(%dma_wait3A_47 : memref<128x128xf32, #tpu.memory_space<hbm>>) dst(%arg12 : memref<128x128xf32, #tpu.memory_space<vmem>>)
      "tpu.region"() ({
        %run_scoped3A = tpu.sem_alloc : memref<!tpu.dma_semaphore, #tpu.memory_space<semaphore_mem>>
        %dma_start3A_54 = arith.constant 0 : i32
        %dma_start3A_55 = tpu.memref_slice %arg11[%mul3A_30, %dma_start3A_54] : memref<40x128xi32, #tpu.memory_space<vmem>> -> memref<1x128xi32, #tpu.memory_space<vmem>>
        %dma_start3A_56 = tpu.memref_squeeze %dma_start3A_55 : memref<1x128xi32, #tpu.memory_space<vmem>> -> memref<128xi32, #tpu.memory_space<vmem>>
        %dma_start3A_57 = arith.constant 0 : i32
        %dma_start3A_58 = arith.constant 0 : i32
        %dma_start3A_59 = tpu.memref_slice %arg10[%dma_start3A_57, %dma_start3A_58] : memref<10112x128xf32, #tpu.memory_space<vmem_shared>> -> memref<10112x128xf32, #tpu.memory_space<vmem_shared>>
        tpu.enqueue_indirect_dma source(%arg12 : memref<128x128xf32, #tpu.memory_space<vmem>>) target(%dma_start3A_59 : memref<10112x128xf32, #tpu.memory_space<vmem_shared>>) offsets(%dma_start3A_56 : memref<128xi32, #tpu.memory_space<vmem>>) semaphore(%run_scoped3A : memref<!tpu.dma_semaphore, #tpu.memory_space<semaphore_mem>>) {add = true}
        %dma_wait3A_60 = arith.constant 0 : i32
        %dma_wait3A_61 = tpu.memref_slice %arg11[%mul3A_30, %dma_wait3A_60] : memref<40x128xi32, #tpu.memory_space<vmem>> -> memref<1x128xi32, #tpu.memory_space<vmem>>
        %dma_wait3A_62 = tpu.memref_squeeze %dma_wait3A_61 : memref<1x128xi32, #tpu.memory_space<vmem>> -> memref<128xi32, #tpu.memory_space<vmem>>
        %dma_wait3A_63 = arith.constant 0 : i32
        %dma_wait3A_64 = arith.constant 0 : i32
        %dma_wait3A_65 = tpu.memref_slice %arg10[%dma_wait3A_63, %dma_wait3A_64] : memref<10112x128xf32, #tpu.memory_space<vmem_shared>> -> memref<10112x128xf32, #tpu.memory_space<vmem_shared>>
        tpu.wait_indirect_dma semaphore(%run_scoped3A : memref<!tpu.dma_semaphore, #tpu.memory_space<semaphore_mem>>) src(%arg12 : memref<128x128xf32, #tpu.memory_space<vmem>>) dst(%dma_wait3A_65 : memref<10112x128xf32, #tpu.memory_space<vmem_shared>>)
        tpu.yield
      }) : () -> ()
      %dma_wait3A_48 = arith.constant 0 : i32
      %dma_wait3A_49 = tpu.memref_slice %arg4[%add3A_40, %dma_wait3A_48] : memref<163840x128xf32, #tpu.memory_space<hbm>> -> memref<128x128xf32, #tpu.memory_space<hbm>>
      %dma_wait3A_50 = arith.constant 0 : i32
      %dma_wait3A_51 = tpu.memref_slice %arg4[%add3A_40, %dma_wait3A_50] : memref<163840x128xf32, #tpu.memory_space<hbm>> -> memref<128x128xf32, #tpu.memory_space<hbm>>
      tpu.wait_dma2 semaphore(%arg15 : memref<!tpu.dma_semaphore, #tpu.memory_space<semaphore_mem>>) src(%dma_wait3A_51 : memref<128x128xf32, #tpu.memory_space<hbm>>) dst(%arg13 : memref<128x128xf32, #tpu.memory_space<vmem>>)
      %add3A_52 = arith.constant 1 : i32
      %add3A_53 = arith.addi %mul3A_30, %add3A_52 : i32
      "tpu.region"() ({
        %run_scoped3A = tpu.sem_alloc : memref<!tpu.dma_semaphore, #tpu.memory_space<semaphore_mem>>
        %dma_start3A_54 = arith.constant 0 : i32
        %dma_start3A_55 = tpu.memref_slice %arg11[%add3A_53, %dma_start3A_54] : memref<40x128xi32, #tpu.memory_space<vmem>> -> memref<1x128xi32, #tpu.memory_space<vmem>>
        %dma_start3A_56 = tpu.memref_squeeze %dma_start3A_55 : memref<1x128xi32, #tpu.memory_space<vmem>> -> memref<128xi32, #tpu.memory_space<vmem>>
        %dma_start3A_57 = arith.constant 0 : i32
        %dma_start3A_58 = arith.constant 0 : i32
        %dma_start3A_59 = tpu.memref_slice %arg10[%dma_start3A_57, %dma_start3A_58] : memref<10112x128xf32, #tpu.memory_space<vmem_shared>> -> memref<10112x128xf32, #tpu.memory_space<vmem_shared>>
        tpu.enqueue_indirect_dma source(%arg13 : memref<128x128xf32, #tpu.memory_space<vmem>>) target(%dma_start3A_59 : memref<10112x128xf32, #tpu.memory_space<vmem_shared>>) offsets(%dma_start3A_56 : memref<128xi32, #tpu.memory_space<vmem>>) semaphore(%run_scoped3A : memref<!tpu.dma_semaphore, #tpu.memory_space<semaphore_mem>>) {add = true}
        %dma_wait3A_60 = arith.constant 0 : i32
        %dma_wait3A_61 = tpu.memref_slice %arg11[%add3A_53, %dma_wait3A_60] : memref<40x128xi32, #tpu.memory_space<vmem>> -> memref<1x128xi32, #tpu.memory_space<vmem>>
        %dma_wait3A_62 = tpu.memref_squeeze %dma_wait3A_61 : memref<1x128xi32, #tpu.memory_space<vmem>> -> memref<128xi32, #tpu.memory_space<vmem>>
        %dma_wait3A_63 = arith.constant 0 : i32
        %dma_wait3A_64 = arith.constant 0 : i32
        %dma_wait3A_65 = tpu.memref_slice %arg10[%dma_wait3A_63, %dma_wait3A_64] : memref<10112x128xf32, #tpu.memory_space<vmem_shared>> -> memref<10112x128xf32, #tpu.memory_space<vmem_shared>>
        tpu.wait_indirect_dma semaphore(%run_scoped3A : memref<!tpu.dma_semaphore, #tpu.memory_space<semaphore_mem>>) src(%arg13 : memref<128x128xf32, #tpu.memory_space<vmem>>) dst(%dma_wait3A_65 : memref<10112x128xf32, #tpu.memory_space<vmem_shared>>)
        tpu.yield
      }) : () -> ()
    }
    %scan3A_25 = arith.constant 20 : i32
    %barrier3A_26 = arith.constant 0 : index
    tpu.barrier barrier_id(%barrier3A_26)
    "tpu.region"() ({
      %run_scoped3A = tpu.sem_alloc : memref<!tpu.dma_semaphore, #tpu.memory_space<semaphore_mem>>
      %dma_start3A = arith.constant 0 : i32
      %dma_start3A_28 = tpu.memref_slice %arg9[%arg0, %mul3A_2, %dma_start3A] : memref<2x10112x128xf32, #tpu.memory_space<hbm>> -> memref<1x632x128xf32, #tpu.memory_space<hbm>>
      %dma_start3A_29 = tpu.memref_squeeze %dma_start3A_28 : memref<1x632x128xf32, #tpu.memory_space<hbm>> -> memref<632x128xf32, #tpu.memory_space<hbm>>
      %dma_start3A_30 = arith.constant 0 : i32
      %dma_start3A_31 = tpu.memref_slice %arg10[%mul3A_2, %dma_start3A_30] : memref<10112x128xf32, #tpu.memory_space<vmem_shared>> -> memref<632x128xf32, #tpu.memory_space<vmem_shared>>
      tpu.enqueue_dma source(%dma_start3A_31 : memref<632x128xf32, #tpu.memory_space<vmem_shared>>) target(%dma_start3A_29 : memref<632x128xf32, #tpu.memory_space<hbm>>) target_semaphore(%run_scoped3A : memref<!tpu.dma_semaphore, #tpu.memory_space<semaphore_mem>>)
      %dma_wait3A = arith.constant 0 : i32
      %dma_wait3A_32 = tpu.memref_slice %arg9[%arg0, %mul3A_2, %dma_wait3A] : memref<2x10112x128xf32, #tpu.memory_space<hbm>> -> memref<1x632x128xf32, #tpu.memory_space<hbm>>
      %dma_wait3A_33 = tpu.memref_squeeze %dma_wait3A_32 : memref<1x632x128xf32, #tpu.memory_space<hbm>> -> memref<632x128xf32, #tpu.memory_space<hbm>>
      %dma_wait3A_34 = arith.constant 0 : i32
      %dma_wait3A_35 = tpu.memref_slice %arg10[%mul3A_2, %dma_wait3A_34] : memref<10112x128xf32, #tpu.memory_space<vmem_shared>> -> memref<632x128xf32, #tpu.memory_space<vmem_shared>>
      tpu.wait_dma2 semaphore(%run_scoped3A : memref<!tpu.dma_semaphore, #tpu.memory_space<semaphore_mem>>) src(%dma_wait3A_35 : memref<632x128xf32, #tpu.memory_space<vmem_shared>>) dst(%dma_wait3A_33 : memref<632x128xf32, #tpu.memory_space<hbm>>)
      tpu.yield
    }) : () -> ()
    %barrier3A_27 = arith.constant 0 : index
    tpu.barrier barrier_id(%barrier3A_27)
    return
  }
}

#map = affine_map<(d0, d1) -> (0, 0)>
#map1 = affine_map<(d0, d1) -> (0, 0, 0)>
module attributes {stable_mosaic.version = 14 : i64} {
  func.func @k(%arg0: i32, %arg1: i32, %arg2: memref<10000x128xf32, #tpu.memory_space<hbm>>, %arg3: memref<10000x128xf32, #tpu.memory_space<hbm>>, %arg4: memref<32x16x128xi32, #tpu.memory_space<hbm>>, %arg5: memref<32x16x128xi32, #tpu.memory_space<hbm>>, %arg6: memref<53248x128xf32, #tpu.memory_space<hbm>>, %arg7: memref<53248x128xf32, #tpu.memory_space<hbm>>, %arg8: memref<16x128xi32, #tpu.memory_space<vmem>>, %arg9: memref<16x128xi32, #tpu.memory_space<vmem>>, %arg10: memref<128x128xf32, #tpu.memory_space<vmem>>, %arg11: memref<128x128xf32, #tpu.memory_space<vmem>>, %arg12: memref<128x128xf32, #tpu.memory_space<vmem>>, %arg13: memref<128x128xf32, #tpu.memory_space<vmem>>, %arg14: memref<128x128xf32, #tpu.memory_space<vmem>>, %arg15: memref<128x128xf32, #tpu.memory_space<vmem>>, %arg16: memref<!tpu.dma_semaphore, #tpu.memory_space<semaphore_mem>>, %arg17: memref<!tpu.dma_semaphore, #tpu.memory_space<semaphore_mem>>, %arg18: memref<!tpu.dma_semaphore, #tpu.memory_space<semaphore_mem>>, %arg19: memref<!tpu.dma_semaphore, #tpu.memory_space<semaphore_mem>>, %arg20: memref<!tpu.dma_semaphore, #tpu.memory_space<semaphore_mem>>, %arg21: memref<!tpu.dma_semaphore, #tpu.memory_space<semaphore_mem>>) attributes {dimension_semantics = [#tpu.dimension_semantics<core_parallel>, #tpu.dimension_semantics<subcore_parallel>], iteration_bounds = array<i64: 2, 16>, scalar_prefetch = 0 : i64, scratch_operands = 14 : i64, tpu.core_type = #tpu.core_type<sc_vector_subcore>, window_params = [{transform_indices = #map}, {transform_indices = #map}, {transform_indices = #map1}, {transform_indices = #map1}, {transform_indices = #map}, {transform_indices = #map}]} {
    %mul3A = arith.constant 2 : i32
    %mul3A_0 = arith.muli %arg1, %mul3A : i32
    %add3A = arith.addi %mul3A_0, %arg0 : i32
    %mul3A_1 = arith.constant 1664 : i32
    %mul3A_2 = arith.muli %add3A, %mul3A_1 : i32
    "tpu.region"() ({
      %run_scoped3A = tpu.sem_alloc : memref<!tpu.dma_semaphore, #tpu.memory_space<semaphore_mem>>
      %dma_start3A_36 = arith.constant 0 : i32
      %dma_start3A_37 = arith.constant 0 : i32
      %dma_start3A_38 = tpu.memref_slice %arg4[%add3A, %dma_start3A_36, %dma_start3A_37] : memref<32x16x128xi32, #tpu.memory_space<hbm>> -> memref<1x16x128xi32, #tpu.memory_space<hbm>>
      %dma_start3A_39 = tpu.memref_squeeze %dma_start3A_38 : memref<1x16x128xi32, #tpu.memory_space<hbm>> -> memref<16x128xi32, #tpu.memory_space<hbm>>
      %dma_start3A_40 = arith.constant 0 : i32
      %dma_start3A_41 = arith.constant 0 : i32
      %dma_start3A_42 = tpu.memref_slice %arg4[%add3A, %dma_start3A_40, %dma_start3A_41] : memref<32x16x128xi32, #tpu.memory_space<hbm>> -> memref<1x16x128xi32, #tpu.memory_space<hbm>>
      %dma_start3A_43 = tpu.memref_squeeze %dma_start3A_42 : memref<1x16x128xi32, #tpu.memory_space<hbm>> -> memref<16x128xi32, #tpu.memory_space<hbm>>
      tpu.enqueue_dma source(%dma_start3A_43 : memref<16x128xi32, #tpu.memory_space<hbm>>) target(%arg8 : memref<16x128xi32, #tpu.memory_space<vmem>>) target_semaphore(%run_scoped3A : memref<!tpu.dma_semaphore, #tpu.memory_space<semaphore_mem>>)
      %dma_wait3A_44 = arith.constant 0 : i32
      %dma_wait3A_45 = arith.constant 0 : i32
      %dma_wait3A_46 = tpu.memref_slice %arg4[%add3A, %dma_wait3A_44, %dma_wait3A_45] : memref<32x16x128xi32, #tpu.memory_space<hbm>> -> memref<1x16x128xi32, #tpu.memory_space<hbm>>
      %dma_wait3A_47 = tpu.memref_squeeze %dma_wait3A_46 : memref<1x16x128xi32, #tpu.memory_space<hbm>> -> memref<16x128xi32, #tpu.memory_space<hbm>>
      %dma_wait3A_48 = arith.constant 0 : i32
      %dma_wait3A_49 = arith.constant 0 : i32
      %dma_wait3A_50 = tpu.memref_slice %arg4[%add3A, %dma_wait3A_48, %dma_wait3A_49] : memref<32x16x128xi32, #tpu.memory_space<hbm>> -> memref<1x16x128xi32, #tpu.memory_space<hbm>>
      %dma_wait3A_51 = tpu.memref_squeeze %dma_wait3A_50 : memref<1x16x128xi32, #tpu.memory_space<hbm>> -> memref<16x128xi32, #tpu.memory_space<hbm>>
      tpu.wait_dma2 semaphore(%run_scoped3A : memref<!tpu.dma_semaphore, #tpu.memory_space<semaphore_mem>>) src(%dma_wait3A_51 : memref<16x128xi32, #tpu.memory_space<hbm>>) dst(%arg8 : memref<16x128xi32, #tpu.memory_space<vmem>>)
      tpu.yield
    }) : () -> ()
    "tpu.region"() ({
      %run_scoped3A = tpu.sem_alloc : memref<!tpu.dma_semaphore, #tpu.memory_space<semaphore_mem>>
      %dma_start3A_36 = arith.constant 0 : i32
      %dma_start3A_37 = arith.constant 0 : i32
      %dma_start3A_38 = tpu.memref_slice %arg5[%add3A, %dma_start3A_36, %dma_start3A_37] : memref<32x16x128xi32, #tpu.memory_space<hbm>> -> memref<1x16x128xi32, #tpu.memory_space<hbm>>
      %dma_start3A_39 = tpu.memref_squeeze %dma_start3A_38 : memref<1x16x128xi32, #tpu.memory_space<hbm>> -> memref<16x128xi32, #tpu.memory_space<hbm>>
      %dma_start3A_40 = arith.constant 0 : i32
      %dma_start3A_41 = arith.constant 0 : i32
      %dma_start3A_42 = tpu.memref_slice %arg5[%add3A, %dma_start3A_40, %dma_start3A_41] : memref<32x16x128xi32, #tpu.memory_space<hbm>> -> memref<1x16x128xi32, #tpu.memory_space<hbm>>
      %dma_start3A_43 = tpu.memref_squeeze %dma_start3A_42 : memref<1x16x128xi32, #tpu.memory_space<hbm>> -> memref<16x128xi32, #tpu.memory_space<hbm>>
      tpu.enqueue_dma source(%dma_start3A_43 : memref<16x128xi32, #tpu.memory_space<hbm>>) target(%arg9 : memref<16x128xi32, #tpu.memory_space<vmem>>) target_semaphore(%run_scoped3A : memref<!tpu.dma_semaphore, #tpu.memory_space<semaphore_mem>>)
      %dma_wait3A_44 = arith.constant 0 : i32
      %dma_wait3A_45 = arith.constant 0 : i32
      %dma_wait3A_46 = tpu.memref_slice %arg5[%add3A, %dma_wait3A_44, %dma_wait3A_45] : memref<32x16x128xi32, #tpu.memory_space<hbm>> -> memref<1x16x128xi32, #tpu.memory_space<hbm>>
      %dma_wait3A_47 = tpu.memref_squeeze %dma_wait3A_46 : memref<1x16x128xi32, #tpu.memory_space<hbm>> -> memref<16x128xi32, #tpu.memory_space<hbm>>
      %dma_wait3A_48 = arith.constant 0 : i32
      %dma_wait3A_49 = arith.constant 0 : i32
      %dma_wait3A_50 = tpu.memref_slice %arg5[%add3A, %dma_wait3A_48, %dma_wait3A_49] : memref<32x16x128xi32, #tpu.memory_space<hbm>> -> memref<1x16x128xi32, #tpu.memory_space<hbm>>
      %dma_wait3A_51 = tpu.memref_squeeze %dma_wait3A_50 : memref<1x16x128xi32, #tpu.memory_space<hbm>> -> memref<16x128xi32, #tpu.memory_space<hbm>>
      tpu.wait_dma2 semaphore(%run_scoped3A : memref<!tpu.dma_semaphore, #tpu.memory_space<semaphore_mem>>) src(%dma_wait3A_51 : memref<16x128xi32, #tpu.memory_space<hbm>>) dst(%arg9 : memref<16x128xi32, #tpu.memory_space<vmem>>)
      tpu.yield
    }) : () -> ()
    %scan3A = arith.constant 0 : i32
    %scan3A_3 = arith.constant 0 : i32
    %scan3A_4 = arith.constant 4 : i32
    %scan3A_5 = arith.addi %scan3A_3, %scan3A_4 : i32
    %scan3A_6 = arith.constant 1 : i32
    scf.for %scan3A_36 = %scan3A_3 to %scan3A_5 step %scan3A_6  : i32 {
      %mul3A_37 = arith.constant 3 : i32
      %mul3A_38 = arith.muli %scan3A_36, %mul3A_37 : i32
      %add3A_39 = arith.constant 0 : i32
      %add3A_40 = arith.addi %mul3A_38, %add3A_39 : i32
      %dma_start3A_41 = arith.constant 0 : i32
      %dma_start3A_42 = tpu.memref_slice %arg8[%add3A_40, %dma_start3A_41] : memref<16x128xi32, #tpu.memory_space<vmem>> -> memref<1x128xi32, #tpu.memory_space<vmem>>
      %dma_start3A_43 = tpu.memref_squeeze %dma_start3A_42 : memref<1x128xi32, #tpu.memory_space<vmem>> -> memref<128xi32, #tpu.memory_space<vmem>>
      %dma_start3A_44 = arith.constant 0 : i32
      %dma_start3A_45 = arith.constant 0 : i32
      %dma_start3A_46 = tpu.memref_slice %arg2[%dma_start3A_44, %dma_start3A_45] : memref<10000x128xf32, #tpu.memory_space<hbm>> -> memref<10000x128xf32, #tpu.memory_space<hbm>>
      tpu.enqueue_indirect_dma source(%dma_start3A_46 : memref<10000x128xf32, #tpu.memory_space<hbm>>) target(%arg10 : memref<128x128xf32, #tpu.memory_space<vmem>>) offsets(%dma_start3A_43 : memref<128xi32, #tpu.memory_space<vmem>>) semaphore(%arg16 : memref<!tpu.dma_semaphore, #tpu.memory_space<semaphore_mem>>)
      %dma_start3A_47 = arith.constant 0 : i32
      %dma_start3A_48 = tpu.memref_slice %arg9[%add3A_40, %dma_start3A_47] : memref<16x128xi32, #tpu.memory_space<vmem>> -> memref<1x128xi32, #tpu.memory_space<vmem>>
      %dma_start3A_49 = tpu.memref_squeeze %dma_start3A_48 : memref<1x128xi32, #tpu.memory_space<vmem>> -> memref<128xi32, #tpu.memory_space<vmem>>
      %dma_start3A_50 = arith.constant 0 : i32
      %dma_start3A_51 = arith.constant 0 : i32
      %dma_start3A_52 = tpu.memref_slice %arg3[%dma_start3A_50, %dma_start3A_51] : memref<10000x128xf32, #tpu.memory_space<hbm>> -> memref<10000x128xf32, #tpu.memory_space<hbm>>
      tpu.enqueue_indirect_dma source(%dma_start3A_52 : memref<10000x128xf32, #tpu.memory_space<hbm>>) target(%arg13 : memref<128x128xf32, #tpu.memory_space<vmem>>) offsets(%dma_start3A_49 : memref<128xi32, #tpu.memory_space<vmem>>) semaphore(%arg19 : memref<!tpu.dma_semaphore, #tpu.memory_space<semaphore_mem>>)
      %add3A_53 = arith.constant 1 : i32
      %add3A_54 = arith.addi %mul3A_38, %add3A_53 : i32
      %dma_start3A_55 = arith.constant 0 : i32
      %dma_start3A_56 = tpu.memref_slice %arg8[%add3A_54, %dma_start3A_55] : memref<16x128xi32, #tpu.memory_space<vmem>> -> memref<1x128xi32, #tpu.memory_space<vmem>>
      %dma_start3A_57 = tpu.memref_squeeze %dma_start3A_56 : memref<1x128xi32, #tpu.memory_space<vmem>> -> memref<128xi32, #tpu.memory_space<vmem>>
      %dma_start3A_58 = arith.constant 0 : i32
      %dma_start3A_59 = arith.constant 0 : i32
      %dma_start3A_60 = tpu.memref_slice %arg2[%dma_start3A_58, %dma_start3A_59] : memref<10000x128xf32, #tpu.memory_space<hbm>> -> memref<10000x128xf32, #tpu.memory_space<hbm>>
      tpu.enqueue_indirect_dma source(%dma_start3A_60 : memref<10000x128xf32, #tpu.memory_space<hbm>>) target(%arg11 : memref<128x128xf32, #tpu.memory_space<vmem>>) offsets(%dma_start3A_57 : memref<128xi32, #tpu.memory_space<vmem>>) semaphore(%arg17 : memref<!tpu.dma_semaphore, #tpu.memory_space<semaphore_mem>>)
      %dma_start3A_61 = arith.constant 0 : i32
      %dma_start3A_62 = tpu.memref_slice %arg9[%add3A_54, %dma_start3A_61] : memref<16x128xi32, #tpu.memory_space<vmem>> -> memref<1x128xi32, #tpu.memory_space<vmem>>
      %dma_start3A_63 = tpu.memref_squeeze %dma_start3A_62 : memref<1x128xi32, #tpu.memory_space<vmem>> -> memref<128xi32, #tpu.memory_space<vmem>>
      %dma_start3A_64 = arith.constant 0 : i32
      %dma_start3A_65 = arith.constant 0 : i32
      %dma_start3A_66 = tpu.memref_slice %arg3[%dma_start3A_64, %dma_start3A_65] : memref<10000x128xf32, #tpu.memory_space<hbm>> -> memref<10000x128xf32, #tpu.memory_space<hbm>>
      tpu.enqueue_indirect_dma source(%dma_start3A_66 : memref<10000x128xf32, #tpu.memory_space<hbm>>) target(%arg14 : memref<128x128xf32, #tpu.memory_space<vmem>>) offsets(%dma_start3A_63 : memref<128xi32, #tpu.memory_space<vmem>>) semaphore(%arg20 : memref<!tpu.dma_semaphore, #tpu.memory_space<semaphore_mem>>)
      %add3A_67 = arith.constant 2 : i32
      %add3A_68 = arith.addi %mul3A_38, %add3A_67 : i32
      %dma_start3A_69 = arith.constant 0 : i32
      %dma_start3A_70 = tpu.memref_slice %arg8[%add3A_68, %dma_start3A_69] : memref<16x128xi32, #tpu.memory_space<vmem>> -> memref<1x128xi32, #tpu.memory_space<vmem>>
      %dma_start3A_71 = tpu.memref_squeeze %dma_start3A_70 : memref<1x128xi32, #tpu.memory_space<vmem>> -> memref<128xi32, #tpu.memory_space<vmem>>
      %dma_start3A_72 = arith.constant 0 : i32
      %dma_start3A_73 = arith.constant 0 : i32
      %dma_start3A_74 = tpu.memref_slice %arg2[%dma_start3A_72, %dma_start3A_73] : memref<10000x128xf32, #tpu.memory_space<hbm>> -> memref<10000x128xf32, #tpu.memory_space<hbm>>
      tpu.enqueue_indirect_dma source(%dma_start3A_74 : memref<10000x128xf32, #tpu.memory_space<hbm>>) target(%arg12 : memref<128x128xf32, #tpu.memory_space<vmem>>) offsets(%dma_start3A_71 : memref<128xi32, #tpu.memory_space<vmem>>) semaphore(%arg18 : memref<!tpu.dma_semaphore, #tpu.memory_space<semaphore_mem>>)
      %dma_start3A_75 = arith.constant 0 : i32
      %dma_start3A_76 = tpu.memref_slice %arg9[%add3A_68, %dma_start3A_75] : memref<16x128xi32, #tpu.memory_space<vmem>> -> memref<1x128xi32, #tpu.memory_space<vmem>>
      %dma_start3A_77 = tpu.memref_squeeze %dma_start3A_76 : memref<1x128xi32, #tpu.memory_space<vmem>> -> memref<128xi32, #tpu.memory_space<vmem>>
      %dma_start3A_78 = arith.constant 0 : i32
      %dma_start3A_79 = arith.constant 0 : i32
      %dma_start3A_80 = tpu.memref_slice %arg3[%dma_start3A_78, %dma_start3A_79] : memref<10000x128xf32, #tpu.memory_space<hbm>> -> memref<10000x128xf32, #tpu.memory_space<hbm>>
      tpu.enqueue_indirect_dma source(%dma_start3A_80 : memref<10000x128xf32, #tpu.memory_space<hbm>>) target(%arg15 : memref<128x128xf32, #tpu.memory_space<vmem>>) offsets(%dma_start3A_77 : memref<128xi32, #tpu.memory_space<vmem>>) semaphore(%arg21 : memref<!tpu.dma_semaphore, #tpu.memory_space<semaphore_mem>>)
      %add3A_81 = arith.constant 0 : i32
      %add3A_82 = arith.addi %mul3A_38, %add3A_81 : i32
      %mul3A_83 = arith.constant 128 : i32
      %mul3A_84 = arith.muli %add3A_82, %mul3A_83 : i32
      %add3A_85 = arith.addi %mul3A_2, %mul3A_84 : i32
      %dma_wait3A_86 = arith.constant 0 : i32
      %dma_wait3A_87 = tpu.memref_slice %arg8[%add3A_40, %dma_wait3A_86] : memref<16x128xi32, #tpu.memory_space<vmem>> -> memref<1x128xi32, #tpu.memory_space<vmem>>
      %dma_wait3A_88 = tpu.memref_squeeze %dma_wait3A_87 : memref<1x128xi32, #tpu.memory_space<vmem>> -> memref<128xi32, #tpu.memory_space<vmem>>
      %dma_wait3A_89 = arith.constant 0 : i32
      %dma_wait3A_90 = arith.constant 0 : i32
      %dma_wait3A_91 = tpu.memref_slice %arg2[%dma_wait3A_89, %dma_wait3A_90] : memref<10000x128xf32, #tpu.memory_space<hbm>> -> memref<10000x128xf32, #tpu.memory_space<hbm>>
      tpu.wait_indirect_dma semaphore(%arg16 : memref<!tpu.dma_semaphore, #tpu.memory_space<semaphore_mem>>) src(%dma_wait3A_91 : memref<10000x128xf32, #tpu.memory_space<hbm>>) dst(%arg10 : memref<128x128xf32, #tpu.memory_space<vmem>>)
      "tpu.region"() ({
        %run_scoped3A = tpu.sem_alloc : memref<!tpu.dma_semaphore, #tpu.memory_space<semaphore_mem>>
        %dma_start3A_132 = arith.constant 0 : i32
        %dma_start3A_133 = tpu.memref_slice %arg6[%add3A_85, %dma_start3A_132] : memref<53248x128xf32, #tpu.memory_space<hbm>> -> memref<128x128xf32, #tpu.memory_space<hbm>>
        %dma_start3A_134 = arith.constant 0 : i32
        %dma_start3A_135 = tpu.memref_slice %arg6[%add3A_85, %dma_start3A_134] : memref<53248x128xf32, #tpu.memory_space<hbm>> -> memref<128x128xf32, #tpu.memory_space<hbm>>
        tpu.enqueue_dma source(%arg10 : memref<128x128xf32, #tpu.memory_space<vmem>>) target(%dma_start3A_135 : memref<128x128xf32, #tpu.memory_space<hbm>>) target_semaphore(%run_scoped3A : memref<!tpu.dma_semaphore, #tpu.memory_space<semaphore_mem>>)
        %dma_wait3A_136 = arith.constant 0 : i32
        %dma_wait3A_137 = tpu.memref_slice %arg6[%add3A_85, %dma_wait3A_136] : memref<53248x128xf32, #tpu.memory_space<hbm>> -> memref<128x128xf32, #tpu.memory_space<hbm>>
        %dma_wait3A_138 = arith.constant 0 : i32
        %dma_wait3A_139 = tpu.memref_slice %arg6[%add3A_85, %dma_wait3A_138] : memref<53248x128xf32, #tpu.memory_space<hbm>> -> memref<128x128xf32, #tpu.memory_space<hbm>>
        tpu.wait_dma2 semaphore(%run_scoped3A : memref<!tpu.dma_semaphore, #tpu.memory_space<semaphore_mem>>) src(%arg10 : memref<128x128xf32, #tpu.memory_space<vmem>>) dst(%dma_wait3A_139 : memref<128x128xf32, #tpu.memory_space<hbm>>)
        tpu.yield
      }) : () -> ()
      %dma_wait3A_92 = arith.constant 0 : i32
      %dma_wait3A_93 = tpu.memref_slice %arg9[%add3A_40, %dma_wait3A_92] : memref<16x128xi32, #tpu.memory_space<vmem>> -> memref<1x128xi32, #tpu.memory_space<vmem>>
      %dma_wait3A_94 = tpu.memref_squeeze %dma_wait3A_93 : memref<1x128xi32, #tpu.memory_space<vmem>> -> memref<128xi32, #tpu.memory_space<vmem>>
      %dma_wait3A_95 = arith.constant 0 : i32
      %dma_wait3A_96 = arith.constant 0 : i32
      %dma_wait3A_97 = tpu.memref_slice %arg3[%dma_wait3A_95, %dma_wait3A_96] : memref<10000x128xf32, #tpu.memory_space<hbm>> -> memref<10000x128xf32, #tpu.memory_space<hbm>>
      tpu.wait_indirect_dma semaphore(%arg19 : memref<!tpu.dma_semaphore, #tpu.memory_space<semaphore_mem>>) src(%dma_wait3A_97 : memref<10000x128xf32, #tpu.memory_space<hbm>>) dst(%arg13 : memref<128x128xf32, #tpu.memory_space<vmem>>)
      "tpu.region"() ({
        %run_scoped3A = tpu.sem_alloc : memref<!tpu.dma_semaphore, #tpu.memory_space<semaphore_mem>>
        %dma_start3A_132 = arith.constant 0 : i32
        %dma_start3A_133 = tpu.memref_slice %arg7[%add3A_85, %dma_start3A_132] : memref<53248x128xf32, #tpu.memory_space<hbm>> -> memref<128x128xf32, #tpu.memory_space<hbm>>
        %dma_start3A_134 = arith.constant 0 : i32
        %dma_start3A_135 = tpu.memref_slice %arg7[%add3A_85, %dma_start3A_134] : memref<53248x128xf32, #tpu.memory_space<hbm>> -> memref<128x128xf32, #tpu.memory_space<hbm>>
        tpu.enqueue_dma source(%arg13 : memref<128x128xf32, #tpu.memory_space<vmem>>) target(%dma_start3A_135 : memref<128x128xf32, #tpu.memory_space<hbm>>) target_semaphore(%run_scoped3A : memref<!tpu.dma_semaphore, #tpu.memory_space<semaphore_mem>>)
        %dma_wait3A_136 = arith.constant 0 : i32
        %dma_wait3A_137 = tpu.memref_slice %arg7[%add3A_85, %dma_wait3A_136] : memref<53248x128xf32, #tpu.memory_space<hbm>> -> memref<128x128xf32, #tpu.memory_space<hbm>>
        %dma_wait3A_138 = arith.constant 0 : i32
        %dma_wait3A_139 = tpu.memref_slice %arg7[%add3A_85, %dma_wait3A_138] : memref<53248x128xf32, #tpu.memory_space<hbm>> -> memref<128x128xf32, #tpu.memory_space<hbm>>
        tpu.wait_dma2 semaphore(%run_scoped3A : memref<!tpu.dma_semaphore, #tpu.memory_space<semaphore_mem>>) src(%arg13 : memref<128x128xf32, #tpu.memory_space<vmem>>) dst(%dma_wait3A_139 : memref<128x128xf32, #tpu.memory_space<hbm>>)
        tpu.yield
      }) : () -> ()
      %add3A_98 = arith.constant 1 : i32
      %add3A_99 = arith.addi %mul3A_38, %add3A_98 : i32
      %mul3A_100 = arith.constant 128 : i32
      %mul3A_101 = arith.muli %add3A_99, %mul3A_100 : i32
      %add3A_102 = arith.addi %mul3A_2, %mul3A_101 : i32
      %dma_wait3A_103 = arith.constant 0 : i32
      %dma_wait3A_104 = tpu.memref_slice %arg8[%add3A_54, %dma_wait3A_103] : memref<16x128xi32, #tpu.memory_space<vmem>> -> memref<1x128xi32, #tpu.memory_space<vmem>>
      %dma_wait3A_105 = tpu.memref_squeeze %dma_wait3A_104 : memref<1x128xi32, #tpu.memory_space<vmem>> -> memref<128xi32, #tpu.memory_space<vmem>>
      %dma_wait3A_106 = arith.constant 0 : i32
      %dma_wait3A_107 = arith.constant 0 : i32
      %dma_wait3A_108 = tpu.memref_slice %arg2[%dma_wait3A_106, %dma_wait3A_107] : memref<10000x128xf32, #tpu.memory_space<hbm>> -> memref<10000x128xf32, #tpu.memory_space<hbm>>
      tpu.wait_indirect_dma semaphore(%arg17 : memref<!tpu.dma_semaphore, #tpu.memory_space<semaphore_mem>>) src(%dma_wait3A_108 : memref<10000x128xf32, #tpu.memory_space<hbm>>) dst(%arg11 : memref<128x128xf32, #tpu.memory_space<vmem>>)
      "tpu.region"() ({
        %run_scoped3A = tpu.sem_alloc : memref<!tpu.dma_semaphore, #tpu.memory_space<semaphore_mem>>
        %dma_start3A_132 = arith.constant 0 : i32
        %dma_start3A_133 = tpu.memref_slice %arg6[%add3A_102, %dma_start3A_132] : memref<53248x128xf32, #tpu.memory_space<hbm>> -> memref<128x128xf32, #tpu.memory_space<hbm>>
        %dma_start3A_134 = arith.constant 0 : i32
        %dma_start3A_135 = tpu.memref_slice %arg6[%add3A_102, %dma_start3A_134] : memref<53248x128xf32, #tpu.memory_space<hbm>> -> memref<128x128xf32, #tpu.memory_space<hbm>>
        tpu.enqueue_dma source(%arg11 : memref<128x128xf32, #tpu.memory_space<vmem>>) target(%dma_start3A_135 : memref<128x128xf32, #tpu.memory_space<hbm>>) target_semaphore(%run_scoped3A : memref<!tpu.dma_semaphore, #tpu.memory_space<semaphore_mem>>)
        %dma_wait3A_136 = arith.constant 0 : i32
        %dma_wait3A_137 = tpu.memref_slice %arg6[%add3A_102, %dma_wait3A_136] : memref<53248x128xf32, #tpu.memory_space<hbm>> -> memref<128x128xf32, #tpu.memory_space<hbm>>
        %dma_wait3A_138 = arith.constant 0 : i32
        %dma_wait3A_139 = tpu.memref_slice %arg6[%add3A_102, %dma_wait3A_138] : memref<53248x128xf32, #tpu.memory_space<hbm>> -> memref<128x128xf32, #tpu.memory_space<hbm>>
        tpu.wait_dma2 semaphore(%run_scoped3A : memref<!tpu.dma_semaphore, #tpu.memory_space<semaphore_mem>>) src(%arg11 : memref<128x128xf32, #tpu.memory_space<vmem>>) dst(%dma_wait3A_139 : memref<128x128xf32, #tpu.memory_space<hbm>>)
        tpu.yield
      }) : () -> ()
      %dma_wait3A_109 = arith.constant 0 : i32
      %dma_wait3A_110 = tpu.memref_slice %arg9[%add3A_54, %dma_wait3A_109] : memref<16x128xi32, #tpu.memory_space<vmem>> -> memref<1x128xi32, #tpu.memory_space<vmem>>
      %dma_wait3A_111 = tpu.memref_squeeze %dma_wait3A_110 : memref<1x128xi32, #tpu.memory_space<vmem>> -> memref<128xi32, #tpu.memory_space<vmem>>
      %dma_wait3A_112 = arith.constant 0 : i32
      %dma_wait3A_113 = arith.constant 0 : i32
      %dma_wait3A_114 = tpu.memref_slice %arg3[%dma_wait3A_112, %dma_wait3A_113] : memref<10000x128xf32, #tpu.memory_space<hbm>> -> memref<10000x128xf32, #tpu.memory_space<hbm>>
      tpu.wait_indirect_dma semaphore(%arg20 : memref<!tpu.dma_semaphore, #tpu.memory_space<semaphore_mem>>) src(%dma_wait3A_114 : memref<10000x128xf32, #tpu.memory_space<hbm>>) dst(%arg14 : memref<128x128xf32, #tpu.memory_space<vmem>>)
      "tpu.region"() ({
        %run_scoped3A = tpu.sem_alloc : memref<!tpu.dma_semaphore, #tpu.memory_space<semaphore_mem>>
        %dma_start3A_132 = arith.constant 0 : i32
        %dma_start3A_133 = tpu.memref_slice %arg7[%add3A_102, %dma_start3A_132] : memref<53248x128xf32, #tpu.memory_space<hbm>> -> memref<128x128xf32, #tpu.memory_space<hbm>>
        %dma_start3A_134 = arith.constant 0 : i32
        %dma_start3A_135 = tpu.memref_slice %arg7[%add3A_102, %dma_start3A_134] : memref<53248x128xf32, #tpu.memory_space<hbm>> -> memref<128x128xf32, #tpu.memory_space<hbm>>
        tpu.enqueue_dma source(%arg14 : memref<128x128xf32, #tpu.memory_space<vmem>>) target(%dma_start3A_135 : memref<128x128xf32, #tpu.memory_space<hbm>>) target_semaphore(%run_scoped3A : memref<!tpu.dma_semaphore, #tpu.memory_space<semaphore_mem>>)
        %dma_wait3A_136 = arith.constant 0 : i32
        %dma_wait3A_137 = tpu.memref_slice %arg7[%add3A_102, %dma_wait3A_136] : memref<53248x128xf32, #tpu.memory_space<hbm>> -> memref<128x128xf32, #tpu.memory_space<hbm>>
        %dma_wait3A_138 = arith.constant 0 : i32
        %dma_wait3A_139 = tpu.memref_slice %arg7[%add3A_102, %dma_wait3A_138] : memref<53248x128xf32, #tpu.memory_space<hbm>> -> memref<128x128xf32, #tpu.memory_space<hbm>>
        tpu.wait_dma2 semaphore(%run_scoped3A : memref<!tpu.dma_semaphore, #tpu.memory_space<semaphore_mem>>) src(%arg14 : memref<128x128xf32, #tpu.memory_space<vmem>>) dst(%dma_wait3A_139 : memref<128x128xf32, #tpu.memory_space<hbm>>)
        tpu.yield
      }) : () -> ()
      %add3A_115 = arith.constant 2 : i32
      %add3A_116 = arith.addi %mul3A_38, %add3A_115 : i32
      %mul3A_117 = arith.constant 128 : i32
      %mul3A_118 = arith.muli %add3A_116, %mul3A_117 : i32
      %add3A_119 = arith.addi %mul3A_2, %mul3A_118 : i32
      %dma_wait3A_120 = arith.constant 0 : i32
      %dma_wait3A_121 = tpu.memref_slice %arg8[%add3A_68, %dma_wait3A_120] : memref<16x128xi32, #tpu.memory_space<vmem>> -> memref<1x128xi32, #tpu.memory_space<vmem>>
      %dma_wait3A_122 = tpu.memref_squeeze %dma_wait3A_121 : memref<1x128xi32, #tpu.memory_space<vmem>> -> memref<128xi32, #tpu.memory_space<vmem>>
      %dma_wait3A_123 = arith.constant 0 : i32
      %dma_wait3A_124 = arith.constant 0 : i32
      %dma_wait3A_125 = tpu.memref_slice %arg2[%dma_wait3A_123, %dma_wait3A_124] : memref<10000x128xf32, #tpu.memory_space<hbm>> -> memref<10000x128xf32, #tpu.memory_space<hbm>>
      tpu.wait_indirect_dma semaphore(%arg18 : memref<!tpu.dma_semaphore, #tpu.memory_space<semaphore_mem>>) src(%dma_wait3A_125 : memref<10000x128xf32, #tpu.memory_space<hbm>>) dst(%arg12 : memref<128x128xf32, #tpu.memory_space<vmem>>)
      "tpu.region"() ({
        %run_scoped3A = tpu.sem_alloc : memref<!tpu.dma_semaphore, #tpu.memory_space<semaphore_mem>>
        %dma_start3A_132 = arith.constant 0 : i32
        %dma_start3A_133 = tpu.memref_slice %arg6[%add3A_119, %dma_start3A_132] : memref<53248x128xf32, #tpu.memory_space<hbm>> -> memref<128x128xf32, #tpu.memory_space<hbm>>
        %dma_start3A_134 = arith.constant 0 : i32
        %dma_start3A_135 = tpu.memref_slice %arg6[%add3A_119, %dma_start3A_134] : memref<53248x128xf32, #tpu.memory_space<hbm>> -> memref<128x128xf32, #tpu.memory_space<hbm>>
        tpu.enqueue_dma source(%arg12 : memref<128x128xf32, #tpu.memory_space<vmem>>) target(%dma_start3A_135 : memref<128x128xf32, #tpu.memory_space<hbm>>) target_semaphore(%run_scoped3A : memref<!tpu.dma_semaphore, #tpu.memory_space<semaphore_mem>>)
        %dma_wait3A_136 = arith.constant 0 : i32
        %dma_wait3A_137 = tpu.memref_slice %arg6[%add3A_119, %dma_wait3A_136] : memref<53248x128xf32, #tpu.memory_space<hbm>> -> memref<128x128xf32, #tpu.memory_space<hbm>>
        %dma_wait3A_138 = arith.constant 0 : i32
        %dma_wait3A_139 = tpu.memref_slice %arg6[%add3A_119, %dma_wait3A_138] : memref<53248x128xf32, #tpu.memory_space<hbm>> -> memref<128x128xf32, #tpu.memory_space<hbm>>
        tpu.wait_dma2 semaphore(%run_scoped3A : memref<!tpu.dma_semaphore, #tpu.memory_space<semaphore_mem>>) src(%arg12 : memref<128x128xf32, #tpu.memory_space<vmem>>) dst(%dma_wait3A_139 : memref<128x128xf32, #tpu.memory_space<hbm>>)
        tpu.yield
      }) : () -> ()
      %dma_wait3A_126 = arith.constant 0 : i32
      %dma_wait3A_127 = tpu.memref_slice %arg9[%add3A_68, %dma_wait3A_126] : memref<16x128xi32, #tpu.memory_space<vmem>> -> memref<1x128xi32, #tpu.memory_space<vmem>>
      %dma_wait3A_128 = tpu.memref_squeeze %dma_wait3A_127 : memref<1x128xi32, #tpu.memory_space<vmem>> -> memref<128xi32, #tpu.memory_space<vmem>>
      %dma_wait3A_129 = arith.constant 0 : i32
      %dma_wait3A_130 = arith.constant 0 : i32
      %dma_wait3A_131 = tpu.memref_slice %arg3[%dma_wait3A_129, %dma_wait3A_130] : memref<10000x128xf32, #tpu.memory_space<hbm>> -> memref<10000x128xf32, #tpu.memory_space<hbm>>
      tpu.wait_indirect_dma semaphore(%arg21 : memref<!tpu.dma_semaphore, #tpu.memory_space<semaphore_mem>>) src(%dma_wait3A_131 : memref<10000x128xf32, #tpu.memory_space<hbm>>) dst(%arg15 : memref<128x128xf32, #tpu.memory_space<vmem>>)
      "tpu.region"() ({
        %run_scoped3A = tpu.sem_alloc : memref<!tpu.dma_semaphore, #tpu.memory_space<semaphore_mem>>
        %dma_start3A_132 = arith.constant 0 : i32
        %dma_start3A_133 = tpu.memref_slice %arg7[%add3A_119, %dma_start3A_132] : memref<53248x128xf32, #tpu.memory_space<hbm>> -> memref<128x128xf32, #tpu.memory_space<hbm>>
        %dma_start3A_134 = arith.constant 0 : i32
        %dma_start3A_135 = tpu.memref_slice %arg7[%add3A_119, %dma_start3A_134] : memref<53248x128xf32, #tpu.memory_space<hbm>> -> memref<128x128xf32, #tpu.memory_space<hbm>>
        tpu.enqueue_dma source(%arg15 : memref<128x128xf32, #tpu.memory_space<vmem>>) target(%dma_start3A_135 : memref<128x128xf32, #tpu.memory_space<hbm>>) target_semaphore(%run_scoped3A : memref<!tpu.dma_semaphore, #tpu.memory_space<semaphore_mem>>)
        %dma_wait3A_136 = arith.constant 0 : i32
        %dma_wait3A_137 = tpu.memref_slice %arg7[%add3A_119, %dma_wait3A_136] : memref<53248x128xf32, #tpu.memory_space<hbm>> -> memref<128x128xf32, #tpu.memory_space<hbm>>
        %dma_wait3A_138 = arith.constant 0 : i32
        %dma_wait3A_139 = tpu.memref_slice %arg7[%add3A_119, %dma_wait3A_138] : memref<53248x128xf32, #tpu.memory_space<hbm>> -> memref<128x128xf32, #tpu.memory_space<hbm>>
        tpu.wait_dma2 semaphore(%run_scoped3A : memref<!tpu.dma_semaphore, #tpu.memory_space<semaphore_mem>>) src(%arg15 : memref<128x128xf32, #tpu.memory_space<vmem>>) dst(%dma_wait3A_139 : memref<128x128xf32, #tpu.memory_space<hbm>>)
        tpu.yield
      }) : () -> ()
    }
    %scan3A_7 = arith.constant 4 : i32
    %dma_start3A = arith.constant 12 : i32
    %dma_start3A_8 = arith.constant 0 : i32
    %dma_start3A_9 = tpu.memref_slice %arg8[%dma_start3A, %dma_start3A_8] : memref<16x128xi32, #tpu.memory_space<vmem>> -> memref<1x128xi32, #tpu.memory_space<vmem>>
    %dma_start3A_10 = tpu.memref_squeeze %dma_start3A_9 : memref<1x128xi32, #tpu.memory_space<vmem>> -> memref<128xi32, #tpu.memory_space<vmem>>
    %dma_start3A_11 = arith.constant 0 : i32
    %dma_start3A_12 = arith.constant 0 : i32
    %dma_start3A_13 = tpu.memref_slice %arg2[%dma_start3A_11, %dma_start3A_12] : memref<10000x128xf32, #tpu.memory_space<hbm>> -> memref<10000x128xf32, #tpu.memory_space<hbm>>
    tpu.enqueue_indirect_dma source(%dma_start3A_13 : memref<10000x128xf32, #tpu.memory_space<hbm>>) target(%arg10 : memref<128x128xf32, #tpu.memory_space<vmem>>) offsets(%dma_start3A_10 : memref<128xi32, #tpu.memory_space<vmem>>) semaphore(%arg16 : memref<!tpu.dma_semaphore, #tpu.memory_space<semaphore_mem>>)
    %dma_start3A_14 = arith.constant 12 : i32
    %dma_start3A_15 = arith.constant 0 : i32
    %dma_start3A_16 = tpu.memref_slice %arg9[%dma_start3A_14, %dma_start3A_15] : memref<16x128xi32, #tpu.memory_space<vmem>> -> memref<1x128xi32, #tpu.memory_space<vmem>>
    %dma_start3A_17 = tpu.memref_squeeze %dma_start3A_16 : memref<1x128xi32, #tpu.memory_space<vmem>> -> memref<128xi32, #tpu.memory_space<vmem>>
    %dma_start3A_18 = arith.constant 0 : i32
    %dma_start3A_19 = arith.constant 0 : i32
    %dma_start3A_20 = tpu.memref_slice %arg3[%dma_start3A_18, %dma_start3A_19] : memref<10000x128xf32, #tpu.memory_space<hbm>> -> memref<10000x128xf32, #tpu.memory_space<hbm>>
    tpu.enqueue_indirect_dma source(%dma_start3A_20 : memref<10000x128xf32, #tpu.memory_space<hbm>>) target(%arg13 : memref<128x128xf32, #tpu.memory_space<vmem>>) offsets(%dma_start3A_17 : memref<128xi32, #tpu.memory_space<vmem>>) semaphore(%arg19 : memref<!tpu.dma_semaphore, #tpu.memory_space<semaphore_mem>>)
    %add3A_21 = arith.constant 1536 : i32
    %add3A_22 = arith.addi %mul3A_2, %add3A_21 : i32
    %dma_wait3A = arith.constant 12 : i32
    %dma_wait3A_23 = arith.constant 0 : i32
    %dma_wait3A_24 = tpu.memref_slice %arg8[%dma_wait3A, %dma_wait3A_23] : memref<16x128xi32, #tpu.memory_space<vmem>> -> memref<1x128xi32, #tpu.memory_space<vmem>>
    %dma_wait3A_25 = tpu.memref_squeeze %dma_wait3A_24 : memref<1x128xi32, #tpu.memory_space<vmem>> -> memref<128xi32, #tpu.memory_space<vmem>>
    %dma_wait3A_26 = arith.constant 0 : i32
    %dma_wait3A_27 = arith.constant 0 : i32
    %dma_wait3A_28 = tpu.memref_slice %arg2[%dma_wait3A_26, %dma_wait3A_27] : memref<10000x128xf32, #tpu.memory_space<hbm>> -> memref<10000x128xf32, #tpu.memory_space<hbm>>
    tpu.wait_indirect_dma semaphore(%arg16 : memref<!tpu.dma_semaphore, #tpu.memory_space<semaphore_mem>>) src(%dma_wait3A_28 : memref<10000x128xf32, #tpu.memory_space<hbm>>) dst(%arg10 : memref<128x128xf32, #tpu.memory_space<vmem>>)
    "tpu.region"() ({
      %run_scoped3A = tpu.sem_alloc : memref<!tpu.dma_semaphore, #tpu.memory_space<semaphore_mem>>
      %dma_start3A_36 = arith.constant 0 : i32
      %dma_start3A_37 = tpu.memref_slice %arg6[%add3A_22, %dma_start3A_36] : memref<53248x128xf32, #tpu.memory_space<hbm>> -> memref<128x128xf32, #tpu.memory_space<hbm>>
      %dma_start3A_38 = arith.constant 0 : i32
      %dma_start3A_39 = tpu.memref_slice %arg6[%add3A_22, %dma_start3A_38] : memref<53248x128xf32, #tpu.memory_space<hbm>> -> memref<128x128xf32, #tpu.memory_space<hbm>>
      tpu.enqueue_dma source(%arg10 : memref<128x128xf32, #tpu.memory_space<vmem>>) target(%dma_start3A_39 : memref<128x128xf32, #tpu.memory_space<hbm>>) target_semaphore(%run_scoped3A : memref<!tpu.dma_semaphore, #tpu.memory_space<semaphore_mem>>)
      %dma_wait3A_40 = arith.constant 0 : i32
      %dma_wait3A_41 = tpu.memref_slice %arg6[%add3A_22, %dma_wait3A_40] : memref<53248x128xf32, #tpu.memory_space<hbm>> -> memref<128x128xf32, #tpu.memory_space<hbm>>
      %dma_wait3A_42 = arith.constant 0 : i32
      %dma_wait3A_43 = tpu.memref_slice %arg6[%add3A_22, %dma_wait3A_42] : memref<53248x128xf32, #tpu.memory_space<hbm>> -> memref<128x128xf32, #tpu.memory_space<hbm>>
      tpu.wait_dma2 semaphore(%run_scoped3A : memref<!tpu.dma_semaphore, #tpu.memory_space<semaphore_mem>>) src(%arg10 : memref<128x128xf32, #tpu.memory_space<vmem>>) dst(%dma_wait3A_43 : memref<128x128xf32, #tpu.memory_space<hbm>>)
      tpu.yield
    }) : () -> ()
    %dma_wait3A_29 = arith.constant 12 : i32
    %dma_wait3A_30 = arith.constant 0 : i32
    %dma_wait3A_31 = tpu.memref_slice %arg9[%dma_wait3A_29, %dma_wait3A_30] : memref<16x128xi32, #tpu.memory_space<vmem>> -> memref<1x128xi32, #tpu.memory_space<vmem>>
    %dma_wait3A_32 = tpu.memref_squeeze %dma_wait3A_31 : memref<1x128xi32, #tpu.memory_space<vmem>> -> memref<128xi32, #tpu.memory_space<vmem>>
    %dma_wait3A_33 = arith.constant 0 : i32
    %dma_wait3A_34 = arith.constant 0 : i32
    %dma_wait3A_35 = tpu.memref_slice %arg3[%dma_wait3A_33, %dma_wait3A_34] : memref<10000x128xf32, #tpu.memory_space<hbm>> -> memref<10000x128xf32, #tpu.memory_space<hbm>>
    tpu.wait_indirect_dma semaphore(%arg19 : memref<!tpu.dma_semaphore, #tpu.memory_space<semaphore_mem>>) src(%dma_wait3A_35 : memref<10000x128xf32, #tpu.memory_space<hbm>>) dst(%arg13 : memref<128x128xf32, #tpu.memory_space<vmem>>)
    "tpu.region"() ({
      %run_scoped3A = tpu.sem_alloc : memref<!tpu.dma_semaphore, #tpu.memory_space<semaphore_mem>>
      %dma_start3A_36 = arith.constant 0 : i32
      %dma_start3A_37 = tpu.memref_slice %arg7[%add3A_22, %dma_start3A_36] : memref<53248x128xf32, #tpu.memory_space<hbm>> -> memref<128x128xf32, #tpu.memory_space<hbm>>
      %dma_start3A_38 = arith.constant 0 : i32
      %dma_start3A_39 = tpu.memref_slice %arg7[%add3A_22, %dma_start3A_38] : memref<53248x128xf32, #tpu.memory_space<hbm>> -> memref<128x128xf32, #tpu.memory_space<hbm>>
      tpu.enqueue_dma source(%arg13 : memref<128x128xf32, #tpu.memory_space<vmem>>) target(%dma_start3A_39 : memref<128x128xf32, #tpu.memory_space<hbm>>) target_semaphore(%run_scoped3A : memref<!tpu.dma_semaphore, #tpu.memory_space<semaphore_mem>>)
      %dma_wait3A_40 = arith.constant 0 : i32
      %dma_wait3A_41 = tpu.memref_slice %arg7[%add3A_22, %dma_wait3A_40] : memref<53248x128xf32, #tpu.memory_space<hbm>> -> memref<128x128xf32, #tpu.memory_space<hbm>>
      %dma_wait3A_42 = arith.constant 0 : i32
      %dma_wait3A_43 = tpu.memref_slice %arg7[%add3A_22, %dma_wait3A_42] : memref<53248x128xf32, #tpu.memory_space<hbm>> -> memref<128x128xf32, #tpu.memory_space<hbm>>
      tpu.wait_dma2 semaphore(%run_scoped3A : memref<!tpu.dma_semaphore, #tpu.memory_space<semaphore_mem>>) src(%arg13 : memref<128x128xf32, #tpu.memory_space<vmem>>) dst(%dma_wait3A_43 : memref<128x128xf32, #tpu.memory_space<hbm>>)
      tpu.yield
    }) : () -> ()
    return
  }
}

module attributes {stable_mosaic.version = 14 : i64} {
  func.func @body(%arg0: i32, %arg1: memref<400x14xf32, #tpu.memory_space<vmem>>, %arg2: memref<14x128xf32, #tpu.memory_space<vmem>>, %arg3: memref<1x128xf32, #tpu.memory_space<vmem>>, %arg4: memref<400x128xf32, #tpu.memory_space<vmem>>) attributes {dimension_semantics = [#tpu.dimension_semantics<arbitrary>], iteration_bounds = array<i64: 25>, scalar_prefetch = 0 : i64, scratch_operands = 0 : i64, tpu.core_type = #tpu.core_type<tc>, window_params = [{transform_indices = @transform_0, window_bounds = array<i64: 400, 14>}, {pipeline_mode = #tpu.pipeline_mode<synchronous>, transform_indices = @transform_1, window_bounds = array<i64: 14, 128>}, {pipeline_mode = #tpu.pipeline_mode<synchronous>, transform_indices = @transform_2, window_bounds = array<i64: 1, 128>}, {transform_indices = @transform_3, window_bounds = array<i64: 400, 128>}]} {
    %get3A = arith.constant 0 : index
    %get3A_0 = arith.constant 0 : index
    %get3A_1 = vector.load %arg1[%get3A, %get3A_0] : memref<400x14xf32, #tpu.memory_space<vmem>>, vector<400x14xf32>
    %get3A_2 = arith.constant 0 : index
    %get3A_3 = arith.constant 0 : index
    %get3A_4 = vector.load %arg2[%get3A_2, %get3A_3] : memref<14x128xf32, #tpu.memory_space<vmem>>, vector<14x128xf32>
    %dot_general3A = arith.constant dense<0.000000e+00> : vector<400x128xf32>
    %dot_general3A_5 = tpu.matmul %get3A_1, %get3A_4, %dot_general3A {dimension_numbers = #tpu.dot_dimension_numbers<[1], [0], [0], [1], [0, 0, 1, 1], [], []>, precision = #tpu.contract_precision<fp32>, transpose_lhs_hint = false} : vector<400x14xf32>, vector<14x128xf32>, vector<400x128xf32> -> vector<400x128xf32>
    %get3A_6 = arith.constant 0 : index
    %get3A_7 = arith.constant 0 : index
    %get3A_8 = vector.load %arg3[%get3A_6, %get3A_7] : memref<1x128xf32, #tpu.memory_space<vmem>>, vector<1x128xf32>
    %add3A = vector.broadcast %get3A_8 : vector<1x128xf32> to vector<400x128xf32>
    %add3A_9 = arith.addf %dot_general3A_5, %add3A : vector<400x128xf32>
    %swap3A = arith.constant 0 : index
    %swap3A_10 = arith.constant 0 : index
    %swap3A_11 = vector.load %arg4[%swap3A, %swap3A_10] : memref<400x128xf32, #tpu.memory_space<vmem>>, vector<400x128xf32>
    tpu.vector_store %arg4[%swap3A, %swap3A_10], %add3A_9 {strides = array<i32>} : memref<400x128xf32, #tpu.memory_space<vmem>>, vector<400x128xf32>,
    return
  }
  func.func @transform_0(%arg0: i32) -> (i32, i32) {
    %c0_i32 = arith.constant 0 : i32
    %c0_i32_0 = arith.constant 0 : i32
    return %arg0, %c0_i32 : i32, i32
  }
  func.func @transform_1(%arg0: i32) -> (i32, i32) {
    %c0_i32 = arith.constant 0 : i32
    %c0_i32_0 = arith.constant 0 : i32
    %c0_i32_1 = arith.constant 0 : i32
    return %c0_i32, %c0_i32_0 : i32, i32
  }
  func.func @transform_2(%arg0: i32) -> (i32, i32) {
    %c0_i32 = arith.constant 0 : i32
    %c0_i32_0 = arith.constant 0 : i32
    %c0_i32_1 = arith.constant 0 : i32
    return %c0_i32, %c0_i32_0 : i32, i32
  }
  func.func @transform_3(%arg0: i32) -> (i32, i32) {
    %c0_i32 = arith.constant 0 : i32
    %c0_i32_0 = arith.constant 0 : i32
    return %arg0, %c0_i32 : i32, i32
  }
}

module attributes {stable_mosaic.version = 14 : i64} {
  func.func @body(%arg0: i32, %arg1: memref<1280x5xf32, #tpu.memory_space<vmem>>, %arg2: memref<5x64xf32, #tpu.memory_space<vmem>>, %arg3: memref<5x64xf32, #tpu.memory_space<vmem>>, %arg4: memref<5x256xf32, #tpu.memory_space<vmem>>, %arg5: memref<1280x64xf32, #tpu.memory_space<vmem>>, %arg6: memref<1280x64xf32, #tpu.memory_space<vmem>>, %arg7: memref<1280x256xf32, #tpu.memory_space<vmem>>) attributes {dimension_semantics = [#tpu.dimension_semantics<arbitrary>], iteration_bounds = array<i64: 128>, scalar_prefetch = 0 : i64, scratch_operands = 0 : i64, tpu.core_type = #tpu.core_type<tc>, window_params = [{transform_indices = @transform_0, window_bounds = array<i64: 1280, 5>}, {pipeline_mode = #tpu.pipeline_mode<synchronous>, transform_indices = @transform_1, window_bounds = array<i64: 5, 64>}, {pipeline_mode = #tpu.pipeline_mode<synchronous>, transform_indices = @transform_2, window_bounds = array<i64: 5, 64>}, {pipeline_mode = #tpu.pipeline_mode<synchronous>, transform_indices = @transform_3, window_bounds = array<i64: 5, 256>}, {transform_indices = @transform_4, window_bounds = array<i64: 1280, 64>}, {transform_indices = @transform_5, window_bounds = array<i64: 1280, 64>}, {transform_indices = @transform_6, window_bounds = array<i64: 1280, 256>}]} {
    %get3A = arith.constant 0 : index
    %get3A_0 = arith.constant 0 : index
    %get3A_1 = vector.load %arg1[%get3A, %get3A_0] : memref<1280x5xf32, #tpu.memory_space<vmem>>, vector<1280x5xf32>
    %get3A_2 = arith.constant 0 : index
    %get3A_3 = arith.constant 0 : index
    %get3A_4 = vector.load %arg2[%get3A_2, %get3A_3] : memref<5x64xf32, #tpu.memory_space<vmem>>, vector<5x64xf32>
    %dot_general3A = arith.constant dense<0.000000e+00> : vector<1280x64xf32>
    %dot_general3A_5 = tpu.matmul %get3A_1, %get3A_4, %dot_general3A {dimension_numbers = #tpu.dot_dimension_numbers<[1], [0], [0], [1], [0, 0, 1, 1], [], []>, precision = #tpu.contract_precision<fp32>, transpose_lhs_hint = false} : vector<1280x5xf32>, vector<5x64xf32>, vector<1280x64xf32> -> vector<1280x64xf32>
    %swap3A = arith.constant 0 : index
    %swap3A_6 = arith.constant 0 : index
    %swap3A_7 = vector.load %arg5[%swap3A, %swap3A_6] : memref<1280x64xf32, #tpu.memory_space<vmem>>, vector<1280x64xf32>
    tpu.vector_store %arg5[%swap3A, %swap3A_6], %dot_general3A_5 {strides = array<i32>} : memref<1280x64xf32, #tpu.memory_space<vmem>>, vector<1280x64xf32>,
    %get3A_8 = arith.constant 0 : index
    %get3A_9 = arith.constant 0 : index
    %get3A_10 = vector.load %arg3[%get3A_8, %get3A_9] : memref<5x64xf32, #tpu.memory_space<vmem>>, vector<5x64xf32>
    %dot_general3A_11 = arith.constant dense<0.000000e+00> : vector<1280x64xf32>
    %dot_general3A_12 = tpu.matmul %get3A_1, %get3A_10, %dot_general3A_11 {dimension_numbers = #tpu.dot_dimension_numbers<[1], [0], [0], [1], [0, 0, 1, 1], [], []>, precision = #tpu.contract_precision<fp32>, transpose_lhs_hint = false} : vector<1280x5xf32>, vector<5x64xf32>, vector<1280x64xf32> -> vector<1280x64xf32>
    %swap3A_13 = arith.constant 0 : index
    %swap3A_14 = arith.constant 0 : index
    %swap3A_15 = vector.load %arg6[%swap3A_13, %swap3A_14] : memref<1280x64xf32, #tpu.memory_space<vmem>>, vector<1280x64xf32>
    tpu.vector_store %arg6[%swap3A_13, %swap3A_14], %dot_general3A_12 {strides = array<i32>} : memref<1280x64xf32, #tpu.memory_space<vmem>>, vector<1280x64xf32>,
    %get3A_16 = arith.constant 0 : index
    %get3A_17 = arith.constant 0 : index
    %get3A_18 = vector.load %arg4[%get3A_16, %get3A_17] : memref<5x256xf32, #tpu.memory_space<vmem>>, vector<5x256xf32>
    %dot_general3A_19 = arith.constant dense<0.000000e+00> : vector<1280x256xf32>
    %dot_general3A_20 = tpu.matmul %get3A_1, %get3A_18, %dot_general3A_19 {dimension_numbers = #tpu.dot_dimension_numbers<[1], [0], [0], [1], [0, 0, 1, 1], [], []>, precision = #tpu.contract_precision<fp32>, transpose_lhs_hint = false} : vector<1280x5xf32>, vector<5x256xf32>, vector<1280x256xf32> -> vector<1280x256xf32>
    %swap3A_21 = arith.constant 0 : index
    %swap3A_22 = arith.constant 0 : index
    %swap3A_23 = vector.load %arg7[%swap3A_21, %swap3A_22] : memref<1280x256xf32, #tpu.memory_space<vmem>>, vector<1280x256xf32>
    tpu.vector_store %arg7[%swap3A_21, %swap3A_22], %dot_general3A_20 {strides = array<i32>} : memref<1280x256xf32, #tpu.memory_space<vmem>>, vector<1280x256xf32>,
    return
  }
  func.func @transform_0(%arg0: i32) -> (i32, i32) {
    %c0_i32 = arith.constant 0 : i32
    %c0_i32_0 = arith.constant 0 : i32
    return %arg0, %c0_i32 : i32, i32
  }
  func.func @transform_1(%arg0: i32) -> (i32, i32) {
    %c0_i32 = arith.constant 0 : i32
    %c0_i32_0 = arith.constant 0 : i32
    %c0_i32_1 = arith.constant 0 : i32
    return %c0_i32, %c0_i32_0 : i32, i32
  }
  func.func @transform_2(%arg0: i32) -> (i32, i32) {
    %c0_i32 = arith.constant 0 : i32
    %c0_i32_0 = arith.constant 0 : i32
    %c0_i32_1 = arith.constant 0 : i32
    return %c0_i32, %c0_i32_0 : i32, i32
  }
  func.func @transform_3(%arg0: i32) -> (i32, i32) {
    %c0_i32 = arith.constant 0 : i32
    %c0_i32_0 = arith.constant 0 : i32
    %c0_i32_1 = arith.constant 0 : i32
    return %c0_i32, %c0_i32_0 : i32, i32
  }
  func.func @transform_4(%arg0: i32) -> (i32, i32) {
    %c0_i32 = arith.constant 0 : i32
    %c0_i32_0 = arith.constant 0 : i32
    return %arg0, %c0_i32 : i32, i32
  }
  func.func @transform_5(%arg0: i32) -> (i32, i32) {
    %c0_i32 = arith.constant 0 : i32
    %c0_i32_0 = arith.constant 0 : i32
    return %arg0, %c0_i32 : i32, i32
  }
  func.func @transform_6(%arg0: i32) -> (i32, i32) {
    %c0_i32 = arith.constant 0 : i32
    %c0_i32_0 = arith.constant 0 : i32
    return %arg0, %c0_i32 : i32, i32
  }
}

module attributes {stable_mosaic.version = 14 : i64} {
  func.func @body(%arg0: i32, %arg1: memref<1280x128xf32, #tpu.memory_space<vmem>>, %arg2: memref<1280x128xf32, #tpu.memory_space<vmem>>, %arg3: memref<1280x64xf32, #tpu.memory_space<vmem>>, %arg4: memref<1x64xf32, #tpu.memory_space<vmem>>, %arg5: memref<128x64xf32, #tpu.memory_space<vmem>>, %arg6: memref<128x64xf32, #tpu.memory_space<vmem>>, %arg7: memref<64x16xf32, #tpu.memory_space<vmem>>, %arg8: memref<1x16xf32, #tpu.memory_space<vmem>>, %arg9: memref<16x128xf32, #tpu.memory_space<vmem>>, %arg10: memref<16x128xf32, #tpu.memory_space<vmem>>, %arg11: memref<1280x128xf32, #tpu.memory_space<vmem>>) attributes {dimension_semantics = [#tpu.dimension_semantics<arbitrary>], iteration_bounds = array<i64: 128>, scalar_prefetch = 0 : i64, scratch_operands = 0 : i64, tpu.core_type = #tpu.core_type<tc>, window_params = [{transform_indices = @transform_0, window_bounds = array<i64: 1280, 128>}, {transform_indices = @transform_1, window_bounds = array<i64: 1280, 128>}, {transform_indices = @transform_2, window_bounds = array<i64: 1280, 64>}, {pipeline_mode = #tpu.pipeline_mode<synchronous>, transform_indices = @transform_3, window_bounds = array<i64: 1, 64>}, {pipeline_mode = #tpu.pipeline_mode<synchronous>, transform_indices = @transform_4, window_bounds = array<i64: 128, 64>}, {pipeline_mode = #tpu.pipeline_mode<synchronous>, transform_indices = @transform_5, window_bounds = array<i64: 128, 64>}, {pipeline_mode = #tpu.pipeline_mode<synchronous>, transform_indices = @transform_6, window_bounds = array<i64: 64, 16>}, {pipeline_mode = #tpu.pipeline_mode<synchronous>, transform_indices = @transform_7, window_bounds = array<i64: 1, 16>}, {pipeline_mode = #tpu.pipeline_mode<synchronous>, transform_indices = @transform_8, window_bounds = array<i64: 16, 128>}, {pipeline_mode = #tpu.pipeline_mode<synchronous>, transform_indices = @transform_9, window_bounds = array<i64: 16, 128>}, {transform_indices = @transform_10, window_bounds = array<i64: 1280, 128>}]} {
    %get3A = arith.constant 0 : index
    %get3A_0 = arith.constant 0 : index
    %get3A_1 = vector.load %arg1[%get3A, %get3A_0] : memref<1280x128xf32, #tpu.memory_space<vmem>>, vector<1280x128xf32>
    %get3A_2 = arith.constant 0 : index
    %get3A_3 = arith.constant 0 : index
    %get3A_4 = vector.load %arg5[%get3A_2, %get3A_3] : memref<128x64xf32, #tpu.memory_space<vmem>>, vector<128x64xf32>
    %dot_general3A = arith.constant dense<0.000000e+00> : vector<1280x64xf32>
    %dot_general3A_5 = tpu.matmul %get3A_1, %get3A_4, %dot_general3A {dimension_numbers = #tpu.dot_dimension_numbers<[1], [0], [0], [1], [0, 0, 1, 1], [], []>, precision = #tpu.contract_precision<fp32>, transpose_lhs_hint = false} : vector<1280x128xf32>, vector<128x64xf32>, vector<1280x64xf32> -> vector<1280x64xf32>
    %get3A_6 = arith.constant 0 : index
    %get3A_7 = arith.constant 0 : index
    %get3A_8 = vector.load %arg2[%get3A_6, %get3A_7] : memref<1280x128xf32, #tpu.memory_space<vmem>>, vector<1280x128xf32>
    %get3A_9 = arith.constant 0 : index
    %get3A_10 = arith.constant 0 : index
    %get3A_11 = vector.load %arg6[%get3A_9, %get3A_10] : memref<128x64xf32, #tpu.memory_space<vmem>>, vector<128x64xf32>
    %dot_general3A_12 = arith.constant dense<0.000000e+00> : vector<1280x64xf32>
    %dot_general3A_13 = tpu.matmul %get3A_8, %get3A_11, %dot_general3A_12 {dimension_numbers = #tpu.dot_dimension_numbers<[1], [0], [0], [1], [0, 0, 1, 1], [], []>, precision = #tpu.contract_precision<fp32>, transpose_lhs_hint = false} : vector<1280x128xf32>, vector<128x64xf32>, vector<1280x64xf32> -> vector<1280x64xf32>
    %add3A = arith.addf %dot_general3A_5, %dot_general3A_13 : vector<1280x64xf32>
    %get3A_14 = arith.constant 0 : index
    %get3A_15 = arith.constant 0 : index
    %get3A_16 = vector.load %arg3[%get3A_14, %get3A_15] : memref<1280x64xf32, #tpu.memory_space<vmem>>, vector<1280x64xf32>
    %add3A_17 = arith.addf %add3A, %get3A_16 : vector<1280x64xf32>
    %ge3A = arith.constant 0.000000e+00 : f32
    %ge3A_18 = vector.broadcast %ge3A : f32 to vector<1280x64xf32>
    %ge3A_19 = arith.cmpf oge, %add3A_17, %ge3A_18 : vector<1280x64xf32>
    %mul3A = arith.constant 2.000000e-01 : f32
    %mul3A_20 = vector.broadcast %mul3A : f32 to vector<1280x64xf32>
    %mul3A_21 = arith.mulf %mul3A_20, %add3A_17 : vector<1280x64xf32>
    %select_n3A = arith.select %ge3A_19, %add3A_17, %mul3A_21 : vector<1280x64xi1>, vector<1280x64xf32>
    %get3A_22 = arith.constant 0 : index
    %get3A_23 = arith.constant 0 : index
    %get3A_24 = vector.load %arg4[%get3A_22, %get3A_23] : memref<1x64xf32, #tpu.memory_space<vmem>>, vector<1x64xf32>
    %mul3A_25 = vector.broadcast %get3A_24 : vector<1x64xf32> to vector<1280x64xf32>
    %mul3A_26 = arith.mulf %select_n3A, %mul3A_25 : vector<1280x64xf32>
    %get3A_27 = arith.constant 0 : index
    %get3A_28 = arith.constant 0 : index
    %get3A_29 = vector.load %arg7[%get3A_27, %get3A_28] : memref<64x16xf32, #tpu.memory_space<vmem>>, vector<64x16xf32>
    %dot_general3A_30 = arith.constant dense<0.000000e+00> : vector<1280x16xf32>
    %dot_general3A_31 = tpu.matmul %mul3A_26, %get3A_29, %dot_general3A_30 {dimension_numbers = #tpu.dot_dimension_numbers<[1], [0], [0], [1], [0, 0, 1, 1], [], []>, precision = #tpu.contract_precision<fp32>, transpose_lhs_hint = false} : vector<1280x64xf32>, vector<64x16xf32>, vector<1280x16xf32> -> vector<1280x16xf32>
    %exp3A = math.exp %dot_general3A_31 : vector<1280x16xf32>
    %get3A_32 = arith.constant 0 : index
    %get3A_33 = arith.constant 0 : index
    %get3A_34 = vector.load %arg8[%get3A_32, %get3A_33] : memref<1x16xf32, #tpu.memory_space<vmem>>, vector<1x16xf32>
    %mul3A_35 = vector.broadcast %get3A_34 : vector<1x16xf32> to vector<1280x16xf32>
    %mul3A_36 = arith.mulf %exp3A, %mul3A_35 : vector<1280x16xf32>
    %get3A_37 = arith.constant 0 : index
    %get3A_38 = arith.constant 0 : index
    %get3A_39 = vector.load %arg9[%get3A_37, %get3A_38] : memref<16x128xf32, #tpu.memory_space<vmem>>, vector<16x128xf32>
    %dot_general3A_40 = arith.constant dense<0.000000e+00> : vector<1280x128xf32>
    %dot_general3A_41 = tpu.matmul %mul3A_36, %get3A_39, %dot_general3A_40 {dimension_numbers = #tpu.dot_dimension_numbers<[1], [0], [0], [1], [0, 0, 1, 1], [], []>, precision = #tpu.contract_precision<fp32>, transpose_lhs_hint = false} : vector<1280x16xf32>, vector<16x128xf32>, vector<1280x128xf32> -> vector<1280x128xf32>
    %mul3A_42 = arith.mulf %get3A_1, %dot_general3A_41 : vector<1280x128xf32>
    %get3A_43 = arith.constant 0 : index
    %get3A_44 = arith.constant 0 : index
    %get3A_45 = vector.load %arg10[%get3A_43, %get3A_44] : memref<16x128xf32, #tpu.memory_space<vmem>>, vector<16x128xf32>
    %dot_general3A_46 = arith.constant dense<0.000000e+00> : vector<1280x128xf32>
    %dot_general3A_47 = tpu.matmul %mul3A_36, %get3A_45, %dot_general3A_46 {dimension_numbers = #tpu.dot_dimension_numbers<[1], [0], [0], [1], [0, 0, 1, 1], [], []>, precision = #tpu.contract_precision<fp32>, transpose_lhs_hint = false} : vector<1280x16xf32>, vector<16x128xf32>, vector<1280x128xf32> -> vector<1280x128xf32>
    %add3A_48 = arith.addf %mul3A_42, %dot_general3A_47 : vector<1280x128xf32>
    %swap3A = arith.constant 0 : index
    %swap3A_49 = arith.constant 0 : index
    %swap3A_50 = vector.load %arg11[%swap3A, %swap3A_49] : memref<1280x128xf32, #tpu.memory_space<vmem>>, vector<1280x128xf32>
    tpu.vector_store %arg11[%swap3A, %swap3A_49], %add3A_48 {strides = array<i32>} : memref<1280x128xf32, #tpu.memory_space<vmem>>, vector<1280x128xf32>,
    return
  }
  func.func @transform_0(%arg0: i32) -> (i32, i32) {
    %c0_i32 = arith.constant 0 : i32
    %c0_i32_0 = arith.constant 0 : i32
    return %arg0, %c0_i32 : i32, i32
  }
  func.func @transform_1(%arg0: i32) -> (i32, i32) {
    %c0_i32 = arith.constant 0 : i32
    %c0_i32_0 = arith.constant 0 : i32
    return %arg0, %c0_i32 : i32, i32
  }
  func.func @transform_2(%arg0: i32) -> (i32, i32) {
    %c0_i32 = arith.constant 0 : i32
    %c0_i32_0 = arith.constant 0 : i32
    return %arg0, %c0_i32 : i32, i32
  }
  func.func @transform_3(%arg0: i32) -> (i32, i32) {
    %c0_i32 = arith.constant 0 : i32
    %c0_i32_0 = arith.constant 0 : i32
    %c0_i32_1 = arith.constant 0 : i32
    return %c0_i32, %c0_i32_0 : i32, i32
  }
  func.func @transform_4(%arg0: i32) -> (i32, i32) {
    %c0_i32 = arith.constant 0 : i32
    %c0_i32_0 = arith.constant 0 : i32
    %c0_i32_1 = arith.constant 0 : i32
    return %c0_i32, %c0_i32_0 : i32, i32
  }
  func.func @transform_5(%arg0: i32) -> (i32, i32) {
    %c0_i32 = arith.constant 0 : i32
    %c0_i32_0 = arith.constant 0 : i32
    %c0_i32_1 = arith.constant 0 : i32
    return %c0_i32, %c0_i32_0 : i32, i32
  }
  func.func @transform_6(%arg0: i32) -> (i32, i32) {
    %c0_i32 = arith.constant 0 : i32
    %c0_i32_0 = arith.constant 0 : i32
    %c0_i32_1 = arith.constant 0 : i32
    return %c0_i32, %c0_i32_0 : i32, i32
  }
  func.func @transform_7(%arg0: i32) -> (i32, i32) {
    %c0_i32 = arith.constant 0 : i32
    %c0_i32_0 = arith.constant 0 : i32
    %c0_i32_1 = arith.constant 0 : i32
    return %c0_i32, %c0_i32_0 : i32, i32
  }
  func.func @transform_8(%arg0: i32) -> (i32, i32) {
    %c0_i32 = arith.constant 0 : i32
    %c0_i32_0 = arith.constant 0 : i32
    %c0_i32_1 = arith.constant 0 : i32
    return %c0_i32, %c0_i32_0 : i32, i32
  }
  func.func @transform_9(%arg0: i32) -> (i32, i32) {
    %c0_i32 = arith.constant 0 : i32
    %c0_i32_0 = arith.constant 0 : i32
    %c0_i32_1 = arith.constant 0 : i32
    return %c0_i32, %c0_i32_0 : i32, i32
  }
  func.func @transform_10(%arg0: i32) -> (i32, i32) {
    %c0_i32 = arith.constant 0 : i32
    %c0_i32_0 = arith.constant 0 : i32
    return %arg0, %c0_i32 : i32, i32
  }
}

module attributes {stable_mosaic.version = 14 : i64} {
  func.func @body(%arg0: i32, %arg1: memref<2x400x128xf32, #tpu.memory_space<vmem>>, %arg2: memref<128x64xf32, #tpu.memory_space<vmem>>, %arg3: memref<128x64xf32, #tpu.memory_space<vmem>>, %arg4: memref<1x64xf32, #tpu.memory_space<vmem>>, %arg5: memref<64x128xf32, #tpu.memory_space<vmem>>, %arg6: memref<1x128xf32, #tpu.memory_space<vmem>>, %arg7: memref<400x128xf32, #tpu.memory_space<vmem>>) attributes {dimension_semantics = [#tpu.dimension_semantics<arbitrary>], iteration_bounds = array<i64: 25>, scalar_prefetch = 0 : i64, scratch_operands = 0 : i64, tpu.core_type = #tpu.core_type<tc>, window_params = [{transform_indices = @transform_0, window_bounds = array<i64: 2, 400, 128>}, {pipeline_mode = #tpu.pipeline_mode<synchronous>, transform_indices = @transform_1, window_bounds = array<i64: 128, 64>}, {pipeline_mode = #tpu.pipeline_mode<synchronous>, transform_indices = @transform_2, window_bounds = array<i64: 128, 64>}, {pipeline_mode = #tpu.pipeline_mode<synchronous>, transform_indices = @transform_3, window_bounds = array<i64: 1, 64>}, {pipeline_mode = #tpu.pipeline_mode<synchronous>, transform_indices = @transform_4, window_bounds = array<i64: 64, 128>}, {pipeline_mode = #tpu.pipeline_mode<synchronous>, transform_indices = @transform_5, window_bounds = array<i64: 1, 128>}, {transform_indices = @transform_6, window_bounds = array<i64: 400, 128>}]} {
    %get3A = arith.constant 0 : index
    %get3A_0 = arith.constant 0 : index
    %get3A_1 = arith.constant 0 : index
    %get3A_2 = vector.load %arg1[%get3A, %get3A_0, %get3A_1] : memref<2x400x128xf32, #tpu.memory_space<vmem>>, vector<1x400x128xf32>
    %get3A_3 = vector.shape_cast %get3A_2 : vector<1x400x128xf32> to vector<400x128xf32>
    %get3A_4 = arith.constant 1 : index
    %get3A_5 = arith.constant 0 : index
    %get3A_6 = arith.constant 0 : index
    %get3A_7 = vector.load %arg1[%get3A_4, %get3A_5, %get3A_6] : memref<2x400x128xf32, #tpu.memory_space<vmem>>, vector<1x400x128xf32>
    %get3A_8 = vector.shape_cast %get3A_7 : vector<1x400x128xf32> to vector<400x128xf32>
    %add3A = arith.addf %get3A_3, %get3A_8 : vector<400x128xf32>
    %get3A_9 = arith.constant 0 : index
    %get3A_10 = arith.constant 0 : index
    %get3A_11 = vector.load %arg2[%get3A_9, %get3A_10] : memref<128x64xf32, #tpu.memory_space<vmem>>, vector<128x64xf32>
    %dot_general3A = arith.constant dense<0.000000e+00> : vector<400x64xf32>
    %dot_general3A_12 = tpu.matmul %add3A, %get3A_11, %dot_general3A {dimension_numbers = #tpu.dot_dimension_numbers<[1], [0], [0], [1], [0, 0, 1, 1], [], []>, precision = #tpu.contract_precision<fp32>, transpose_lhs_hint = false} : vector<400x128xf32>, vector<128x64xf32>, vector<400x64xf32> -> vector<400x64xf32>
    %get3A_13 = arith.constant 0 : index
    %get3A_14 = arith.constant 0 : index
    %get3A_15 = vector.load %arg3[%get3A_13, %get3A_14] : memref<128x64xf32, #tpu.memory_space<vmem>>, vector<128x64xf32>
    %dot_general3A_16 = arith.constant dense<0.000000e+00> : vector<400x64xf32>
    %dot_general3A_17 = tpu.matmul %add3A, %get3A_15, %dot_general3A_16 {dimension_numbers = #tpu.dot_dimension_numbers<[1], [0], [0], [1], [0, 0, 1, 1], [], []>, precision = #tpu.contract_precision<fp32>, transpose_lhs_hint = false} : vector<400x128xf32>, vector<128x64xf32>, vector<400x64xf32> -> vector<400x64xf32>
    %add3A_18 = arith.constant 1.000000e-16 : f32
    %add3A_19 = vector.broadcast %add3A_18 : f32 to vector<400x64xf32>
    %add3A_20 = arith.addf %dot_general3A_17, %add3A_19 : vector<400x64xf32>
    %div3A = arith.divf %dot_general3A_12, %add3A_20 : vector<400x64xf32>
    %get3A_21 = arith.constant 0 : index
    %get3A_22 = arith.constant 0 : index
    %get3A_23 = vector.load %arg4[%get3A_21, %get3A_22] : memref<1x64xf32, #tpu.memory_space<vmem>>, vector<1x64xf32>
    %add3A_24 = vector.broadcast %get3A_23 : vector<1x64xf32> to vector<400x64xf32>
    %add3A_25 = arith.addf %div3A, %add3A_24 : vector<400x64xf32>
    %gt3A = arith.constant 0.000000e+00 : f32
    %gt3A_26 = vector.broadcast %gt3A : f32 to vector<400x64xf32>
    %gt3A_27 = arith.cmpf ogt, %add3A_25, %gt3A_26 : vector<400x64xf32>
    %min3A = arith.constant 0.000000e+00 : f32
    %min3A_28 = vector.broadcast %min3A : f32 to vector<400x64xf32>
    %min3A_29 = arith.minimumf %add3A_25, %min3A_28 : vector<400x64xf32>
    %exp3A = math.exp %min3A_29 : vector<400x64xf32>
    %sub3A = arith.constant 1.000000e+00 : f32
    %sub3A_30 = vector.broadcast %sub3A : f32 to vector<400x64xf32>
    %sub3A_31 = arith.subf %exp3A, %sub3A_30 : vector<400x64xf32>
    %select_n3A = arith.select %gt3A_27, %add3A_25, %sub3A_31 : vector<400x64xi1>, vector<400x64xf32>
    %get3A_32 = arith.constant 0 : index
    %get3A_33 = arith.constant 0 : index
    %get3A_34 = vector.load %arg5[%get3A_32, %get3A_33] : memref<64x128xf32, #tpu.memory_space<vmem>>, vector<64x128xf32>
    %dot_general3A_35 = arith.constant dense<0.000000e+00> : vector<400x128xf32>
    %dot_general3A_36 = tpu.matmul %select_n3A, %get3A_34, %dot_general3A_35 {dimension_numbers = #tpu.dot_dimension_numbers<[1], [0], [0], [1], [0, 0, 1, 1], [], []>, precision = #tpu.contract_precision<fp32>, transpose_lhs_hint = false} : vector<400x64xf32>, vector<64x128xf32>, vector<400x128xf32> -> vector<400x128xf32>
    %get3A_37 = arith.constant 0 : index
    %get3A_38 = arith.constant 0 : index
    %get3A_39 = vector.load %arg6[%get3A_37, %get3A_38] : memref<1x128xf32, #tpu.memory_space<vmem>>, vector<1x128xf32>
    %add3A_40 = vector.broadcast %get3A_39 : vector<1x128xf32> to vector<400x128xf32>
    %add3A_41 = arith.addf %dot_general3A_36, %add3A_40 : vector<400x128xf32>
    %swap3A = arith.constant 0 : index
    %swap3A_42 = arith.constant 0 : index
    %swap3A_43 = vector.load %arg7[%swap3A, %swap3A_42] : memref<400x128xf32, #tpu.memory_space<vmem>>, vector<400x128xf32>
    tpu.vector_store %arg7[%swap3A, %swap3A_42], %add3A_41 {strides = array<i32>} : memref<400x128xf32, #tpu.memory_space<vmem>>, vector<400x128xf32>,
    return
  }
  func.func @transform_0(%arg0: i32) -> (i32, i32, i32) {
    %c0_i32 = arith.constant 0 : i32
    %c0_i32_0 = arith.constant 0 : i32
    %c0_i32_1 = arith.constant 0 : i32
    return %c0_i32, %arg0, %c0_i32_0 : i32, i32, i32
  }
  func.func @transform_1(%arg0: i32) -> (i32, i32) {
    %c0_i32 = arith.constant 0 : i32
    %c0_i32_0 = arith.constant 0 : i32
    %c0_i32_1 = arith.constant 0 : i32
    return %c0_i32, %c0_i32_0 : i32, i32
  }
  func.func @transform_2(%arg0: i32) -> (i32, i32) {
    %c0_i32 = arith.constant 0 : i32
    %c0_i32_0 = arith.constant 0 : i32
    %c0_i32_1 = arith.constant 0 : i32
    return %c0_i32, %c0_i32_0 : i32, i32
  }
  func.func @transform_3(%arg0: i32) -> (i32, i32) {
    %c0_i32 = arith.constant 0 : i32
    %c0_i32_0 = arith.constant 0 : i32
    %c0_i32_1 = arith.constant 0 : i32
    return %c0_i32, %c0_i32_0 : i32, i32
  }
  func.func @transform_4(%arg0: i32) -> (i32, i32) {
    %c0_i32 = arith.constant 0 : i32
    %c0_i32_0 = arith.constant 0 : i32
    %c0_i32_1 = arith.constant 0 : i32
    return %c0_i32, %c0_i32_0 : i32, i32
  }
  func.func @transform_5(%arg0: i32) -> (i32, i32) {
    %c0_i32 = arith.constant 0 : i32
    %c0_i32_0 = arith.constant 0 : i32
    %c0_i32_1 = arith.constant 0 : i32
    return %c0_i32, %c0_i32_0 : i32, i32
  }
  func.func @transform_6(%arg0: i32) -> (i32, i32) {
    %c0_i32 = arith.constant 0 : i32
    %c0_i32_0 = arith.constant 0 : i32
    return %arg0, %c0_i32 : i32, i32
  }
}

module attributes {stable_mosaic.version = 14 : i64} {
  func.func @body(%arg0: i32, %arg1: memref<2x400x128xf32, #tpu.memory_space<vmem>>, %arg2: memref<128x64xf32, #tpu.memory_space<vmem>>, %arg3: memref<128x64xf32, #tpu.memory_space<vmem>>, %arg4: memref<1x64xf32, #tpu.memory_space<vmem>>, %arg5: memref<64x256xf32, #tpu.memory_space<vmem>>, %arg6: memref<64x256xf32, #tpu.memory_space<vmem>>, %arg7: memref<1x256xf32, #tpu.memory_space<vmem>>, %arg8: memref<1x256xf32, #tpu.memory_space<vmem>>, %arg9: memref<400x256xf32, #tpu.memory_space<vmem>>, %arg10: memref<400x256xf32, #tpu.memory_space<vmem>>) attributes {dimension_semantics = [#tpu.dimension_semantics<arbitrary>], iteration_bounds = array<i64: 25>, scalar_prefetch = 0 : i64, scratch_operands = 0 : i64, tpu.core_type = #tpu.core_type<tc>, window_params = [{transform_indices = @transform_0, window_bounds = array<i64: 2, 400, 128>}, {pipeline_mode = #tpu.pipeline_mode<synchronous>, transform_indices = @transform_1, window_bounds = array<i64: 128, 64>}, {pipeline_mode = #tpu.pipeline_mode<synchronous>, transform_indices = @transform_2, window_bounds = array<i64: 128, 64>}, {pipeline_mode = #tpu.pipeline_mode<synchronous>, transform_indices = @transform_3, window_bounds = array<i64: 1, 64>}, {pipeline_mode = #tpu.pipeline_mode<synchronous>, transform_indices = @transform_4, window_bounds = array<i64: 64, 256>}, {pipeline_mode = #tpu.pipeline_mode<synchronous>, transform_indices = @transform_5, window_bounds = array<i64: 64, 256>}, {pipeline_mode = #tpu.pipeline_mode<synchronous>, transform_indices = @transform_6, window_bounds = array<i64: 1, 256>}, {pipeline_mode = #tpu.pipeline_mode<synchronous>, transform_indices = @transform_7, window_bounds = array<i64: 1, 256>}, {transform_indices = @transform_8, window_bounds = array<i64: 400, 256>}, {transform_indices = @transform_9, window_bounds = array<i64: 400, 256>}]} {
    %get3A = arith.constant 0 : index
    %get3A_0 = arith.constant 0 : index
    %get3A_1 = arith.constant 0 : index
    %get3A_2 = vector.load %arg1[%get3A, %get3A_0, %get3A_1] : memref<2x400x128xf32, #tpu.memory_space<vmem>>, vector<1x400x128xf32>
    %get3A_3 = vector.shape_cast %get3A_2 : vector<1x400x128xf32> to vector<400x128xf32>
    %get3A_4 = arith.constant 1 : index
    %get3A_5 = arith.constant 0 : index
    %get3A_6 = arith.constant 0 : index
    %get3A_7 = vector.load %arg1[%get3A_4, %get3A_5, %get3A_6] : memref<2x400x128xf32, #tpu.memory_space<vmem>>, vector<1x400x128xf32>
    %get3A_8 = vector.shape_cast %get3A_7 : vector<1x400x128xf32> to vector<400x128xf32>
    %add3A = arith.addf %get3A_3, %get3A_8 : vector<400x128xf32>
    %get3A_9 = arith.constant 0 : index
    %get3A_10 = arith.constant 0 : index
    %get3A_11 = vector.load %arg2[%get3A_9, %get3A_10] : memref<128x64xf32, #tpu.memory_space<vmem>>, vector<128x64xf32>
    %dot_general3A = arith.constant dense<0.000000e+00> : vector<400x64xf32>
    %dot_general3A_12 = tpu.matmul %add3A, %get3A_11, %dot_general3A {dimension_numbers = #tpu.dot_dimension_numbers<[1], [0], [0], [1], [0, 0, 1, 1], [], []>, precision = #tpu.contract_precision<fp32>, transpose_lhs_hint = false} : vector<400x128xf32>, vector<128x64xf32>, vector<400x64xf32> -> vector<400x64xf32>
    %get3A_13 = arith.constant 0 : index
    %get3A_14 = arith.constant 0 : index
    %get3A_15 = vector.load %arg3[%get3A_13, %get3A_14] : memref<128x64xf32, #tpu.memory_space<vmem>>, vector<128x64xf32>
    %dot_general3A_16 = arith.constant dense<0.000000e+00> : vector<400x64xf32>
    %dot_general3A_17 = tpu.matmul %add3A, %get3A_15, %dot_general3A_16 {dimension_numbers = #tpu.dot_dimension_numbers<[1], [0], [0], [1], [0, 0, 1, 1], [], []>, precision = #tpu.contract_precision<fp32>, transpose_lhs_hint = false} : vector<400x128xf32>, vector<128x64xf32>, vector<400x64xf32> -> vector<400x64xf32>
    %add3A_18 = arith.constant 1.000000e-16 : f32
    %add3A_19 = vector.broadcast %add3A_18 : f32 to vector<400x64xf32>
    %add3A_20 = arith.addf %dot_general3A_17, %add3A_19 : vector<400x64xf32>
    %div3A = arith.divf %dot_general3A_12, %add3A_20 : vector<400x64xf32>
    %get3A_21 = arith.constant 0 : index
    %get3A_22 = arith.constant 0 : index
    %get3A_23 = vector.load %arg4[%get3A_21, %get3A_22] : memref<1x64xf32, #tpu.memory_space<vmem>>, vector<1x64xf32>
    %add3A_24 = vector.broadcast %get3A_23 : vector<1x64xf32> to vector<400x64xf32>
    %add3A_25 = arith.addf %div3A, %add3A_24 : vector<400x64xf32>
    %gt3A = arith.constant 0.000000e+00 : f32
    %gt3A_26 = vector.broadcast %gt3A : f32 to vector<400x64xf32>
    %gt3A_27 = arith.cmpf ogt, %add3A_25, %gt3A_26 : vector<400x64xf32>
    %min3A = arith.constant 0.000000e+00 : f32
    %min3A_28 = vector.broadcast %min3A : f32 to vector<400x64xf32>
    %min3A_29 = arith.minimumf %add3A_25, %min3A_28 : vector<400x64xf32>
    %exp3A = math.exp %min3A_29 : vector<400x64xf32>
    %sub3A = arith.constant 1.000000e+00 : f32
    %sub3A_30 = vector.broadcast %sub3A : f32 to vector<400x64xf32>
    %sub3A_31 = arith.subf %exp3A, %sub3A_30 : vector<400x64xf32>
    %select_n3A = arith.select %gt3A_27, %add3A_25, %sub3A_31 : vector<400x64xi1>, vector<400x64xf32>
    %get3A_32 = arith.constant 0 : index
    %get3A_33 = arith.constant 0 : index
    %get3A_34 = vector.load %arg5[%get3A_32, %get3A_33] : memref<64x256xf32, #tpu.memory_space<vmem>>, vector<64x256xf32>
    %dot_general3A_35 = arith.constant dense<0.000000e+00> : vector<400x256xf32>
    %dot_general3A_36 = tpu.matmul %select_n3A, %get3A_34, %dot_general3A_35 {dimension_numbers = #tpu.dot_dimension_numbers<[1], [0], [0], [1], [0, 0, 1, 1], [], []>, precision = #tpu.contract_precision<fp32>, transpose_lhs_hint = false} : vector<400x64xf32>, vector<64x256xf32>, vector<400x256xf32> -> vector<400x256xf32>
    %get3A_37 = arith.constant 0 : index
    %get3A_38 = arith.constant 0 : index
    %get3A_39 = vector.load %arg7[%get3A_37, %get3A_38] : memref<1x256xf32, #tpu.memory_space<vmem>>, vector<1x256xf32>
    %add3A_40 = vector.broadcast %get3A_39 : vector<1x256xf32> to vector<400x256xf32>
    %add3A_41 = arith.addf %dot_general3A_36, %add3A_40 : vector<400x256xf32>
    %swap3A = arith.constant 0 : index
    %swap3A_42 = arith.constant 0 : index
    %swap3A_43 = vector.load %arg9[%swap3A, %swap3A_42] : memref<400x256xf32, #tpu.memory_space<vmem>>, vector<400x256xf32>
    tpu.vector_store %arg9[%swap3A, %swap3A_42], %add3A_41 {strides = array<i32>} : memref<400x256xf32, #tpu.memory_space<vmem>>, vector<400x256xf32>,
    %get3A_44 = arith.constant 0 : index
    %get3A_45 = arith.constant 0 : index
    %get3A_46 = vector.load %arg6[%get3A_44, %get3A_45] : memref<64x256xf32, #tpu.memory_space<vmem>>, vector<64x256xf32>
    %dot_general3A_47 = arith.constant dense<0.000000e+00> : vector<400x256xf32>
    %dot_general3A_48 = tpu.matmul %select_n3A, %get3A_46, %dot_general3A_47 {dimension_numbers = #tpu.dot_dimension_numbers<[1], [0], [0], [1], [0, 0, 1, 1], [], []>, precision = #tpu.contract_precision<fp32>, transpose_lhs_hint = false} : vector<400x64xf32>, vector<64x256xf32>, vector<400x256xf32> -> vector<400x256xf32>
    %get3A_49 = arith.constant 0 : index
    %get3A_50 = arith.constant 0 : index
    %get3A_51 = vector.load %arg8[%get3A_49, %get3A_50] : memref<1x256xf32, #tpu.memory_space<vmem>>, vector<1x256xf32>
    %add3A_52 = vector.broadcast %get3A_51 : vector<1x256xf32> to vector<400x256xf32>
    %add3A_53 = arith.addf %dot_general3A_48, %add3A_52 : vector<400x256xf32>
    %swap3A_54 = arith.constant 0 : index
    %swap3A_55 = arith.constant 0 : index
    %swap3A_56 = vector.load %arg10[%swap3A_54, %swap3A_55] : memref<400x256xf32, #tpu.memory_space<vmem>>, vector<400x256xf32>
    tpu.vector_store %arg10[%swap3A_54, %swap3A_55], %add3A_53 {strides = array<i32>} : memref<400x256xf32, #tpu.memory_space<vmem>>, vector<400x256xf32>,
    return
  }
  func.func @transform_0(%arg0: i32) -> (i32, i32, i32) {
    %c0_i32 = arith.constant 0 : i32
    %c0_i32_0 = arith.constant 0 : i32
    %c0_i32_1 = arith.constant 0 : i32
    return %c0_i32, %arg0, %c0_i32_0 : i32, i32, i32
  }
  func.func @transform_1(%arg0: i32) -> (i32, i32) {
    %c0_i32 = arith.constant 0 : i32
    %c0_i32_0 = arith.constant 0 : i32
    %c0_i32_1 = arith.constant 0 : i32
    return %c0_i32, %c0_i32_0 : i32, i32
  }
  func.func @transform_2(%arg0: i32) -> (i32, i32) {
    %c0_i32 = arith.constant 0 : i32
    %c0_i32_0 = arith.constant 0 : i32
    %c0_i32_1 = arith.constant 0 : i32
    return %c0_i32, %c0_i32_0 : i32, i32
  }
  func.func @transform_3(%arg0: i32) -> (i32, i32) {
    %c0_i32 = arith.constant 0 : i32
    %c0_i32_0 = arith.constant 0 : i32
    %c0_i32_1 = arith.constant 0 : i32
    return %c0_i32, %c0_i32_0 : i32, i32
  }
  func.func @transform_4(%arg0: i32) -> (i32, i32) {
    %c0_i32 = arith.constant 0 : i32
    %c0_i32_0 = arith.constant 0 : i32
    %c0_i32_1 = arith.constant 0 : i32
    return %c0_i32, %c0_i32_0 : i32, i32
  }
  func.func @transform_5(%arg0: i32) -> (i32, i32) {
    %c0_i32 = arith.constant 0 : i32
    %c0_i32_0 = arith.constant 0 : i32
    %c0_i32_1 = arith.constant 0 : i32
    return %c0_i32, %c0_i32_0 : i32, i32
  }
  func.func @transform_6(%arg0: i32) -> (i32, i32) {
    %c0_i32 = arith.constant 0 : i32
    %c0_i32_0 = arith.constant 0 : i32
    %c0_i32_1 = arith.constant 0 : i32
    return %c0_i32, %c0_i32_0 : i32, i32
  }
  func.func @transform_7(%arg0: i32) -> (i32, i32) {
    %c0_i32 = arith.constant 0 : i32
    %c0_i32_0 = arith.constant 0 : i32
    %c0_i32_1 = arith.constant 0 : i32
    return %c0_i32, %c0_i32_0 : i32, i32
  }
  func.func @transform_8(%arg0: i32) -> (i32, i32) {
    %c0_i32 = arith.constant 0 : i32
    %c0_i32_0 = arith.constant 0 : i32
    return %arg0, %c0_i32 : i32, i32
  }
  func.func @transform_9(%arg0: i32) -> (i32, i32) {
    %c0_i32 = arith.constant 0 : i32
    %c0_i32_0 = arith.constant 0 : i32
    return %arg0, %c0_i32 : i32, i32
  }
}

module attributes {stable_mosaic.version = 14 : i64} {
  func.func @body(%arg0: i32, %arg1: memref<1280x256xf32, #tpu.memory_space<vmem>>, %arg2: memref<1280x256xf32, #tpu.memory_space<vmem>>, %arg3: memref<1280x256xf32, #tpu.memory_space<vmem>>, %arg4: memref<1x256xf32, #tpu.memory_space<vmem>>, %arg5: memref<256x16xf32, #tpu.memory_space<vmem>>, %arg6: memref<1x16xf32, #tpu.memory_space<vmem>>, %arg7: memref<16x256xf32, #tpu.memory_space<vmem>>, %arg8: memref<16x128xf32, #tpu.memory_space<vmem>>, %arg9: memref<1280x128xf32, #tpu.memory_space<vmem>>, %arg10: memref<1280x128xf32, #tpu.memory_space<vmem>>, %arg11: memref<1280x128xf32, #tpu.memory_space<vmem>>) attributes {dimension_semantics = [#tpu.dimension_semantics<arbitrary>], iteration_bounds = array<i64: 128>, scalar_prefetch = 0 : i64, scratch_operands = 0 : i64, tpu.core_type = #tpu.core_type<tc>, window_params = [{transform_indices = @transform_0, window_bounds = array<i64: 1280, 256>}, {transform_indices = @transform_1, window_bounds = array<i64: 1280, 256>}, {transform_indices = @transform_2, window_bounds = array<i64: 1280, 256>}, {pipeline_mode = #tpu.pipeline_mode<synchronous>, transform_indices = @transform_3, window_bounds = array<i64: 1, 256>}, {pipeline_mode = #tpu.pipeline_mode<synchronous>, transform_indices = @transform_4, window_bounds = array<i64: 256, 16>}, {pipeline_mode = #tpu.pipeline_mode<synchronous>, transform_indices = @transform_5, window_bounds = array<i64: 1, 16>}, {pipeline_mode = #tpu.pipeline_mode<synchronous>, transform_indices = @transform_6, window_bounds = array<i64: 16, 256>}, {pipeline_mode = #tpu.pipeline_mode<synchronous>, transform_indices = @transform_7, window_bounds = array<i64: 16, 128>}, {transform_indices = @transform_8, window_bounds = array<i64: 1280, 128>}, {transform_indices = @transform_9, window_bounds = array<i64: 1280, 128>}, {transform_indices = @transform_10, window_bounds = array<i64: 1280, 128>}]} {
    %get3A = arith.constant 0 : index
    %get3A_0 = arith.constant 0 : index
    %get3A_1 = vector.load %arg1[%get3A, %get3A_0] : memref<1280x256xf32, #tpu.memory_space<vmem>>, vector<1280x256xf32>
    %get3A_2 = arith.constant 0 : index
    %get3A_3 = arith.constant 0 : index
    %get3A_4 = vector.load %arg2[%get3A_2, %get3A_3] : memref<1280x256xf32, #tpu.memory_space<vmem>>, vector<1280x256xf32>
    %add3A = arith.addf %get3A_1, %get3A_4 : vector<1280x256xf32>
    %get3A_5 = arith.constant 0 : index
    %get3A_6 = arith.constant 0 : index
    %get3A_7 = vector.load %arg3[%get3A_5, %get3A_6] : memref<1280x256xf32, #tpu.memory_space<vmem>>, vector<1280x256xf32>
    %add3A_8 = arith.addf %add3A, %get3A_7 : vector<1280x256xf32>
    %ge3A = arith.constant 0.000000e+00 : f32
    %ge3A_9 = vector.broadcast %ge3A : f32 to vector<1280x256xf32>
    %ge3A_10 = arith.cmpf oge, %add3A_8, %ge3A_9 : vector<1280x256xf32>
    %mul3A = arith.constant 2.000000e-01 : f32
    %mul3A_11 = vector.broadcast %mul3A : f32 to vector<1280x256xf32>
    %mul3A_12 = arith.mulf %mul3A_11, %add3A_8 : vector<1280x256xf32>
    %select_n3A = arith.select %ge3A_10, %add3A_8, %mul3A_12 : vector<1280x256xi1>, vector<1280x256xf32>
    %get3A_13 = arith.constant 0 : index
    %get3A_14 = arith.constant 0 : index
    %get3A_15 = vector.load %arg4[%get3A_13, %get3A_14] : memref<1x256xf32, #tpu.memory_space<vmem>>, vector<1x256xf32>
    %mul3A_16 = vector.broadcast %get3A_15 : vector<1x256xf32> to vector<1280x256xf32>
    %mul3A_17 = arith.mulf %select_n3A, %mul3A_16 : vector<1280x256xf32>
    %get3A_18 = arith.constant 0 : index
    %get3A_19 = arith.constant 0 : index
    %get3A_20 = vector.load %arg5[%get3A_18, %get3A_19] : memref<256x16xf32, #tpu.memory_space<vmem>>, vector<256x16xf32>
    %dot_general3A = arith.constant dense<0.000000e+00> : vector<1280x16xf32>
    %dot_general3A_21 = tpu.matmul %mul3A_17, %get3A_20, %dot_general3A {dimension_numbers = #tpu.dot_dimension_numbers<[1], [0], [0], [1], [0, 0, 1, 1], [], []>, precision = #tpu.contract_precision<fp32>, transpose_lhs_hint = false} : vector<1280x256xf32>, vector<256x16xf32>, vector<1280x16xf32> -> vector<1280x16xf32>
    %exp3A = math.exp %dot_general3A_21 : vector<1280x16xf32>
    %get3A_22 = arith.constant 0 : index
    %get3A_23 = arith.constant 0 : index
    %get3A_24 = vector.load %arg6[%get3A_22, %get3A_23] : memref<1x16xf32, #tpu.memory_space<vmem>>, vector<1x16xf32>
    %mul3A_25 = vector.broadcast %get3A_24 : vector<1x16xf32> to vector<1280x16xf32>
    %mul3A_26 = arith.mulf %exp3A, %mul3A_25 : vector<1280x16xf32>
    %get3A_27 = arith.constant 0 : index
    %get3A_28 = arith.constant 0 : index
    %get3A_29 = vector.load %arg7[%get3A_27, %get3A_28] : memref<16x256xf32, #tpu.memory_space<vmem>>, vector<16x256xf32>
    %dot_general3A_30 = arith.constant dense<0.000000e+00> : vector<1280x256xf32>
    %dot_general3A_31 = tpu.matmul %mul3A_26, %get3A_29, %dot_general3A_30 {dimension_numbers = #tpu.dot_dimension_numbers<[1], [0], [0], [1], [0, 0, 1, 1], [], []>, precision = #tpu.contract_precision<fp32>, transpose_lhs_hint = false} : vector<1280x16xf32>, vector<16x256xf32>, vector<1280x256xf32> -> vector<1280x256xf32>
    %mul3A_32 = arith.mulf %get3A_1, %dot_general3A_31 : vector<1280x256xf32>
    %slice3A = vector.extract_strided_slice %mul3A_32 {offsets = [0, 0], sizes = [1280, 128], strides = [1, 1]} : vector<1280x256xf32> to vector<1280x128xf32>
    %swap3A = arith.constant 0 : index
    %swap3A_33 = arith.constant 0 : index
    %swap3A_34 = vector.load %arg9[%swap3A, %swap3A_33] : memref<1280x128xf32, #tpu.memory_space<vmem>>, vector<1280x128xf32>
    tpu.vector_store %arg9[%swap3A, %swap3A_33], %slice3A {strides = array<i32>} : memref<1280x128xf32, #tpu.memory_space<vmem>>, vector<1280x128xf32>,
    %slice3A_35 = vector.extract_strided_slice %mul3A_32 {offsets = [0, 128], sizes = [1280, 128], strides = [1, 1]} : vector<1280x256xf32> to vector<1280x128xf32>
    %swap3A_36 = arith.constant 0 : index
    %swap3A_37 = arith.constant 0 : index
    %swap3A_38 = vector.load %arg10[%swap3A_36, %swap3A_37] : memref<1280x128xf32, #tpu.memory_space<vmem>>, vector<1280x128xf32>
    tpu.vector_store %arg10[%swap3A_36, %swap3A_37], %slice3A_35 {strides = array<i32>} : memref<1280x128xf32, #tpu.memory_space<vmem>>, vector<1280x128xf32>,
    %get3A_39 = arith.constant 0 : index
    %get3A_40 = arith.constant 0 : index
    %get3A_41 = vector.load %arg8[%get3A_39, %get3A_40] : memref<16x128xf32, #tpu.memory_space<vmem>>, vector<16x128xf32>
    %dot_general3A_42 = arith.constant dense<0.000000e+00> : vector<1280x128xf32>
    %dot_general3A_43 = tpu.matmul %mul3A_26, %get3A_41, %dot_general3A_42 {dimension_numbers = #tpu.dot_dimension_numbers<[1], [0], [0], [1], [0, 0, 1, 1], [], []>, precision = #tpu.contract_precision<fp32>, transpose_lhs_hint = false} : vector<1280x16xf32>, vector<16x128xf32>, vector<1280x128xf32> -> vector<1280x128xf32>
    %swap3A_44 = arith.constant 0 : index
    %swap3A_45 = arith.constant 0 : index
    %swap3A_46 = vector.load %arg11[%swap3A_44, %swap3A_45] : memref<1280x128xf32, #tpu.memory_space<vmem>>, vector<1280x128xf32>
    tpu.vector_store %arg11[%swap3A_44, %swap3A_45], %dot_general3A_43 {strides = array<i32>} : memref<1280x128xf32, #tpu.memory_space<vmem>>, vector<1280x128xf32>,
    return
  }
  func.func @transform_0(%arg0: i32) -> (i32, i32) {
    %c0_i32 = arith.constant 0 : i32
    %c0_i32_0 = arith.constant 0 : i32
    return %arg0, %c0_i32 : i32, i32
  }
  func.func @transform_1(%arg0: i32) -> (i32, i32) {
    %c0_i32 = arith.constant 0 : i32
    %c0_i32_0 = arith.constant 0 : i32
    return %arg0, %c0_i32 : i32, i32
  }
  func.func @transform_2(%arg0: i32) -> (i32, i32) {
    %c0_i32 = arith.constant 0 : i32
    %c0_i32_0 = arith.constant 0 : i32
    return %arg0, %c0_i32 : i32, i32
  }
  func.func @transform_3(%arg0: i32) -> (i32, i32) {
    %c0_i32 = arith.constant 0 : i32
    %c0_i32_0 = arith.constant 0 : i32
    %c0_i32_1 = arith.constant 0 : i32
    return %c0_i32, %c0_i32_0 : i32, i32
  }
  func.func @transform_4(%arg0: i32) -> (i32, i32) {
    %c0_i32 = arith.constant 0 : i32
    %c0_i32_0 = arith.constant 0 : i32
    %c0_i32_1 = arith.constant 0 : i32
    return %c0_i32, %c0_i32_0 : i32, i32
  }
  func.func @transform_5(%arg0: i32) -> (i32, i32) {
    %c0_i32 = arith.constant 0 : i32
    %c0_i32_0 = arith.constant 0 : i32
    %c0_i32_1 = arith.constant 0 : i32
    return %c0_i32, %c0_i32_0 : i32, i32
  }
  func.func @transform_6(%arg0: i32) -> (i32, i32) {
    %c0_i32 = arith.constant 0 : i32
    %c0_i32_0 = arith.constant 0 : i32
    %c0_i32_1 = arith.constant 0 : i32
    return %c0_i32, %c0_i32_0 : i32, i32
  }
  func.func @transform_7(%arg0: i32) -> (i32, i32) {
    %c0_i32 = arith.constant 0 : i32
    %c0_i32_0 = arith.constant 0 : i32
    %c0_i32_1 = arith.constant 0 : i32
    return %c0_i32, %c0_i32_0 : i32, i32
  }
  func.func @transform_8(%arg0: i32) -> (i32, i32) {
    %c0_i32 = arith.constant 0 : i32
    %c0_i32_0 = arith.constant 0 : i32
    return %arg0, %c0_i32 : i32, i32
  }
  func.func @transform_9(%arg0: i32) -> (i32, i32) {
    %c0_i32 = arith.constant 0 : i32
    %c0_i32_0 = arith.constant 0 : i32
    return %arg0, %c0_i32 : i32, i32
  }
  func.func @transform_10(%arg0: i32) -> (i32, i32) {
    %c0_i32 = arith.constant 0 : i32
    %c0_i32_0 = arith.constant 0 : i32
    return %arg0, %c0_i32 : i32, i32
  }
}

module attributes {stable_mosaic.version = 14 : i64} {
  func.func @body(%arg0: i32, %arg1: memref<2x400x128xf32, #tpu.memory_space<vmem>>, %arg2: memref<2x400x128xf32, #tpu.memory_space<vmem>>, %arg3: memref<2x400x128xf32, #tpu.memory_space<vmem>>, %arg4: memref<128x16xf32, #tpu.memory_space<vmem>>, %arg5: memref<16x128xf32, #tpu.memory_space<vmem>>, %arg6: memref<16x128xf32, #tpu.memory_space<vmem>>, %arg7: memref<128x64xf32, #tpu.memory_space<vmem>>, %arg8: memref<128x64xf32, #tpu.memory_space<vmem>>, %arg9: memref<1x64xf32, #tpu.memory_space<vmem>>, %arg10: memref<64x128xf32, #tpu.memory_space<vmem>>, %arg11: memref<400x128xf32, #tpu.memory_space<vmem>>, %arg12: memref<1x128xf32, #tpu.memory_space<vmem>>) attributes {dimension_semantics = [#tpu.dimension_semantics<arbitrary>], iteration_bounds = array<i64: 25>, scalar_prefetch = 0 : i64, scratch_operands = 0 : i64, tpu.core_type = #tpu.core_type<tc>, window_params = [{transform_indices = @transform_0, window_bounds = array<i64: 2, 400, 128>}, {transform_indices = @transform_1, window_bounds = array<i64: 2, 400, 128>}, {transform_indices = @transform_2, window_bounds = array<i64: 2, 400, 128>}, {pipeline_mode = #tpu.pipeline_mode<synchronous>, transform_indices = @transform_3, window_bounds = array<i64: 128, 16>}, {pipeline_mode = #tpu.pipeline_mode<synchronous>, transform_indices = @transform_4, window_bounds = array<i64: 16, 128>}, {pipeline_mode = #tpu.pipeline_mode<synchronous>, transform_indices = @transform_5, window_bounds = array<i64: 16, 128>}, {pipeline_mode = #tpu.pipeline_mode<synchronous>, transform_indices = @transform_6, window_bounds = array<i64: 128, 64>}, {pipeline_mode = #tpu.pipeline_mode<synchronous>, transform_indices = @transform_7, window_bounds = array<i64: 128, 64>}, {pipeline_mode = #tpu.pipeline_mode<synchronous>, transform_indices = @transform_8, window_bounds = array<i64: 1, 64>}, {pipeline_mode = #tpu.pipeline_mode<synchronous>, transform_indices = @transform_9, window_bounds = array<i64: 64, 128>}, {transform_indices = @transform_10, window_bounds = array<i64: 400, 128>}, {pipeline_mode = #tpu.pipeline_mode<synchronous>, transform_indices = @transform_11, window_bounds = array<i64: 1, 128>}]} {
    %get3A = arith.constant 0 : index
    %get3A_0 = arith.constant 0 : index
    %get3A_1 = arith.constant 0 : index
    %get3A_2 = vector.load %arg1[%get3A, %get3A_0, %get3A_1] : memref<2x400x128xf32, #tpu.memory_space<vmem>>, vector<1x400x128xf32>
    %get3A_3 = vector.shape_cast %get3A_2 : vector<1x400x128xf32> to vector<400x128xf32>
    %get3A_4 = arith.constant 1 : index
    %get3A_5 = arith.constant 0 : index
    %get3A_6 = arith.constant 0 : index
    %get3A_7 = vector.load %arg1[%get3A_4, %get3A_5, %get3A_6] : memref<2x400x128xf32, #tpu.memory_space<vmem>>, vector<1x400x128xf32>
    %get3A_8 = vector.shape_cast %get3A_7 : vector<1x400x128xf32> to vector<400x128xf32>
    %add3A = arith.addf %get3A_3, %get3A_8 : vector<400x128xf32>
    %get3A_9 = arith.constant 0 : index
    %get3A_10 = arith.constant 0 : index
    %get3A_11 = arith.constant 0 : index
    %get3A_12 = vector.load %arg2[%get3A_9, %get3A_10, %get3A_11] : memref<2x400x128xf32, #tpu.memory_space<vmem>>, vector<1x400x128xf32>
    %get3A_13 = vector.shape_cast %get3A_12 : vector<1x400x128xf32> to vector<400x128xf32>
    %get3A_14 = arith.constant 1 : index
    %get3A_15 = arith.constant 0 : index
    %get3A_16 = arith.constant 0 : index
    %get3A_17 = vector.load %arg2[%get3A_14, %get3A_15, %get3A_16] : memref<2x400x128xf32, #tpu.memory_space<vmem>>, vector<1x400x128xf32>
    %get3A_18 = vector.shape_cast %get3A_17 : vector<1x400x128xf32> to vector<400x128xf32>
    %add3A_19 = arith.addf %get3A_13, %get3A_18 : vector<400x128xf32>
    %get3A_20 = arith.constant 0 : index
    %get3A_21 = arith.constant 0 : index
    %get3A_22 = arith.constant 0 : index
    %get3A_23 = vector.load %arg3[%get3A_20, %get3A_21, %get3A_22] : memref<2x400x128xf32, #tpu.memory_space<vmem>>, vector<1x400x128xf32>
    %get3A_24 = vector.shape_cast %get3A_23 : vector<1x400x128xf32> to vector<400x128xf32>
    %get3A_25 = arith.constant 1 : index
    %get3A_26 = arith.constant 0 : index
    %get3A_27 = arith.constant 0 : index
    %get3A_28 = vector.load %arg3[%get3A_25, %get3A_26, %get3A_27] : memref<2x400x128xf32, #tpu.memory_space<vmem>>, vector<1x400x128xf32>
    %get3A_29 = vector.shape_cast %get3A_28 : vector<1x400x128xf32> to vector<400x128xf32>
    %add3A_30 = arith.addf %get3A_24, %get3A_29 : vector<400x128xf32>
    %get3A_31 = arith.constant 0 : index
    %get3A_32 = arith.constant 0 : index
    %get3A_33 = vector.load %arg4[%get3A_31, %get3A_32] : memref<128x16xf32, #tpu.memory_space<vmem>>, vector<128x16xf32>
    %dot_general3A = arith.constant dense<0.000000e+00> : vector<400x16xf32>
    %dot_general3A_34 = tpu.matmul %add3A_30, %get3A_33, %dot_general3A {dimension_numbers = #tpu.dot_dimension_numbers<[1], [0], [0], [1], [0, 0, 1, 1], [], []>, precision = #tpu.contract_precision<fp32>, transpose_lhs_hint = false} : vector<400x128xf32>, vector<128x16xf32>, vector<400x16xf32> -> vector<400x16xf32>
    %get3A_35 = arith.constant 0 : index
    %get3A_36 = arith.constant 0 : index
    %get3A_37 = vector.load %arg5[%get3A_35, %get3A_36] : memref<16x128xf32, #tpu.memory_space<vmem>>, vector<16x128xf32>
    %dot_general3A_38 = arith.constant dense<0.000000e+00> : vector<400x128xf32>
    %dot_general3A_39 = tpu.matmul %dot_general3A_34, %get3A_37, %dot_general3A_38 {dimension_numbers = #tpu.dot_dimension_numbers<[1], [0], [0], [1], [0, 0, 1, 1], [], []>, precision = #tpu.contract_precision<fp32>, transpose_lhs_hint = false} : vector<400x16xf32>, vector<16x128xf32>, vector<400x128xf32> -> vector<400x128xf32>
    %add3A_40 = arith.constant 1.000000e-16 : f32
    %add3A_41 = vector.broadcast %add3A_40 : f32 to vector<400x128xf32>
    %add3A_42 = arith.addf %dot_general3A_39, %add3A_41 : vector<400x128xf32>
    %get3A_43 = arith.constant 0 : index
    %get3A_44 = arith.constant 0 : index
    %get3A_45 = vector.load %arg6[%get3A_43, %get3A_44] : memref<16x128xf32, #tpu.memory_space<vmem>>, vector<16x128xf32>
    %dot_general3A_46 = arith.constant dense<0.000000e+00> : vector<400x128xf32>
    %dot_general3A_47 = tpu.matmul %dot_general3A_34, %get3A_45, %dot_general3A_46 {dimension_numbers = #tpu.dot_dimension_numbers<[1], [0], [0], [1], [0, 0, 1, 1], [], []>, precision = #tpu.contract_precision<fp32>, transpose_lhs_hint = false} : vector<400x16xf32>, vector<16x128xf32>, vector<400x128xf32> -> vector<400x128xf32>
    %add3A_48 = arith.constant 1.000000e-16 : f32
    %add3A_49 = vector.broadcast %add3A_48 : f32 to vector<400x128xf32>
    %add3A_50 = arith.addf %dot_general3A_47, %add3A_49 : vector<400x128xf32>
    %div3A = arith.divf %add3A, %add3A_42 : vector<400x128xf32>
    %get3A_51 = arith.constant 0 : index
    %get3A_52 = arith.constant 0 : index
    %get3A_53 = vector.load %arg7[%get3A_51, %get3A_52] : memref<128x64xf32, #tpu.memory_space<vmem>>, vector<128x64xf32>
    %dot_general3A_54 = arith.constant dense<0.000000e+00> : vector<400x64xf32>
    %dot_general3A_55 = tpu.matmul %div3A, %get3A_53, %dot_general3A_54 {dimension_numbers = #tpu.dot_dimension_numbers<[1], [0], [0], [1], [0, 0, 1, 1], [], []>, precision = #tpu.contract_precision<fp32>, transpose_lhs_hint = false} : vector<400x128xf32>, vector<128x64xf32>, vector<400x64xf32> -> vector<400x64xf32>
    %div3A_56 = arith.divf %add3A_19, %add3A_50 : vector<400x128xf32>
    %get3A_57 = arith.constant 0 : index
    %get3A_58 = arith.constant 0 : index
    %get3A_59 = vector.load %arg8[%get3A_57, %get3A_58] : memref<128x64xf32, #tpu.memory_space<vmem>>, vector<128x64xf32>
    %dot_general3A_60 = arith.constant dense<0.000000e+00> : vector<400x64xf32>
    %dot_general3A_61 = tpu.matmul %div3A_56, %get3A_59, %dot_general3A_60 {dimension_numbers = #tpu.dot_dimension_numbers<[1], [0], [0], [1], [0, 0, 1, 1], [], []>, precision = #tpu.contract_precision<fp32>, transpose_lhs_hint = false} : vector<400x128xf32>, vector<128x64xf32>, vector<400x64xf32> -> vector<400x64xf32>
    %add3A_62 = arith.addf %dot_general3A_55, %dot_general3A_61 : vector<400x64xf32>
    %get3A_63 = arith.constant 0 : index
    %get3A_64 = arith.constant 0 : index
    %get3A_65 = vector.load %arg9[%get3A_63, %get3A_64] : memref<1x64xf32, #tpu.memory_space<vmem>>, vector<1x64xf32>
    %add3A_66 = vector.broadcast %get3A_65 : vector<1x64xf32> to vector<400x64xf32>
    %add3A_67 = arith.addf %add3A_62, %add3A_66 : vector<400x64xf32>
    %gt3A = arith.constant 0.000000e+00 : f32
    %gt3A_68 = vector.broadcast %gt3A : f32 to vector<400x64xf32>
    %gt3A_69 = arith.cmpf ogt, %add3A_67, %gt3A_68 : vector<400x64xf32>
    %min3A = arith.constant 0.000000e+00 : f32
    %min3A_70 = vector.broadcast %min3A : f32 to vector<400x64xf32>
    %min3A_71 = arith.minimumf %add3A_67, %min3A_70 : vector<400x64xf32>
    %exp3A = math.exp %min3A_71 : vector<400x64xf32>
    %sub3A = arith.constant 1.000000e+00 : f32
    %sub3A_72 = vector.broadcast %sub3A : f32 to vector<400x64xf32>
    %sub3A_73 = arith.subf %exp3A, %sub3A_72 : vector<400x64xf32>
    %select_n3A = arith.select %gt3A_69, %add3A_67, %sub3A_73 : vector<400x64xi1>, vector<400x64xf32>
    %get3A_74 = arith.constant 0 : index
    %get3A_75 = arith.constant 0 : index
    %get3A_76 = vector.load %arg10[%get3A_74, %get3A_75] : memref<64x128xf32, #tpu.memory_space<vmem>>, vector<64x128xf32>
    %dot_general3A_77 = arith.constant dense<0.000000e+00> : vector<400x128xf32>
    %dot_general3A_78 = tpu.matmul %select_n3A, %get3A_76, %dot_general3A_77 {dimension_numbers = #tpu.dot_dimension_numbers<[1], [0], [0], [1], [0, 0, 1, 1], [], []>, precision = #tpu.contract_precision<fp32>, transpose_lhs_hint = false} : vector<400x64xf32>, vector<64x128xf32>, vector<400x128xf32> -> vector<400x128xf32>
    %swap3A = arith.constant 0 : index
    %swap3A_79 = arith.constant 0 : index
    %swap3A_80 = vector.load %arg11[%swap3A, %swap3A_79] : memref<400x128xf32, #tpu.memory_space<vmem>>, vector<400x128xf32>
    tpu.vector_store %arg11[%swap3A, %swap3A_79], %dot_general3A_78 {strides = array<i32>} : memref<400x128xf32, #tpu.memory_space<vmem>>, vector<400x128xf32>,
    %eq3A = arith.constant 0 : i32
    %eq3A_81 = arith.cmpi eq, %arg0, %eq3A : i32
    %convert_element_type3A = arith.extui %eq3A_81 : i1 to i32
    %cond3A = arith.constant 0 : i32
    %cond3A_82 = arith.cmpi ne, %convert_element_type3A, %cond3A : i32
    scf.if %cond3A_82 {
      %broadcast_in_dim3A_91 = arith.constant 0.000000e+00 : f32
      %broadcast_in_dim3A_92 = vector.broadcast %broadcast_in_dim3A_91 : f32 to vector<1x128xf32>
      %swap3A_93 = arith.constant 0 : index
      %swap3A_94 = arith.constant 0 : index
      %swap3A_95 = vector.load %arg12[%swap3A_93, %swap3A_94] : memref<1x128xf32, #tpu.memory_space<vmem>>, vector<1x128xf32>
      tpu.vector_store %arg12[%swap3A_93, %swap3A_94], %broadcast_in_dim3A_92 {strides = array<i32>} : memref<1x128xf32, #tpu.memory_space<vmem>>, vector<1x128xf32>,
    } else {
    }
    %get3A_83 = arith.constant 0 : index
    %get3A_84 = arith.constant 0 : index
    %get3A_85 = vector.load %arg12[%get3A_83, %get3A_84] : memref<1x128xf32, #tpu.memory_space<vmem>>, vector<1x128xf32>
    %reduce_sum3A = arith.constant dense<0.000000e+00> : vector<128xf32>
    %reduce_sum3A_86 = vector.multi_reduction <add>, %dot_general3A_78, %reduce_sum3A [0] : vector<400x128xf32> to vector<128xf32>
    %broadcast_in_dim3A = vector.shape_cast %reduce_sum3A_86 : vector<128xf32> to vector<1x128xf32>
    %add3A_87 = arith.addf %get3A_85, %broadcast_in_dim3A : vector<1x128xf32>
    %swap3A_88 = arith.constant 0 : index
    %swap3A_89 = arith.constant 0 : index
    %swap3A_90 = vector.load %arg12[%swap3A_88, %swap3A_89] : memref<1x128xf32, #tpu.memory_space<vmem>>, vector<1x128xf32>
    tpu.vector_store %arg12[%swap3A_88, %swap3A_89], %add3A_87 {strides = array<i32>} : memref<1x128xf32, #tpu.memory_space<vmem>>, vector<1x128xf32>,
    return
  }
  func.func @transform_0(%arg0: i32) -> (i32, i32, i32) {
    %c0_i32 = arith.constant 0 : i32
    %c0_i32_0 = arith.constant 0 : i32
    %c0_i32_1 = arith.constant 0 : i32
    return %c0_i32, %arg0, %c0_i32_0 : i32, i32, i32
  }
  func.func @transform_1(%arg0: i32) -> (i32, i32, i32) {
    %c0_i32 = arith.constant 0 : i32
    %c0_i32_0 = arith.constant 0 : i32
    %c0_i32_1 = arith.constant 0 : i32
    return %c0_i32, %arg0, %c0_i32_0 : i32, i32, i32
  }
  func.func @transform_2(%arg0: i32) -> (i32, i32, i32) {
    %c0_i32 = arith.constant 0 : i32
    %c0_i32_0 = arith.constant 0 : i32
    %c0_i32_1 = arith.constant 0 : i32
    return %c0_i32, %arg0, %c0_i32_0 : i32, i32, i32
  }
  func.func @transform_3(%arg0: i32) -> (i32, i32) {
    %c0_i32 = arith.constant 0 : i32
    %c0_i32_0 = arith.constant 0 : i32
    %c0_i32_1 = arith.constant 0 : i32
    return %c0_i32, %c0_i32_0 : i32, i32
  }
  func.func @transform_4(%arg0: i32) -> (i32, i32) {
    %c0_i32 = arith.constant 0 : i32
    %c0_i32_0 = arith.constant 0 : i32
    %c0_i32_1 = arith.constant 0 : i32
    return %c0_i32, %c0_i32_0 : i32, i32
  }
  func.func @transform_5(%arg0: i32) -> (i32, i32) {
    %c0_i32 = arith.constant 0 : i32
    %c0_i32_0 = arith.constant 0 : i32
    %c0_i32_1 = arith.constant 0 : i32
    return %c0_i32, %c0_i32_0 : i32, i32
  }
  func.func @transform_6(%arg0: i32) -> (i32, i32) {
    %c0_i32 = arith.constant 0 : i32
    %c0_i32_0 = arith.constant 0 : i32
    %c0_i32_1 = arith.constant 0 : i32
    return %c0_i32, %c0_i32_0 : i32, i32
  }
  func.func @transform_7(%arg0: i32) -> (i32, i32) {
    %c0_i32 = arith.constant 0 : i32
    %c0_i32_0 = arith.constant 0 : i32
    %c0_i32_1 = arith.constant 0 : i32
    return %c0_i32, %c0_i32_0 : i32, i32
  }
  func.func @transform_8(%arg0: i32) -> (i32, i32) {
    %c0_i32 = arith.constant 0 : i32
    %c0_i32_0 = arith.constant 0 : i32
    %c0_i32_1 = arith.constant 0 : i32
    return %c0_i32, %c0_i32_0 : i32, i32
  }
  func.func @transform_9(%arg0: i32) -> (i32, i32) {
    %c0_i32 = arith.constant 0 : i32
    %c0_i32_0 = arith.constant 0 : i32
    %c0_i32_1 = arith.constant 0 : i32
    return %c0_i32, %c0_i32_0 : i32, i32
  }
  func.func @transform_10(%arg0: i32) -> (i32, i32) {
    %c0_i32 = arith.constant 0 : i32
    %c0_i32_0 = arith.constant 0 : i32
    return %arg0, %c0_i32 : i32, i32
  }
  func.func @transform_11(%arg0: i32) -> (i32, i32) {
    %c0_i32 = arith.constant 0 : i32
    %c0_i32_0 = arith.constant 0 : i32
    %c0_i32_1 = arith.constant 0 : i32
    return %c0_i32, %c0_i32_0 : i32, i32
  }
}

module attributes {stable_mosaic.version = 14 : i64} {
  func.func @body(%arg0: memref<1x128xf32, #tpu.memory_space<vmem>>, %arg1: memref<128x32xf32, #tpu.memory_space<vmem>>, %arg2: memref<1x32xf32, #tpu.memory_space<vmem>>, %arg3: memref<32x1xf32, #tpu.memory_space<vmem>>, %arg4: memref<1x1xf32, #tpu.memory_space<vmem>>, %arg5: memref<1x1xf32, #tpu.memory_space<vmem>>) attributes {dimension_semantics = [], scalar_prefetch = 0 : i64, scratch_operands = 0 : i64, tpu.core_type = #tpu.core_type<tc>} {
    %get3A = arith.constant 0 : index
    %get3A_0 = arith.constant 0 : index
    %get3A_1 = vector.load %arg0[%get3A, %get3A_0] : memref<1x128xf32, #tpu.memory_space<vmem>>, vector<1x128xf32>
    %mul3A = arith.constant 9.99999974E-5 : f32
    %mul3A_2 = vector.broadcast %mul3A : f32 to vector<1x128xf32>
    %mul3A_3 = arith.mulf %get3A_1, %mul3A_2 : vector<1x128xf32>
    %get3A_4 = arith.constant 0 : index
    %get3A_5 = arith.constant 0 : index
    %get3A_6 = vector.load %arg1[%get3A_4, %get3A_5] : memref<128x32xf32, #tpu.memory_space<vmem>>, vector<128x32xf32>
    %dot_general3A = arith.constant dense<0.000000e+00> : vector<1x32xf32>
    %dot_general3A_7 = tpu.matmul %mul3A_3, %get3A_6, %dot_general3A {dimension_numbers = #tpu.dot_dimension_numbers<[1], [0], [0], [1], [0, 0, 1, 1], [], []>, precision = #tpu.contract_precision<fp32>, transpose_lhs_hint = false} : vector<1x128xf32>, vector<128x32xf32>, vector<1x32xf32> -> vector<1x32xf32>
    %get3A_8 = arith.constant 0 : index
    %get3A_9 = arith.constant 0 : index
    %get3A_10 = vector.load %arg2[%get3A_8, %get3A_9] : memref<1x32xf32, #tpu.memory_space<vmem>>, vector<1x32xf32>
    %add3A = arith.addf %dot_general3A_7, %get3A_10 : vector<1x32xf32>
    %max3A = arith.constant 0.000000e+00 : f32
    %max3A_11 = vector.broadcast %max3A : f32 to vector<1x32xf32>
    %max3A_12 = arith.maximumf %add3A, %max3A_11 : vector<1x32xf32>
    %get3A_13 = arith.constant 0 : index
    %get3A_14 = arith.constant 0 : index
    %get3A_15 = vector.load %arg3[%get3A_13, %get3A_14] : memref<32x1xf32, #tpu.memory_space<vmem>>, vector<32x1xf32>
    %dot_general3A_16 = arith.constant dense<0.000000e+00> : vector<1x1xf32>
    %dot_general3A_17 = tpu.matmul %max3A_12, %get3A_15, %dot_general3A_16 {dimension_numbers = #tpu.dot_dimension_numbers<[1], [0], [0], [1], [0, 0, 1, 1], [], []>, precision = #tpu.contract_precision<fp32>, transpose_lhs_hint = false} : vector<1x32xf32>, vector<32x1xf32>, vector<1x1xf32> -> vector<1x1xf32>
    %get3A_18 = arith.constant 0 : index
    %get3A_19 = arith.constant 0 : index
    %get3A_20 = vector.load %arg4[%get3A_18, %get3A_19] : memref<1x1xf32, #tpu.memory_space<vmem>>, vector<1x1xf32>
    %add3A_21 = arith.addf %dot_general3A_17, %get3A_20 : vector<1x1xf32>
    %tanh3A = math.tanh %add3A_21 : vector<1x1xf32>
    %swap3A = arith.constant 0 : index
    %swap3A_22 = arith.constant 0 : index
    %swap3A_23 = vector.load %arg5[%swap3A, %swap3A_22] : memref<1x1xf32, #tpu.memory_space<vmem>>, vector<1x1xf32>
    tpu.vector_store %arg5[%swap3A, %swap3A_22], %tanh3A {strides = array<i32>} : memref<1x1xf32, #tpu.memory_space<vmem>>, vector<1x1xf32>,
    return
  }
}

module attributes {stable_mosaic.version = 14 : i64} {
  func.func @body(%arg0: i32, %arg1: memref<1024x128xf32, #tpu.memory_space<vmem>>, %arg2: memref<1024x128xf32, #tpu.memory_space<vmem>>, %arg3: memref<128x64xf32, #tpu.memory_space<vmem>>, %arg4: memref<128x64xf32, #tpu.memory_space<vmem>>, %arg5: memref<1x64xf32, #tpu.memory_space<vmem>>, %arg6: memref<64x32xf32, #tpu.memory_space<vmem>>, %arg7: memref<1x32xf32, #tpu.memory_space<vmem>>, %arg8: memref<32x1xf32, #tpu.memory_space<vmem>>, %arg9: memref<1x1xf32, #tpu.memory_space<vmem>>, %arg10: memref<1024x1xf32, #tpu.memory_space<vmem>>) attributes {dimension_semantics = [#tpu.dimension_semantics<arbitrary>], iteration_bounds = array<i64: 52>, scalar_prefetch = 0 : i64, scratch_operands = 0 : i64, tpu.core_type = #tpu.core_type<tc>, window_params = [{transform_indices = @transform_0, window_bounds = array<i64: 1024, 128>}, {transform_indices = @transform_1, window_bounds = array<i64: 1024, 128>}, {pipeline_mode = #tpu.pipeline_mode<synchronous>, transform_indices = @transform_2, window_bounds = array<i64: 128, 64>}, {pipeline_mode = #tpu.pipeline_mode<synchronous>, transform_indices = @transform_3, window_bounds = array<i64: 128, 64>}, {pipeline_mode = #tpu.pipeline_mode<synchronous>, transform_indices = @transform_4, window_bounds = array<i64: 1, 64>}, {pipeline_mode = #tpu.pipeline_mode<synchronous>, transform_indices = @transform_5, window_bounds = array<i64: 64, 32>}, {pipeline_mode = #tpu.pipeline_mode<synchronous>, transform_indices = @transform_6, window_bounds = array<i64: 1, 32>}, {pipeline_mode = #tpu.pipeline_mode<synchronous>, transform_indices = @transform_7, window_bounds = array<i64: 32, 1>}, {pipeline_mode = #tpu.pipeline_mode<synchronous>, transform_indices = @transform_8, window_bounds = array<i64: 1, 1>}, {transform_indices = @transform_9, window_bounds = array<i64: 1024, 1>}]} {
    %get3A = arith.constant 0 : index
    %get3A_0 = arith.constant 0 : index
    %get3A_1 = vector.load %arg1[%get3A, %get3A_0] : memref<1024x128xf32, #tpu.memory_space<vmem>>, vector<1024x128xf32>
    %get3A_2 = arith.constant 0 : index
    %get3A_3 = arith.constant 0 : index
    %get3A_4 = vector.load %arg3[%get3A_2, %get3A_3] : memref<128x64xf32, #tpu.memory_space<vmem>>, vector<128x64xf32>
    %dot_general3A = arith.constant dense<0.000000e+00> : vector<1024x64xf32>
    %dot_general3A_5 = tpu.matmul %get3A_1, %get3A_4, %dot_general3A {dimension_numbers = #tpu.dot_dimension_numbers<[1], [0], [0], [1], [0, 0, 1, 1], [], []>, precision = #tpu.contract_precision<fp32>, transpose_lhs_hint = false} : vector<1024x128xf32>, vector<128x64xf32>, vector<1024x64xf32> -> vector<1024x64xf32>
    %get3A_6 = arith.constant 0 : index
    %get3A_7 = arith.constant 0 : index
    %get3A_8 = vector.load %arg2[%get3A_6, %get3A_7] : memref<1024x128xf32, #tpu.memory_space<vmem>>, vector<1024x128xf32>
    %get3A_9 = arith.constant 0 : index
    %get3A_10 = arith.constant 0 : index
    %get3A_11 = vector.load %arg4[%get3A_9, %get3A_10] : memref<128x64xf32, #tpu.memory_space<vmem>>, vector<128x64xf32>
    %dot_general3A_12 = arith.constant dense<0.000000e+00> : vector<1024x64xf32>
    %dot_general3A_13 = tpu.matmul %get3A_8, %get3A_11, %dot_general3A_12 {dimension_numbers = #tpu.dot_dimension_numbers<[1], [0], [0], [1], [0, 0, 1, 1], [], []>, precision = #tpu.contract_precision<fp32>, transpose_lhs_hint = false} : vector<1024x128xf32>, vector<128x64xf32>, vector<1024x64xf32> -> vector<1024x64xf32>
    %add3A = arith.addf %dot_general3A_5, %dot_general3A_13 : vector<1024x64xf32>
    %get3A_14 = arith.constant 0 : index
    %get3A_15 = arith.constant 0 : index
    %get3A_16 = vector.load %arg5[%get3A_14, %get3A_15] : memref<1x64xf32, #tpu.memory_space<vmem>>, vector<1x64xf32>
    %add3A_17 = vector.broadcast %get3A_16 : vector<1x64xf32> to vector<1024x64xf32>
    %add3A_18 = arith.addf %add3A, %add3A_17 : vector<1024x64xf32>
    %max3A = arith.constant 0.000000e+00 : f32
    %max3A_19 = vector.broadcast %max3A : f32 to vector<1024x64xf32>
    %max3A_20 = arith.maximumf %add3A_18, %max3A_19 : vector<1024x64xf32>
    %get3A_21 = arith.constant 0 : index
    %get3A_22 = arith.constant 0 : index
    %get3A_23 = vector.load %arg6[%get3A_21, %get3A_22] : memref<64x32xf32, #tpu.memory_space<vmem>>, vector<64x32xf32>
    %dot_general3A_24 = arith.constant dense<0.000000e+00> : vector<1024x32xf32>
    %dot_general3A_25 = tpu.matmul %max3A_20, %get3A_23, %dot_general3A_24 {dimension_numbers = #tpu.dot_dimension_numbers<[1], [0], [0], [1], [0, 0, 1, 1], [], []>, precision = #tpu.contract_precision<fp32>, transpose_lhs_hint = false} : vector<1024x64xf32>, vector<64x32xf32>, vector<1024x32xf32> -> vector<1024x32xf32>
    %get3A_26 = arith.constant 0 : index
    %get3A_27 = arith.constant 0 : index
    %get3A_28 = vector.load %arg7[%get3A_26, %get3A_27] : memref<1x32xf32, #tpu.memory_space<vmem>>, vector<1x32xf32>
    %add3A_29 = vector.broadcast %get3A_28 : vector<1x32xf32> to vector<1024x32xf32>
    %add3A_30 = arith.addf %dot_general3A_25, %add3A_29 : vector<1024x32xf32>
    %max3A_31 = arith.constant 0.000000e+00 : f32
    %max3A_32 = vector.broadcast %max3A_31 : f32 to vector<1024x32xf32>
    %max3A_33 = arith.maximumf %add3A_30, %max3A_32 : vector<1024x32xf32>
    %get3A_34 = arith.constant 0 : index
    %get3A_35 = arith.constant 0 : index
    %get3A_36 = vector.load %arg8[%get3A_34, %get3A_35] : memref<32x1xf32, #tpu.memory_space<vmem>>, vector<32x1xf32>
    %dot_general3A_37 = arith.constant dense<0.000000e+00> : vector<1024x1xf32>
    %dot_general3A_38 = tpu.matmul %max3A_33, %get3A_36, %dot_general3A_37 {dimension_numbers = #tpu.dot_dimension_numbers<[1], [0], [0], [1], [0, 0, 1, 1], [], []>, precision = #tpu.contract_precision<fp32>, transpose_lhs_hint = false} : vector<1024x32xf32>, vector<32x1xf32>, vector<1024x1xf32> -> vector<1024x1xf32>
    %get3A_39 = arith.constant 0 : index
    %get3A_40 = arith.constant 0 : index
    %get3A_41 = vector.load %arg9[%get3A_39, %get3A_40] : memref<1x1xf32, #tpu.memory_space<vmem>>, vector<1x1xf32>
    %add3A_42 = vector.broadcast %get3A_41 : vector<1x1xf32> to vector<1024x1xf32>
    %add3A_43 = arith.addf %dot_general3A_38, %add3A_42 : vector<1024x1xf32>
    %swap3A = arith.constant 0 : index
    %swap3A_44 = arith.constant 0 : index
    %swap3A_45 = vector.load %arg10[%swap3A, %swap3A_44] : memref<1024x1xf32, #tpu.memory_space<vmem>>, vector<1024x1xf32>
    tpu.vector_store %arg10[%swap3A, %swap3A_44], %add3A_43 {strides = array<i32>} : memref<1024x1xf32, #tpu.memory_space<vmem>>, vector<1024x1xf32>,
    return
  }
  func.func @transform_0(%arg0: i32) -> (i32, i32) {
    %c0_i32 = arith.constant 0 : i32
    %c0_i32_0 = arith.constant 0 : i32
    return %arg0, %c0_i32 : i32, i32
  }
  func.func @transform_1(%arg0: i32) -> (i32, i32) {
    %c0_i32 = arith.constant 0 : i32
    %c0_i32_0 = arith.constant 0 : i32
    return %arg0, %c0_i32 : i32, i32
  }
  func.func @transform_2(%arg0: i32) -> (i32, i32) {
    %c0_i32 = arith.constant 0 : i32
    %c0_i32_0 = arith.constant 0 : i32
    %c0_i32_1 = arith.constant 0 : i32
    return %c0_i32, %c0_i32_0 : i32, i32
  }
  func.func @transform_3(%arg0: i32) -> (i32, i32) {
    %c0_i32 = arith.constant 0 : i32
    %c0_i32_0 = arith.constant 0 : i32
    %c0_i32_1 = arith.constant 0 : i32
    return %c0_i32, %c0_i32_0 : i32, i32
  }
  func.func @transform_4(%arg0: i32) -> (i32, i32) {
    %c0_i32 = arith.constant 0 : i32
    %c0_i32_0 = arith.constant 0 : i32
    %c0_i32_1 = arith.constant 0 : i32
    return %c0_i32, %c0_i32_0 : i32, i32
  }
  func.func @transform_5(%arg0: i32) -> (i32, i32) {
    %c0_i32 = arith.constant 0 : i32
    %c0_i32_0 = arith.constant 0 : i32
    %c0_i32_1 = arith.constant 0 : i32
    return %c0_i32, %c0_i32_0 : i32, i32
  }
  func.func @transform_6(%arg0: i32) -> (i32, i32) {
    %c0_i32 = arith.constant 0 : i32
    %c0_i32_0 = arith.constant 0 : i32
    %c0_i32_1 = arith.constant 0 : i32
    return %c0_i32, %c0_i32_0 : i32, i32
  }
  func.func @transform_7(%arg0: i32) -> (i32, i32) {
    %c0_i32 = arith.constant 0 : i32
    %c0_i32_0 = arith.constant 0 : i32
    %c0_i32_1 = arith.constant 0 : i32
    return %c0_i32, %c0_i32_0 : i32, i32
  }
  func.func @transform_8(%arg0: i32) -> (i32, i32) {
    %c0_i32 = arith.constant 0 : i32
    %c0_i32_0 = arith.constant 0 : i32
    %c0_i32_1 = arith.constant 0 : i32
    return %c0_i32, %c0_i32_0 : i32, i32
  }
  func.func @transform_9(%arg0: i32) -> (i32, i32) {
    %c0_i32 = arith.constant 0 : i32
    %c0_i32_0 = arith.constant 0 : i32
    return %arg0, %c0_i32 : i32, i32
  }
}

</mosaic_0001>

<sc_bundles>
// kernel: kernel.19.cloned.1.call-start
scs
__scs_entry_jumppad:
0x0: {  	(pc) =	sbr.rel $0x88, $3  }
0x1: {  	(tag) =	ssettag $0x0;
	lr =	simm.s32 $0x1  }
0x2: {  	[smem:$0x3F7E] =	sst lr;
	_ =	strace $0xD0000000  }
0x3: {  	_ = 	snop  }
0x4: {  	_ = 	snop  }
0x5: {  	_ = 	snop  }
0x6: {  	_ = 	snop  }
0x7: {  	_ = 	snop  }
__scs_overlays_trampoline_lowered:
0x8: {  	[smem:$0x3F8D] =	sst s0  }
0x9: {  	[smem:$0x3F8E] =	sst s1  }
0xa: {  	[smem:$0x3F8F] =	sst s2  }
0xb: {  	[smem:$0x3F90] =	sst s3  }
0xc: {  	[smem:$0x3F91] =	sst s4  }
0xd: {  	[smem:$0x3F92] =	sst s5  }
0xe: {  	[smem:$0x3F93] =	sst s6  }
0xf: {  	[smem:$0x3F94] =	sst s7  }
0x10: {  	[smem:$0x3F95] =	sst s8  }
0x11: {  	[smem:$0x3F96] =	sst s9;
	s0 =	simm.s32 @!p0 $0x0  }
0x12: {  	s1 =	sld [smem:$0x3F7C];
	s0 =	simm.s32 @p0 $0x1  }
0x13: {  	[smem:$0x3F97] =	sst s0;
	s0 =	simm.s32 @!p1 $0x0  }
0x14: {  	s2 =	sld [smem:$0x3F7B];
	s0 =	simm.s32 @p1 $0x1  }
0x15: {  	[smem:$0x3F98] =	sst s0;
	s0 =	simm.s32 @!p2 $0x0  }
0x16: {  	s3 =	sld [smem:$0x3FDB];
	s0 =	simm.s32 @p2 $0x1  }
0x17: {  	s4 =	simm.s32 $0x1BF5;
	[smem:$0x3F9A] =	sst s0  }
0x18: {  	s0 =	sld [smem:$0x3F7D];
	_ =	swait.ge [sflag:s4], $0x0  }
0x19: {  	s7 =	sld [smem:$0x3F7E]  }
0x1a: {  	s8 =	sadd.s32 $0xFFFFE003, lr  }
0x1b: {  	s9 =	sadd.s32 $0xFFFFFEF7, lr;
	s5 =	simm.s32 $0xFFFFFFFF;
	p2 =	slt.u32 s8, $0xFFFFF086  }
0x1c: {  	p1 =	slt.u32 s9, $0xF7A;
	s5 =	simm.s32 @!p2 $0x0  }
0x1d: {  	s5 =	simm.s32 @p1 $0x1;
	p0 =	seq.s32 s7, s2  }
0x1e: {  	s7 =	smul.u32 @!p0 $0xF7A, s2;
	p2 =	seq.s32 @!p0 s5, $0x0  }
0x1f: {  	s9 =	smul.u32 $0xF7A, s1;
	s8 =	simm.s32 @!p0 $0x1BF5;
	p2 =	por !p2, p0  }
0x20: {  	[sflag:s8] =	ssyncset.s32 @!p0 $0xFFFFF086;
	s6 =	sadd.s32 @!p0 s3, s7;
	s7 =	simm.s32 @!p0 $0x108  }
0x21: {  	s3 =	sadd.s32 s3, s9;
	s6 =	sadd.s32 @!p0 $0x88, s6;
	s7 =	simm.s32 @p2 $0x1082  }
0x22: {  	[simem:s7], [sflag:s8] =	dma.local @!p0 [hbm:s6], $0xF7A  }
0x23: {  	s9 =	sor.u32 $0xD0000000, s2;
	s6 =	simm.s32 $0x108;
	_ =	swait.ge @!p0 [sflag:s8], $0x0  }
0x24: {  	s3 =	sadd.s32 $0x88, s3;
	s6 =	simm.s32 @!p1 $0x1082;
	[sflag:s4] =	ssyncset.s32 $0xFFFFF086  }
0x25: {  	[simem:s6], [sflag:s4] =	dma.local [hbm:s3], $0xF7A  }
0x26: {  	[smem:$0x3F7E] =	sst s1;
	(tag) =	ssettag s2;
	_ =	strace s9  }
0x27: {  	s1 =	sld [smem:$0x3F8E]  }
0x28: {  	s2 =	sld [smem:$0x3F8F]  }
0x29: {  	s4 =	sld [smem:$0x3F91]  }
0x2a: {  	p0 =	seq.s32 s5, $0x0;
	s5 =	sld [smem:$0x3F92]  }
0x2b: {  	s6 =	sld [smem:$0x3F93]  }
0x2c: {  	s7 =	sld [smem:$0x3F94]  }
0x2d: {  	s3 =	simm.s32 $0x108;
	s8 =	sld [smem:$0x3F95]  }
0x2e: {  	s3 =	simm.s32 @!p0 $0x1082;
	s9 =	sld [smem:$0x3F96]  }
0x2f: {  	lr =	sadd.s32 s0, s3;
	s0 =	sld [smem:$0x3F8D]  }
0x30: {  	s3 =	sld [smem:$0x3F90]  }
0x31: {  	[smem:$0x3F99] =	sst s10  }
0x32: {  	s10 =	sld [smem:$0x3F97];
	_ =	sdelay $0x3  }
0x33: {  	p0 =	seq.s32 s10, $0x1;
	s10 =	sld [smem:$0x3F99];
	_ =	sdelay $0x3  }
0x34: {  	[smem:$0x3F99] =	sst s10  }
0x35: {  	s10 =	sld [smem:$0x3F98];
	_ =	sdelay $0x3  }
0x36: {  	p1 =	seq.s32 s10, $0x1;
	s10 =	sld [smem:$0x3F99];
	_ =	sdelay $0x3  }
0x37: {  	[smem:$0x3F99] =	sst s10  }
0x38: {  	s10 =	sld [smem:$0x3F9A]  }
0x39: {  	_ = 	snop;
	(pc) =	sbr.ind lr, $3  }
0x3a: {  	_ = 	snop  }
0x3b: {  	_ = 	snop  }
0x3c: {  	p2 =	seq.s32 s10, $0x1;
	s10 =	sld [smem:$0x3F99]  }
0x3d: {  	_ =	shalt  }
0x3e: {  	_ =	shalt  }
0x3f: {  	_ =	shalt  }
0x40: {  	_ =	shalt  }
0x41: {  	_ =	shalt  }
0x42: {  	_ =	shalt  }
0x43: {  	_ =	shalt  }
0x44: {  	_ =	shalt  }
0x45: {  	_ =	shalt  }
0x46: {  	_ =	shalt  }
0x47: {  	_ =	shalt  }
0x48: {  	_ =	shalt  }
0x49: {  	_ =	shalt  }
0x4a: {  	_ =	shalt  }
0x4b: {  	_ =	shalt  }
0x4c: {  	_ =	shalt  }
0x4d: {  	_ =	shalt  }
0x4e: {  	_ =	shalt  }
0x4f: {  	_ =	shalt  }
0x50: {  	_ =	shalt  }
0x51: {  	_ =	shalt  }
0x52: {  	_ =	shalt  }
0x53: {  	_ =	shalt  }
0x54: {  	_ =	shalt  }
0x55: {  	_ =	shalt  }
0x56: {  	_ =	shalt  }
0x57: {  	_ =	shalt  }
0x58: {  	_ =	shalt  }
0x59: {  	_ =	shalt  }
0x5a: {  	_ =	shalt  }
0x5b: {  	_ =	shalt  }
0x5c: {  	_ =	shalt  }
0x5d: {  	_ =	shalt  }
0x5e: {  	_ =	shalt  }
0x5f: {  	_ =	shalt  }
0x60: {  	_ =	shalt  }
0x61: {  	_ =	shalt  }
0x62: {  	_ =	shalt  }
0x63: {  	_ =	shalt  }
0x64: {  	_ =	shalt  }
0x65: {  	_ =	shalt  }
0x66: {  	_ =	shalt  }
0x67: {  	_ =	shalt  }
0x68: {  	_ =	shalt  }
0x69: {  	_ =	shalt  }
0x6a: {  	_ =	shalt  }
0x6b: {  	_ =	shalt  }
0x6c: {  	_ =	shalt  }
0x6d: {  	_ =	shalt  }
0x6e: {  	_ =	shalt  }
0x6f: {  	_ =	shalt  }
0x70: {  	_ =	shalt  }
0x71: {  	_ =	shalt  }
0x72: {  	_ =	shalt  }
0x73: {  	_ =	shalt  }
0x74: {  	_ =	shalt  }
0x75: {  	_ =	shalt  }
0x76: {  	_ =	shalt  }
0x77: {  	_ =	shalt  }
0x78: {  	_ =	shalt  }
0x79: {  	_ =	shalt  }
0x7a: {  	_ =	shalt  }
0x7b: {  	_ =	shalt  }
0x7c: {  	_ =	shalt  }
0x7d: {  	_ =	shalt  }
0x7e: {  	_ =	shalt  }
0x7f: {  	_ =	shalt  }
0x80: {  	_ =	shalt  }
0x81: {  	_ =	shalt  }
0x82: {  	_ =	shalt  }
0x83: {  	_ =	shalt  }
0x84: {  	_ =	shalt  }
0x85: {  	_ =	shalt  }
0x86: {  	_ =	shalt  }
0x87: {  	_ =	shalt  }
.Lfunc_end0:
.L_simem_size_0:
called_computation_lowered:
.L_overlay_start_0:
0x88: {  	s2 =	sld [smem:$0x3FD9]  }
0x89: {  	s3 =	sld [smem:$0x3FFE];
	_ =	sdelay $0x1  }
0x8a: {  	s1 =	srdreg.scid  }
0x8b: {  	s0 =	sand.u32 $0x1, s1  }
0x8c: {  	s16 =	sshll.u32 s0, $0xA;
	s2 =	sadd.s32 s3, s2  }
0x8d: {  	s2 =	sadd.s32 s2, s16  }
0x8e: {  	[smem:$0x3FA5] =	sst s2  }
0x8f: {  	_ = 	snop  }
0x90: {  	(tm) =	ssettm $0x1  }
0x91: {  	s17 =	sld [smem:$0x3FFB];
	_ =	sdelay $0x3  }
0x92: {  	_ =	strace s17  }
0x93: {  	s2 =	sld [smem:$0x3FFC];
	_ =	sdelay $0x3  }
0x94: {  	_ =	strace s2  }
0x95: {  	s2 =	sld [smem:$0x3FFD];
	_ =	sdelay $0x3  }
0x96: {  	_ =	strace s2  }
0x97: {  	_ =	strace $0x8FFFFFFF  }
0x98: {  	s18 =	sld [smem:$0x3FDB];
	_ =	sdelay $0x1  }
0x99: {  	s19 =	simm.s32 $_scs_section_size  }
0x9a: {  	s4 =	simm.s32 $_size__tile_overlayer_lowered;
	s5 =	simm.s32 $_tile_overlayer_lowered  }
0x9b: {  	s22 =	simm.s32 $0x1BFF;
	s21 =	sshll.u32 s5, $0x1;
	s2 =	sadd.s32 s19, s18  }
0x9c: {  	s6 =	simm.s32 $0x0;
	s20 =	sshll.u32 s4, $0x1;
	s4 =	sadd.s32 s21, s2  }
0x9d: {  	[timem:s6], [sflag:s22] =	dma.local [hbm:s4], s20  }
0x9e: {  	_ =	swait.ge [sflag:s22], s20  }
0x9f: {  	s3 =	ssub.s32 $0x0, s20;
	[sflag:s22] =	ssyncset.done $0x0  }
0xa0: {  	[sflag:s22] =	ssyncadd.s32 s3;
	_ =	sdelay $0x1  }
0xa1: {  	s23 =	simm.s32 $0x1B8B  }
0xa2: {  	_ =	swait.ge [sflag:s23], $0x1  }
0xa3: {  	[sflag:s23] =	ssyncset.done $0x0  }
0xa4: {  	s25 =	simm.s32 $0x1B8E;
	s24 =	sld [smem:$0x3FFE];
	[sflag:s23] =	ssyncadd.s32 $0xFFFFFFFF  }
0xa5: {  	s26 =	simm.s32 $execute0_lowered;
	[smem:$0x3FD2] =	sst s25  }
0xa6: {  	s4 =	sshll.u32 s26, $0x1;
	_ =	strace $0x80000046;
	[dreg:$0x1] =	wrdreg $0xFFFFFFFF  }
0xa7: {  	s28 =	simm.s32 $_size_execute0_lowered;
	s2 =	sadd.s32 s2, s4;
	[dreg:$0x0] =	wrdreg $0x0  }
0xa8: {  	s4 =	sshll.u32 s28, $0x1;
	[dreg:$0x2] =	wrdreg s2  }
0xa9: {  	[dreg:$0x3] =	wrdreg s4  }
0xaa: {  	[dreg:$0x4] =	wrdreg $0xC0  }
0xab: {  	_ =	task [dreg:s6], $0x5FFFF  }
0xac: {  	[dreg:$0x1] =	wrdreg $0xFFFFFFFF  }
0xad: {  	[dreg:$0x0] =	wrdreg $0x60  }
0xae: {  	[dreg:$0x2] =	wrdreg s24  }
0xaf: {  	[dreg:$0x3] =	wrdreg $0x9  }
0xb0: {  	_ =	task.clear_ibuf [dreg:s6], $0x4FFFF;
	_ =	strace $0x90000046  }
0xb1: {  	s29 =	simm.s32 $0x9;
	_ =	strace $0x80000048  }
0xb2: {  	_ =	swait.ge [sflag:s29], $0x1  }
0xb3: {  	[sflag:s29] =	ssyncadd.s32 $0xFFFFFFFF  }
0xb4: {  	_ =	strace $0x90000048  }
0xb5: {  	_ =	sfence  }
0xb6: {  	s30 =	sld [smem:$0x0];
	_ =	sdelay $0x2  }
0xb7: {  	s31 =	sshll.u32 s1, $0xD;
	s1 =	sshrl.u32 s1, $0x2  }
0xb8: {  	s3 =	sand.u32 $0x4000, s31;
	s1 =	sadd.s32 s1, s30  }
0xb9: {  	s0 =	sor.u32 s3, s0;
	s1 =	sshll.u32 s1, $0x11  }
0xba: {  	s0 =	sor.u32 s1, s0  }
0xbb: {  	s0 =	sadd.s32 $0x8F2B, s0  }
0xbc: {  	[sflag:s0] =	ssyncadd.remote.s32 $0x1  }
0xbd: {  	_ =	sfence.sel $0xFFFF  }
0xbe: {  	[dreg:$0x0] =	wrdreg $0xFFFFFFFF;
	(pc) =	sbr.abs _section_cstart, $3  }
0xbf: {  	[dreg:$0x1] =	wrdreg $0xFFFFFFFF  }
0xc0: {  	_ =	task.clear_ibuf [dreg:s6], $0x2FFFF;
	_ =	strace $0x9FFFFFFF  }
0xc1: {  	(tm) =	ssettm $0x7FFFFFFF  }
tec
execute0_lowered:
.L_overlay_start_1:
0x0: {  	(tag) =	ssettag $0x1  }
0x1: {  	s1 =	srdreg.scid  }
0x2: {  	s0 =	stileid.u32;
	s4 =	rddreg [dreg:$0x0];
	s13 =	simm.s32 $0x2800  }
0x3: {  	s14 =	simm.s32 $0xE800;
	s15 =	simm.s32 $0x6800;
	s16 =	simm.s32 $0x12800  }
0x4: {  	s17 =	simm.s32 $0xA800;
	s18 =	simm.s32 $0x16800;
	s19 =	simm.s32 $0x1  }
0x5: {  	s20 =	simm.s32 $0x4;
	s21 =	simm.s32 $0x2;
	s22 =	simm.s32 $0x5  }
0x6: {  	s23 =	simm.s32 $0x3;
	s24 =	simm.s32 $0x6;
	s26 =	simm.s32 $0x2780  }
0x7: {  	s28 =	simm.s32 $0x0;
	s1 =	sand.u32 $0x1, s1;
	s2 =	sshll.u32 s0, $0x1  }
0x8: {  	s3 =	sadd.s32 $0x13600, s4;
	s11 =	smul.u32 $0x28000, s0;
	s5 =	sor.u32 s1, s2  }
0x9: {  	s8 =	sadd.s32 $0x3A800, s4;
	s9 =	sadd.s32 $0x2BA800, s4;
	s6 =	smul.u32 $0x1400, s5  }
0xa: {  	s2 =	simm.s32 $0x0;
	s7 =	ssub.s32 $0x2, s1;
	s5 =	smul.u32 $0xA0000, s5  }
0xb: {  	s1 =	smul.u32 $0x14000, s1;
	[smem:$0x7FF] =	sst s2;
	s30 =	sshrl.u32 s7, $0x1  }
0xc: {  	_ =	strace $0x80000047;
	s6 =	sshrl.u32 s6, $0x3;
	s5 =	sshrl.u32 s5, $0x3  }
0xd: {  	s10 =	ssub.s32 s7, s30;
	s6 =	sadd.s32 s6, s4;
	s31 =	sadd.s32 $0x13800, s5  }
0xe: {  	s4 =	sadd.s32 $0xE600, s6;
	s5 =	sadd.s32 $0x9600, s6;
	s6 =	sadd.s32 s8, s31  }
0xf: {  	s8 =	sadd.s32 s11, s8;
	s7 =	sadd.s32 s9, s31;
	s9 =	sadd.s32 s11, s9  }
0x10: {  	s12 =	sadd.s32 s1, s8;
	s8 =	smax.u32 s10, $0x1;
	s9 =	sadd.s32 s1, s9  }
0x11: {  	s10 =	simm.s32 $0x7;
	[dreg:$0x2] =	wrdreg s12;
	s12 =	simm.s32 $0x80  }
.LBB2_1:
0x12: {  	[tilespmem:s2], [sflag:$0x7] =	stream.linear.gather [hbm4b:s4+s2], $0x1400, $0x38;
	[tilespmem:$0x1A800] =	vst v63  }
0x13: {  	_ =	swait.ge [sflag:s10], $0x1400  }
0x14: {  	[sflag:s10] =	ssyncset.done $0x0  }
0x15: {  	s0 =	simm.s32 $0x1400;
	[sflag:s10] =	ssyncadd.s32 $0xFFFFEC00  }
0x16: {  	[tilespmem:s0], [sflag:$0x7] =	stream.linear.gather [hbm4b:s5+s2], $0x1400, $0x38;
	[tilespmem:$0x1A800] =	vst v63  }
0x17: {  	_ =	swait.ge [sflag:s10], $0x1400  }
0x18: {  	[sflag:s10] =	ssyncset.done $0x0  }
0x19: {  	s1 =	simm.s32 $0x0;
	[sflag:s10] =	ssyncadd.s32 $0xFFFFEC00  }
0x1a: {  	[tilespmem:s13], [sflag:$0x1] =	stream.indirect.gather [hbm4b:s3+s12], $0x80, s1, s12, $0xb8;
	[tilespmem:$0x1A800] =	vst v63  }
0x1b: {  	s0 =	simm.s32 $0x1400  }
0x1c: {  	[tilespmem:s14], [sflag:$0x4] =	stream.indirect.gather [hbm4b:s3+s12], $0x80, s0, s12, $0xb8;
	[tilespmem:$0x1A800] =	vst v63  }
0x1d: {  	s11 =	simm.s32 $0x80  }
0x1e: {  	[tilespmem:s15], [sflag:$0x2] =	stream.indirect.gather [hbm4b:s3+s12], $0x80, s11, s12, $0xb8;
	[tilespmem:$0x1A800] =	vst v63  }
0x1f: {  	s25 =	simm.s32 $0x1480  }
0x20: {  	[tilespmem:s16], [sflag:$0x5] =	stream.indirect.gather [hbm4b:s3+s12], $0x80, s25, s12, $0xb8;
	[tilespmem:$0x1A800] =	vst v63  }
0x21: {  	s0 =	simm.s32 $0x100  }
0x22: {  	[tilespmem:s17], [sflag:$0x3] =	stream.indirect.gather [hbm4b:s3+s12], $0x80, s0, s12, $0xb8;
	[tilespmem:$0x1A800] =	vst v63  }
0x23: {  	s29 =	simm.s32 $0x1500  }
0x24: {  	[tilespmem:s18], [sflag:$0x6] =	stream.indirect.gather [hbm4b:s3+s12], $0x80, s29, s12, $0xb8;
	[tilespmem:$0x1A800] =	vst v63  }
0x25: {  	_ =	swait.ge [sflag:s19], $0x4000  }
0x26: {  	s11 =	rddreg [dreg:$0x2];
	[sflag:s19] =	ssyncset.done $0x0  }
0x27: {  	[sflag:s19] =	ssyncadd.s32 $0xFFFFC000;
	s1 =	sadd.s32 $0x0, s11  }
0x28: {  	[hbm4b:s1+s2] =	stream.linear.scatter [tilespmem:s13], [sflag:$0x7], $0x4000, $0x38;
	[tilespmem:$0x1A800] =	vst v63  }
0x29: {  	_ =	swait.ge [sflag:s10], $0x4000  }
0x2a: {  	[sflag:s10] =	ssyncset.done $0x0  }
0x2b: {  	[sflag:s10] =	ssyncadd.s32 $0xFFFFC000  }
0x2c: {  	_ =	swait.ge [sflag:s20], $0x4000  }
0x2d: {  	[sflag:s20] =	ssyncset.done $0x0  }
0x2e: {  	s30 =	sadd.s32 $0x0, s9;
	[sflag:s20] =	ssyncadd.s32 $0xFFFFC000  }
0x2f: {  	[hbm4b:s30+s2] =	stream.linear.scatter [tilespmem:s14], [sflag:$0x7], $0x4000, $0x38;
	[tilespmem:$0x1A800] =	vst v63  }
0x30: {  	_ =	swait.ge [sflag:s10], $0x4000  }
0x31: {  	[sflag:s10] =	ssyncset.done $0x0  }
0x32: {  	[sflag:s10] =	ssyncadd.s32 $0xFFFFC000  }
0x33: {  	_ =	swait.ge [sflag:s21], $0x4000  }
0x34: {  	[sflag:s21] =	ssyncset.done $0x0  }
0x35: {  	s31 =	sadd.s32 $0x800, s1;
	[sflag:s21] =	ssyncadd.s32 $0xFFFFC000  }
0x36: {  	[hbm4b:s31+s2] =	stream.linear.scatter [tilespmem:s15], [sflag:$0x7], $0x4000, $0x38;
	[tilespmem:$0x1A800] =	vst v63  }
0x37: {  	_ =	swait.ge [sflag:s10], $0x4000  }
0x38: {  	[sflag:s10] =	ssyncset.done $0x0  }
0x39: {  	[sflag:s10] =	ssyncadd.s32 $0xFFFFC000  }
0x3a: {  	_ =	swait.ge [sflag:s22], $0x4000  }
0x3b: {  	[sflag:s22] =	ssyncset.done $0x0  }
0x3c: {  	s31 =	sadd.s32 $0x800, s30;
	[sflag:s22] =	ssyncadd.s32 $0xFFFFC000  }
0x3d: {  	[hbm4b:s31+s2] =	stream.linear.scatter [tilespmem:s16], [sflag:$0x7], $0x4000, $0x38;
	[tilespmem:$0x1A800] =	vst v63  }
0x3e: {  	_ =	swait.ge [sflag:s10], $0x4000  }
0x3f: {  	[sflag:s10] =	ssyncset.done $0x0  }
0x40: {  	[sflag:s10] =	ssyncadd.s32 $0xFFFFC000  }
0x41: {  	_ =	swait.ge [sflag:s23], $0x4000  }
0x42: {  	[sflag:s23] =	ssyncset.done $0x0  }
0x43: {  	s1 =	sadd.s32 $0x1000, s1;
	[sflag:s23] =	ssyncadd.s32 $0xFFFFC000  }
0x44: {  	[hbm4b:s1+s2] =	stream.linear.scatter [tilespmem:s17], [sflag:$0x7], $0x4000, $0x38;
	[tilespmem:$0x1A800] =	vst v63  }
0x45: {  	_ =	swait.ge [sflag:s10], $0x4000  }
0x46: {  	[sflag:s10] =	ssyncset.done $0x0  }
0x47: {  	[sflag:s10] =	ssyncadd.s32 $0xFFFFC000  }
0x48: {  	_ =	swait.ge [sflag:s24], $0x4000  }
0x49: {  	[sflag:s24] =	ssyncset.done $0x0  }
0x4a: {  	s25 =	sadd.s32 $0x1000, s30;
	[sflag:s24] =	ssyncadd.s32 $0xFFFFC000  }
0x4b: {  	[hbm4b:s25+s2] =	stream.linear.scatter [tilespmem:s18], [sflag:$0x7], $0x4000, $0x38;
	[tilespmem:$0x1A800] =	vst v63  }
0x4c: {  	s30 =	simm.s32 $0x1800;
	_ =	swait.ge [sflag:s10], $0x4000  }
0x4d: {  	s31 =	simm.s32 $0x280;
	s1 =	simm.s32 $0x3000;
	[sflag:s10] =	ssyncset.done $0x0  }
.LBB2_2:
0x4e: {  	s0 =	sadd.s32 $0xFFFFFF00, s31;
	[sflag:s10] =	ssyncadd.s32 $0xFFFFC000;
	s29 =	sadd.s32 $0x180, s29  }
0x4f: {  	[tilespmem:s13], [sflag:$0x1] =	stream.indirect.gather [hbm4b:s3+s12], $0x80, s0, s12, $0xb8;
	[tilespmem:$0x1A800] =	vst v63  }
0x50: {  	s25 =	sadd.s32 $0xFFFFFF00, s29  }
0x51: {  	[tilespmem:s14], [sflag:$0x4] =	stream.indirect.gather [hbm4b:s3+s12], $0x80, s25, s12, $0xb8;
	[tilespmem:$0x1A800] =	vst v63  }
0x52: {  	s25 =	sadd.s32 $0xFFFFFF80, s31  }
0x53: {  	[tilespmem:s15], [sflag:$0x2] =	stream.indirect.gather [hbm4b:s3+s12], $0x80, s25, s12, $0xb8;
	[tilespmem:$0x1A800] =	vst v63  }
0x54: {  	s25 =	sadd.s32 $0xFFFFFF80, s29  }
0x55: {  	[tilespmem:s16], [sflag:$0x5] =	stream.indirect.gather [hbm4b:s3+s12], $0x80, s25, s12, $0xb8;
	[tilespmem:$0x1A800] =	vst v63  }
0x56: {  	_ = 	snop  }
0x57: {  	[tilespmem:s17], [sflag:$0x3] =	stream.indirect.gather [hbm4b:s3+s12], $0x80, s31, s12, $0xb8;
	[tilespmem:$0x1A800] =	vst v63  }
0x58: {  	_ = 	snop  }
0x59: {  	[tilespmem:s18], [sflag:$0x6] =	stream.indirect.gather [hbm4b:s3+s12], $0x80, s29, s12, $0xb8;
	[tilespmem:$0x1A800] =	vst v63  }
0x5a: {  	_ =	swait.ge [sflag:s19], $0x4000  }
0x5b: {  	s25 =	rddreg [dreg:$0x2];
	[sflag:s19] =	ssyncset.done $0x0  }
0x5c: {  	[sflag:s19] =	ssyncadd.s32 $0xFFFFC000;
	s0 =	sadd.s32 s30, s25  }
0x5d: {  	[hbm4b:s0+s2] =	stream.linear.scatter [tilespmem:s13], [sflag:$0x7], $0x4000, $0x38;
	[tilespmem:$0x1A800] =	vst v63  }
0x5e: {  	_ =	swait.ge [sflag:s10], $0x4000  }
0x5f: {  	[sflag:s10] =	ssyncset.done $0x0  }
0x60: {  	[sflag:s10] =	ssyncadd.s32 $0xFFFFC000  }
0x61: {  	_ =	swait.ge [sflag:s20], $0x4000  }
0x62: {  	[sflag:s20] =	ssyncset.done $0x0  }
0x63: {  	s25 =	sadd.s32 s30, s9;
	[sflag:s20] =	ssyncadd.s32 $0xFFFFC000  }
0x64: {  	[hbm4b:s25+s2] =	stream.linear.scatter [tilespmem:s14], [sflag:$0x7], $0x4000, $0x38;
	[tilespmem:$0x1A800] =	vst v63  }
0x65: {  	_ =	swait.ge [sflag:s10], $0x4000  }
0x66: {  	[sflag:s10] =	ssyncset.done $0x0  }
0x67: {  	[sflag:s10] =	ssyncadd.s32 $0xFFFFC000  }
0x68: {  	_ =	swait.ge [sflag:s21], $0x4000  }
0x69: {  	s11 =	smov.u32 s1;
	[sflag:s21] =	ssyncset.done $0x0  }
0x6a: {  	s30 =	smov.u32 s11;
	s11 =	sadd.s32 $0x800, s0;
	[sflag:s21] =	ssyncadd.s32 $0xFFFFC000  }
0x6b: {  	[hbm4b:s11+s2] =	stream.linear.scatter [tilespmem:s15], [sflag:$0x7], $0x4000, $0x38;
	[tilespmem:$0x1A800] =	vst v63  }
0x6c: {  	_ =	swait.ge [sflag:s10], $0x4000  }
0x6d: {  	[sflag:s10] =	ssyncset.done $0x0  }
0x6e: {  	[sflag:s10] =	ssyncadd.s32 $0xFFFFC000  }
0x6f: {  	_ =	swait.ge [sflag:s22], $0x4000  }
0x70: {  	[sflag:s22] =	ssyncset.done $0x0  }
0x71: {  	s11 =	sadd.s32 $0x800, s25;
	[sflag:s22] =	ssyncadd.s32 $0xFFFFC000  }
0x72: {  	[hbm4b:s11+s2] =	stream.linear.scatter [tilespmem:s16], [sflag:$0x7], $0x4000, $0x38;
	[tilespmem:$0x1A800] =	vst v63  }
0x73: {  	_ =	swait.ge [sflag:s10], $0x4000  }
0x74: {  	[sflag:s10] =	ssyncset.done $0x0  }
0x75: {  	[sflag:s10] =	ssyncadd.s32 $0xFFFFC000  }
0x76: {  	_ =	swait.ge [sflag:s23], $0x4000  }
0x77: {  	[sflag:s23] =	ssyncset.done $0x0  }
0x78: {  	s0 =	sadd.s32 $0x1000, s0;
	[sflag:s23] =	ssyncadd.s32 $0xFFFFC000  }
0x79: {  	[hbm4b:s0+s2] =	stream.linear.scatter [tilespmem:s17], [sflag:$0x7], $0x4000, $0x38;
	[tilespmem:$0x1A800] =	vst v63  }
0x7a: {  	_ =	swait.ge [sflag:s10], $0x4000  }
0x7b: {  	[sflag:s10] =	ssyncset.done $0x0  }
0x7c: {  	[sflag:s10] =	ssyncadd.s32 $0xFFFFC000  }
0x7d: {  	p0 =	sne.s32 s1, $0x12000;
	_ =	swait.ge [sflag:s24], $0x4000  }
.Ltmp0:
0x7e: {  	[sflag:s24] =	ssyncset.done $0x0;
	(pc) =	sbr.rel @p0 .LBB2_2-.Ltmp0, $4  }
0x7f: {  	s25 =	sadd.s32 $0x1000, s25;
	[sflag:s24] =	ssyncadd.s32 $0xFFFFC000  }
0x80: {  	[hbm4b:s25+s2] =	stream.linear.scatter [tilespmem:s18], [sflag:$0x7], $0x4000, $0x38;
	[tilespmem:$0x1A800] =	vst v63  }
0x81: {  	_ =	swait.ge [sflag:s10], $0x4000  }
0x82: {  	s1 =	sadd.s32 $0x1800, s1;
	s31 =	sadd.s32 $0x180, s31;
	[sflag:s10] =	ssyncset.done $0x0  }
0x83: {  	s0 =	sadd.s32 $0xFFFFFF00, s31;
	[sflag:s10] =	ssyncadd.s32 $0xFFFFC000;
	s1 =	sadd.s32 $0x180, s29  }
0x84: {  	[tilespmem:s13], [sflag:$0x1] =	stream.indirect.gather [hbm4b:s3+s12], $0x80, s0, s12, $0xb8;
	[tilespmem:$0x1A800] =	vst v63  }
0x85: {  	s11 =	sadd.s32 $0xFFFFFF00, s1  }
0x86: {  	[tilespmem:s14], [sflag:$0x4] =	stream.indirect.gather [hbm4b:s3+s12], $0x80, s11, s12, $0xb8;
	[tilespmem:$0x1A800] =	vst v63  }
0x87: {  	s25 =	sadd.s32 $0xFFFFFF80, s31  }
0x88: {  	[tilespmem:s15], [sflag:$0x2] =	stream.indirect.gather [hbm4b:s3+s12], $0x80, s25, s12, $0xb8;
	[tilespmem:$0x1A800] =	vst v63  }
0x89: {  	s29 =	sadd.s32 $0xFFFFFF80, s1  }
0x8a: {  	[tilespmem:s16], [sflag:$0x5] =	stream.indirect.gather [hbm4b:s3+s12], $0x80, s29, s12, $0xb8;
	[tilespmem:$0x1A800] =	vst v63  }
0x8b: {  	_ = 	snop  }
0x8c: {  	[tilespmem:s17], [sflag:$0x3] =	stream.indirect.gather [hbm4b:s3+s12], $0x80, s31, s12, $0xb8;
	[tilespmem:$0x1A800] =	vst v63  }
0x8d: {  	_ = 	snop  }
0x8e: {  	[tilespmem:s18], [sflag:$0x6] =	stream.indirect.gather [hbm4b:s3+s12], $0x80, s1, s12, $0xb8;
	[tilespmem:$0x1A800] =	vst v63  }
0x8f: {  	_ =	swait.ge [sflag:s19], $0x4000  }
0x90: {  	s11 =	rddreg [dreg:$0x2];
	[sflag:s19] =	ssyncset.done $0x0  }
0x91: {  	[sflag:s19] =	ssyncadd.s32 $0xFFFFC000;
	s0 =	sadd.s32 s30, s11  }
0x92: {  	[hbm4b:s0+s2] =	stream.linear.scatter [tilespmem:s13], [sflag:$0x7], $0x4000, $0x38;
	[tilespmem:$0x1A800] =	vst v63  }
0x93: {  	_ =	swait.ge [sflag:s10], $0x4000  }
0x94: {  	[sflag:s10] =	ssyncset.done $0x0  }
0x95: {  	[sflag:s10] =	ssyncadd.s32 $0xFFFFC000  }
0x96: {  	_ =	swait.ge [sflag:s20], $0x4000  }
0x97: {  	[sflag:s20] =	ssyncset.done $0x0  }
0x98: {  	s25 =	sadd.s32 s30, s9;
	[sflag:s20] =	ssyncadd.s32 $0xFFFFC000  }
0x99: {  	[hbm4b:s25+s2] =	stream.linear.scatter [tilespmem:s14], [sflag:$0x7], $0x4000, $0x38;
	[tilespmem:$0x1A800] =	vst v63  }
0x9a: {  	_ =	swait.ge [sflag:s10], $0x4000  }
0x9b: {  	[sflag:s10] =	ssyncset.done $0x0  }
0x9c: {  	[sflag:s10] =	ssyncadd.s32 $0xFFFFC000  }
0x9d: {  	_ =	swait.ge [sflag:s21], $0x4000  }
0x9e: {  	[sflag:s21] =	ssyncset.done $0x0  }
0x9f: {  	s11 =	sadd.s32 $0x800, s0;
	[sflag:s21] =	ssyncadd.s32 $0xFFFFC000  }
0xa0: {  	[hbm4b:s11+s2] =	stream.linear.scatter [tilespmem:s15], [sflag:$0x7], $0x4000, $0x38;
	[tilespmem:$0x1A800] =	vst v63  }
0xa1: {  	_ =	swait.ge [sflag:s10], $0x4000  }
0xa2: {  	[sflag:s10] =	ssyncset.done $0x0  }
0xa3: {  	[sflag:s10] =	ssyncadd.s32 $0xFFFFC000  }
0xa4: {  	_ =	swait.ge [sflag:s22], $0x4000  }
0xa5: {  	[sflag:s22] =	ssyncset.done $0x0  }
0xa6: {  	s29 =	sadd.s32 $0x800, s25;
	[sflag:s22] =	ssyncadd.s32 $0xFFFFC000  }
0xa7: {  	[hbm4b:s29+s2] =	stream.linear.scatter [tilespmem:s16], [sflag:$0x7], $0x4000, $0x38;
	[tilespmem:$0x1A800] =	vst v63  }
0xa8: {  	_ =	swait.ge [sflag:s10], $0x4000  }
0xa9: {  	[sflag:s10] =	ssyncset.done $0x0  }
0xaa: {  	[sflag:s10] =	ssyncadd.s32 $0xFFFFC000  }
0xab: {  	_ =	swait.ge [sflag:s23], $0x4000  }
0xac: {  	[sflag:s23] =	ssyncset.done $0x0  }
0xad: {  	s0 =	sadd.s32 $0x1000, s0;
	[sflag:s23] =	ssyncadd.s32 $0xFFFFC000  }
0xae: {  	[hbm4b:s0+s2] =	stream.linear.scatter [tilespmem:s17], [sflag:$0x7], $0x4000, $0x38;
	[tilespmem:$0x1A800] =	vst v63  }
0xaf: {  	_ =	swait.ge [sflag:s10], $0x4000  }
0xb0: {  	[sflag:s10] =	ssyncset.done $0x0  }
0xb1: {  	[sflag:s10] =	ssyncadd.s32 $0xFFFFC000  }
0xb2: {  	_ =	swait.ge [sflag:s24], $0x4000  }
0xb3: {  	[sflag:s24] =	ssyncset.done $0x0  }
0xb4: {  	s30 =	sadd.s32 $0x1000, s25;
	[sflag:s24] =	ssyncadd.s32 $0xFFFFC000  }
0xb5: {  	[hbm4b:s30+s2] =	stream.linear.scatter [tilespmem:s18], [sflag:$0x7], $0x4000, $0x38;
	[tilespmem:$0x1A800] =	vst v63  }
0xb6: {  	_ =	swait.ge [sflag:s10], $0x4000  }
0xb7: {  	[sflag:s10] =	ssyncset.done $0x0  }
0xb8: {  	s31 =	simm.s32 $0x1380;
	[sflag:s10] =	ssyncadd.s32 $0xFFFFC000  }
0xb9: {  	[tilespmem:s13], [sflag:$0x1] =	stream.indirect.gather [hbm4b:s3+s12], $0x80, s31, s12, $0xb8;
	[tilespmem:$0x1A800] =	vst v63  }
0xba: {  	_ = 	snop  }
0xbb: {  	[tilespmem:s14], [sflag:$0x4] =	stream.indirect.gather [hbm4b:s3+s12], $0x80, s26, s12, $0xb8;
	[tilespmem:$0x1A800] =	vst v63  }
0xbc: {  	_ =	swait.ge [sflag:s19], $0x4000  }
0xbd: {  	[sflag:s19] =	ssyncset.done $0x0  }
0xbe: {  	[sflag:s19] =	ssyncadd.s32 $0xFFFFC000  }
0xbf: {  	[hbm4b:s6+s2] =	stream.linear.scatter [tilespmem:s13], [sflag:$0x7], $0x4000, $0x38;
	[tilespmem:$0x1A800] =	vst v63  }
0xc0: {  	_ =	swait.ge [sflag:s10], $0x4000  }
0xc1: {  	[sflag:s10] =	ssyncset.done $0x0  }
0xc2: {  	[sflag:s10] =	ssyncadd.s32 $0xFFFFC000  }
0xc3: {  	s28 =	sadd.s32 $0x1, s28;
	_ =	swait.ge [sflag:s20], $0x4000  }
0xc4: {  	p0 =	sne.s32 s28, s8;
	[sflag:s20] =	ssyncset.done $0x0  }
.Ltmp1:
0xc5: {  	[sflag:s20] =	ssyncadd.s32 $0xFFFFC000;
	(pc) =	sbr.rel @p0 .LBB2_1-.Ltmp1, $4  }
0xc6: {  	[hbm4b:s7+s2] =	stream.linear.scatter [tilespmem:s14], [sflag:$0x7], $0x4000, $0x38;
	[tilespmem:$0x1A800] =	vst v63  }
0xc7: {  	_ =	swait.ge [sflag:s10], $0x4000  }
0xc8: {  	[sflag:s10] =	ssyncset.done $0x0  }
0xc9: {  	[sflag:s10] =	ssyncadd.s32 $0xFFFFC000  }
0xca: {  	_ =	sfence.sel $0x180000  }
0xcb: {  	[bflag:$0x0] =	sbarrier.arrive $0xFFFF  }
0xcc: {  	_ =	strace $0x90000047  }
0xcd: {  	s0 =	stileid.u32;
	[bflag:$0x2] =	sbarrier.arrive $0xFFFF  }
0xce: {  	p0 =	sne.s32 s0, $0x0;
	s0 =	rddreg [dreg:$0x1]  }
0xcf: {  	s0 =	sadd.s32 @!p0 $0x100000, s0  }
0xd0: {  	[sflag:s0] =	ssyncadd.tile.s32 @!p0 $0x1;
	_ =	shalt  }
.Lfunc_end2:
_tile_overlayer_lowered:
.L_overlay_start_2:
0xd1: {  	(tag) =	ssettag $0x2  }
0xd2: {  	s0 =	rddreg [dreg:$0x0];
	s2 =	stileid.u32  }
0xd3: {  	s1 =	rddreg [dreg:$0x1];
	p0 =	sne.s32 s2, $0x0  }
0xd4: {  	s3 =	rddreg [dreg:$0x2];
	[bflag:$0x3] =	sbarrier.arrive $0xFFFF;
	s2 =	simm.s32 @!p0 $0x1C07  }
0xd5: {  	[timem:s3], [sflag:s2] =	dma.local @!p0 [hbm:s0], s1  }
0xd6: {  	s0 =	simm.s32 @!p0 $0x7  }
0xd7: {  	_ =	swait.ge @!p0 [sflag:s0], s1  }
0xd8: {  	s1 =	ssub.s32 @!p0 $0x0, s1;
	[sflag:s0] =	ssyncset.done @!p0 $0x0  }
0xd9: {  	[sflag:s0] =	ssyncadd.s32 @!p0 s1  }
0xda: {  	[bflag:$0x3] =	sbarrier.arrive $0xFFFF  }
0xdb: {  	_ =	shalt  }

// kernel: kernel.22.cloned.1.call-start
scs
__scs_entry_jumppad:
0x0: {  	(pc) =	sbr.rel $0x88, $3  }
0x1: {  	(tag) =	ssettag $0x0;
	lr =	simm.s32 $0x1  }
0x2: {  	[smem:$0x3F7E] =	sst lr;
	_ =	strace $0xD0000000  }
0x3: {  	_ = 	snop  }
0x4: {  	_ = 	snop  }
0x5: {  	_ = 	snop  }
0x6: {  	_ = 	snop  }
0x7: {  	_ = 	snop  }
__scs_overlays_trampoline_lowered:
0x8: {  	[smem:$0x3F8D] =	sst s0  }
0x9: {  	[smem:$0x3F8E] =	sst s1  }
0xa: {  	[smem:$0x3F8F] =	sst s2  }
0xb: {  	[smem:$0x3F90] =	sst s3  }
0xc: {  	[smem:$0x3F91] =	sst s4  }
0xd: {  	[smem:$0x3F92] =	sst s5  }
0xe: {  	[smem:$0x3F93] =	sst s6  }
0xf: {  	[smem:$0x3F94] =	sst s7  }
0x10: {  	[smem:$0x3F95] =	sst s8  }
0x11: {  	[smem:$0x3F96] =	sst s9;
	s0 =	simm.s32 @!p0 $0x0  }
0x12: {  	s1 =	sld [smem:$0x3F7C];
	s0 =	simm.s32 @p0 $0x1  }
0x13: {  	[smem:$0x3F97] =	sst s0;
	s0 =	simm.s32 @!p1 $0x0  }
0x14: {  	s2 =	sld [smem:$0x3F7B];
	s0 =	simm.s32 @p1 $0x1  }
0x15: {  	[smem:$0x3F98] =	sst s0;
	s0 =	simm.s32 @!p2 $0x0  }
0x16: {  	s3 =	sld [smem:$0x3FDB];
	s0 =	simm.s32 @p2 $0x1  }
0x17: {  	s4 =	simm.s32 $0x1BF5;
	[smem:$0x3F9A] =	sst s0  }
0x18: {  	s0 =	sld [smem:$0x3F7D];
	_ =	swait.ge [sflag:s4], $0x0  }
0x19: {  	s7 =	sld [smem:$0x3F7E]  }
0x1a: {  	s8 =	sadd.s32 $0xFFFFE003, lr  }
0x1b: {  	s9 =	sadd.s32 $0xFFFFFEF7, lr;
	s5 =	simm.s32 $0xFFFFFFFF;
	p2 =	slt.u32 s8, $0xFFFFF086  }
0x1c: {  	p1 =	slt.u32 s9, $0xF7A;
	s5 =	simm.s32 @!p2 $0x0  }
0x1d: {  	s5 =	simm.s32 @p1 $0x1;
	p0 =	seq.s32 s7, s2  }
0x1e: {  	s7 =	smul.u32 @!p0 $0xF7A, s2;
	p2 =	seq.s32 @!p0 s5, $0x0  }
0x1f: {  	s9 =	smul.u32 $0xF7A, s1;
	s8 =	simm.s32 @!p0 $0x1BF5;
	p2 =	por !p2, p0  }
0x20: {  	[sflag:s8] =	ssyncset.s32 @!p0 $0xFFFFF086;
	s6 =	sadd.s32 @!p0 s3, s7;
	s7 =	simm.s32 @!p0 $0x108  }
0x21: {  	s3 =	sadd.s32 s3, s9;
	s6 =	sadd.s32 @!p0 $0x88, s6;
	s7 =	simm.s32 @p2 $0x1082  }
0x22: {  	[simem:s7], [sflag:s8] =	dma.local @!p0 [hbm:s6], $0xF7A  }
0x23: {  	s9 =	sor.u32 $0xD0000000, s2;
	s6 =	simm.s32 $0x108;
	_ =	swait.ge @!p0 [sflag:s8], $0x0  }
0x24: {  	s3 =	sadd.s32 $0x88, s3;
	s6 =	simm.s32 @!p1 $0x1082;
	[sflag:s4] =	ssyncset.s32 $0xFFFFF086  }
0x25: {  	[simem:s6], [sflag:s4] =	dma.local [hbm:s3], $0xF7A  }
0x26: {  	[smem:$0x3F7E] =	sst s1;
	(tag) =	ssettag s2;
	_ =	strace s9  }
0x27: {  	s1 =	sld [smem:$0x3F8E]  }
0x28: {  	s2 =	sld [smem:$0x3F8F]  }
0x29: {  	s4 =	sld [smem:$0x3F91]  }
0x2a: {  	p0 =	seq.s32 s5, $0x0;
	s5 =	sld [smem:$0x3F92]  }
0x2b: {  	s6 =	sld [smem:$0x3F93]  }
0x2c: {  	s7 =	sld [smem:$0x3F94]  }
0x2d: {  	s3 =	simm.s32 $0x108;
	s8 =	sld [smem:$0x3F95]  }
0x2e: {  	s3 =	simm.s32 @!p0 $0x1082;
	s9 =	sld [smem:$0x3F96]  }
0x2f: {  	lr =	sadd.s32 s0, s3;
	s0 =	sld [smem:$0x3F8D]  }
0x30: {  	s3 =	sld [smem:$0x3F90]  }
0x31: {  	[smem:$0x3F99] =	sst s10  }
0x32: {  	s10 =	sld [smem:$0x3F97];
	_ =	sdelay $0x3  }
0x33: {  	p0 =	seq.s32 s10, $0x1;
	s10 =	sld [smem:$0x3F99];
	_ =	sdelay $0x3  }
0x34: {  	[smem:$0x3F99] =	sst s10  }
0x35: {  	s10 =	sld [smem:$0x3F98];
	_ =	sdelay $0x3  }
0x36: {  	p1 =	seq.s32 s10, $0x1;
	s10 =	sld [smem:$0x3F99];
	_ =	sdelay $0x3  }
0x37: {  	[smem:$0x3F99] =	sst s10  }
0x38: {  	s10 =	sld [smem:$0x3F9A]  }
0x39: {  	_ = 	snop;
	(pc) =	sbr.ind lr, $3  }
0x3a: {  	_ = 	snop  }
0x3b: {  	_ = 	snop  }
0x3c: {  	p2 =	seq.s32 s10, $0x1;
	s10 =	sld [smem:$0x3F99]  }
0x3d: {  	_ =	shalt  }
0x3e: {  	_ =	shalt  }
0x3f: {  	_ =	shalt  }
0x40: {  	_ =	shalt  }
0x41: {  	_ =	shalt  }
0x42: {  	_ =	shalt  }
0x43: {  	_ =	shalt  }
0x44: {  	_ =	shalt  }
0x45: {  	_ =	shalt  }
0x46: {  	_ =	shalt  }
0x47: {  	_ =	shalt  }
0x48: {  	_ =	shalt  }
0x49: {  	_ =	shalt  }
0x4a: {  	_ =	shalt  }
0x4b: {  	_ =	shalt  }
0x4c: {  	_ =	shalt  }
0x4d: {  	_ =	shalt  }
0x4e: {  	_ =	shalt  }
0x4f: {  	_ =	shalt  }
0x50: {  	_ =	shalt  }
0x51: {  	_ =	shalt  }
0x52: {  	_ =	shalt  }
0x53: {  	_ =	shalt  }
0x54: {  	_ =	shalt  }
0x55: {  	_ =	shalt  }
0x56: {  	_ =	shalt  }
0x57: {  	_ =	shalt  }
0x58: {  	_ =	shalt  }
0x59: {  	_ =	shalt  }
0x5a: {  	_ =	shalt  }
0x5b: {  	_ =	shalt  }
0x5c: {  	_ =	shalt  }
0x5d: {  	_ =	shalt  }
0x5e: {  	_ =	shalt  }
0x5f: {  	_ =	shalt  }
0x60: {  	_ =	shalt  }
0x61: {  	_ =	shalt  }
0x62: {  	_ =	shalt  }
0x63: {  	_ =	shalt  }
0x64: {  	_ =	shalt  }
0x65: {  	_ =	shalt  }
0x66: {  	_ =	shalt  }
0x67: {  	_ =	shalt  }
0x68: {  	_ =	shalt  }
0x69: {  	_ =	shalt  }
0x6a: {  	_ =	shalt  }
0x6b: {  	_ =	shalt  }
0x6c: {  	_ =	shalt  }
0x6d: {  	_ =	shalt  }
0x6e: {  	_ =	shalt  }
0x6f: {  	_ =	shalt  }
0x70: {  	_ =	shalt  }
0x71: {  	_ =	shalt  }
0x72: {  	_ =	shalt  }
0x73: {  	_ =	shalt  }
0x74: {  	_ =	shalt  }
0x75: {  	_ =	shalt  }
0x76: {  	_ =	shalt  }
0x77: {  	_ =	shalt  }
0x78: {  	_ =	shalt  }
0x79: {  	_ =	shalt  }
0x7a: {  	_ =	shalt  }
0x7b: {  	_ =	shalt  }
0x7c: {  	_ =	shalt  }
0x7d: {  	_ =	shalt  }
0x7e: {  	_ =	shalt  }
0x7f: {  	_ =	shalt  }
0x80: {  	_ =	shalt  }
0x81: {  	_ =	shalt  }
0x82: {  	_ =	shalt  }
0x83: {  	_ =	shalt  }
0x84: {  	_ =	shalt  }
0x85: {  	_ =	shalt  }
0x86: {  	_ =	shalt  }
0x87: {  	_ =	shalt  }
.Lfunc_end0:
.L_simem_size_0:
called_computation.1_lowered:
.L_overlay_start_0:
0x88: {  	s2 =	sld [smem:$0x3FD9]  }
0x89: {  	s3 =	sld [smem:$0x3FFE];
	_ =	sdelay $0x1  }
0x8a: {  	s1 =	srdreg.scid  }
0x8b: {  	s0 =	sand.u32 $0x1, s1  }
0x8c: {  	s16 =	sshll.u32 s0, $0xA;
	s2 =	sadd.s32 s3, s2  }
0x8d: {  	s2 =	sadd.s32 s2, s16  }
0x8e: {  	[smem:$0x3FA5] =	sst s2  }
0x8f: {  	_ = 	snop  }
0x90: {  	(tm) =	ssettm $0x1  }
0x91: {  	s17 =	sld [smem:$0x3FFB];
	_ =	sdelay $0x3  }
0x92: {  	_ =	strace s17  }
0x93: {  	s2 =	sld [smem:$0x3FFC];
	_ =	sdelay $0x3  }
0x94: {  	_ =	strace s2  }
0x95: {  	s2 =	sld [smem:$0x3FFD];
	_ =	sdelay $0x3  }
0x96: {  	_ =	strace s2  }
0x97: {  	_ =	strace $0x8FFFFFFF  }
0x98: {  	s18 =	sld [smem:$0x3FDB];
	_ =	sdelay $0x1  }
0x99: {  	s19 =	simm.s32 $_scs_section_size  }
0x9a: {  	s4 =	simm.s32 $_size__tile_overlayer_lowered;
	s5 =	simm.s32 $_tile_overlayer_lowered  }
0x9b: {  	s22 =	simm.s32 $0x1BFF;
	s21 =	sshll.u32 s5, $0x1;
	s2 =	sadd.s32 s19, s18  }
0x9c: {  	s6 =	simm.s32 $0x0;
	s20 =	sshll.u32 s4, $0x1;
	s4 =	sadd.s32 s21, s2  }
0x9d: {  	[timem:s6], [sflag:s22] =	dma.local [hbm:s4], s20  }
0x9e: {  	_ =	swait.ge [sflag:s22], s20  }
0x9f: {  	s3 =	ssub.s32 $0x0, s20;
	[sflag:s22] =	ssyncset.done $0x0  }
0xa0: {  	[sflag:s22] =	ssyncadd.s32 s3;
	_ =	sdelay $0x1  }
0xa1: {  	s23 =	simm.s32 $0x1B8B  }
0xa2: {  	_ =	swait.ge [sflag:s23], $0x1  }
0xa3: {  	[sflag:s23] =	ssyncset.done $0x0  }
0xa4: {  	s25 =	simm.s32 $0x1B8E;
	s24 =	sld [smem:$0x3FFE];
	[sflag:s23] =	ssyncadd.s32 $0xFFFFFFFF  }
0xa5: {  	s26 =	simm.s32 $execute0_lowered;
	[smem:$0x3FD2] =	sst s25  }
0xa6: {  	s4 =	sshll.u32 s26, $0x1;
	_ =	strace $0x80000049;
	[dreg:$0x1] =	wrdreg $0xFFFFFFFF  }
0xa7: {  	s28 =	simm.s32 $_size_execute0_lowered;
	s2 =	sadd.s32 s2, s4;
	[dreg:$0x0] =	wrdreg $0x0  }
0xa8: {  	s4 =	sshll.u32 s28, $0x1;
	[dreg:$0x2] =	wrdreg s2  }
0xa9: {  	[dreg:$0x3] =	wrdreg s4  }
0xaa: {  	[dreg:$0x4] =	wrdreg $0xC0  }
0xab: {  	_ =	task [dreg:s6], $0x5FFFF  }
0xac: {  	[dreg:$0x1] =	wrdreg $0xFFFFFFFF  }
0xad: {  	[dreg:$0x0] =	wrdreg $0x60  }
0xae: {  	[dreg:$0x2] =	wrdreg s24  }
0xaf: {  	[dreg:$0x3] =	wrdreg $0x0  }
0xb0: {  	[dreg:$0x4] =	wrdreg $0x9  }
0xb1: {  	_ =	task.clear_ibuf [dreg:s6], $0x5FFFF;
	_ =	strace $0x90000049  }
0xb2: {  	s29 =	simm.s32 $0x9;
	_ =	strace $0x8000004B  }
0xb3: {  	_ =	swait.ge [sflag:s29], $0x1  }
0xb4: {  	[sflag:s29] =	ssyncadd.s32 $0xFFFFFFFF  }
0xb5: {  	_ =	strace $0x9000004B  }
0xb6: {  	_ =	sfence  }
0xb7: {  	s30 =	sld [smem:$0x0];
	_ =	sdelay $0x2  }
0xb8: {  	s31 =	sshll.u32 s1, $0xD;
	s1 =	sshrl.u32 s1, $0x2  }
0xb9: {  	s3 =	sand.u32 $0x4000, s31;
	s1 =	sadd.s32 s1, s30  }
0xba: {  	s0 =	sor.u32 s3, s0;
	s1 =	sshll.u32 s1, $0x11  }
0xbb: {  	s0 =	sor.u32 s1, s0  }
0xbc: {  	s0 =	sadd.s32 $0x8F2B, s0  }
0xbd: {  	[sflag:s0] =	ssyncadd.remote.s32 $0x1  }
0xbe: {  	_ =	sfence.sel $0xFFFF  }
0xbf: {  	[dreg:$0x0] =	wrdreg $0xFFFFFFFF;
	(pc) =	sbr.abs _section_cstart, $3  }
0xc0: {  	[dreg:$0x1] =	wrdreg $0xFFFFFFFF  }
0xc1: {  	_ =	task.clear_ibuf [dreg:s6], $0x2FFFF;
	_ =	strace $0x9FFFFFFF  }
0xc2: {  	(tm) =	ssettm $0x7FFFFFFF  }
0xc3: {  	_ =	shalt  }
tec
execute0_lowered:
.L_overlay_start_1:
0x0: {  	(tag) =	ssettag $0x1  }
0x1: {  	s0 =	stileid.u32;
	s5 =	rddreg [dreg:$0x0]  }
0x2: {  	s1 =	srdreg.scid;
	s2 =	rddreg [dreg:$0x1]  }
0x3: {  	s3 =	simm.s32 $0x0;
	s13 =	simm.s32 $0x15000;
	s14 =	simm.s32 $0x19000  }
0x4: {  	s15 =	simm.s32 $0x1;
	s16 =	simm.s32 $0x80;
	s6 =	smul.u32 $0x28000, s0  }
0x5: {  	s17 =	simm.s32 $0x2;
	s18 =	simm.s32 $0x0;
	s8 =	smul.u32 $0x13C00, s0  }
0x6: {  	s4 =	sand.u32 $0x1, s1;
	s23 =	sshll.u32 s0, $0x1;
	s11 =	smul.u32 $0x4F000, s0  }
0x7: {  	[smem:$0x7FF] =	sst s3;
	s31 =	sshll.u32 s0, $0x6;
	s9 =	smul.u32 $0x13C000, s4  }
0x8: {  	s1 =	sor.u32 s4, s23;
	s26 =	ssub.s32 $0x2, s4;
	s30 =	smul.u32 $0x14000, s4  }
0x9: {  	s7 =	smul.u32 $0x280, s1;
	s1 =	rddreg [dreg:$0x2];
	_ =	strace $0x8000004A  }
0xa: {  	s10 =	sadd.s32 s6, s5;
	s25 =	sshrl.u32 s8, $0x3;
	s28 =	sshrl.u32 s26, $0x1  }
0xb: {  	s29 =	sshrl.u32 s11, $0x2;
	s11 =	simm.s32 $0x3;
	s8 =	sadd.s32 s8, s9  }
0xc: {  	s9 =	ssub.s32 s26, s28;
	s12 =	sadd.s32 s29, s2;
	s10 =	sadd.s32 s30, s10  }
0xd: {  	s24 =	sadd.s32 s7, s5;
	s8 =	sshrl.u32 s8, $0x3;
	s7 =	sadd.s32 s25, s5  }
0xe: {  	s8 =	sadd.s32 s8, s5;
	s4 =	sadd.s32 $0x7BA800, s7;
	s5 =	sor.u32 $0x1C03, s31  }
0xf: {  	s6 =	sadd.s32 $0x9600, s24;
	s7 =	sadd.s32 $0x7E2000, s8;
	s8 =	smax.u32 s9, $0x1  }
0x10: {  	s9 =	sadd.s32 $0x53B000, s10;
	s10 =	sshrl.u32 s12, $0x3;
	s12 =	simm.s32 $0x13C00  }
.LBB2_1:
0x11: {  	[spmem:s10], [sflag:s5] =	dma.local [hbm:s4], $0x2780  }
0x12: {  	_ =	swait.ge [sflag:s11], $0x2780  }
0x13: {  	[sflag:s11] =	ssyncset.done $0x0  }
0x14: {  	[sflag:s11] =	ssyncadd.s32 $0xFFFFD880  }
0x15: {  	[bflag:$0x0] =	sbarrier.arrive $0xFFFF  }
0x16: {  	[tilespmem:s12], [sflag:$0x3] =	stream.linear.gather [hbm4b:s6+s3], $0x1400, $0x38;
	[tilespmem:$0x1D000] =	vst v63  }
0x17: {  	_ =	swait.ge [sflag:s11], $0x1400  }
0x18: {  	[sflag:s11] =	ssyncset.done $0x0  }
0x19: {  	s19 =	sadd.s32 $0xFFFFF800, s9;
	[sflag:s11] =	ssyncadd.s32 $0xFFFFEC00  }
0x1a: {  	[tilespmem:s13], [sflag:$0x1] =	stream.linear.gather [hbm4b:s19+s3], $0x4000, $0x38;
	[tilespmem:$0x1D000] =	vst v63  }
0x1b: {  	_ = 	snop  }
0x1c: {  	[tilespmem:s14], [sflag:$0x2] =	stream.linear.gather [hbm4b:s9+s3], $0x4000, $0x38;
	[tilespmem:$0x1D000] =	vst v63  }
0x1d: {  	_ =	swait.ge [sflag:s15], $0x4000  }
0x1e: {  	[sflag:s15] =	ssyncset.done $0x0  }
0x1f: {  	s30 =	simm.s32 $0x13C00;
	[sflag:s15] =	ssyncadd.s32 $0xFFFFC000  }
0x20: {  	[spmem:s2] =	stream.indirect.scatter.add.f32 [tilespmem:s13], [sflag:$0x3], $0x80, s30, s16, $0xb8;
	[tilespmem:$0x1D000] =	vst v63  }
0x21: {  	_ =	swait.ge [sflag:s11], $0x4000  }
0x22: {  	[sflag:s11] =	ssyncset.done $0x0  }
0x23: {  	[sflag:s11] =	ssyncadd.s32 $0xFFFFC000  }
0x24: {  	_ =	swait.ge [sflag:s17], $0x4000  }
0x25: {  	[sflag:s17] =	ssyncset.done $0x0  }
0x26: {  	s31 =	simm.s32 $0x13C80;
	[sflag:s17] =	ssyncadd.s32 $0xFFFFC000  }
0x27: {  	[spmem:s2] =	stream.indirect.scatter.add.f32 [tilespmem:s14], [sflag:$0x3], $0x80, s31, s16, $0xb8;
	[tilespmem:$0x1D000] =	vst v63  }
0x28: {  	s21 =	simm.s32 $0x800;
	_ =	swait.ge [sflag:s11], $0x4000  }
0x29: {  	s20 =	sadd.s32 $0x1000, s9;
	s19 =	simm.s32 $0x400;
	[sflag:s11] =	ssyncset.done $0x0  }
.LBB2_2:
0x2a: {  	p0 =	sne.s32 s21, $0x4C00;
	s22 =	sadd.s32 $0xFFFFF800, s20;
	[sflag:s11] =	ssyncadd.s32 $0xFFFFC000  }
0x2b: {  	[tilespmem:s13], [sflag:$0x1] =	stream.linear.gather [hbm4b:s22+s3], $0x4000, $0x38;
	[tilespmem:$0x1D000] =	vst v63  }
0x2c: {  	s22 =	smov.u32 s21;
	s21 =	sadd.s32 $0x400, s21  }
0x2d: {  	[tilespmem:s14], [sflag:$0x2] =	stream.linear.gather [hbm4b:s20+s3], $0x4000, $0x38;
	[tilespmem:$0x1D000] =	vst v63  }
0x2e: {  	_ =	swait.ge [sflag:s15], $0x4000  }
0x2f: {  	s23 =	sshra.s32 s19, $0x2;
	s19 =	smov.u32 s22;
	[sflag:s15] =	ssyncset.done $0x0  }
0x30: {  	s22 =	sadd.s32 $0x13C00, s23;
	[sflag:s15] =	ssyncadd.s32 $0xFFFFC000  }
0x31: {  	[spmem:s2] =	stream.indirect.scatter.add.f32 [tilespmem:s13], [sflag:$0x3], $0x80, s22, s16, $0xb8;
	[tilespmem:$0x1D000] =	vst v63  }
0x32: {  	_ =	swait.ge [sflag:s11], $0x4000  }
0x33: {  	[sflag:s11] =	ssyncset.done $0x0  }
0x34: {  	[sflag:s11] =	ssyncadd.s32 $0xFFFFC000  }
0x35: {  	_ =	swait.ge [sflag:s17], $0x4000  }
.Ltmp0:
0x36: {  	[sflag:s17] =	ssyncset.done $0x0;
	(pc) =	sbr.rel @p0 .LBB2_2-.Ltmp0, $4  }
0x37: {  	s22 =	sadd.s32 $0x13C80, s23;
	[sflag:s17] =	ssyncadd.s32 $0xFFFFC000  }
0x38: {  	[spmem:s2] =	stream.indirect.scatter.add.f32 [tilespmem:s14], [sflag:$0x3], $0x80, s22, s16, $0xb8;
	[tilespmem:$0x1D000] =	vst v63  }
0x39: {  	_ =	swait.ge [sflag:s11], $0x4000  }
0x3a: {  	s20 =	sadd.s32 $0x1000, s20;
	[sflag:s11] =	ssyncset.done $0x0  }
0x3b: {  	s21 =	sadd.s32 $0xFFFFF800, s20;
	[sflag:s11] =	ssyncadd.s32 $0xFFFFC000  }
0x3c: {  	[tilespmem:s13], [sflag:$0x1] =	stream.linear.gather [hbm4b:s21+s3], $0x4000, $0x38;
	[tilespmem:$0x1D000] =	vst v63  }
0x3d: {  	_ = 	snop  }
0x3e: {  	[tilespmem:s14], [sflag:$0x2] =	stream.linear.gather [hbm4b:s20+s3], $0x4000, $0x38;
	[tilespmem:$0x1D000] =	vst v63  }
0x3f: {  	_ =	swait.ge [sflag:s15], $0x4000  }
0x40: {  	s19 =	sshra.s32 s19, $0x2;
	[sflag:s15] =	ssyncset.done $0x0  }
0x41: {  	s31 =	sadd.s32 $0x13C00, s19;
	[sflag:s15] =	ssyncadd.s32 $0xFFFFC000  }
0x42: {  	[spmem:s2] =	stream.indirect.scatter.add.f32 [tilespmem:s13], [sflag:$0x3], $0x80, s31, s16, $0xb8;
	[tilespmem:$0x1D000] =	vst v63  }
0x43: {  	_ =	swait.ge [sflag:s11], $0x4000  }
0x44: {  	[sflag:s11] =	ssyncset.done $0x0  }
0x45: {  	[sflag:s11] =	ssyncadd.s32 $0xFFFFC000  }
0x46: {  	_ =	swait.ge [sflag:s17], $0x4000  }
0x47: {  	[sflag:s17] =	ssyncset.done $0x0  }
0x48: {  	s19 =	sadd.s32 $0x13C80, s19;
	[sflag:s17] =	ssyncadd.s32 $0xFFFFC000  }
0x49: {  	[spmem:s2] =	stream.indirect.scatter.add.f32 [tilespmem:s14], [sflag:$0x3], $0x80, s19, s16, $0xb8;
	[tilespmem:$0x1D000] =	vst v63  }
0x4a: {  	_ =	swait.ge [sflag:s11], $0x4000  }
0x4b: {  	s18 =	sadd.s32 $0x1, s18;
	[sflag:s11] =	ssyncset.done $0x0  }
0x4c: {  	p0 =	sne.s32 s18, s8;
	[sflag:s11] =	ssyncadd.s32 $0xFFFFC000  }
.Ltmp1:
0x4d: {  	[bflag:$0x0] =	sbarrier.arrive $0xFFFF;
	(pc) =	sbr.rel @p0 .LBB2_1-.Ltmp1, $4  }
0x4e: {  	[hbm:s7], [sflag:s5] =	dma.local [spmem:s10], $0x2780  }
0x4f: {  	_ =	swait.ge [sflag:s11], $0x2780  }
0x50: {  	[sflag:s11] =	ssyncset.done $0x0  }
0x51: {  	[sflag:s11] =	ssyncadd.s32 $0xFFFFD880  }
0x52: {  	_ =	sfence.sel $0x180000  }
0x53: {  	[bflag:$0x0] =	sbarrier.arrive $0xFFFF  }
0x54: {  	p0 =	sne.s32 s0, $0x0;
	_ =	strace $0x9000004A  }
0x55: {  	s0 =	sadd.s32 @!p0 $0x100000, s1;
	[bflag:$0x2] =	sbarrier.arrive $0xFFFF  }
0x56: {  	[sflag:s0] =	ssyncadd.tile.s32 @!p0 $0x1;
	_ =	shalt  }
.Lfunc_end2:
_tile_overlayer_lowered:
.L_overlay_start_2:
0x57: {  	(tag) =	ssettag $0x2  }
0x58: {  	s0 =	rddreg [dreg:$0x0];
	s2 =	stileid.u32  }
0x59: {  	s1 =	rddreg [dreg:$0x1];
	p0 =	sne.s32 s2, $0x0  }
0x5a: {  	s3 =	rddreg [dreg:$0x2];
	[bflag:$0x3] =	sbarrier.arrive $0xFFFF;
	s2 =	simm.s32 @!p0 $0x1C03  }
0x5b: {  	[timem:s3], [sflag:s2] =	dma.local @!p0 [hbm:s0], s1  }
0x5c: {  	s0 =	simm.s32 @!p0 $0x3  }
0x5d: {  	_ =	swait.ge @!p0 [sflag:s0], s1  }
0x5e: {  	s1 =	ssub.s32 @!p0 $0x0, s1;
	[sflag:s0] =	ssyncset.done @!p0 $0x0  }
0x5f: {  	[sflag:s0] =	ssyncadd.s32 @!p0 s1  }
0x60: {  	[bflag:$0x3] =	sbarrier.arrive $0xFFFF  }
0x61: {  	_ =	shalt  }

// kernel: kernel.25.cloned.1.call-start
scs
__scs_entry_jumppad:
0x0: {  	(pc) =	sbr.rel $0x88, $3  }
0x1: {  	(tag) =	ssettag $0x0;
	lr =	simm.s32 $0x1  }
0x2: {  	[smem:$0x3F7E] =	sst lr;
	_ =	strace $0xD0000000  }
0x3: {  	_ = 	snop  }
0x4: {  	_ = 	snop  }
0x5: {  	_ = 	snop  }
0x6: {  	_ = 	snop  }
0x7: {  	_ = 	snop  }
__scs_overlays_trampoline_lowered:
0x8: {  	[smem:$0x3F8D] =	sst s0  }
0x9: {  	[smem:$0x3F8E] =	sst s1  }
0xa: {  	[smem:$0x3F8F] =	sst s2  }
0xb: {  	[smem:$0x3F90] =	sst s3  }
0xc: {  	[smem:$0x3F91] =	sst s4  }
0xd: {  	[smem:$0x3F92] =	sst s5  }
0xe: {  	[smem:$0x3F93] =	sst s6  }
0xf: {  	[smem:$0x3F94] =	sst s7  }
0x10: {  	[smem:$0x3F95] =	sst s8  }
0x11: {  	[smem:$0x3F96] =	sst s9;
	s0 =	simm.s32 @!p0 $0x0  }
0x12: {  	s1 =	sld [smem:$0x3F7C];
	s0 =	simm.s32 @p0 $0x1  }
0x13: {  	[smem:$0x3F97] =	sst s0;
	s0 =	simm.s32 @!p1 $0x0  }
0x14: {  	s2 =	sld [smem:$0x3F7B];
	s0 =	simm.s32 @p1 $0x1  }
0x15: {  	[smem:$0x3F98] =	sst s0;
	s0 =	simm.s32 @!p2 $0x0  }
0x16: {  	s3 =	sld [smem:$0x3FDB];
	s0 =	simm.s32 @p2 $0x1  }
0x17: {  	s4 =	simm.s32 $0x1BF5;
	[smem:$0x3F9A] =	sst s0  }
0x18: {  	s0 =	sld [smem:$0x3F7D];
	_ =	swait.ge [sflag:s4], $0x0  }
0x19: {  	s7 =	sld [smem:$0x3F7E]  }
0x1a: {  	s8 =	sadd.s32 $0xFFFFE003, lr  }
0x1b: {  	s9 =	sadd.s32 $0xFFFFFEF7, lr;
	s5 =	simm.s32 $0xFFFFFFFF;
	p2 =	slt.u32 s8, $0xFFFFF086  }
0x1c: {  	p1 =	slt.u32 s9, $0xF7A;
	s5 =	simm.s32 @!p2 $0x0  }
0x1d: {  	s5 =	simm.s32 @p1 $0x1;
	p0 =	seq.s32 s7, s2  }
0x1e: {  	s7 =	smul.u32 @!p0 $0xF7A, s2;
	p2 =	seq.s32 @!p0 s5, $0x0  }
0x1f: {  	s9 =	smul.u32 $0xF7A, s1;
	s8 =	simm.s32 @!p0 $0x1BF5;
	p2 =	por !p2, p0  }
0x20: {  	[sflag:s8] =	ssyncset.s32 @!p0 $0xFFFFF086;
	s6 =	sadd.s32 @!p0 s3, s7;
	s7 =	simm.s32 @!p0 $0x108  }
0x21: {  	s3 =	sadd.s32 s3, s9;
	s6 =	sadd.s32 @!p0 $0x88, s6;
	s7 =	simm.s32 @p2 $0x1082  }
0x22: {  	[simem:s7], [sflag:s8] =	dma.local @!p0 [hbm:s6], $0xF7A  }
0x23: {  	s9 =	sor.u32 $0xD0000000, s2;
	s6 =	simm.s32 $0x108;
	_ =	swait.ge @!p0 [sflag:s8], $0x0  }
0x24: {  	s3 =	sadd.s32 $0x88, s3;
	s6 =	simm.s32 @!p1 $0x1082;
	[sflag:s4] =	ssyncset.s32 $0xFFFFF086  }
0x25: {  	[simem:s6], [sflag:s4] =	dma.local [hbm:s3], $0xF7A  }
0x26: {  	[smem:$0x3F7E] =	sst s1;
	(tag) =	ssettag s2;
	_ =	strace s9  }
0x27: {  	s1 =	sld [smem:$0x3F8E]  }
0x28: {  	s2 =	sld [smem:$0x3F8F]  }
0x29: {  	s4 =	sld [smem:$0x3F91]  }
0x2a: {  	p0 =	seq.s32 s5, $0x0;
	s5 =	sld [smem:$0x3F92]  }
0x2b: {  	s6 =	sld [smem:$0x3F93]  }
0x2c: {  	s7 =	sld [smem:$0x3F94]  }
0x2d: {  	s3 =	simm.s32 $0x108;
	s8 =	sld [smem:$0x3F95]  }
0x2e: {  	s3 =	simm.s32 @!p0 $0x1082;
	s9 =	sld [smem:$0x3F96]  }
0x2f: {  	lr =	sadd.s32 s0, s3;
	s0 =	sld [smem:$0x3F8D]  }
0x30: {  	s3 =	sld [smem:$0x3F90]  }
0x31: {  	[smem:$0x3F99] =	sst s10  }
0x32: {  	s10 =	sld [smem:$0x3F97];
	_ =	sdelay $0x3  }
0x33: {  	p0 =	seq.s32 s10, $0x1;
	s10 =	sld [smem:$0x3F99];
	_ =	sdelay $0x3  }
0x34: {  	[smem:$0x3F99] =	sst s10  }
0x35: {  	s10 =	sld [smem:$0x3F98];
	_ =	sdelay $0x3  }
0x36: {  	p1 =	seq.s32 s10, $0x1;
	s10 =	sld [smem:$0x3F99];
	_ =	sdelay $0x3  }
0x37: {  	[smem:$0x3F99] =	sst s10  }
0x38: {  	s10 =	sld [smem:$0x3F9A]  }
0x39: {  	_ = 	snop;
	(pc) =	sbr.ind lr, $3  }
0x3a: {  	_ = 	snop  }
0x3b: {  	_ = 	snop  }
0x3c: {  	p2 =	seq.s32 s10, $0x1;
	s10 =	sld [smem:$0x3F99]  }
0x3d: {  	_ =	shalt  }
0x3e: {  	_ =	shalt  }
0x3f: {  	_ =	shalt  }
0x40: {  	_ =	shalt  }
0x41: {  	_ =	shalt  }
0x42: {  	_ =	shalt  }
0x43: {  	_ =	shalt  }
0x44: {  	_ =	shalt  }
0x45: {  	_ =	shalt  }
0x46: {  	_ =	shalt  }
0x47: {  	_ =	shalt  }
0x48: {  	_ =	shalt  }
0x49: {  	_ =	shalt  }
0x4a: {  	_ =	shalt  }
0x4b: {  	_ =	shalt  }
0x4c: {  	_ =	shalt  }
0x4d: {  	_ =	shalt  }
0x4e: {  	_ =	shalt  }
0x4f: {  	_ =	shalt  }
0x50: {  	_ =	shalt  }
0x51: {  	_ =	shalt  }
0x52: {  	_ =	shalt  }
0x53: {  	_ =	shalt  }
0x54: {  	_ =	shalt  }
0x55: {  	_ =	shalt  }
0x56: {  	_ =	shalt  }
0x57: {  	_ =	shalt  }
0x58: {  	_ =	shalt  }
0x59: {  	_ =	shalt  }
0x5a: {  	_ =	shalt  }
0x5b: {  	_ =	shalt  }
0x5c: {  	_ =	shalt  }
0x5d: {  	_ =	shalt  }
0x5e: {  	_ =	shalt  }
0x5f: {  	_ =	shalt  }
0x60: {  	_ =	shalt  }
0x61: {  	_ =	shalt  }
0x62: {  	_ =	shalt  }
0x63: {  	_ =	shalt  }
0x64: {  	_ =	shalt  }
0x65: {  	_ =	shalt  }
0x66: {  	_ =	shalt  }
0x67: {  	_ =	shalt  }
0x68: {  	_ =	shalt  }
0x69: {  	_ =	shalt  }
0x6a: {  	_ =	shalt  }
0x6b: {  	_ =	shalt  }
0x6c: {  	_ =	shalt  }
0x6d: {  	_ =	shalt  }
0x6e: {  	_ =	shalt  }
0x6f: {  	_ =	shalt  }
0x70: {  	_ =	shalt  }
0x71: {  	_ =	shalt  }
0x72: {  	_ =	shalt  }
0x73: {  	_ =	shalt  }
0x74: {  	_ =	shalt  }
0x75: {  	_ =	shalt  }
0x76: {  	_ =	shalt  }
0x77: {  	_ =	shalt  }
0x78: {  	_ =	shalt  }
0x79: {  	_ =	shalt  }
0x7a: {  	_ =	shalt  }
0x7b: {  	_ =	shalt  }
0x7c: {  	_ =	shalt  }
0x7d: {  	_ =	shalt  }
0x7e: {  	_ =	shalt  }
0x7f: {  	_ =	shalt  }
0x80: {  	_ =	shalt  }
0x81: {  	_ =	shalt  }
0x82: {  	_ =	shalt  }
0x83: {  	_ =	shalt  }
0x84: {  	_ =	shalt  }
0x85: {  	_ =	shalt  }
0x86: {  	_ =	shalt  }
0x87: {  	_ =	shalt  }
.Lfunc_end0:
.L_simem_size_0:
called_computation.2_lowered:
.L_overlay_start_0:
0x88: {  	s2 =	sld [smem:$0x3FD9]  }
0x89: {  	s3 =	sld [smem:$0x3FFE];
	_ =	sdelay $0x1  }
0x8a: {  	s1 =	srdreg.scid  }
0x8b: {  	s0 =	sand.u32 $0x1, s1  }
0x8c: {  	s16 =	sshll.u32 s0, $0xA;
	s2 =	sadd.s32 s3, s2  }
0x8d: {  	s2 =	sadd.s32 s2, s16  }
0x8e: {  	[smem:$0x3FA5] =	sst s2  }
0x8f: {  	_ = 	snop  }
0x90: {  	(tm) =	ssettm $0x1  }
0x91: {  	s17 =	sld [smem:$0x3FFB];
	_ =	sdelay $0x3  }
0x92: {  	_ =	strace s17  }
0x93: {  	s2 =	sld [smem:$0x3FFC];
	_ =	sdelay $0x3  }
0x94: {  	_ =	strace s2  }
0x95: {  	s2 =	sld [smem:$0x3FFD];
	_ =	sdelay $0x3  }
0x96: {  	_ =	strace s2  }
0x97: {  	_ =	strace $0x8FFFFFFF  }
0x98: {  	s18 =	sld [smem:$0x3FDB];
	_ =	sdelay $0x1  }
0x99: {  	s19 =	simm.s32 $_scs_section_size  }
0x9a: {  	s4 =	simm.s32 $_size__tile_overlayer_lowered;
	s5 =	simm.s32 $_tile_overlayer_lowered  }
0x9b: {  	s22 =	simm.s32 $0x1BFF;
	s21 =	sshll.u32 s5, $0x1;
	s2 =	sadd.s32 s19, s18  }
0x9c: {  	s6 =	simm.s32 $0x0;
	s20 =	sshll.u32 s4, $0x1;
	s4 =	sadd.s32 s21, s2  }
0x9d: {  	[timem:s6], [sflag:s22] =	dma.local [hbm:s4], s20  }
0x9e: {  	_ =	swait.ge [sflag:s22], s20  }
0x9f: {  	s3 =	ssub.s32 $0x0, s20;
	[sflag:s22] =	ssyncset.done $0x0  }
0xa0: {  	[sflag:s22] =	ssyncadd.s32 s3;
	_ =	sdelay $0x1  }
0xa1: {  	s23 =	simm.s32 $0x1B8B  }
0xa2: {  	_ =	swait.ge [sflag:s23], $0x1  }
0xa3: {  	[sflag:s23] =	ssyncset.done $0x0  }
0xa4: {  	s25 =	simm.s32 $0x1B8E;
	s24 =	sld [smem:$0x3FFE];
	[sflag:s23] =	ssyncadd.s32 $0xFFFFFFFF  }
0xa5: {  	s26 =	simm.s32 $execute0_lowered;
	[smem:$0x3FD2] =	sst s25  }
0xa6: {  	s4 =	sshll.u32 s26, $0x1;
	_ =	strace $0x8000004C;
	[dreg:$0x1] =	wrdreg $0xFFFFFFFF  }
0xa7: {  	s28 =	simm.s32 $_size_execute0_lowered;
	s2 =	sadd.s32 s2, s4;
	[dreg:$0x0] =	wrdreg $0x0  }
0xa8: {  	s4 =	sshll.u32 s28, $0x1;
	[dreg:$0x2] =	wrdreg s2  }
0xa9: {  	[dreg:$0x3] =	wrdreg s4  }
0xaa: {  	[dreg:$0x4] =	wrdreg $0xC0  }
0xab: {  	_ =	task [dreg:s6], $0x5FFFF  }
0xac: {  	[dreg:$0x1] =	wrdreg $0xFFFFFFFF  }
0xad: {  	[dreg:$0x0] =	wrdreg $0x60  }
0xae: {  	[dreg:$0x2] =	wrdreg s24  }
0xaf: {  	[dreg:$0x3] =	wrdreg $0x9  }
0xb0: {  	_ =	task.clear_ibuf [dreg:s6], $0x4FFFF;
	_ =	strace $0x9000004C  }
0xb1: {  	s29 =	simm.s32 $0x9;
	_ =	strace $0x8000004E  }
0xb2: {  	_ =	swait.ge [sflag:s29], $0x1  }
0xb3: {  	[sflag:s29] =	ssyncadd.s32 $0xFFFFFFFF  }
0xb4: {  	_ =	strace $0x9000004E  }
0xb5: {  	_ =	sfence  }
0xb6: {  	s30 =	sld [smem:$0x0];
	_ =	sdelay $0x2  }
0xb7: {  	s31 =	sshll.u32 s1, $0xD;
	s1 =	sshrl.u32 s1, $0x2  }
0xb8: {  	s3 =	sand.u32 $0x4000, s31;
	s1 =	sadd.s32 s1, s30  }
0xb9: {  	s0 =	sor.u32 s3, s0;
	s1 =	sshll.u32 s1, $0x11  }
0xba: {  	s0 =	sor.u32 s1, s0  }
0xbb: {  	s0 =	sadd.s32 $0x8F2B, s0  }
0xbc: {  	[sflag:s0] =	ssyncadd.remote.s32 $0x1  }
0xbd: {  	_ =	sfence.sel $0xFFFF  }
0xbe: {  	[dreg:$0x0] =	wrdreg $0xFFFFFFFF;
	(pc) =	sbr.abs _section_cstart, $3  }
0xbf: {  	[dreg:$0x1] =	wrdreg $0xFFFFFFFF  }
0xc0: {  	_ =	task.clear_ibuf [dreg:s6], $0x2FFFF;
	_ =	strace $0x9FFFFFFF  }
0xc1: {  	(tm) =	ssettm $0x7FFFFFFF  }
tec
execute0_lowered:
.L_overlay_start_1:
0x0: {  	(tag) =	ssettag $0x1  }
0x1: {  	s1 =	srdreg.scid  }
0x2: {  	s0 =	stileid.u32;
	s4 =	rddreg [dreg:$0x0];
	s13 =	simm.s32 $0x2800  }
0x3: {  	s14 =	simm.s32 $0xE800;
	s15 =	simm.s32 $0x6800;
	s16 =	simm.s32 $0x12800  }
0x4: {  	s17 =	simm.s32 $0xA800;
	s18 =	simm.s32 $0x16800;
	s19 =	simm.s32 $0x1  }
0x5: {  	s20 =	simm.s32 $0x4;
	s21 =	simm.s32 $0x2;
	s22 =	simm.s32 $0x5  }
0x6: {  	s23 =	simm.s32 $0x3;
	s24 =	simm.s32 $0x6;
	s26 =	simm.s32 $0x2780  }
0x7: {  	s28 =	simm.s32 $0x0;
	s1 =	sand.u32 $0x1, s1;
	s2 =	sshll.u32 s0, $0x1  }
0x8: {  	s3 =	sadd.s32 $0x7E2000, s4;
	s11 =	smul.u32 $0x28000, s0;
	s5 =	sor.u32 s1, s2  }
0x9: {  	s8 =	sadd.s32 $0x809200, s4;
	s9 =	sadd.s32 $0x13600, s4;
	s6 =	smul.u32 $0x1400, s5  }
0xa: {  	s2 =	simm.s32 $0x0;
	s7 =	ssub.s32 $0x2, s1;
	s5 =	smul.u32 $0xA0000, s5  }
0xb: {  	s1 =	smul.u32 $0x14000, s1;
	[smem:$0x7FF] =	sst s2;
	s30 =	sshrl.u32 s7, $0x1  }
0xc: {  	_ =	strace $0x8000004D;
	s6 =	sshrl.u32 s6, $0x3;
	s5 =	sshrl.u32 s5, $0x3  }
0xd: {  	s10 =	ssub.s32 s7, s30;
	s6 =	sadd.s32 s6, s4;
	s31 =	sadd.s32 $0x13800, s5  }
0xe: {  	s4 =	sadd.s32 $0xE600, s6;
	s5 =	sadd.s32 $0x9600, s6;
	s6 =	sadd.s32 s8, s31  }
0xf: {  	s8 =	sadd.s32 s11, s8;
	s7 =	sadd.s32 s9, s31;
	s9 =	sadd.s32 s11, s9  }
0x10: {  	s12 =	sadd.s32 s1, s8;
	s8 =	smax.u32 s10, $0x1;
	s9 =	sadd.s32 s1, s9  }
0x11: {  	s10 =	simm.s32 $0x7;
	[dreg:$0x2] =	wrdreg s12;
	s12 =	simm.s32 $0x80  }
.LBB2_1:
0x12: {  	[tilespmem:s2], [sflag:$0x7] =	stream.linear.gather [hbm4b:s4+s2], $0x1400, $0x38;
	[tilespmem:$0x1A800] =	vst v63  }
0x13: {  	_ =	swait.ge [sflag:s10], $0x1400  }
0x14: {  	[sflag:s10] =	ssyncset.done $0x0  }
0x15: {  	s0 =	simm.s32 $0x1400;
	[sflag:s10] =	ssyncadd.s32 $0xFFFFEC00  }
0x16: {  	[tilespmem:s0], [sflag:$0x7] =	stream.linear.gather [hbm4b:s5+s2], $0x1400, $0x38;
	[tilespmem:$0x1A800] =	vst v63  }
0x17: {  	_ =	swait.ge [sflag:s10], $0x1400  }
0x18: {  	[sflag:s10] =	ssyncset.done $0x0  }
0x19: {  	s1 =	simm.s32 $0x0;
	[sflag:s10] =	ssyncadd.s32 $0xFFFFEC00  }
0x1a: {  	[tilespmem:s13], [sflag:$0x1] =	stream.indirect.gather [hbm4b:s3+s12], $0x80, s1, s12, $0xb8;
	[tilespmem:$0x1A800] =	vst v63  }
0x1b: {  	s0 =	simm.s32 $0x1400  }
0x1c: {  	[tilespmem:s14], [sflag:$0x4] =	stream.indirect.gather [hbm4b:s3+s12], $0x80, s0, s12, $0xb8;
	[tilespmem:$0x1A800] =	vst v63  }
0x1d: {  	s11 =	simm.s32 $0x80  }
0x1e: {  	[tilespmem:s15], [sflag:$0x2] =	stream.indirect.gather [hbm4b:s3+s12], $0x80, s11, s12, $0xb8;
	[tilespmem:$0x1A800] =	vst v63  }
0x1f: {  	s25 =	simm.s32 $0x1480  }
0x20: {  	[tilespmem:s16], [sflag:$0x5] =	stream.indirect.gather [hbm4b:s3+s12], $0x80, s25, s12, $0xb8;
	[tilespmem:$0x1A800] =	vst v63  }
0x21: {  	s0 =	simm.s32 $0x100  }
0x22: {  	[tilespmem:s17], [sflag:$0x3] =	stream.indirect.gather [hbm4b:s3+s12], $0x80, s0, s12, $0xb8;
	[tilespmem:$0x1A800] =	vst v63  }
0x23: {  	s29 =	simm.s32 $0x1500  }
0x24: {  	[tilespmem:s18], [sflag:$0x6] =	stream.indirect.gather [hbm4b:s3+s12], $0x80, s29, s12, $0xb8;
	[tilespmem:$0x1A800] =	vst v63  }
0x25: {  	_ =	swait.ge [sflag:s19], $0x4000  }
0x26: {  	s11 =	rddreg [dreg:$0x2];
	[sflag:s19] =	ssyncset.done $0x0  }
0x27: {  	[sflag:s19] =	ssyncadd.s32 $0xFFFFC000;
	s1 =	sadd.s32 $0x0, s11  }
0x28: {  	[hbm4b:s1+s2] =	stream.linear.scatter [tilespmem:s13], [sflag:$0x7], $0x4000, $0x38;
	[tilespmem:$0x1A800] =	vst v63  }
0x29: {  	_ =	swait.ge [sflag:s10], $0x4000  }
0x2a: {  	[sflag:s10] =	ssyncset.done $0x0  }
0x2b: {  	[sflag:s10] =	ssyncadd.s32 $0xFFFFC000  }
0x2c: {  	_ =	swait.ge [sflag:s20], $0x4000  }
0x2d: {  	[sflag:s20] =	ssyncset.done $0x0  }
0x2e: {  	s30 =	sadd.s32 $0x0, s9;
	[sflag:s20] =	ssyncadd.s32 $0xFFFFC000  }
0x2f: {  	[hbm4b:s30+s2] =	stream.linear.scatter [tilespmem:s14], [sflag:$0x7], $0x4000, $0x38;
	[tilespmem:$0x1A800] =	vst v63  }
0x30: {  	_ =	swait.ge [sflag:s10], $0x4000  }
0x31: {  	[sflag:s10] =	ssyncset.done $0x0  }
0x32: {  	[sflag:s10] =	ssyncadd.s32 $0xFFFFC000  }
0x33: {  	_ =	swait.ge [sflag:s21], $0x4000  }
0x34: {  	[sflag:s21] =	ssyncset.done $0x0  }
0x35: {  	s31 =	sadd.s32 $0x800, s1;
	[sflag:s21] =	ssyncadd.s32 $0xFFFFC000  }
0x36: {  	[hbm4b:s31+s2] =	stream.linear.scatter [tilespmem:s15], [sflag:$0x7], $0x4000, $0x38;
	[tilespmem:$0x1A800] =	vst v63  }
0x37: {  	_ =	swait.ge [sflag:s10], $0x4000  }
0x38: {  	[sflag:s10] =	ssyncset.done $0x0  }
0x39: {  	[sflag:s10] =	ssyncadd.s32 $0xFFFFC000  }
0x3a: {  	_ =	swait.ge [sflag:s22], $0x4000  }
0x3b: {  	[sflag:s22] =	ssyncset.done $0x0  }
0x3c: {  	s31 =	sadd.s32 $0x800, s30;
	[sflag:s22] =	ssyncadd.s32 $0xFFFFC000  }
0x3d: {  	[hbm4b:s31+s2] =	stream.linear.scatter [tilespmem:s16], [sflag:$0x7], $0x4000, $0x38;
	[tilespmem:$0x1A800] =	vst v63  }
0x3e: {  	_ =	swait.ge [sflag:s10], $0x4000  }
0x3f: {  	[sflag:s10] =	ssyncset.done $0x0  }
0x40: {  	[sflag:s10] =	ssyncadd.s32 $0xFFFFC000  }
0x41: {  	_ =	swait.ge [sflag:s23], $0x4000  }
0x42: {  	[sflag:s23] =	ssyncset.done $0x0  }
0x43: {  	s1 =	sadd.s32 $0x1000, s1;
	[sflag:s23] =	ssyncadd.s32 $0xFFFFC000  }
0x44: {  	[hbm4b:s1+s2] =	stream.linear.scatter [tilespmem:s17], [sflag:$0x7], $0x4000, $0x38;
	[tilespmem:$0x1A800] =	vst v63  }
0x45: {  	_ =	swait.ge [sflag:s10], $0x4000  }
0x46: {  	[sflag:s10] =	ssyncset.done $0x0  }
0x47: {  	[sflag:s10] =	ssyncadd.s32 $0xFFFFC000  }
0x48: {  	_ =	swait.ge [sflag:s24], $0x4000  }
0x49: {  	[sflag:s24] =	ssyncset.done $0x0  }
0x4a: {  	s25 =	sadd.s32 $0x1000, s30;
	[sflag:s24] =	ssyncadd.s32 $0xFFFFC000  }
0x4b: {  	[hbm4b:s25+s2] =	stream.linear.scatter [tilespmem:s18], [sflag:$0x7], $0x4000, $0x38;
	[tilespmem:$0x1A800] =	vst v63  }
0x4c: {  	s30 =	simm.s32 $0x1800;
	_ =	swait.ge [sflag:s10], $0x4000  }
0x4d: {  	s31 =	simm.s32 $0x280;
	s1 =	simm.s32 $0x3000;
	[sflag:s10] =	ssyncset.done $0x0  }
.LBB2_2:
0x4e: {  	s0 =	sadd.s32 $0xFFFFFF00, s31;
	[sflag:s10] =	ssyncadd.s32 $0xFFFFC000;
	s29 =	sadd.s32 $0x180, s29  }
0x4f: {  	[tilespmem:s13], [sflag:$0x1] =	stream.indirect.gather [hbm4b:s3+s12], $0x80, s0, s12, $0xb8;
	[tilespmem:$0x1A800] =	vst v63  }
0x50: {  	s25 =	sadd.s32 $0xFFFFFF00, s29  }
0x51: {  	[tilespmem:s14], [sflag:$0x4] =	stream.indirect.gather [hbm4b:s3+s12], $0x80, s25, s12, $0xb8;
	[tilespmem:$0x1A800] =	vst v63  }
0x52: {  	s25 =	sadd.s32 $0xFFFFFF80, s31  }
0x53: {  	[tilespmem:s15], [sflag:$0x2] =	stream.indirect.gather [hbm4b:s3+s12], $0x80, s25, s12, $0xb8;
	[tilespmem:$0x1A800] =	vst v63  }
0x54: {  	s25 =	sadd.s32 $0xFFFFFF80, s29  }
0x55: {  	[tilespmem:s16], [sflag:$0x5] =	stream.indirect.gather [hbm4b:s3+s12], $0x80, s25, s12, $0xb8;
	[tilespmem:$0x1A800] =	vst v63  }
0x56: {  	_ = 	snop  }
0x57: {  	[tilespmem:s17], [sflag:$0x3] =	stream.indirect.gather [hbm4b:s3+s12], $0x80, s31, s12, $0xb8;
	[tilespmem:$0x1A800] =	vst v63  }
0x58: {  	_ = 	snop  }
0x59: {  	[tilespmem:s18], [sflag:$0x6] =	stream.indirect.gather [hbm4b:s3+s12], $0x80, s29, s12, $0xb8;
	[tilespmem:$0x1A800] =	vst v63  }
0x5a: {  	_ =	swait.ge [sflag:s19], $0x4000  }
0x5b: {  	s25 =	rddreg [dreg:$0x2];
	[sflag:s19] =	ssyncset.done $0x0  }
0x5c: {  	[sflag:s19] =	ssyncadd.s32 $0xFFFFC000;
	s0 =	sadd.s32 s30, s25  }
0x5d: {  	[hbm4b:s0+s2] =	stream.linear.scatter [tilespmem:s13], [sflag:$0x7], $0x4000, $0x38;
	[tilespmem:$0x1A800] =	vst v63  }
0x5e: {  	_ =	swait.ge [sflag:s10], $0x4000  }
0x5f: {  	[sflag:s10] =	ssyncset.done $0x0  }
0x60: {  	[sflag:s10] =	ssyncadd.s32 $0xFFFFC000  }
0x61: {  	_ =	swait.ge [sflag:s20], $0x4000  }
0x62: {  	[sflag:s20] =	ssyncset.done $0x0  }
0x63: {  	s25 =	sadd.s32 s30, s9;
	[sflag:s20] =	ssyncadd.s32 $0xFFFFC000  }
0x64: {  	[hbm4b:s25+s2] =	stream.linear.scatter [tilespmem:s14], [sflag:$0x7], $0x4000, $0x38;
	[tilespmem:$0x1A800] =	vst v63  }
0x65: {  	_ =	swait.ge [sflag:s10], $0x4000  }
0x66: {  	[sflag:s10] =	ssyncset.done $0x0  }
0x67: {  	[sflag:s10] =	ssyncadd.s32 $0xFFFFC000  }
0x68: {  	_ =	swait.ge [sflag:s21], $0x4000  }
0x69: {  	s11 =	smov.u32 s1;
	[sflag:s21] =	ssyncset.done $0x0  }
0x6a: {  	s30 =	smov.u32 s11;
	s11 =	sadd.s32 $0x800, s0;
	[sflag:s21] =	ssyncadd.s32 $0xFFFFC000  }
0x6b: {  	[hbm4b:s11+s2] =	stream.linear.scatter [tilespmem:s15], [sflag:$0x7], $0x4000, $0x38;
	[tilespmem:$0x1A800] =	vst v63  }
0x6c: {  	_ =	swait.ge [sflag:s10], $0x4000  }
0x6d: {  	[sflag:s10] =	ssyncset.done $0x0  }
0x6e: {  	[sflag:s10] =	ssyncadd.s32 $0xFFFFC000  }
0x6f: {  	_ =	swait.ge [sflag:s22], $0x4000  }
0x70: {  	[sflag:s22] =	ssyncset.done $0x0  }
0x71: {  	s11 =	sadd.s32 $0x800, s25;
	[sflag:s22] =	ssyncadd.s32 $0xFFFFC000  }
0x72: {  	[hbm4b:s11+s2] =	stream.linear.scatter [tilespmem:s16], [sflag:$0x7], $0x4000, $0x38;
	[tilespmem:$0x1A800] =	vst v63  }
0x73: {  	_ =	swait.ge [sflag:s10], $0x4000  }
0x74: {  	[sflag:s10] =	ssyncset.done $0x0  }
0x75: {  	[sflag:s10] =	ssyncadd.s32 $0xFFFFC000  }
0x76: {  	_ =	swait.ge [sflag:s23], $0x4000  }
0x77: {  	[sflag:s23] =	ssyncset.done $0x0  }
0x78: {  	s0 =	sadd.s32 $0x1000, s0;
	[sflag:s23] =	ssyncadd.s32 $0xFFFFC000  }
0x79: {  	[hbm4b:s0+s2] =	stream.linear.scatter [tilespmem:s17], [sflag:$0x7], $0x4000, $0x38;
	[tilespmem:$0x1A800] =	vst v63  }
0x7a: {  	_ =	swait.ge [sflag:s10], $0x4000  }
0x7b: {  	[sflag:s10] =	ssyncset.done $0x0  }
0x7c: {  	[sflag:s10] =	ssyncadd.s32 $0xFFFFC000  }
0x7d: {  	p0 =	sne.s32 s1, $0x12000;
	_ =	swait.ge [sflag:s24], $0x4000  }
.Ltmp0:
0x7e: {  	[sflag:s24] =	ssyncset.done $0x0;
	(pc) =	sbr.rel @p0 .LBB2_2-.Ltmp0, $4  }
0x7f: {  	s25 =	sadd.s32 $0x1000, s25;
	[sflag:s24] =	ssyncadd.s32 $0xFFFFC000  }
0x80: {  	[hbm4b:s25+s2] =	stream.linear.scatter [tilespmem:s18], [sflag:$0x7], $0x4000, $0x38;
	[tilespmem:$0x1A800] =	vst v63  }
0x81: {  	_ =	swait.ge [sflag:s10], $0x4000  }
0x82: {  	s1 =	sadd.s32 $0x1800, s1;
	s31 =	sadd.s32 $0x180, s31;
	[sflag:s10] =	ssyncset.done $0x0  }
0x83: {  	s0 =	sadd.s32 $0xFFFFFF00, s31;
	[sflag:s10] =	ssyncadd.s32 $0xFFFFC000;
	s1 =	sadd.s32 $0x180, s29  }
0x84: {  	[tilespmem:s13], [sflag:$0x1] =	stream.indirect.gather [hbm4b:s3+s12], $0x80, s0, s12, $0xb8;
	[tilespmem:$0x1A800] =	vst v63  }
0x85: {  	s11 =	sadd.s32 $0xFFFFFF00, s1  }
0x86: {  	[tilespmem:s14], [sflag:$0x4] =	stream.indirect.gather [hbm4b:s3+s12], $0x80, s11, s12, $0xb8;
	[tilespmem:$0x1A800] =	vst v63  }
0x87: {  	s25 =	sadd.s32 $0xFFFFFF80, s31  }
0x88: {  	[tilespmem:s15], [sflag:$0x2] =	stream.indirect.gather [hbm4b:s3+s12], $0x80, s25, s12, $0xb8;
	[tilespmem:$0x1A800] =	vst v63  }
0x89: {  	s29 =	sadd.s32 $0xFFFFFF80, s1  }
0x8a: {  	[tilespmem:s16], [sflag:$0x5] =	stream.indirect.gather [hbm4b:s3+s12], $0x80, s29, s12, $0xb8;
	[tilespmem:$0x1A800] =	vst v63  }
0x8b: {  	_ = 	snop  }
0x8c: {  	[tilespmem:s17], [sflag:$0x3] =	stream.indirect.gather [hbm4b:s3+s12], $0x80, s31, s12, $0xb8;
	[tilespmem:$0x1A800] =	vst v63  }
0x8d: {  	_ = 	snop  }
0x8e: {  	[tilespmem:s18], [sflag:$0x6] =	stream.indirect.gather [hbm4b:s3+s12], $0x80, s1, s12, $0xb8;
	[tilespmem:$0x1A800] =	vst v63  }
0x8f: {  	_ =	swait.ge [sflag:s19], $0x4000  }
0x90: {  	s11 =	rddreg [dreg:$0x2];
	[sflag:s19] =	ssyncset.done $0x0  }
0x91: {  	[sflag:s19] =	ssyncadd.s32 $0xFFFFC000;
	s0 =	sadd.s32 s30, s11  }
0x92: {  	[hbm4b:s0+s2] =	stream.linear.scatter [tilespmem:s13], [sflag:$0x7], $0x4000, $0x38;
	[tilespmem:$0x1A800] =	vst v63  }
0x93: {  	_ =	swait.ge [sflag:s10], $0x4000  }
0x94: {  	[sflag:s10] =	ssyncset.done $0x0  }
0x95: {  	[sflag:s10] =	ssyncadd.s32 $0xFFFFC000  }
0x96: {  	_ =	swait.ge [sflag:s20], $0x4000  }
0x97: {  	[sflag:s20] =	ssyncset.done $0x0  }
0x98: {  	s25 =	sadd.s32 s30, s9;
	[sflag:s20] =	ssyncadd.s32 $0xFFFFC000  }
0x99: {  	[hbm4b:s25+s2] =	stream.linear.scatter [tilespmem:s14], [sflag:$0x7], $0x4000, $0x38;
	[tilespmem:$0x1A800] =	vst v63  }
0x9a: {  	_ =	swait.ge [sflag:s10], $0x4000  }
0x9b: {  	[sflag:s10] =	ssyncset.done $0x0  }
0x9c: {  	[sflag:s10] =	ssyncadd.s32 $0xFFFFC000  }
0x9d: {  	_ =	swait.ge [sflag:s21], $0x4000  }
0x9e: {  	[sflag:s21] =	ssyncset.done $0x0  }
0x9f: {  	s11 =	sadd.s32 $0x800, s0;
	[sflag:s21] =	ssyncadd.s32 $0xFFFFC000  }
0xa0: {  	[hbm4b:s11+s2] =	stream.linear.scatter [tilespmem:s15], [sflag:$0x7], $0x4000, $0x38;
	[tilespmem:$0x1A800] =	vst v63  }
0xa1: {  	_ =	swait.ge [sflag:s10], $0x4000  }
0xa2: {  	[sflag:s10] =	ssyncset.done $0x0  }
0xa3: {  	[sflag:s10] =	ssyncadd.s32 $0xFFFFC000  }
0xa4: {  	_ =	swait.ge [sflag:s22], $0x4000  }
0xa5: {  	[sflag:s22] =	ssyncset.done $0x0  }
0xa6: {  	s29 =	sadd.s32 $0x800, s25;
	[sflag:s22] =	ssyncadd.s32 $0xFFFFC000  }
0xa7: {  	[hbm4b:s29+s2] =	stream.linear.scatter [tilespmem:s16], [sflag:$0x7], $0x4000, $0x38;
	[tilespmem:$0x1A800] =	vst v63  }
0xa8: {  	_ =	swait.ge [sflag:s10], $0x4000  }
0xa9: {  	[sflag:s10] =	ssyncset.done $0x0  }
0xaa: {  	[sflag:s10] =	ssyncadd.s32 $0xFFFFC000  }
0xab: {  	_ =	swait.ge [sflag:s23], $0x4000  }
0xac: {  	[sflag:s23] =	ssyncset.done $0x0  }
0xad: {  	s0 =	sadd.s32 $0x1000, s0;
	[sflag:s23] =	ssyncadd.s32 $0xFFFFC000  }
0xae: {  	[hbm4b:s0+s2] =	stream.linear.scatter [tilespmem:s17], [sflag:$0x7], $0x4000, $0x38;
	[tilespmem:$0x1A800] =	vst v63  }
0xaf: {  	_ =	swait.ge [sflag:s10], $0x4000  }
0xb0: {  	[sflag:s10] =	ssyncset.done $0x0  }
0xb1: {  	[sflag:s10] =	ssyncadd.s32 $0xFFFFC000  }
0xb2: {  	_ =	swait.ge [sflag:s24], $0x4000  }
0xb3: {  	[sflag:s24] =	ssyncset.done $0x0  }
0xb4: {  	s30 =	sadd.s32 $0x1000, s25;
	[sflag:s24] =	ssyncadd.s32 $0xFFFFC000  }
0xb5: {  	[hbm4b:s30+s2] =	stream.linear.scatter [tilespmem:s18], [sflag:$0x7], $0x4000, $0x38;
	[tilespmem:$0x1A800] =	vst v63  }
0xb6: {  	_ =	swait.ge [sflag:s10], $0x4000  }
0xb7: {  	[sflag:s10] =	ssyncset.done $0x0  }
0xb8: {  	s31 =	simm.s32 $0x1380;
	[sflag:s10] =	ssyncadd.s32 $0xFFFFC000  }
0xb9: {  	[tilespmem:s13], [sflag:$0x1] =	stream.indirect.gather [hbm4b:s3+s12], $0x80, s31, s12, $0xb8;
	[tilespmem:$0x1A800] =	vst v63  }
0xba: {  	_ = 	snop  }
0xbb: {  	[tilespmem:s14], [sflag:$0x4] =	stream.indirect.gather [hbm4b:s3+s12], $0x80, s26, s12, $0xb8;
	[tilespmem:$0x1A800] =	vst v63  }
0xbc: {  	_ =	swait.ge [sflag:s19], $0x4000  }
0xbd: {  	[sflag:s19] =	ssyncset.done $0x0  }
0xbe: {  	[sflag:s19] =	ssyncadd.s32 $0xFFFFC000  }
0xbf: {  	[hbm4b:s6+s2] =	stream.linear.scatter [tilespmem:s13], [sflag:$0x7], $0x4000, $0x38;
	[tilespmem:$0x1A800] =	vst v63  }
0xc0: {  	_ =	swait.ge [sflag:s10], $0x4000  }
0xc1: {  	[sflag:s10] =	ssyncset.done $0x0  }
0xc2: {  	[sflag:s10] =	ssyncadd.s32 $0xFFFFC000  }
0xc3: {  	s28 =	sadd.s32 $0x1, s28;
	_ =	swait.ge [sflag:s20], $0x4000  }
0xc4: {  	p0 =	sne.s32 s28, s8;
	[sflag:s20] =	ssyncset.done $0x0  }
.Ltmp1:
0xc5: {  	[sflag:s20] =	ssyncadd.s32 $0xFFFFC000;
	(pc) =	sbr.rel @p0 .LBB2_1-.Ltmp1, $4  }
0xc6: {  	[hbm4b:s7+s2] =	stream.linear.scatter [tilespmem:s14], [sflag:$0x7], $0x4000, $0x38;
	[tilespmem:$0x1A800] =	vst v63  }
0xc7: {  	_ =	swait.ge [sflag:s10], $0x4000  }
0xc8: {  	[sflag:s10] =	ssyncset.done $0x0  }
0xc9: {  	[sflag:s10] =	ssyncadd.s32 $0xFFFFC000  }
0xca: {  	_ =	sfence.sel $0x180000  }
0xcb: {  	[bflag:$0x0] =	sbarrier.arrive $0xFFFF  }
0xcc: {  	_ =	strace $0x9000004D  }
0xcd: {  	s0 =	stileid.u32;
	[bflag:$0x2] =	sbarrier.arrive $0xFFFF  }
0xce: {  	p0 =	sne.s32 s0, $0x0;
	s0 =	rddreg [dreg:$0x1]  }
0xcf: {  	s0 =	sadd.s32 @!p0 $0x100000, s0  }
0xd0: {  	[sflag:s0] =	ssyncadd.tile.s32 @!p0 $0x1;
	_ =	shalt  }
.Lfunc_end2:
_tile_overlayer_lowered:
.L_overlay_start_2:
0xd1: {  	(tag) =	ssettag $0x2  }
0xd2: {  	s0 =	rddreg [dreg:$0x0];
	s2 =	stileid.u32  }
0xd3: {  	s1 =	rddreg [dreg:$0x1];
	p0 =	sne.s32 s2, $0x0  }
0xd4: {  	s3 =	rddreg [dreg:$0x2];
	[bflag:$0x3] =	sbarrier.arrive $0xFFFF;
	s2 =	simm.s32 @!p0 $0x1C07  }
0xd5: {  	[timem:s3], [sflag:s2] =	dma.local @!p0 [hbm:s0], s1  }
0xd6: {  	s0 =	simm.s32 @!p0 $0x7  }
0xd7: {  	_ =	swait.ge @!p0 [sflag:s0], s1  }
0xd8: {  	s1 =	ssub.s32 @!p0 $0x0, s1;
	[sflag:s0] =	ssyncset.done @!p0 $0x0  }
0xd9: {  	[sflag:s0] =	ssyncadd.s32 @!p0 s1  }
0xda: {  	[bflag:$0x3] =	sbarrier.arrive $0xFFFF  }
0xdb: {  	_ =	shalt  }

// kernel: kernel.28.cloned.1.call-start
scs
__scs_entry_jumppad:
0x0: {  	(pc) =	sbr.rel $0x88, $3  }
0x1: {  	(tag) =	ssettag $0x0;
	lr =	simm.s32 $0x1  }
0x2: {  	[smem:$0x3F7E] =	sst lr;
	_ =	strace $0xD0000000  }
0x3: {  	_ = 	snop  }
0x4: {  	_ = 	snop  }
0x5: {  	_ = 	snop  }
0x6: {  	_ = 	snop  }
0x7: {  	_ = 	snop  }
__scs_overlays_trampoline_lowered:
0x8: {  	[smem:$0x3F8D] =	sst s0  }
0x9: {  	[smem:$0x3F8E] =	sst s1  }
0xa: {  	[smem:$0x3F8F] =	sst s2  }
0xb: {  	[smem:$0x3F90] =	sst s3  }
0xc: {  	[smem:$0x3F91] =	sst s4  }
0xd: {  	[smem:$0x3F92] =	sst s5  }
0xe: {  	[smem:$0x3F93] =	sst s6  }
0xf: {  	[smem:$0x3F94] =	sst s7  }
0x10: {  	[smem:$0x3F95] =	sst s8  }
0x11: {  	[smem:$0x3F96] =	sst s9;
	s0 =	simm.s32 @!p0 $0x0  }
0x12: {  	s1 =	sld [smem:$0x3F7C];
	s0 =	simm.s32 @p0 $0x1  }
0x13: {  	[smem:$0x3F97] =	sst s0;
	s0 =	simm.s32 @!p1 $0x0  }
0x14: {  	s2 =	sld [smem:$0x3F7B];
	s0 =	simm.s32 @p1 $0x1  }
0x15: {  	[smem:$0x3F98] =	sst s0;
	s0 =	simm.s32 @!p2 $0x0  }
0x16: {  	s3 =	sld [smem:$0x3FDB];
	s0 =	simm.s32 @p2 $0x1  }
0x17: {  	s4 =	simm.s32 $0x1BF5;
	[smem:$0x3F9A] =	sst s0  }
0x18: {  	s0 =	sld [smem:$0x3F7D];
	_ =	swait.ge [sflag:s4], $0x0  }
0x19: {  	s7 =	sld [smem:$0x3F7E]  }
0x1a: {  	s8 =	sadd.s32 $0xFFFFE003, lr  }
0x1b: {  	s9 =	sadd.s32 $0xFFFFFEF7, lr;
	s5 =	simm.s32 $0xFFFFFFFF;
	p2 =	slt.u32 s8, $0xFFFFF086  }
0x1c: {  	p1 =	slt.u32 s9, $0xF7A;
	s5 =	simm.s32 @!p2 $0x0  }
0x1d: {  	s5 =	simm.s32 @p1 $0x1;
	p0 =	seq.s32 s7, s2  }
0x1e: {  	s7 =	smul.u32 @!p0 $0xF7A, s2;
	p2 =	seq.s32 @!p0 s5, $0x0  }
0x1f: {  	s9 =	smul.u32 $0xF7A, s1;
	s8 =	simm.s32 @!p0 $0x1BF5;
	p2 =	por !p2, p0  }
0x20: {  	[sflag:s8] =	ssyncset.s32 @!p0 $0xFFFFF086;
	s6 =	sadd.s32 @!p0 s3, s7;
	s7 =	simm.s32 @!p0 $0x108  }
0x21: {  	s3 =	sadd.s32 s3, s9;
	s6 =	sadd.s32 @!p0 $0x88, s6;
	s7 =	simm.s32 @p2 $0x1082  }
0x22: {  	[simem:s7], [sflag:s8] =	dma.local @!p0 [hbm:s6], $0xF7A  }
0x23: {  	s9 =	sor.u32 $0xD0000000, s2;
	s6 =	simm.s32 $0x108;
	_ =	swait.ge @!p0 [sflag:s8], $0x0  }
0x24: {  	s3 =	sadd.s32 $0x88, s3;
	s6 =	simm.s32 @!p1 $0x1082;
	[sflag:s4] =	ssyncset.s32 $0xFFFFF086  }
0x25: {  	[simem:s6], [sflag:s4] =	dma.local [hbm:s3], $0xF7A  }
0x26: {  	[smem:$0x3F7E] =	sst s1;
	(tag) =	ssettag s2;
	_ =	strace s9  }
0x27: {  	s1 =	sld [smem:$0x3F8E]  }
0x28: {  	s2 =	sld [smem:$0x3F8F]  }
0x29: {  	s4 =	sld [smem:$0x3F91]  }
0x2a: {  	p0 =	seq.s32 s5, $0x0;
	s5 =	sld [smem:$0x3F92]  }
0x2b: {  	s6 =	sld [smem:$0x3F93]  }
0x2c: {  	s7 =	sld [smem:$0x3F94]  }
0x2d: {  	s3 =	simm.s32 $0x108;
	s8 =	sld [smem:$0x3F95]  }
0x2e: {  	s3 =	simm.s32 @!p0 $0x1082;
	s9 =	sld [smem:$0x3F96]  }
0x2f: {  	lr =	sadd.s32 s0, s3;
	s0 =	sld [smem:$0x3F8D]  }
0x30: {  	s3 =	sld [smem:$0x3F90]  }
0x31: {  	[smem:$0x3F99] =	sst s10  }
0x32: {  	s10 =	sld [smem:$0x3F97];
	_ =	sdelay $0x3  }
0x33: {  	p0 =	seq.s32 s10, $0x1;
	s10 =	sld [smem:$0x3F99];
	_ =	sdelay $0x3  }
0x34: {  	[smem:$0x3F99] =	sst s10  }
0x35: {  	s10 =	sld [smem:$0x3F98];
	_ =	sdelay $0x3  }
0x36: {  	p1 =	seq.s32 s10, $0x1;
	s10 =	sld [smem:$0x3F99];
	_ =	sdelay $0x3  }
0x37: {  	[smem:$0x3F99] =	sst s10  }
0x38: {  	s10 =	sld [smem:$0x3F9A]  }
0x39: {  	_ = 	snop;
	(pc) =	sbr.ind lr, $3  }
0x3a: {  	_ = 	snop  }
0x3b: {  	_ = 	snop  }
0x3c: {  	p2 =	seq.s32 s10, $0x1;
	s10 =	sld [smem:$0x3F99]  }
0x3d: {  	_ =	shalt  }
0x3e: {  	_ =	shalt  }
0x3f: {  	_ =	shalt  }
0x40: {  	_ =	shalt  }
0x41: {  	_ =	shalt  }
0x42: {  	_ =	shalt  }
0x43: {  	_ =	shalt  }
0x44: {  	_ =	shalt  }
0x45: {  	_ =	shalt  }
0x46: {  	_ =	shalt  }
0x47: {  	_ =	shalt  }
0x48: {  	_ =	shalt  }
0x49: {  	_ =	shalt  }
0x4a: {  	_ =	shalt  }
0x4b: {  	_ =	shalt  }
0x4c: {  	_ =	shalt  }
0x4d: {  	_ =	shalt  }
0x4e: {  	_ =	shalt  }
0x4f: {  	_ =	shalt  }
0x50: {  	_ =	shalt  }
0x51: {  	_ =	shalt  }
0x52: {  	_ =	shalt  }
0x53: {  	_ =	shalt  }
0x54: {  	_ =	shalt  }
0x55: {  	_ =	shalt  }
0x56: {  	_ =	shalt  }
0x57: {  	_ =	shalt  }
0x58: {  	_ =	shalt  }
0x59: {  	_ =	shalt  }
0x5a: {  	_ =	shalt  }
0x5b: {  	_ =	shalt  }
0x5c: {  	_ =	shalt  }
0x5d: {  	_ =	shalt  }
0x5e: {  	_ =	shalt  }
0x5f: {  	_ =	shalt  }
0x60: {  	_ =	shalt  }
0x61: {  	_ =	shalt  }
0x62: {  	_ =	shalt  }
0x63: {  	_ =	shalt  }
0x64: {  	_ =	shalt  }
0x65: {  	_ =	shalt  }
0x66: {  	_ =	shalt  }
0x67: {  	_ =	shalt  }
0x68: {  	_ =	shalt  }
0x69: {  	_ =	shalt  }
0x6a: {  	_ =	shalt  }
0x6b: {  	_ =	shalt  }
0x6c: {  	_ =	shalt  }
0x6d: {  	_ =	shalt  }
0x6e: {  	_ =	shalt  }
0x6f: {  	_ =	shalt  }
0x70: {  	_ =	shalt  }
0x71: {  	_ =	shalt  }
0x72: {  	_ =	shalt  }
0x73: {  	_ =	shalt  }
0x74: {  	_ =	shalt  }
0x75: {  	_ =	shalt  }
0x76: {  	_ =	shalt  }
0x77: {  	_ =	shalt  }
0x78: {  	_ =	shalt  }
0x79: {  	_ =	shalt  }
0x7a: {  	_ =	shalt  }
0x7b: {  	_ =	shalt  }
0x7c: {  	_ =	shalt  }
0x7d: {  	_ =	shalt  }
0x7e: {  	_ =	shalt  }
0x7f: {  	_ =	shalt  }
0x80: {  	_ =	shalt  }
0x81: {  	_ =	shalt  }
0x82: {  	_ =	shalt  }
0x83: {  	_ =	shalt  }
0x84: {  	_ =	shalt  }
0x85: {  	_ =	shalt  }
0x86: {  	_ =	shalt  }
0x87: {  	_ =	shalt  }
.Lfunc_end0:
.L_simem_size_0:
called_computation.3_lowered:
.L_overlay_start_0:
0x88: {  	s2 =	sld [smem:$0x3FD9]  }
0x89: {  	s3 =	sld [smem:$0x3FFE];
	_ =	sdelay $0x1  }
0x8a: {  	s1 =	srdreg.scid  }
0x8b: {  	s0 =	sand.u32 $0x1, s1  }
0x8c: {  	s16 =	sshll.u32 s0, $0xA;
	s2 =	sadd.s32 s3, s2  }
0x8d: {  	s2 =	sadd.s32 s2, s16  }
0x8e: {  	[smem:$0x3FA5] =	sst s2  }
0x8f: {  	_ = 	snop  }
0x90: {  	(tm) =	ssettm $0x1  }
0x91: {  	s17 =	sld [smem:$0x3FFB];
	_ =	sdelay $0x3  }
0x92: {  	_ =	strace s17  }
0x93: {  	s2 =	sld [smem:$0x3FFC];
	_ =	sdelay $0x3  }
0x94: {  	_ =	strace s2  }
0x95: {  	s2 =	sld [smem:$0x3FFD];
	_ =	sdelay $0x3  }
0x96: {  	_ =	strace s2  }
0x97: {  	_ =	strace $0x8FFFFFFF  }
0x98: {  	s18 =	sld [smem:$0x3FDB];
	_ =	sdelay $0x1  }
0x99: {  	s19 =	simm.s32 $_scs_section_size  }
0x9a: {  	s4 =	simm.s32 $_size__tile_overlayer_lowered;
	s5 =	simm.s32 $_tile_overlayer_lowered  }
0x9b: {  	s22 =	simm.s32 $0x1BFF;
	s21 =	sshll.u32 s5, $0x1;
	s2 =	sadd.s32 s19, s18  }
0x9c: {  	s6 =	simm.s32 $0x0;
	s20 =	sshll.u32 s4, $0x1;
	s4 =	sadd.s32 s21, s2  }
0x9d: {  	[timem:s6], [sflag:s22] =	dma.local [hbm:s4], s20  }
0x9e: {  	_ =	swait.ge [sflag:s22], s20  }
0x9f: {  	s3 =	ssub.s32 $0x0, s20;
	[sflag:s22] =	ssyncset.done $0x0  }
0xa0: {  	[sflag:s22] =	ssyncadd.s32 s3;
	_ =	sdelay $0x1  }
0xa1: {  	s23 =	simm.s32 $0x1B8B  }
0xa2: {  	_ =	swait.ge [sflag:s23], $0x1  }
0xa3: {  	[sflag:s23] =	ssyncset.done $0x0  }
0xa4: {  	s25 =	simm.s32 $0x1B8E;
	s24 =	sld [smem:$0x3FFE];
	[sflag:s23] =	ssyncadd.s32 $0xFFFFFFFF  }
0xa5: {  	s26 =	simm.s32 $execute0_lowered;
	[smem:$0x3FD2] =	sst s25  }
0xa6: {  	s4 =	sshll.u32 s26, $0x1;
	_ =	strace $0x8000004F;
	[dreg:$0x1] =	wrdreg $0xFFFFFFFF  }
0xa7: {  	s28 =	simm.s32 $_size_execute0_lowered;
	s2 =	sadd.s32 s2, s4;
	[dreg:$0x0] =	wrdreg $0x0  }
0xa8: {  	s4 =	sshll.u32 s28, $0x1;
	[dreg:$0x2] =	wrdreg s2  }
0xa9: {  	[dreg:$0x3] =	wrdreg s4  }
0xaa: {  	[dreg:$0x4] =	wrdreg $0xC0  }
0xab: {  	_ =	task [dreg:s6], $0x5FFFF  }
0xac: {  	[dreg:$0x1] =	wrdreg $0xFFFFFFFF  }
0xad: {  	[dreg:$0x0] =	wrdreg $0x60  }
0xae: {  	[dreg:$0x2] =	wrdreg s24  }
0xaf: {  	[dreg:$0x3] =	wrdreg $0x0  }
0xb0: {  	[dreg:$0x4] =	wrdreg $0x9  }
0xb1: {  	_ =	task.clear_ibuf [dreg:s6], $0x5FFFF;
	_ =	strace $0x9000004F  }
0xb2: {  	s29 =	simm.s32 $0x9;
	_ =	strace $0x80000051  }
0xb3: {  	_ =	swait.ge [sflag:s29], $0x1  }
0xb4: {  	[sflag:s29] =	ssyncadd.s32 $0xFFFFFFFF  }
0xb5: {  	_ =	strace $0x90000051  }
0xb6: {  	_ =	sfence  }
0xb7: {  	s30 =	sld [smem:$0x0];
	_ =	sdelay $0x2  }
0xb8: {  	s31 =	sshll.u32 s1, $0xD;
	s1 =	sshrl.u32 s1, $0x2  }
0xb9: {  	s3 =	sand.u32 $0x4000, s31;
	s1 =	sadd.s32 s1, s30  }
0xba: {  	s0 =	sor.u32 s3, s0;
	s1 =	sshll.u32 s1, $0x11  }
0xbb: {  	s0 =	sor.u32 s1, s0  }
0xbc: {  	s0 =	sadd.s32 $0x8F2B, s0  }
0xbd: {  	[sflag:s0] =	ssyncadd.remote.s32 $0x1  }
0xbe: {  	_ =	sfence.sel $0xFFFF  }
0xbf: {  	[dreg:$0x0] =	wrdreg $0xFFFFFFFF;
	(pc) =	sbr.abs _section_cstart, $3  }
0xc0: {  	[dreg:$0x1] =	wrdreg $0xFFFFFFFF  }
0xc1: {  	_ =	task.clear_ibuf [dreg:s6], $0x2FFFF;
	_ =	strace $0x9FFFFFFF  }
0xc2: {  	(tm) =	ssettm $0x7FFFFFFF  }
0xc3: {  	_ =	shalt  }
tec
execute0_lowered:
.L_overlay_start_1:
0x0: {  	(tag) =	ssettag $0x1  }
0x1: {  	s0 =	stileid.u32;
	s5 =	rddreg [dreg:$0x0]  }
0x2: {  	s1 =	srdreg.scid;
	s2 =	rddreg [dreg:$0x1]  }
0x3: {  	s3 =	simm.s32 $0x0;
	s13 =	simm.s32 $0x15000;
	s14 =	simm.s32 $0x19000  }
0x4: {  	s15 =	simm.s32 $0x1;
	s16 =	simm.s32 $0x80;
	s6 =	smul.u32 $0x28000, s0  }
0x5: {  	s17 =	simm.s32 $0x2;
	s18 =	simm.s32 $0x0;
	s8 =	smul.u32 $0x13C00, s0  }
0x6: {  	s4 =	sand.u32 $0x1, s1;
	s23 =	sshll.u32 s0, $0x1;
	s11 =	smul.u32 $0x4F000, s0  }
0x7: {  	[smem:$0x7FF] =	sst s3;
	s31 =	sshll.u32 s0, $0x6;
	s9 =	smul.u32 $0x13C000, s4  }
0x8: {  	s1 =	sor.u32 s4, s23;
	s26 =	ssub.s32 $0x2, s4;
	s30 =	smul.u32 $0x14000, s4  }
0x9: {  	s7 =	smul.u32 $0x280, s1;
	s1 =	rddreg [dreg:$0x2];
	_ =	strace $0x80000050  }
0xa: {  	s10 =	sadd.s32 s6, s5;
	s25 =	sshrl.u32 s8, $0x3;
	s28 =	sshrl.u32 s26, $0x1  }
0xb: {  	s29 =	sshrl.u32 s11, $0x2;
	s11 =	simm.s32 $0x3;
	s8 =	sadd.s32 s8, s9  }
0xc: {  	s9 =	ssub.s32 s26, s28;
	s12 =	sadd.s32 s29, s2;
	s10 =	sadd.s32 s30, s10  }
0xd: {  	s24 =	sadd.s32 s7, s5;
	s8 =	sshrl.u32 s8, $0x3;
	s7 =	sadd.s32 s25, s5  }
0xe: {  	s8 =	sadd.s32 s8, s5;
	s4 =	sadd.s32 $0x7BA800, s7;
	s5 =	sor.u32 $0x1C03, s31  }
0xf: {  	s6 =	sadd.s32 $0x9600, s24;
	s7 =	sadd.s32 $0x13600, s8;
	s8 =	smax.u32 s9, $0x1  }
0x10: {  	s9 =	sadd.s32 $0x293E00, s10;
	s10 =	sshrl.u32 s12, $0x3;
	s12 =	simm.s32 $0x13C00  }
.LBB2_1:
0x11: {  	[spmem:s10], [sflag:s5] =	dma.local [hbm:s4], $0x2780  }
0x12: {  	_ =	swait.ge [sflag:s11], $0x2780  }
0x13: {  	[sflag:s11] =	ssyncset.done $0x0  }
0x14: {  	[sflag:s11] =	ssyncadd.s32 $0xFFFFD880  }
0x15: {  	[bflag:$0x0] =	sbarrier.arrive $0xFFFF  }
0x16: {  	[tilespmem:s12], [sflag:$0x3] =	stream.linear.gather [hbm4b:s6+s3], $0x1400, $0x38;
	[tilespmem:$0x1D000] =	vst v63  }
0x17: {  	_ =	swait.ge [sflag:s11], $0x1400  }
0x18: {  	[sflag:s11] =	ssyncset.done $0x0  }
0x19: {  	s19 =	sadd.s32 $0xFFFFF800, s9;
	[sflag:s11] =	ssyncadd.s32 $0xFFFFEC00  }
0x1a: {  	[tilespmem:s13], [sflag:$0x1] =	stream.linear.gather [hbm4b:s19+s3], $0x4000, $0x38;
	[tilespmem:$0x1D000] =	vst v63  }
0x1b: {  	_ = 	snop  }
0x1c: {  	[tilespmem:s14], [sflag:$0x2] =	stream.linear.gather [hbm4b:s9+s3], $0x4000, $0x38;
	[tilespmem:$0x1D000] =	vst v63  }
0x1d: {  	_ =	swait.ge [sflag:s15], $0x4000  }
0x1e: {  	[sflag:s15] =	ssyncset.done $0x0  }
0x1f: {  	s30 =	simm.s32 $0x13C00;
	[sflag:s15] =	ssyncadd.s32 $0xFFFFC000  }
0x20: {  	[spmem:s2] =	stream.indirect.scatter.add.f32 [tilespmem:s13], [sflag:$0x3], $0x80, s30, s16, $0xb8;
	[tilespmem:$0x1D000] =	vst v63  }
0x21: {  	_ =	swait.ge [sflag:s11], $0x4000  }
0x22: {  	[sflag:s11] =	ssyncset.done $0x0  }
0x23: {  	[sflag:s11] =	ssyncadd.s32 $0xFFFFC000  }
0x24: {  	_ =	swait.ge [sflag:s17], $0x4000  }
0x25: {  	[sflag:s17] =	ssyncset.done $0x0  }
0x26: {  	s31 =	simm.s32 $0x13C80;
	[sflag:s17] =	ssyncadd.s32 $0xFFFFC000  }
0x27: {  	[spmem:s2] =	stream.indirect.scatter.add.f32 [tilespmem:s14], [sflag:$0x3], $0x80, s31, s16, $0xb8;
	[tilespmem:$0x1D000] =	vst v63  }
0x28: {  	s21 =	simm.s32 $0x800;
	_ =	swait.ge [sflag:s11], $0x4000  }
0x29: {  	s20 =	sadd.s32 $0x1000, s9;
	s19 =	simm.s32 $0x400;
	[sflag:s11] =	ssyncset.done $0x0  }
.LBB2_2:
0x2a: {  	p0 =	sne.s32 s21, $0x4C00;
	s22 =	sadd.s32 $0xFFFFF800, s20;
	[sflag:s11] =	ssyncadd.s32 $0xFFFFC000  }
0x2b: {  	[tilespmem:s13], [sflag:$0x1] =	stream.linear.gather [hbm4b:s22+s3], $0x4000, $0x38;
	[tilespmem:$0x1D000] =	vst v63  }
0x2c: {  	s22 =	smov.u32 s21;
	s21 =	sadd.s32 $0x400, s21  }
0x2d: {  	[tilespmem:s14], [sflag:$0x2] =	stream.linear.gather [hbm4b:s20+s3], $0x4000, $0x38;
	[tilespmem:$0x1D000] =	vst v63  }
0x2e: {  	_ =	swait.ge [sflag:s15], $0x4000  }
0x2f: {  	s23 =	sshra.s32 s19, $0x2;
	s19 =	smov.u32 s22;
	[sflag:s15] =	ssyncset.done $0x0  }
0x30: {  	s22 =	sadd.s32 $0x13C00, s23;
	[sflag:s15] =	ssyncadd.s32 $0xFFFFC000  }
0x31: {  	[spmem:s2] =	stream.indirect.scatter.add.f32 [tilespmem:s13], [sflag:$0x3], $0x80, s22, s16, $0xb8;
	[tilespmem:$0x1D000] =	vst v63  }
0x32: {  	_ =	swait.ge [sflag:s11], $0x4000  }
0x33: {  	[sflag:s11] =	ssyncset.done $0x0  }
0x34: {  	[sflag:s11] =	ssyncadd.s32 $0xFFFFC000  }
0x35: {  	_ =	swait.ge [sflag:s17], $0x4000  }
.Ltmp0:
0x36: {  	[sflag:s17] =	ssyncset.done $0x0;
	(pc) =	sbr.rel @p0 .LBB2_2-.Ltmp0, $4  }
0x37: {  	s22 =	sadd.s32 $0x13C80, s23;
	[sflag:s17] =	ssyncadd.s32 $0xFFFFC000  }
0x38: {  	[spmem:s2] =	stream.indirect.scatter.add.f32 [tilespmem:s14], [sflag:$0x3], $0x80, s22, s16, $0xb8;
	[tilespmem:$0x1D000] =	vst v63  }
0x39: {  	_ =	swait.ge [sflag:s11], $0x4000  }
0x3a: {  	s20 =	sadd.s32 $0x1000, s20;
	[sflag:s11] =	ssyncset.done $0x0  }
0x3b: {  	s21 =	sadd.s32 $0xFFFFF800, s20;
	[sflag:s11] =	ssyncadd.s32 $0xFFFFC000  }
0x3c: {  	[tilespmem:s13], [sflag:$0x1] =	stream.linear.gather [hbm4b:s21+s3], $0x4000, $0x38;
	[tilespmem:$0x1D000] =	vst v63  }
0x3d: {  	_ = 	snop  }
0x3e: {  	[tilespmem:s14], [sflag:$0x2] =	stream.linear.gather [hbm4b:s20+s3], $0x4000, $0x38;
	[tilespmem:$0x1D000] =	vst v63  }
0x3f: {  	_ =	swait.ge [sflag:s15], $0x4000  }
0x40: {  	s19 =	sshra.s32 s19, $0x2;
	[sflag:s15] =	ssyncset.done $0x0  }
0x41: {  	s31 =	sadd.s32 $0x13C00, s19;
	[sflag:s15] =	ssyncadd.s32 $0xFFFFC000  }
0x42: {  	[spmem:s2] =	stream.indirect.scatter.add.f32 [tilespmem:s13], [sflag:$0x3], $0x80, s31, s16, $0xb8;
	[tilespmem:$0x1D000] =	vst v63  }
0x43: {  	_ =	swait.ge [sflag:s11], $0x4000  }
0x44: {  	[sflag:s11] =	ssyncset.done $0x0  }
0x45: {  	[sflag:s11] =	ssyncadd.s32 $0xFFFFC000  }
0x46: {  	_ =	swait.ge [sflag:s17], $0x4000  }
0x47: {  	[sflag:s17] =	ssyncset.done $0x0  }
0x48: {  	s19 =	sadd.s32 $0x13C80, s19;
	[sflag:s17] =	ssyncadd.s32 $0xFFFFC000  }
0x49: {  	[spmem:s2] =	stream.indirect.scatter.add.f32 [tilespmem:s14], [sflag:$0x3], $0x80, s19, s16, $0xb8;
	[tilespmem:$0x1D000] =	vst v63  }
0x4a: {  	_ =	swait.ge [sflag:s11], $0x4000  }
0x4b: {  	s18 =	sadd.s32 $0x1, s18;
	[sflag:s11] =	ssyncset.done $0x0  }
0x4c: {  	p0 =	sne.s32 s18, s8;
	[sflag:s11] =	ssyncadd.s32 $0xFFFFC000  }
.Ltmp1:
0x4d: {  	[bflag:$0x0] =	sbarrier.arrive $0xFFFF;
	(pc) =	sbr.rel @p0 .LBB2_1-.Ltmp1, $4  }
0x4e: {  	[hbm:s7], [sflag:s5] =	dma.local [spmem:s10], $0x2780  }
0x4f: {  	_ =	swait.ge [sflag:s11], $0x2780  }
0x50: {  	[sflag:s11] =	ssyncset.done $0x0  }
0x51: {  	[sflag:s11] =	ssyncadd.s32 $0xFFFFD880  }
0x52: {  	_ =	sfence.sel $0x180000  }
0x53: {  	[bflag:$0x0] =	sbarrier.arrive $0xFFFF  }
0x54: {  	p0 =	sne.s32 s0, $0x0;
	_ =	strace $0x90000050  }
0x55: {  	s0 =	sadd.s32 @!p0 $0x100000, s1;
	[bflag:$0x2] =	sbarrier.arrive $0xFFFF  }
0x56: {  	[sflag:s0] =	ssyncadd.tile.s32 @!p0 $0x1;
	_ =	shalt  }
.Lfunc_end2:
_tile_overlayer_lowered:
.L_overlay_start_2:
0x57: {  	(tag) =	ssettag $0x2  }
0x58: {  	s0 =	rddreg [dreg:$0x0];
	s2 =	stileid.u32  }
0x59: {  	s1 =	rddreg [dreg:$0x1];
	p0 =	sne.s32 s2, $0x0  }
0x5a: {  	s3 =	rddreg [dreg:$0x2];
	[bflag:$0x3] =	sbarrier.arrive $0xFFFF;
	s2 =	simm.s32 @!p0 $0x1C03  }
0x5b: {  	[timem:s3], [sflag:s2] =	dma.local @!p0 [hbm:s0], s1  }
0x5c: {  	s0 =	simm.s32 @!p0 $0x3  }
0x5d: {  	_ =	swait.ge @!p0 [sflag:s0], s1  }
0x5e: {  	s1 =	ssub.s32 @!p0 $0x0, s1;
	[sflag:s0] =	ssyncset.done @!p0 $0x0  }
0x5f: {  	[sflag:s0] =	ssyncadd.s32 @!p0 s1  }
0x60: {  	[bflag:$0x3] =	sbarrier.arrive $0xFFFF  }
0x61: {  	_ =	shalt  }

// kernel: kernel.31.cloned.1.call-start
scs
__scs_entry_jumppad:
0x0: {  	(pc) =	sbr.rel $0x88, $3  }
0x1: {  	(tag) =	ssettag $0x0;
	lr =	simm.s32 $0x1  }
0x2: {  	[smem:$0x3F7E] =	sst lr;
	_ =	strace $0xD0000000  }
0x3: {  	_ = 	snop  }
0x4: {  	_ = 	snop  }
0x5: {  	_ = 	snop  }
0x6: {  	_ = 	snop  }
0x7: {  	_ = 	snop  }
__scs_overlays_trampoline_lowered:
0x8: {  	[smem:$0x3F8D] =	sst s0  }
0x9: {  	[smem:$0x3F8E] =	sst s1  }
0xa: {  	[smem:$0x3F8F] =	sst s2  }
0xb: {  	[smem:$0x3F90] =	sst s3  }
0xc: {  	[smem:$0x3F91] =	sst s4  }
0xd: {  	[smem:$0x3F92] =	sst s5  }
0xe: {  	[smem:$0x3F93] =	sst s6  }
0xf: {  	[smem:$0x3F94] =	sst s7  }
0x10: {  	[smem:$0x3F95] =	sst s8  }
0x11: {  	[smem:$0x3F96] =	sst s9;
	s0 =	simm.s32 @!p0 $0x0  }
0x12: {  	s1 =	sld [smem:$0x3F7C];
	s0 =	simm.s32 @p0 $0x1  }
0x13: {  	[smem:$0x3F97] =	sst s0;
	s0 =	simm.s32 @!p1 $0x0  }
0x14: {  	s2 =	sld [smem:$0x3F7B];
	s0 =	simm.s32 @p1 $0x1  }
0x15: {  	[smem:$0x3F98] =	sst s0;
	s0 =	simm.s32 @!p2 $0x0  }
0x16: {  	s3 =	sld [smem:$0x3FDB];
	s0 =	simm.s32 @p2 $0x1  }
0x17: {  	s4 =	simm.s32 $0x1BF5;
	[smem:$0x3F9A] =	sst s0  }
0x18: {  	s0 =	sld [smem:$0x3F7D];
	_ =	swait.ge [sflag:s4], $0x0  }
0x19: {  	s7 =	sld [smem:$0x3F7E]  }
0x1a: {  	s8 =	sadd.s32 $0xFFFFE003, lr  }
0x1b: {  	s9 =	sadd.s32 $0xFFFFFEF7, lr;
	s5 =	simm.s32 $0xFFFFFFFF;
	p2 =	slt.u32 s8, $0xFFFFF086  }
0x1c: {  	p1 =	slt.u32 s9, $0xF7A;
	s5 =	simm.s32 @!p2 $0x0  }
0x1d: {  	s5 =	simm.s32 @p1 $0x1;
	p0 =	seq.s32 s7, s2  }
0x1e: {  	s7 =	smul.u32 @!p0 $0xF7A, s2;
	p2 =	seq.s32 @!p0 s5, $0x0  }
0x1f: {  	s9 =	smul.u32 $0xF7A, s1;
	s8 =	simm.s32 @!p0 $0x1BF5;
	p2 =	por !p2, p0  }
0x20: {  	[sflag:s8] =	ssyncset.s32 @!p0 $0xFFFFF086;
	s6 =	sadd.s32 @!p0 s3, s7;
	s7 =	simm.s32 @!p0 $0x108  }
0x21: {  	s3 =	sadd.s32 s3, s9;
	s6 =	sadd.s32 @!p0 $0x88, s6;
	s7 =	simm.s32 @p2 $0x1082  }
0x22: {  	[simem:s7], [sflag:s8] =	dma.local @!p0 [hbm:s6], $0xF7A  }
0x23: {  	s9 =	sor.u32 $0xD0000000, s2;
	s6 =	simm.s32 $0x108;
	_ =	swait.ge @!p0 [sflag:s8], $0x0  }
0x24: {  	s3 =	sadd.s32 $0x88, s3;
	s6 =	simm.s32 @!p1 $0x1082;
	[sflag:s4] =	ssyncset.s32 $0xFFFFF086  }
0x25: {  	[simem:s6], [sflag:s4] =	dma.local [hbm:s3], $0xF7A  }
0x26: {  	[smem:$0x3F7E] =	sst s1;
	(tag) =	ssettag s2;
	_ =	strace s9  }
0x27: {  	s1 =	sld [smem:$0x3F8E]  }
0x28: {  	s2 =	sld [smem:$0x3F8F]  }
0x29: {  	s4 =	sld [smem:$0x3F91]  }
0x2a: {  	p0 =	seq.s32 s5, $0x0;
	s5 =	sld [smem:$0x3F92]  }
0x2b: {  	s6 =	sld [smem:$0x3F93]  }
0x2c: {  	s7 =	sld [smem:$0x3F94]  }
0x2d: {  	s3 =	simm.s32 $0x108;
	s8 =	sld [smem:$0x3F95]  }
0x2e: {  	s3 =	simm.s32 @!p0 $0x1082;
	s9 =	sld [smem:$0x3F96]  }
0x2f: {  	lr =	sadd.s32 s0, s3;
	s0 =	sld [smem:$0x3F8D]  }
0x30: {  	s3 =	sld [smem:$0x3F90]  }
0x31: {  	[smem:$0x3F99] =	sst s10  }
0x32: {  	s10 =	sld [smem:$0x3F97];
	_ =	sdelay $0x3  }
0x33: {  	p0 =	seq.s32 s10, $0x1;
	s10 =	sld [smem:$0x3F99];
	_ =	sdelay $0x3  }
0x34: {  	[smem:$0x3F99] =	sst s10  }
0x35: {  	s10 =	sld [smem:$0x3F98];
	_ =	sdelay $0x3  }
0x36: {  	p1 =	seq.s32 s10, $0x1;
	s10 =	sld [smem:$0x3F99];
	_ =	sdelay $0x3  }
0x37: {  	[smem:$0x3F99] =	sst s10  }
0x38: {  	s10 =	sld [smem:$0x3F9A]  }
0x39: {  	_ = 	snop;
	(pc) =	sbr.ind lr, $3  }
0x3a: {  	_ = 	snop  }
0x3b: {  	_ = 	snop  }
0x3c: {  	p2 =	seq.s32 s10, $0x1;
	s10 =	sld [smem:$0x3F99]  }
0x3d: {  	_ =	shalt  }
0x3e: {  	_ =	shalt  }
0x3f: {  	_ =	shalt  }
0x40: {  	_ =	shalt  }
0x41: {  	_ =	shalt  }
0x42: {  	_ =	shalt  }
0x43: {  	_ =	shalt  }
0x44: {  	_ =	shalt  }
0x45: {  	_ =	shalt  }
0x46: {  	_ =	shalt  }
0x47: {  	_ =	shalt  }
0x48: {  	_ =	shalt  }
0x49: {  	_ =	shalt  }
0x4a: {  	_ =	shalt  }
0x4b: {  	_ =	shalt  }
0x4c: {  	_ =	shalt  }
0x4d: {  	_ =	shalt  }
0x4e: {  	_ =	shalt  }
0x4f: {  	_ =	shalt  }
0x50: {  	_ =	shalt  }
0x51: {  	_ =	shalt  }
0x52: {  	_ =	shalt  }
0x53: {  	_ =	shalt  }
0x54: {  	_ =	shalt  }
0x55: {  	_ =	shalt  }
0x56: {  	_ =	shalt  }
0x57: {  	_ =	shalt  }
0x58: {  	_ =	shalt  }
0x59: {  	_ =	shalt  }
0x5a: {  	_ =	shalt  }
0x5b: {  	_ =	shalt  }
0x5c: {  	_ =	shalt  }
0x5d: {  	_ =	shalt  }
0x5e: {  	_ =	shalt  }
0x5f: {  	_ =	shalt  }
0x60: {  	_ =	shalt  }
0x61: {  	_ =	shalt  }
0x62: {  	_ =	shalt  }
0x63: {  	_ =	shalt  }
0x64: {  	_ =	shalt  }
0x65: {  	_ =	shalt  }
0x66: {  	_ =	shalt  }
0x67: {  	_ =	shalt  }
0x68: {  	_ =	shalt  }
0x69: {  	_ =	shalt  }
0x6a: {  	_ =	shalt  }
0x6b: {  	_ =	shalt  }
0x6c: {  	_ =	shalt  }
0x6d: {  	_ =	shalt  }
0x6e: {  	_ =	shalt  }
0x6f: {  	_ =	shalt  }
0x70: {  	_ =	shalt  }
0x71: {  	_ =	shalt  }
0x72: {  	_ =	shalt  }
0x73: {  	_ =	shalt  }
0x74: {  	_ =	shalt  }
0x75: {  	_ =	shalt  }
0x76: {  	_ =	shalt  }
0x77: {  	_ =	shalt  }
0x78: {  	_ =	shalt  }
0x79: {  	_ =	shalt  }
0x7a: {  	_ =	shalt  }
0x7b: {  	_ =	shalt  }
0x7c: {  	_ =	shalt  }
0x7d: {  	_ =	shalt  }
0x7e: {  	_ =	shalt  }
0x7f: {  	_ =	shalt  }
0x80: {  	_ =	shalt  }
0x81: {  	_ =	shalt  }
0x82: {  	_ =	shalt  }
0x83: {  	_ =	shalt  }
0x84: {  	_ =	shalt  }
0x85: {  	_ =	shalt  }
0x86: {  	_ =	shalt  }
0x87: {  	_ =	shalt  }
.Lfunc_end0:
.L_simem_size_0:
called_computation.4_lowered:
.L_overlay_start_0:
0x88: {  	s2 =	sld [smem:$0x3FD9]  }
0x89: {  	s3 =	sld [smem:$0x3FFE];
	_ =	sdelay $0x1  }
0x8a: {  	s1 =	srdreg.scid  }
0x8b: {  	s0 =	sand.u32 $0x1, s1  }
0x8c: {  	s16 =	sshll.u32 s0, $0xA;
	s2 =	sadd.s32 s3, s2  }
0x8d: {  	s2 =	sadd.s32 s2, s16  }
0x8e: {  	[smem:$0x3FA5] =	sst s2  }
0x8f: {  	_ = 	snop  }
0x90: {  	(tm) =	ssettm $0x1  }
0x91: {  	s17 =	sld [smem:$0x3FFB];
	_ =	sdelay $0x3  }
0x92: {  	_ =	strace s17  }
0x93: {  	s2 =	sld [smem:$0x3FFC];
	_ =	sdelay $0x3  }
0x94: {  	_ =	strace s2  }
0x95: {  	s2 =	sld [smem:$0x3FFD];
	_ =	sdelay $0x3  }
0x96: {  	_ =	strace s2  }
0x97: {  	_ =	strace $0x8FFFFFFF  }
0x98: {  	s18 =	sld [smem:$0x3FDB];
	_ =	sdelay $0x1  }
0x99: {  	s19 =	simm.s32 $_scs_section_size  }
0x9a: {  	s4 =	simm.s32 $_size__tile_overlayer_lowered;
	s5 =	simm.s32 $_tile_overlayer_lowered  }
0x9b: {  	s22 =	simm.s32 $0x1BFF;
	s21 =	sshll.u32 s5, $0x1;
	s2 =	sadd.s32 s19, s18  }
0x9c: {  	s6 =	simm.s32 $0x0;
	s20 =	sshll.u32 s4, $0x1;
	s4 =	sadd.s32 s21, s2  }
0x9d: {  	[timem:s6], [sflag:s22] =	dma.local [hbm:s4], s20  }
0x9e: {  	_ =	swait.ge [sflag:s22], s20  }
0x9f: {  	s3 =	ssub.s32 $0x0, s20;
	[sflag:s22] =	ssyncset.done $0x0  }
0xa0: {  	[sflag:s22] =	ssyncadd.s32 s3;
	_ =	sdelay $0x1  }
0xa1: {  	s23 =	simm.s32 $0x1B8B  }
0xa2: {  	_ =	swait.ge [sflag:s23], $0x1  }
0xa3: {  	[sflag:s23] =	ssyncset.done $0x0  }
0xa4: {  	s25 =	simm.s32 $0x1B8E;
	s24 =	sld [smem:$0x3FFE];
	[sflag:s23] =	ssyncadd.s32 $0xFFFFFFFF  }
0xa5: {  	s26 =	simm.s32 $execute0_lowered;
	[smem:$0x3FD2] =	sst s25  }
0xa6: {  	s4 =	sshll.u32 s26, $0x1;
	_ =	strace $0x80000052;
	[dreg:$0x1] =	wrdreg $0xFFFFFFFF  }
0xa7: {  	s28 =	simm.s32 $_size_execute0_lowered;
	s2 =	sadd.s32 s2, s4;
	[dreg:$0x0] =	wrdreg $0x0  }
0xa8: {  	s4 =	sshll.u32 s28, $0x1;
	[dreg:$0x2] =	wrdreg s2  }
0xa9: {  	[dreg:$0x3] =	wrdreg s4  }
0xaa: {  	[dreg:$0x4] =	wrdreg $0xC0  }
0xab: {  	_ =	task [dreg:s6], $0x5FFFF  }
0xac: {  	[dreg:$0x1] =	wrdreg $0xFFFFFFFF  }
0xad: {  	[dreg:$0x0] =	wrdreg $0x60  }
0xae: {  	[dreg:$0x2] =	wrdreg s24  }
0xaf: {  	[dreg:$0x3] =	wrdreg $0x9  }
0xb0: {  	_ =	task.clear_ibuf [dreg:s6], $0x4FFFF;
	_ =	strace $0x90000052  }
0xb1: {  	s29 =	simm.s32 $0x9;
	_ =	strace $0x80000054  }
0xb2: {  	_ =	swait.ge [sflag:s29], $0x1  }
0xb3: {  	[sflag:s29] =	ssyncadd.s32 $0xFFFFFFFF  }
0xb4: {  	_ =	strace $0x90000054  }
0xb5: {  	_ =	sfence  }
0xb6: {  	s30 =	sld [smem:$0x0];
	_ =	sdelay $0x2  }
0xb7: {  	s31 =	sshll.u32 s1, $0xD;
	s1 =	sshrl.u32 s1, $0x2  }
0xb8: {  	s3 =	sand.u32 $0x4000, s31;
	s1 =	sadd.s32 s1, s30  }
0xb9: {  	s0 =	sor.u32 s3, s0;
	s1 =	sshll.u32 s1, $0x11  }
0xba: {  	s0 =	sor.u32 s1, s0  }
0xbb: {  	s0 =	sadd.s32 $0x8F2B, s0  }
0xbc: {  	[sflag:s0] =	ssyncadd.remote.s32 $0x1  }
0xbd: {  	_ =	sfence.sel $0xFFFF  }
0xbe: {  	[dreg:$0x0] =	wrdreg $0xFFFFFFFF;
	(pc) =	sbr.abs _section_cstart, $3  }
0xbf: {  	[dreg:$0x1] =	wrdreg $0xFFFFFFFF  }
0xc0: {  	_ =	task.clear_ibuf [dreg:s6], $0x2FFFF;
	_ =	strace $0x9FFFFFFF  }
0xc1: {  	(tm) =	ssettm $0x7FFFFFFF  }
tec
execute0_lowered:
.L_overlay_start_1:
0x0: {  	(tag) =	ssettag $0x1  }
0x1: {  	s5 =	rddreg [dreg:$0x0];
	s2 =	simm.s32 $0x0  }
0x2: {  	s11 =	simm.s32 $0x3000;
	[smem:$0x7FF] =	sst s2  }
0x3: {  	s12 =	simm.s32 $0x3800;
	_ =	strace $0x80000053;
	[dreg:$0x4] =	wrdreg s11  }
0x4: {  	s13 =	simm.s32 $0x4000;
	[dreg:$0x5] =	wrdreg s12  }
0x5: {  	s14 =	simm.s32 $0x4800;
	[dreg:$0x6] =	wrdreg s13  }
0x6: {  	s0 =	srdreg.scid;
	s15 =	simm.s32 $0x5000;
	[dreg:$0x7] =	wrdreg s14  }
0x7: {  	s4 =	stileid.u32;
	s16 =	simm.s32 $0x5800;
	[dreg:$0x8] =	wrdreg s15  }
0x8: {  	s17 =	simm.s32 $0x6000;
	s18 =	simm.s32 $0x6800;
	[dreg:$0x9] =	wrdreg s16  }
0x9: {  	s20 =	simm.s32 $0x7000;
	s21 =	simm.s32 $0x7800;
	[dreg:$0xa] =	wrdreg s17  }
0xa: {  	s23 =	simm.s32 $0x8000;
	s24 =	simm.s32 $0x8800;
	[dreg:$0xb] =	wrdreg s18  }
0xb: {  	s25 =	simm.s32 $0x9000;
	s8 =	simm.s32 $0x3;
	[dreg:$0xc] =	wrdreg s20  }
0xc: {  	s26 =	simm.s32 $0x9800;
	s31 =	simm.s32 $0xA000;
	[dreg:$0xd] =	wrdreg s21  }
0xd: {  	s10 =	simm.s32 $0x2800;
	s28 =	simm.s32 $0x1;
	[dreg:$0xe] =	wrdreg s23  }
0xe: {  	s29 =	simm.s32 $0x2;
	s30 =	simm.s32 $0x0;
	[dreg:$0xf] =	wrdreg s24  }
0xf: {  	s0 =	sand.u32 $0x1, s0;
	s1 =	smul.u32 $0x50000, s4;
	[dreg:$0x10] =	wrdreg s25  }
0x10: {  	s4 =	sshll.u32 s4, $0x1;
	s3 =	smul.u32 $0x28000, s0;
	[dreg:$0x11] =	wrdreg s26  }
0x11: {  	s4 =	sor.u32 s0, s4;
	s0 =	ssub.s32 $0x2, s0;
	[dreg:$0x12] =	wrdreg s31  }
0x12: {  	s11 =	simm.s32 $0xA800;
	s12 =	simm.s32 $0xB000;
	s13 =	simm.s32 $0xB800  }
0x13: {  	s14 =	simm.s32 $0xC000;
	s15 =	simm.s32 $0xC800;
	s16 =	simm.s32 $0xD000  }
0x14: {  	s17 =	simm.s32 $0xD800;
	s18 =	simm.s32 $0xE000;
	s20 =	simm.s32 $0xF000  }
0x15: {  	s21 =	simm.s32 $0xF800;
	s23 =	simm.s32 $0x10800;
	s24 =	simm.s32 $0x11000  }
0x16: {  	s25 =	simm.s32 $0x11800;
	s26 =	simm.s32 $0x12000;
	s1 =	sadd.s32 s1, s5  }
0x17: {  	s6 =	smul.u32 $0x1400, s4;
	s4 =	sadd.s32 $0x830200, s5;
	s19 =	sshrl.u32 s0, $0x1  }
0x18: {  	s1 =	sadd.s32 s3, s1;
	s0 =	ssub.s32 s0, s19;
	s19 =	simm.s32 $0xE800  }
0x19: {  	s3 =	sadd.s32 $0x13600, s1;
	s1 =	sadd.s32 $0x87E400, s1;
	s6 =	sshrl.u32 s6, $0x3  }
0x1a: {  	v2 =	vlaneseq.u32;
	s7 =	smax.u32 s0, $0x1;
	[dreg:$0x2] =	wrdreg s3;
	s6 =	sadd.s32 s6, s5  }
0x1b: {  	vm0 =	vmmov $0xffff;
	v1 =	vshrl.u32 v2, $0x3;
	s3 =	sadd.s32 $0x7E2000, s5;
	[dreg:$0x3] =	wrdreg s1;
	s22 =	sadd.s32 $0xE600, s6  }
0x1c: {  	v0 =	vand.u32 $0x7, v2;
	v2 =	vor.u32 $0x8, v2;
	v1 =	vmul.u32 $0x8, v1;
	s6 =	sadd.s32 $0x9600, s6;
	[dreg:$0x13] =	wrdreg s22;
	s22 =	simm.s32 $0x10000  }
.LBB2_1:
0x1d: {  	s0 =	rddreg [dreg:$0x13]  }
0x1e: {  	[tilespmem:s2], [sflag:$0x3] =	stream.linear.gather [hbm4b:s0+s2], $0x1400, $0x38;
	[tilespmem:$0x12800] =	vst v63  }
0x1f: {  	_ =	swait.ge [sflag:s8], $0x1400  }
0x20: {  	[sflag:s8] =	ssyncset.done $0x0  }
0x21: {  	s9 =	simm.s32 $0x1400;
	[sflag:s8] =	ssyncadd.s32 $0xFFFFEC00  }
0x22: {  	[tilespmem:s9], [sflag:$0x3] =	stream.linear.gather [hbm4b:s6+s2], $0x1400, $0x38;
	[tilespmem:$0x12800] =	vst v63  }
0x23: {  	_ =	swait.ge [sflag:s8], $0x1400  }
0x24: {  	s31 =	simm.s32 $0x1440;
	[sflag:s8] =	ssyncset.done $0x0  }
0x25: {  	s1 =	simm.s32 $0x40;
	s0 =	simm.s32 $0x0;
	[sflag:s8] =	ssyncadd.s32 $0xFFFFEC00  }
.LBB2_2:
0x26: {  	v3 =	vld [tilespmem:s1+$0xFFFFFFC0];
	_ =	sdelay $0x4  }
0x27: {  	v4 =	vshll.u32 v3, $0x1  }
0x28: {  	v3 =	vand.u32 $0x7, v3;
	v4 =	vand.u32 $0xFFFFFFF0, v4  }
0x29: {  	v3 =	vor.u32 v3, v4  }
0x2a: {  	v4 =	vperm.xlane v3, v0;
	_ =	sdelay $0x1  }
0x2b: {  	v3 =	vperm.xlane v3, v2;
	v4 =	vadd.s32 v1, v4;
	_ =	sdelay $0x1  }
0x2c: {  	v3 =	vadd.s32 v1, v3;
	_ =	sdelay $0x2  }
0x2d: {  	[tilespmem:s10], [sflag:$0x1] =	stream.indirect_vreg.gather [hbm4b:s3+s2], $0x80, v4, vm0, $0xb8;
	[tilespmem:$0x12800] =	vst v63  }
0x2e: {  	s9 =	rddreg [dreg:$0x4]  }
0x2f: {  	[tilespmem:s9], [sflag:$0x1] =	stream.indirect_vreg.gather [hbm4b:s3+s2], $0x80, v3, vm0, $0xb8;
	[tilespmem:$0x12800] =	vst v63  }
0x30: {  	v3 =	vld [tilespmem:s1+$0xFFFFFFD0];
	_ =	sdelay $0x4  }
0x31: {  	v49 =	vshll.u32 v3, $0x1  }
0x32: {  	v3 =	vand.u32 $0x7, v3;
	v4 =	vand.u32 $0xFFFFFFF0, v49  }
0x33: {  	v3 =	vor.u32 v3, v4  }
0x34: {  	v4 =	vperm.xlane v3, v0;
	_ =	sdelay $0x1  }
0x35: {  	v3 =	vperm.xlane v3, v2;
	v4 =	vadd.s32 v1, v4;
	_ =	sdelay $0x1  }
0x36: {  	v3 =	vadd.s32 v1, v3;
	_ =	sdelay $0x1  }
0x37: {  	s9 =	rddreg [dreg:$0x5]  }
0x38: {  	[tilespmem:s9], [sflag:$0x1] =	stream.indirect_vreg.gather [hbm4b:s3+s2], $0x80, v4, vm0, $0xb8;
	[tilespmem:$0x12800] =	vst v63  }
0x39: {  	s5 =	rddreg [dreg:$0x6]  }
0x3a: {  	[tilespmem:s5], [sflag:$0x1] =	stream.indirect_vreg.gather [hbm4b:s3+s2], $0x80, v3, vm0, $0xb8;
	[tilespmem:$0x12800] =	vst v63  }
0x3b: {  	v3 =	vld [tilespmem:s1+$0xFFFFFFE0];
	_ =	sdelay $0x4  }
0x3c: {  	v50 =	vshll.u32 v3, $0x1  }
0x3d: {  	v3 =	vand.u32 $0x7, v3;
	v4 =	vand.u32 $0xFFFFFFF0, v50  }
0x3e: {  	v3 =	vor.u32 v3, v4  }
0x3f: {  	v4 =	vperm.xlane v3, v0;
	_ =	sdelay $0x1  }
0x40: {  	v3 =	vperm.xlane v3, v2;
	v4 =	vadd.s32 v1, v4;
	_ =	sdelay $0x1  }
0x41: {  	v3 =	vadd.s32 v1, v3;
	_ =	sdelay $0x1  }
0x42: {  	s5 =	rddreg [dreg:$0x7]  }
0x43: {  	[tilespmem:s5], [sflag:$0x1] =	stream.indirect_vreg.gather [hbm4b:s3+s2], $0x80, v4, vm0, $0xb8;
	[tilespmem:$0x12800] =	vst v63  }
0x44: {  	s9 =	rddreg [dreg:$0x8]  }
0x45: {  	[tilespmem:s9], [sflag:$0x1] =	stream.indirect_vreg.gather [hbm4b:s3+s2], $0x80, v3, vm0, $0xb8;
	[tilespmem:$0x12800] =	vst v63  }
0x46: {  	v3 =	vld [tilespmem:s1+$0xFFFFFFF0];
	_ =	sdelay $0x4  }
0x47: {  	v51 =	vshll.u32 v3, $0x1  }
0x48: {  	v3 =	vand.u32 $0x7, v3;
	v4 =	vand.u32 $0xFFFFFFF0, v51  }
0x49: {  	v3 =	vor.u32 v3, v4  }
0x4a: {  	v4 =	vperm.xlane v3, v0;
	_ =	sdelay $0x1  }
0x4b: {  	v3 =	vperm.xlane v3, v2;
	v4 =	vadd.s32 v1, v4;
	_ =	sdelay $0x1  }
0x4c: {  	v3 =	vadd.s32 v1, v3;
	_ =	sdelay $0x1  }
0x4d: {  	s5 =	rddreg [dreg:$0x9]  }
0x4e: {  	[tilespmem:s5], [sflag:$0x1] =	stream.indirect_vreg.gather [hbm4b:s3+s2], $0x80, v4, vm0, $0xb8;
	[tilespmem:$0x12800] =	vst v63  }
0x4f: {  	s9 =	rddreg [dreg:$0xa]  }
0x50: {  	[tilespmem:s9], [sflag:$0x1] =	stream.indirect_vreg.gather [hbm4b:s3+s2], $0x80, v3, vm0, $0xb8;
	[tilespmem:$0x12800] =	vst v63  }
0x51: {  	v3 =	vld [tilespmem:s1+$0x0];
	_ =	sdelay $0x4  }
0x52: {  	v52 =	vshll.u32 v3, $0x1  }
0x53: {  	v3 =	vand.u32 $0x7, v3;
	v4 =	vand.u32 $0xFFFFFFF0, v52  }
0x54: {  	v3 =	vor.u32 v3, v4  }
0x55: {  	v4 =	vperm.xlane v3, v0;
	_ =	sdelay $0x1  }
0x56: {  	v3 =	vperm.xlane v3, v2;
	v4 =	vadd.s32 v1, v4;
	_ =	sdelay $0x1  }
0x57: {  	v3 =	vadd.s32 v1, v3;
	_ =	sdelay $0x1  }
0x58: {  	s5 =	rddreg [dreg:$0xb]  }
0x59: {  	[tilespmem:s5], [sflag:$0x1] =	stream.indirect_vreg.gather [hbm4b:s3+s2], $0x80, v4, vm0, $0xb8;
	[tilespmem:$0x12800] =	vst v63  }
0x5a: {  	s9 =	rddreg [dreg:$0xc]  }
0x5b: {  	[tilespmem:s9], [sflag:$0x1] =	stream.indirect_vreg.gather [hbm4b:s3+s2], $0x80, v3, vm0, $0xb8;
	[tilespmem:$0x12800] =	vst v63  }
0x5c: {  	v3 =	vld [tilespmem:s1+$0x10];
	_ =	sdelay $0x4  }
0x5d: {  	v53 =	vshll.u32 v3, $0x1  }
0x5e: {  	v3 =	vand.u32 $0x7, v3;
	v4 =	vand.u32 $0xFFFFFFF0, v53  }
0x5f: {  	v3 =	vor.u32 v3, v4  }
0x60: {  	v4 =	vperm.xlane v3, v0;
	_ =	sdelay $0x1  }
0x61: {  	v3 =	vperm.xlane v3, v2;
	v4 =	vadd.s32 v1, v4;
	_ =	sdelay $0x1  }
0x62: {  	v3 =	vadd.s32 v1, v3;
	_ =	sdelay $0x1  }
0x63: {  	s5 =	rddreg [dreg:$0xd]  }
0x64: {  	[tilespmem:s5], [sflag:$0x1] =	stream.indirect_vreg.gather [hbm4b:s3+s2], $0x80, v4, vm0, $0xb8;
	[tilespmem:$0x12800] =	vst v63  }
0x65: {  	s9 =	rddreg [dreg:$0xe]  }
0x66: {  	[tilespmem:s9], [sflag:$0x1] =	stream.indirect_vreg.gather [hbm4b:s3+s2], $0x80, v3, vm0, $0xb8;
	[tilespmem:$0x12800] =	vst v63  }
0x67: {  	v3 =	vld [tilespmem:s1+$0x20];
	_ =	sdelay $0x4  }
0x68: {  	v54 =	vshll.u32 v3, $0x1  }
0x69: {  	v3 =	vand.u32 $0x7, v3;
	v4 =	vand.u32 $0xFFFFFFF0, v54  }
0x6a: {  	v3 =	vor.u32 v3, v4  }
0x6b: {  	v4 =	vperm.xlane v3, v0;
	_ =	sdelay $0x1  }
0x6c: {  	v3 =	vperm.xlane v3, v2;
	v4 =	vadd.s32 v1, v4;
	_ =	sdelay $0x1  }
0x6d: {  	v3 =	vadd.s32 v1, v3;
	_ =	sdelay $0x1  }
0x6e: {  	s5 =	rddreg [dreg:$0xf]  }
0x6f: {  	[tilespmem:s5], [sflag:$0x1] =	stream.indirect_vreg.gather [hbm4b:s3+s2], $0x80, v4, vm0, $0xb8;
	[tilespmem:$0x12800] =	vst v63  }
0x70: {  	s9 =	rddreg [dreg:$0x10]  }
0x71: {  	[tilespmem:s9], [sflag:$0x1] =	stream.indirect_vreg.gather [hbm4b:s3+s2], $0x80, v3, vm0, $0xb8;
	[tilespmem:$0x12800] =	vst v63  }
0x72: {  	v3 =	vld [tilespmem:s1+$0x30];
	_ =	sdelay $0x4  }
0x73: {  	v55 =	vshll.u32 v3, $0x1  }
0x74: {  	v3 =	vand.u32 $0x7, v3;
	v4 =	vand.u32 $0xFFFFFFF0, v55  }
0x75: {  	v3 =	vor.u32 v3, v4  }
0x76: {  	v4 =	vperm.xlane v3, v0;
	_ =	sdelay $0x1  }
0x77: {  	v3 =	vperm.xlane v3, v2;
	v4 =	vadd.s32 v1, v4;
	_ =	sdelay $0x1  }
0x78: {  	v3 =	vadd.s32 v1, v3;
	_ =	sdelay $0x1  }
0x79: {  	s5 =	rddreg [dreg:$0x11]  }
0x7a: {  	[tilespmem:s5], [sflag:$0x1] =	stream.indirect_vreg.gather [hbm4b:s3+s2], $0x80, v4, vm0, $0xb8;
	[tilespmem:$0x12800] =	vst v63  }
0x7b: {  	s9 =	rddreg [dreg:$0x12]  }
0x7c: {  	[tilespmem:s9], [sflag:$0x1] =	stream.indirect_vreg.gather [hbm4b:s3+s2], $0x80, v3, vm0, $0xb8;
	[tilespmem:$0x12800] =	vst v63  }
0x7d: {  	v3 =	vld [tilespmem:s31+$0xFFFFFFC0];
	_ =	sdelay $0x4  }
0x7e: {  	v56 =	vshll.u32 v3, $0x1  }
0x7f: {  	v3 =	vand.u32 $0x7, v3;
	v4 =	vand.u32 $0xFFFFFFF0, v56  }
0x80: {  	v3 =	vor.u32 v3, v4  }
0x81: {  	v4 =	vperm.xlane v3, v0;
	_ =	sdelay $0x1  }
0x82: {  	v3 =	vperm.xlane v3, v2;
	v4 =	vadd.s32 v1, v4;
	_ =	sdelay $0x1  }
0x83: {  	v3 =	vadd.s32 v1, v3;
	_ =	sdelay $0x2  }
0x84: {  	[tilespmem:s11], [sflag:$0x2] =	stream.indirect_vreg.gather [hbm4b:s4+s2], $0x80, v4, vm0, $0xb8;
	[tilespmem:$0x12800] =	vst v63  }
0x85: {  	_ = 	snop  }
0x86: {  	[tilespmem:s12], [sflag:$0x2] =	stream.indirect_vreg.gather [hbm4b:s4+s2], $0x80, v3, vm0, $0xb8;
	[tilespmem:$0x12800] =	vst v63  }
0x87: {  	v3 =	vld [tilespmem:s31+$0xFFFFFFD0];
	_ =	sdelay $0x4  }
0x88: {  	v57 =	vshll.u32 v3, $0x1  }
0x89: {  	v3 =	vand.u32 $0x7, v3;
	v4 =	vand.u32 $0xFFFFFFF0, v57  }
0x8a: {  	v3 =	vor.u32 v3, v4  }
0x8b: {  	v4 =	vperm.xlane v3, v0;
	_ =	sdelay $0x1  }
0x8c: {  	v3 =	vperm.xlane v3, v2;
	v4 =	vadd.s32 v1, v4;
	_ =	sdelay $0x1  }
0x8d: {  	v3 =	vadd.s32 v1, v3;
	_ =	sdelay $0x2  }
0x8e: {  	[tilespmem:s13], [sflag:$0x2] =	stream.indirect_vreg.gather [hbm4b:s4+s2], $0x80, v4, vm0, $0xb8;
	[tilespmem:$0x12800] =	vst v63  }
0x8f: {  	_ = 	snop  }
0x90: {  	[tilespmem:s14], [sflag:$0x2] =	stream.indirect_vreg.gather [hbm4b:s4+s2], $0x80, v3, vm0, $0xb8;
	[tilespmem:$0x12800] =	vst v63  }
0x91: {  	v3 =	vld [tilespmem:s31+$0xFFFFFFE0];
	_ =	sdelay $0x4  }
0x92: {  	v58 =	vshll.u32 v3, $0x1  }
0x93: {  	v3 =	vand.u32 $0x7, v3;
	v4 =	vand.u32 $0xFFFFFFF0, v58  }
0x94: {  	v3 =	vor.u32 v3, v4  }
0x95: {  	v4 =	vperm.xlane v3, v0;
	_ =	sdelay $0x1  }
0x96: {  	v3 =	vperm.xlane v3, v2;
	v4 =	vadd.s32 v1, v4;
	_ =	sdelay $0x1  }
0x97: {  	v3 =	vadd.s32 v1, v3;
	_ =	sdelay $0x2  }
0x98: {  	[tilespmem:s15], [sflag:$0x2] =	stream.indirect_vreg.gather [hbm4b:s4+s2], $0x80, v4, vm0, $0xb8;
	[tilespmem:$0x12800] =	vst v63  }
0x99: {  	_ = 	snop  }
0x9a: {  	[tilespmem:s16], [sflag:$0x2] =	stream.indirect_vreg.gather [hbm4b:s4+s2], $0x80, v3, vm0, $0xb8;
	[tilespmem:$0x12800] =	vst v63  }
0x9b: {  	v3 =	vld [tilespmem:s31+$0xFFFFFFF0];
	_ =	sdelay $0x4  }
0x9c: {  	v59 =	vshll.u32 v3, $0x1  }
0x9d: {  	v3 =	vand.u32 $0x7, v3;
	v4 =	vand.u32 $0xFFFFFFF0, v59  }
0x9e: {  	v3 =	vor.u32 v3, v4  }
0x9f: {  	v4 =	vperm.xlane v3, v0;
	_ =	sdelay $0x1  }
0xa0: {  	v3 =	vperm.xlane v3, v2;
	v4 =	vadd.s32 v1, v4;
	_ =	sdelay $0x1  }
0xa1: {  	v3 =	vadd.s32 v1, v3;
	_ =	sdelay $0x2  }
0xa2: {  	[tilespmem:s17], [sflag:$0x2] =	stream.indirect_vreg.gather [hbm4b:s4+s2], $0x80, v4, vm0, $0xb8;
	[tilespmem:$0x12800] =	vst v63  }
0xa3: {  	_ = 	snop  }
0xa4: {  	[tilespmem:s18], [sflag:$0x2] =	stream.indirect_vreg.gather [hbm4b:s4+s2], $0x80, v3, vm0, $0xb8;
	[tilespmem:$0x12800] =	vst v63  }
0xa5: {  	v3 =	vld [tilespmem:s31+$0x0];
	_ =	sdelay $0x4  }
0xa6: {  	v60 =	vshll.u32 v3, $0x1  }
0xa7: {  	v3 =	vand.u32 $0x7, v3;
	v4 =	vand.u32 $0xFFFFFFF0, v60  }
0xa8: {  	v3 =	vor.u32 v3, v4  }
0xa9: {  	v4 =	vperm.xlane v3, v0;
	_ =	sdelay $0x1  }
0xaa: {  	v3 =	vperm.xlane v3, v2;
	v4 =	vadd.s32 v1, v4;
	_ =	sdelay $0x1  }
0xab: {  	v3 =	vadd.s32 v1, v3;
	_ =	sdelay $0x2  }
0xac: {  	[tilespmem:s19], [sflag:$0x2] =	stream.indirect_vreg.gather [hbm4b:s4+s2], $0x80, v4, vm0, $0xb8;
	[tilespmem:$0x12800] =	vst v63  }
0xad: {  	_ = 	snop  }
0xae: {  	[tilespmem:s20], [sflag:$0x2] =	stream.indirect_vreg.gather [hbm4b:s4+s2], $0x80, v3, vm0, $0xb8;
	[tilespmem:$0x12800] =	vst v63  }
0xaf: {  	v3 =	vld [tilespmem:s31+$0x10];
	_ =	sdelay $0x4  }
0xb0: {  	v61 =	vshll.u32 v3, $0x1  }
0xb1: {  	v3 =	vand.u32 $0x7, v3;
	v4 =	vand.u32 $0xFFFFFFF0, v61  }
0xb2: {  	v3 =	vor.u32 v3, v4  }
0xb3: {  	v4 =	vperm.xlane v3, v0;
	_ =	sdelay $0x1  }
0xb4: {  	v3 =	vperm.xlane v3, v2;
	v4 =	vadd.s32 v1, v4;
	_ =	sdelay $0x1  }
0xb5: {  	v3 =	vadd.s32 v1, v3;
	_ =	sdelay $0x2  }
0xb6: {  	[tilespmem:s21], [sflag:$0x2] =	stream.indirect_vreg.gather [hbm4b:s4+s2], $0x80, v4, vm0, $0xb8;
	[tilespmem:$0x12800] =	vst v63  }
0xb7: {  	_ = 	snop  }
0xb8: {  	[tilespmem:s22], [sflag:$0x2] =	stream.indirect_vreg.gather [hbm4b:s4+s2], $0x80, v3, vm0, $0xb8;
	[tilespmem:$0x12800] =	vst v63  }
0xb9: {  	v3 =	vld [tilespmem:s31+$0x20];
	_ =	sdelay $0x4  }
0xba: {  	v62 =	vshll.u32 v3, $0x1  }
0xbb: {  	v3 =	vand.u32 $0x7, v3;
	v4 =	vand.u32 $0xFFFFFFF0, v62  }
0xbc: {  	v3 =	vor.u32 v3, v4  }
0xbd: {  	v4 =	vperm.xlane v3, v0;
	_ =	sdelay $0x1  }
0xbe: {  	v3 =	vperm.xlane v3, v2;
	v4 =	vadd.s32 v1, v4;
	_ =	sdelay $0x1  }
0xbf: {  	v3 =	vadd.s32 v1, v3;
	_ =	sdelay $0x2  }
0xc0: {  	[tilespmem:s23], [sflag:$0x2] =	stream.indirect_vreg.gather [hbm4b:s4+s2], $0x80, v4, vm0, $0xb8;
	[tilespmem:$0x12800] =	vst v63  }
0xc1: {  	_ = 	snop  }
0xc2: {  	[tilespmem:s24], [sflag:$0x2] =	stream.indirect_vreg.gather [hbm4b:s4+s2], $0x80, v3, vm0, $0xb8;
	[tilespmem:$0x12800] =	vst v63  }
0xc3: {  	v3 =	vld [tilespmem:s31+$0x30];
	_ =	sdelay $0x4  }
0xc4: {  	v63 =	vshll.u32 v3, $0x1  }
0xc5: {  	v3 =	vand.u32 $0x7, v3;
	v4 =	vand.u32 $0xFFFFFFF0, v63  }
0xc6: {  	v3 =	vor.u32 v3, v4  }
0xc7: {  	v4 =	vperm.xlane v3, v0;
	_ =	sdelay $0x1  }
0xc8: {  	v3 =	vperm.xlane v3, v2;
	v4 =	vadd.s32 v1, v4;
	_ =	sdelay $0x1  }
0xc9: {  	v3 =	vadd.s32 v1, v3;
	_ =	sdelay $0x2  }
0xca: {  	[tilespmem:s25], [sflag:$0x2] =	stream.indirect_vreg.gather [hbm4b:s4+s2], $0x80, v4, vm0, $0xb8;
	[tilespmem:$0x12800] =	vst v63  }
0xcb: {  	_ = 	snop  }
0xcc: {  	[tilespmem:s26], [sflag:$0x2] =	stream.indirect_vreg.gather [hbm4b:s4+s2], $0x80, v3, vm0, $0xb8;
	[tilespmem:$0x12800] =	vst v63  }
0xcd: {  	_ =	swait.ge [sflag:s28], $0x8000  }
0xce: {  	s9 =	rddreg [dreg:$0x3];
	[sflag:s28] =	ssyncset.done $0x0  }
0xcf: {  	[sflag:s28] =	ssyncadd.s32 $0xFFFF8000;
	s5 =	sadd.s32 s0, s9  }
0xd0: {  	[hbm4b:s5+s2] =	stream.linear.scatter [tilespmem:s10], [sflag:$0x3], $0x8000, $0x38;
	[tilespmem:$0x12800] =	vst v63  }
0xd1: {  	_ =	swait.ge [sflag:s8], $0x8000  }
0xd2: {  	[sflag:s8] =	ssyncset.done $0x0  }
0xd3: {  	[sflag:s8] =	ssyncadd.s32 $0xFFFF8000  }
0xd4: {  	_ =	swait.ge [sflag:s29], $0x8000  }
0xd5: {  	p0 =	sne.s32 s0, $0x27000;
	s9 =	rddreg [dreg:$0x2];
	[sflag:s29] =	ssyncset.done $0x0  }
.Ltmp0:
0xd6: {  	[sflag:s29] =	ssyncadd.s32 $0xFFFF8000;
	s5 =	sadd.s32 s0, s9;
	(pc) =	sbr.rel @p0 .LBB2_2-.Ltmp0, $4  }
0xd7: {  	[hbm4b:s5+s2] =	stream.linear.scatter [tilespmem:s11], [sflag:$0x3], $0x8000, $0x38;
	[tilespmem:$0x12800] =	vst v63  }
0xd8: {  	_ =	swait.ge [sflag:s8], $0x8000  }
0xd9: {  	s1 =	sadd.s32 $0x80, s1;
	[sflag:s8] =	ssyncset.done $0x0  }
0xda: {  	s31 =	sadd.s32 $0x80, s31;
	s0 =	sadd.s32 $0x1000, s0;
	[sflag:s8] =	ssyncadd.s32 $0xFFFF8000  }
0xdb: {  	s30 =	sadd.s32 $0x1, s30  }
0xdc: {  	p0 =	sne.s32 s30, s7  }
.Ltmp1:
0xdd: {  	_ = 	snop;
	(pc) =	sbr.rel @p0 .LBB2_1-.Ltmp1, $1  }
0xde: {  	_ =	sdelay $0x3  }
0xdf: {  	_ =	sfence.sel $0x180000  }
0xe0: {  	[bflag:$0x0] =	sbarrier.arrive $0xFFFF  }
0xe1: {  	_ =	strace $0x90000053  }
0xe2: {  	s0 =	stileid.u32;
	[bflag:$0x2] =	sbarrier.arrive $0xFFFF  }
0xe3: {  	p0 =	sne.s32 s0, $0x0;
	s0 =	rddreg [dreg:$0x1]  }
0xe4: {  	s0 =	sadd.s32 @!p0 $0x100000, s0  }
0xe5: {  	[sflag:s0] =	ssyncadd.tile.s32 @!p0 $0x1;
	_ =	shalt  }
.Lfunc_end2:
_tile_overlayer_lowered:
.L_overlay_start_2:
0xe6: {  	(tag) =	ssettag $0x2  }
0xe7: {  	s0 =	rddreg [dreg:$0x0];
	s2 =	stileid.u32  }
0xe8: {  	s1 =	rddreg [dreg:$0x1];
	p0 =	sne.s32 s2, $0x0  }
0xe9: {  	s3 =	rddreg [dreg:$0x2];
	[bflag:$0x3] =	sbarrier.arrive $0xFFFF;
	s2 =	simm.s32 @!p0 $0x1C03  }
0xea: {  	[timem:s3], [sflag:s2] =	dma.local @!p0 [hbm:s0], s1  }
0xeb: {  	s0 =	simm.s32 @!p0 $0x3  }
0xec: {  	_ =	swait.ge @!p0 [sflag:s0], s1  }
0xed: {  	s1 =	ssub.s32 @!p0 $0x0, s1;
	[sflag:s0] =	ssyncset.done @!p0 $0x0  }
0xee: {  	[sflag:s0] =	ssyncadd.s32 @!p0 s1  }
0xef: {  	[bflag:$0x3] =	sbarrier.arrive $0xFFFF  }
0xf0: {  	_ =	shalt  }

// kernel: kernel.34.cloned.1.call-start
scs
__scs_entry_jumppad:
0x0: {  	(pc) =	sbr.rel $0x88, $3  }
0x1: {  	(tag) =	ssettag $0x0;
	lr =	simm.s32 $0x1  }
0x2: {  	[smem:$0x3F7E] =	sst lr;
	_ =	strace $0xD0000000  }
0x3: {  	_ = 	snop  }
0x4: {  	_ = 	snop  }
0x5: {  	_ = 	snop  }
0x6: {  	_ = 	snop  }
0x7: {  	_ = 	snop  }
__scs_overlays_trampoline_lowered:
0x8: {  	[smem:$0x3F8D] =	sst s0  }
0x9: {  	[smem:$0x3F8E] =	sst s1  }
0xa: {  	[smem:$0x3F8F] =	sst s2  }
0xb: {  	[smem:$0x3F90] =	sst s3  }
0xc: {  	[smem:$0x3F91] =	sst s4  }
0xd: {  	[smem:$0x3F92] =	sst s5  }
0xe: {  	[smem:$0x3F93] =	sst s6  }
0xf: {  	[smem:$0x3F94] =	sst s7  }
0x10: {  	[smem:$0x3F95] =	sst s8  }
0x11: {  	[smem:$0x3F96] =	sst s9;
	s0 =	simm.s32 @!p0 $0x0  }
0x12: {  	s1 =	sld [smem:$0x3F7C];
	s0 =	simm.s32 @p0 $0x1  }
0x13: {  	[smem:$0x3F97] =	sst s0;
	s0 =	simm.s32 @!p1 $0x0  }
0x14: {  	s2 =	sld [smem:$0x3F7B];
	s0 =	simm.s32 @p1 $0x1  }
0x15: {  	[smem:$0x3F98] =	sst s0;
	s0 =	simm.s32 @!p2 $0x0  }
0x16: {  	s3 =	sld [smem:$0x3FDB];
	s0 =	simm.s32 @p2 $0x1  }
0x17: {  	s4 =	simm.s32 $0x1BF5;
	[smem:$0x3F9A] =	sst s0  }
0x18: {  	s0 =	sld [smem:$0x3F7D];
	_ =	swait.ge [sflag:s4], $0x0  }
0x19: {  	s7 =	sld [smem:$0x3F7E]  }
0x1a: {  	s8 =	sadd.s32 $0xFFFFE003, lr  }
0x1b: {  	s9 =	sadd.s32 $0xFFFFFEF7, lr;
	s5 =	simm.s32 $0xFFFFFFFF;
	p2 =	slt.u32 s8, $0xFFFFF086  }
0x1c: {  	p1 =	slt.u32 s9, $0xF7A;
	s5 =	simm.s32 @!p2 $0x0  }
0x1d: {  	s5 =	simm.s32 @p1 $0x1;
	p0 =	seq.s32 s7, s2  }
0x1e: {  	s7 =	smul.u32 @!p0 $0xF7A, s2;
	p2 =	seq.s32 @!p0 s5, $0x0  }
0x1f: {  	s9 =	smul.u32 $0xF7A, s1;
	s8 =	simm.s32 @!p0 $0x1BF5;
	p2 =	por !p2, p0  }
0x20: {  	[sflag:s8] =	ssyncset.s32 @!p0 $0xFFFFF086;
	s6 =	sadd.s32 @!p0 s3, s7;
	s7 =	simm.s32 @!p0 $0x108  }
0x21: {  	s3 =	sadd.s32 s3, s9;
	s6 =	sadd.s32 @!p0 $0x88, s6;
	s7 =	simm.s32 @p2 $0x1082  }
0x22: {  	[simem:s7], [sflag:s8] =	dma.local @!p0 [hbm:s6], $0xF7A  }
0x23: {  	s9 =	sor.u32 $0xD0000000, s2;
	s6 =	simm.s32 $0x108;
	_ =	swait.ge @!p0 [sflag:s8], $0x0  }
0x24: {  	s3 =	sadd.s32 $0x88, s3;
	s6 =	simm.s32 @!p1 $0x1082;
	[sflag:s4] =	ssyncset.s32 $0xFFFFF086  }
0x25: {  	[simem:s6], [sflag:s4] =	dma.local [hbm:s3], $0xF7A  }
0x26: {  	[smem:$0x3F7E] =	sst s1;
	(tag) =	ssettag s2;
	_ =	strace s9  }
0x27: {  	s1 =	sld [smem:$0x3F8E]  }
0x28: {  	s2 =	sld [smem:$0x3F8F]  }
0x29: {  	s4 =	sld [smem:$0x3F91]  }
0x2a: {  	p0 =	seq.s32 s5, $0x0;
	s5 =	sld [smem:$0x3F92]  }
0x2b: {  	s6 =	sld [smem:$0x3F93]  }
0x2c: {  	s7 =	sld [smem:$0x3F94]  }
0x2d: {  	s3 =	simm.s32 $0x108;
	s8 =	sld [smem:$0x3F95]  }
0x2e: {  	s3 =	simm.s32 @!p0 $0x1082;
	s9 =	sld [smem:$0x3F96]  }
0x2f: {  	lr =	sadd.s32 s0, s3;
	s0 =	sld [smem:$0x3F8D]  }
0x30: {  	s3 =	sld [smem:$0x3F90]  }
0x31: {  	[smem:$0x3F99] =	sst s10  }
0x32: {  	s10 =	sld [smem:$0x3F97];
	_ =	sdelay $0x3  }
0x33: {  	p0 =	seq.s32 s10, $0x1;
	s10 =	sld [smem:$0x3F99];
	_ =	sdelay $0x3  }
0x34: {  	[smem:$0x3F99] =	sst s10  }
0x35: {  	s10 =	sld [smem:$0x3F98];
	_ =	sdelay $0x3  }
0x36: {  	p1 =	seq.s32 s10, $0x1;
	s10 =	sld [smem:$0x3F99];
	_ =	sdelay $0x3  }
0x37: {  	[smem:$0x3F99] =	sst s10  }
0x38: {  	s10 =	sld [smem:$0x3F9A]  }
0x39: {  	_ = 	snop;
	(pc) =	sbr.ind lr, $3  }
0x3a: {  	_ = 	snop  }
0x3b: {  	_ = 	snop  }
0x3c: {  	p2 =	seq.s32 s10, $0x1;
	s10 =	sld [smem:$0x3F99]  }
0x3d: {  	_ =	shalt  }
0x3e: {  	_ =	shalt  }
0x3f: {  	_ =	shalt  }
0x40: {  	_ =	shalt  }
0x41: {  	_ =	shalt  }
0x42: {  	_ =	shalt  }
0x43: {  	_ =	shalt  }
0x44: {  	_ =	shalt  }
0x45: {  	_ =	shalt  }
0x46: {  	_ =	shalt  }
0x47: {  	_ =	shalt  }
0x48: {  	_ =	shalt  }
0x49: {  	_ =	shalt  }
0x4a: {  	_ =	shalt  }
0x4b: {  	_ =	shalt  }
0x4c: {  	_ =	shalt  }
0x4d: {  	_ =	shalt  }
0x4e: {  	_ =	shalt  }
0x4f: {  	_ =	shalt  }
0x50: {  	_ =	shalt  }
0x51: {  	_ =	shalt  }
0x52: {  	_ =	shalt  }
0x53: {  	_ =	shalt  }
0x54: {  	_ =	shalt  }
0x55: {  	_ =	shalt  }
0x56: {  	_ =	shalt  }
0x57: {  	_ =	shalt  }
0x58: {  	_ =	shalt  }
0x59: {  	_ =	shalt  }
0x5a: {  	_ =	shalt  }
0x5b: {  	_ =	shalt  }
0x5c: {  	_ =	shalt  }
0x5d: {  	_ =	shalt  }
0x5e: {  	_ =	shalt  }
0x5f: {  	_ =	shalt  }
0x60: {  	_ =	shalt  }
0x61: {  	_ =	shalt  }
0x62: {  	_ =	shalt  }
0x63: {  	_ =	shalt  }
0x64: {  	_ =	shalt  }
0x65: {  	_ =	shalt  }
0x66: {  	_ =	shalt  }
0x67: {  	_ =	shalt  }
0x68: {  	_ =	shalt  }
0x69: {  	_ =	shalt  }
0x6a: {  	_ =	shalt  }
0x6b: {  	_ =	shalt  }
0x6c: {  	_ =	shalt  }
0x6d: {  	_ =	shalt  }
0x6e: {  	_ =	shalt  }
0x6f: {  	_ =	shalt  }
0x70: {  	_ =	shalt  }
0x71: {  	_ =	shalt  }
0x72: {  	_ =	shalt  }
0x73: {  	_ =	shalt  }
0x74: {  	_ =	shalt  }
0x75: {  	_ =	shalt  }
0x76: {  	_ =	shalt  }
0x77: {  	_ =	shalt  }
0x78: {  	_ =	shalt  }
0x79: {  	_ =	shalt  }
0x7a: {  	_ =	shalt  }
0x7b: {  	_ =	shalt  }
0x7c: {  	_ =	shalt  }
0x7d: {  	_ =	shalt  }
0x7e: {  	_ =	shalt  }
0x7f: {  	_ =	shalt  }
0x80: {  	_ =	shalt  }
0x81: {  	_ =	shalt  }
0x82: {  	_ =	shalt  }
0x83: {  	_ =	shalt  }
0x84: {  	_ =	shalt  }
0x85: {  	_ =	shalt  }
0x86: {  	_ =	shalt  }
0x87: {  	_ =	shalt  }
.Lfunc_end0:
.L_simem_size_0:
called_computation.5_lowered:
.L_overlay_start_0:
0x88: {  	s2 =	sld [smem:$0x3FD9]  }
0x89: {  	s3 =	sld [smem:$0x3FFE];
	_ =	sdelay $0x1  }
0x8a: {  	s1 =	srdreg.scid  }
0x8b: {  	s0 =	sand.u32 $0x1, s1  }
0x8c: {  	s16 =	sshll.u32 s0, $0xA;
	s2 =	sadd.s32 s3, s2  }
0x8d: {  	s2 =	sadd.s32 s2, s16  }
0x8e: {  	[smem:$0x3FA5] =	sst s2  }
0x8f: {  	_ = 	snop  }
0x90: {  	(tm) =	ssettm $0x1  }
0x91: {  	s17 =	sld [smem:$0x3FFB];
	_ =	sdelay $0x3  }
0x92: {  	_ =	strace s17  }
0x93: {  	s2 =	sld [smem:$0x3FFC];
	_ =	sdelay $0x3  }
0x94: {  	_ =	strace s2  }
0x95: {  	s2 =	sld [smem:$0x3FFD];
	_ =	sdelay $0x3  }
0x96: {  	_ =	strace s2  }
0x97: {  	_ =	strace $0x8FFFFFFF  }
0x98: {  	s18 =	sld [smem:$0x3FDB];
	_ =	sdelay $0x1  }
0x99: {  	s19 =	simm.s32 $_scs_section_size  }
0x9a: {  	s4 =	simm.s32 $_size__tile_overlayer_lowered;
	s5 =	simm.s32 $_tile_overlayer_lowered  }
0x9b: {  	s22 =	simm.s32 $0x1BFF;
	s21 =	sshll.u32 s5, $0x1;
	s2 =	sadd.s32 s19, s18  }
0x9c: {  	s6 =	simm.s32 $0x0;
	s20 =	sshll.u32 s4, $0x1;
	s4 =	sadd.s32 s21, s2  }
0x9d: {  	[timem:s6], [sflag:s22] =	dma.local [hbm:s4], s20  }
0x9e: {  	_ =	swait.ge [sflag:s22], s20  }
0x9f: {  	s3 =	ssub.s32 $0x0, s20;
	[sflag:s22] =	ssyncset.done $0x0  }
0xa0: {  	[sflag:s22] =	ssyncadd.s32 s3;
	_ =	sdelay $0x1  }
0xa1: {  	s23 =	simm.s32 $0x1B8B  }
0xa2: {  	_ =	swait.ge [sflag:s23], $0x1  }
0xa3: {  	[sflag:s23] =	ssyncset.done $0x0  }
0xa4: {  	s25 =	simm.s32 $0x1B8E;
	s24 =	sld [smem:$0x3FFE];
	[sflag:s23] =	ssyncadd.s32 $0xFFFFFFFF  }
0xa5: {  	s26 =	simm.s32 $execute0_lowered;
	[smem:$0x3FD2] =	sst s25  }
0xa6: {  	s4 =	sshll.u32 s26, $0x1;
	_ =	strace $0x80000055;
	[dreg:$0x1] =	wrdreg $0xFFFFFFFF  }
0xa7: {  	s28 =	simm.s32 $_size_execute0_lowered;
	s2 =	sadd.s32 s2, s4;
	[dreg:$0x0] =	wrdreg $0x0  }
0xa8: {  	s4 =	sshll.u32 s28, $0x1;
	[dreg:$0x2] =	wrdreg s2  }
0xa9: {  	[dreg:$0x3] =	wrdreg s4  }
0xaa: {  	[dreg:$0x4] =	wrdreg $0xC0  }
0xab: {  	_ =	task [dreg:s6], $0x5FFFF  }
0xac: {  	[dreg:$0x1] =	wrdreg $0xFFFFFFFF  }
0xad: {  	[dreg:$0x0] =	wrdreg $0x60  }
0xae: {  	[dreg:$0x2] =	wrdreg s24  }
0xaf: {  	[dreg:$0x3] =	wrdreg $0x0  }
0xb0: {  	[dreg:$0x4] =	wrdreg $0x9  }
0xb1: {  	_ =	task.clear_ibuf [dreg:s6], $0x5FFFF;
	_ =	strace $0x90000055  }
0xb2: {  	s29 =	simm.s32 $0x9;
	_ =	strace $0x80000057  }
0xb3: {  	_ =	swait.ge [sflag:s29], $0x1  }
0xb4: {  	[sflag:s29] =	ssyncadd.s32 $0xFFFFFFFF  }
0xb5: {  	_ =	strace $0x90000057  }
0xb6: {  	_ =	sfence  }
0xb7: {  	s30 =	sld [smem:$0x0];
	_ =	sdelay $0x2  }
0xb8: {  	s31 =	sshll.u32 s1, $0xD;
	s1 =	sshrl.u32 s1, $0x2  }
0xb9: {  	s3 =	sand.u32 $0x4000, s31;
	s1 =	sadd.s32 s1, s30  }
0xba: {  	s0 =	sor.u32 s3, s0;
	s1 =	sshll.u32 s1, $0x11  }
0xbb: {  	s0 =	sor.u32 s1, s0  }
0xbc: {  	s0 =	sadd.s32 $0x8F2B, s0  }
0xbd: {  	[sflag:s0] =	ssyncadd.remote.s32 $0x1  }
0xbe: {  	_ =	sfence.sel $0xFFFF  }
0xbf: {  	[dreg:$0x0] =	wrdreg $0xFFFFFFFF;
	(pc) =	sbr.abs _section_cstart, $3  }
0xc0: {  	[dreg:$0x1] =	wrdreg $0xFFFFFFFF  }
0xc1: {  	_ =	task.clear_ibuf [dreg:s6], $0x2FFFF;
	_ =	strace $0x9FFFFFFF  }
0xc2: {  	(tm) =	ssettm $0x7FFFFFFF  }
0xc3: {  	_ =	shalt  }
tec
execute0_lowered:
.L_overlay_start_1:
0x0: {  	(tag) =	ssettag $0x1  }
0x1: {  	s0 =	stileid.u32;
	s4 =	rddreg [dreg:$0x0]  }
0x2: {  	s1 =	srdreg.scid;
	s2 =	rddreg [dreg:$0x1];
	s3 =	simm.s32 $0x0  }
0x3: {  	s13 =	simm.s32 $0x13C00;
	s14 =	simm.s32 $0x3;
	s17 =	simm.s32 $0x15000  }
0x4: {  	s18 =	simm.s32 $0x19000;
	s19 =	simm.s32 $0x1;
	s6 =	smul.u32 $0x28000, s0  }
0x5: {  	s20 =	simm.s32 $0x80;
	s21 =	simm.s32 $0x2;
	s8 =	smul.u32 $0x13C00, s0  }
0x6: {  	s22 =	simm.s32 $0x0;
	s5 =	sand.u32 $0x1, s1;
	s12 =	smul.u32 $0x4F000, s0  }
0x7: {  	s24 =	sshll.u32 s0, $0x1;
	[smem:$0x7FF] =	sst s3;
	s9 =	smul.u32 $0x13C000, s5  }
0x8: {  	s15 =	sshll.u32 s0, $0x6;
	s1 =	sor.u32 s5, s24;
	s30 =	smul.u32 $0x14000, s5  }
0x9: {  	s28 =	ssub.s32 $0x2, s5;
	s15 =	sor.u32 $0x1C03, s15;
	s7 =	smul.u32 $0x280, s1  }
0xa: {  	s1 =	rddreg [dreg:$0x2];
	_ =	strace $0x80000056;
	s10 =	sadd.s32 s6, s4  }
0xb: {  	s26 =	sshrl.u32 s8, $0x3;
	s11 =	sshrl.u32 s28, $0x1;
	s29 =	sshrl.u32 s12, $0x2  }
0xc: {  	s8 =	sadd.s32 s8, s9;
	s9 =	ssub.s32 s28, s11;
	s16 =	sadd.s32 s29, s2  }
0xd: {  	s31 =	sadd.s32 s30, s10;
	s25 =	sadd.s32 s7, s4;
	s8 =	sshrl.u32 s8, $0x3  }
0xe: {  	s7 =	sadd.s32 s26, s4;
	s9 =	smax.u32 s9, $0x1;
	s10 =	sadd.s32 $0x513E00, s31  }
0xf: {  	s11 =	sadd.s32 $0x142C000, s31;
	s12 =	sadd.s32 $0x16AC000, s31;
	s16 =	sshrl.u32 s16, $0x3  }
0x10: {  	s8 =	sadd.s32 s8, s4;
	s4 =	sadd.s32 $0x9600, s25;
	s5 =	sadd.s32 $0x7BA800, s7  }
0x11: {  	s6 =	sadd.s32 $0xE600, s8;
	s7 =	sadd.s32 $0x5D600, s8;
	s8 =	sadd.s32 $0xAC600, s8  }
.LBB2_1:
0x12: {  	[tilespmem:s13], [sflag:$0x3] =	stream.linear.gather [hbm4b:s4+s3], $0x1400, $0x38;
	[tilespmem:$0x1D000] =	vst v63  }
0x13: {  	_ =	swait.ge [sflag:s14], $0x1400  }
0x14: {  	[sflag:s14] =	ssyncset.done $0x0  }
0x15: {  	[sflag:s14] =	ssyncadd.s32 $0xFFFFEC00  }
0x16: {  	[spmem:s16], [sflag:s15] =	dma.local [hbm:s5], $0x2780  }
0x17: {  	_ =	swait.ge [sflag:s14], $0x2780  }
0x18: {  	[sflag:s14] =	ssyncset.done $0x0  }
0x19: {  	[sflag:s14] =	ssyncadd.s32 $0xFFFFD880  }
0x1a: {  	s23 =	sadd.s32 $0xFFFFF800, s10;
	[bflag:$0x0] =	sbarrier.arrive $0xFFFF  }
0x1b: {  	[tilespmem:s17], [sflag:$0x1] =	stream.linear.gather [hbm4b:s23+s3], $0x4000, $0x38;
	[tilespmem:$0x1D000] =	vst v63  }
0x1c: {  	_ = 	snop  }
0x1d: {  	[tilespmem:s18], [sflag:$0x2] =	stream.linear.gather [hbm4b:s10+s3], $0x4000, $0x38;
	[tilespmem:$0x1D000] =	vst v63  }
0x1e: {  	_ =	swait.ge [sflag:s19], $0x4000  }
0x1f: {  	[sflag:s19] =	ssyncset.done $0x0  }
0x20: {  	s30 =	simm.s32 $0x13C00;
	[sflag:s19] =	ssyncadd.s32 $0xFFFFC000  }
0x21: {  	[spmem:s2] =	stream.indirect.scatter.add.f32 [tilespmem:s17], [sflag:$0x3], $0x80, s30, s20, $0xb8;
	[tilespmem:$0x1D000] =	vst v63  }
0x22: {  	_ =	swait.ge [sflag:s14], $0x4000  }
0x23: {  	[sflag:s14] =	ssyncset.done $0x0  }
0x24: {  	[sflag:s14] =	ssyncadd.s32 $0xFFFFC000  }
0x25: {  	_ =	swait.ge [sflag:s21], $0x4000  }
0x26: {  	[sflag:s21] =	ssyncset.done $0x0  }
0x27: {  	s31 =	simm.s32 $0x13C80;
	[sflag:s21] =	ssyncadd.s32 $0xFFFFC000  }
0x28: {  	[spmem:s2] =	stream.indirect.scatter.add.f32 [tilespmem:s18], [sflag:$0x3], $0x80, s31, s20, $0xb8;
	[tilespmem:$0x1D000] =	vst v63  }
0x29: {  	s25 =	simm.s32 $0x800;
	_ =	swait.ge [sflag:s14], $0x4000  }
0x2a: {  	s24 =	sadd.s32 $0x1000, s10;
	s23 =	simm.s32 $0x400;
	[sflag:s14] =	ssyncset.done $0x0  }
.LBB2_2:
0x2b: {  	p0 =	sne.s32 s25, $0x4C00;
	s26 =	sadd.s32 $0xFFFFF800, s24;
	[sflag:s14] =	ssyncadd.s32 $0xFFFFC000  }
0x2c: {  	[tilespmem:s17], [sflag:$0x1] =	stream.linear.gather [hbm4b:s26+s3], $0x4000, $0x38;
	[tilespmem:$0x1D000] =	vst v63  }
0x2d: {  	s26 =	smov.u32 s25;
	s25 =	sadd.s32 $0x400, s25  }
0x2e: {  	[tilespmem:s18], [sflag:$0x2] =	stream.linear.gather [hbm4b:s24+s3], $0x4000, $0x38;
	[tilespmem:$0x1D000] =	vst v63  }
0x2f: {  	_ =	swait.ge [sflag:s19], $0x4000  }
0x30: {  	s28 =	sshra.s32 s23, $0x2;
	s23 =	smov.u32 s26;
	[sflag:s19] =	ssyncset.done $0x0  }
0x31: {  	s26 =	sadd.s32 $0x13C00, s28;
	[sflag:s19] =	ssyncadd.s32 $0xFFFFC000  }
0x32: {  	[spmem:s2] =	stream.indirect.scatter.add.f32 [tilespmem:s17], [sflag:$0x3], $0x80, s26, s20, $0xb8;
	[tilespmem:$0x1D000] =	vst v63  }
0x33: {  	_ =	swait.ge [sflag:s14], $0x4000  }
0x34: {  	[sflag:s14] =	ssyncset.done $0x0  }
0x35: {  	[sflag:s14] =	ssyncadd.s32 $0xFFFFC000  }
0x36: {  	_ =	swait.ge [sflag:s21], $0x4000  }
.Ltmp0:
0x37: {  	[sflag:s21] =	ssyncset.done $0x0;
	(pc) =	sbr.rel @p0 .LBB2_2-.Ltmp0, $4  }
0x38: {  	s26 =	sadd.s32 $0x13C80, s28;
	[sflag:s21] =	ssyncadd.s32 $0xFFFFC000  }
0x39: {  	[spmem:s2] =	stream.indirect.scatter.add.f32 [tilespmem:s18], [sflag:$0x3], $0x80, s26, s20, $0xb8;
	[tilespmem:$0x1D000] =	vst v63  }
0x3a: {  	_ =	swait.ge [sflag:s14], $0x4000  }
0x3b: {  	s24 =	sadd.s32 $0x1000, s24;
	[sflag:s14] =	ssyncset.done $0x0  }
0x3c: {  	s25 =	sadd.s32 $0xFFFFF800, s24;
	[sflag:s14] =	ssyncadd.s32 $0xFFFFC000  }
0x3d: {  	[tilespmem:s17], [sflag:$0x1] =	stream.linear.gather [hbm4b:s25+s3], $0x4000, $0x38;
	[tilespmem:$0x1D000] =	vst v63  }
0x3e: {  	_ = 	snop  }
0x3f: {  	[tilespmem:s18], [sflag:$0x2] =	stream.linear.gather [hbm4b:s24+s3], $0x4000, $0x38;
	[tilespmem:$0x1D000] =	vst v63  }
0x40: {  	_ =	swait.ge [sflag:s19], $0x4000  }
0x41: {  	s23 =	sshra.s32 s23, $0x2;
	[sflag:s19] =	ssyncset.done $0x0  }
0x42: {  	s28 =	sadd.s32 $0x13C00, s23;
	[sflag:s19] =	ssyncadd.s32 $0xFFFFC000  }
0x43: {  	[spmem:s2] =	stream.indirect.scatter.add.f32 [tilespmem:s17], [sflag:$0x3], $0x80, s28, s20, $0xb8;
	[tilespmem:$0x1D000] =	vst v63  }
0x44: {  	_ =	swait.ge [sflag:s14], $0x4000  }
0x45: {  	[sflag:s14] =	ssyncset.done $0x0  }
0x46: {  	[sflag:s14] =	ssyncadd.s32 $0xFFFFC000  }
0x47: {  	_ =	swait.ge [sflag:s21], $0x4000  }
0x48: {  	[sflag:s21] =	ssyncset.done $0x0  }
0x49: {  	s23 =	sadd.s32 $0x13C80, s23;
	[sflag:s21] =	ssyncadd.s32 $0xFFFFC000  }
0x4a: {  	[spmem:s2] =	stream.indirect.scatter.add.f32 [tilespmem:s18], [sflag:$0x3], $0x80, s23, s20, $0xb8;
	[tilespmem:$0x1D000] =	vst v63  }
0x4b: {  	_ =	swait.ge [sflag:s14], $0x4000  }
0x4c: {  	[sflag:s14] =	ssyncset.done $0x0  }
0x4d: {  	[sflag:s14] =	ssyncadd.s32 $0xFFFFC000  }
0x4e: {  	[bflag:$0x0] =	sbarrier.arrive $0xFFFF  }
0x4f: {  	[hbm:s6], [sflag:s15] =	dma.local [spmem:s16], $0x2780  }
0x50: {  	_ =	swait.ge [sflag:s14], $0x2780  }
0x51: {  	[sflag:s14] =	ssyncset.done $0x0  }
0x52: {  	[sflag:s14] =	ssyncadd.s32 $0xFFFFD880  }
0x53: {  	[bflag:$0x0] =	sbarrier.arrive $0xFFFF  }
0x54: {  	[spmem:s16], [sflag:s15] =	dma.local [hbm:s5], $0x2780  }
0x55: {  	_ =	swait.ge [sflag:s14], $0x2780  }
0x56: {  	[sflag:s14] =	ssyncset.done $0x0  }
0x57: {  	[sflag:s14] =	ssyncadd.s32 $0xFFFFD880  }
0x58: {  	s29 =	sadd.s32 $0xFFFFF800, s11;
	[bflag:$0x0] =	sbarrier.arrive $0xFFFF  }
0x59: {  	[tilespmem:s17], [sflag:$0x1] =	stream.linear.gather [hbm4b:s29+s3], $0x4000, $0x38;
	[tilespmem:$0x1D000] =	vst v63  }
0x5a: {  	_ = 	snop  }
0x5b: {  	[tilespmem:s18], [sflag:$0x2] =	stream.linear.gather [hbm4b:s11+s3], $0x4000, $0x38;
	[tilespmem:$0x1D000] =	vst v63  }
0x5c: {  	_ =	swait.ge [sflag:s19], $0x4000  }
0x5d: {  	[sflag:s19] =	ssyncset.done $0x0  }
0x5e: {  	s30 =	simm.s32 $0x13C00;
	[sflag:s19] =	ssyncadd.s32 $0xFFFFC000  }
0x5f: {  	[spmem:s2] =	stream.indirect.scatter.add.f32 [tilespmem:s17], [sflag:$0x3], $0x80, s30, s20, $0xb8;
	[tilespmem:$0x1D000] =	vst v63  }
0x60: {  	_ =	swait.ge [sflag:s14], $0x4000  }
0x61: {  	[sflag:s14] =	ssyncset.done $0x0  }
0x62: {  	[sflag:s14] =	ssyncadd.s32 $0xFFFFC000  }
0x63: {  	_ =	swait.ge [sflag:s21], $0x4000  }
0x64: {  	[sflag:s21] =	ssyncset.done $0x0  }
0x65: {  	s31 =	simm.s32 $0x13C80;
	[sflag:s21] =	ssyncadd.s32 $0xFFFFC000  }
0x66: {  	[spmem:s2] =	stream.indirect.scatter.add.f32 [tilespmem:s18], [sflag:$0x3], $0x80, s31, s20, $0xb8;
	[tilespmem:$0x1D000] =	vst v63  }
0x67: {  	s25 =	simm.s32 $0x800;
	_ =	swait.ge [sflag:s14], $0x4000  }
0x68: {  	s24 =	sadd.s32 $0x1000, s11;
	s23 =	simm.s32 $0x400;
	[sflag:s14] =	ssyncset.done $0x0  }
.LBB2_4:
0x69: {  	p0 =	sne.s32 s25, $0x4C00;
	s26 =	sadd.s32 $0xFFFFF800, s24;
	[sflag:s14] =	ssyncadd.s32 $0xFFFFC000  }
0x6a: {  	[tilespmem:s17], [sflag:$0x1] =	stream.linear.gather [hbm4b:s26+s3], $0x4000, $0x38;
	[tilespmem:$0x1D000] =	vst v63  }
0x6b: {  	s26 =	smov.u32 s25;
	s25 =	sadd.s32 $0x400, s25  }
0x6c: {  	[tilespmem:s18], [sflag:$0x2] =	stream.linear.gather [hbm4b:s24+s3], $0x4000, $0x38;
	[tilespmem:$0x1D000] =	vst v63  }
0x6d: {  	_ =	swait.ge [sflag:s19], $0x4000  }
0x6e: {  	s28 =	sshra.s32 s23, $0x2;
	s23 =	smov.u32 s26;
	[sflag:s19] =	ssyncset.done $0x0  }
0x6f: {  	s26 =	sadd.s32 $0x13C00, s28;
	[sflag:s19] =	ssyncadd.s32 $0xFFFFC000  }
0x70: {  	[spmem:s2] =	stream.indirect.scatter.add.f32 [tilespmem:s17], [sflag:$0x3], $0x80, s26, s20, $0xb8;
	[tilespmem:$0x1D000] =	vst v63  }
0x71: {  	_ =	swait.ge [sflag:s14], $0x4000  }
0x72: {  	[sflag:s14] =	ssyncset.done $0x0  }
0x73: {  	[sflag:s14] =	ssyncadd.s32 $0xFFFFC000  }
0x74: {  	_ =	swait.ge [sflag:s21], $0x4000  }
.Ltmp1:
0x75: {  	[sflag:s21] =	ssyncset.done $0x0;
	(pc) =	sbr.rel @p0 .LBB2_4-.Ltmp1, $4  }
0x76: {  	s26 =	sadd.s32 $0x13C80, s28;
	[sflag:s21] =	ssyncadd.s32 $0xFFFFC000  }
0x77: {  	[spmem:s2] =	stream.indirect.scatter.add.f32 [tilespmem:s18], [sflag:$0x3], $0x80, s26, s20, $0xb8;
	[tilespmem:$0x1D000] =	vst v63  }
0x78: {  	_ =	swait.ge [sflag:s14], $0x4000  }
0x79: {  	s24 =	sadd.s32 $0x1000, s24;
	[sflag:s14] =	ssyncset.done $0x0  }
0x7a: {  	s25 =	sadd.s32 $0xFFFFF800, s24;
	[sflag:s14] =	ssyncadd.s32 $0xFFFFC000  }
0x7b: {  	[tilespmem:s17], [sflag:$0x1] =	stream.linear.gather [hbm4b:s25+s3], $0x4000, $0x38;
	[tilespmem:$0x1D000] =	vst v63  }
0x7c: {  	_ = 	snop  }
0x7d: {  	[tilespmem:s18], [sflag:$0x2] =	stream.linear.gather [hbm4b:s24+s3], $0x4000, $0x38;
	[tilespmem:$0x1D000] =	vst v63  }
0x7e: {  	_ =	swait.ge [sflag:s19], $0x4000  }
0x7f: {  	s23 =	sshra.s32 s23, $0x2;
	[sflag:s19] =	ssyncset.done $0x0  }
0x80: {  	s28 =	sadd.s32 $0x13C00, s23;
	[sflag:s19] =	ssyncadd.s32 $0xFFFFC000  }
0x81: {  	[spmem:s2] =	stream.indirect.scatter.add.f32 [tilespmem:s17], [sflag:$0x3], $0x80, s28, s20, $0xb8;
	[tilespmem:$0x1D000] =	vst v63  }
0x82: {  	_ =	swait.ge [sflag:s14], $0x4000  }
0x83: {  	[sflag:s14] =	ssyncset.done $0x0  }
0x84: {  	[sflag:s14] =	ssyncadd.s32 $0xFFFFC000  }
0x85: {  	_ =	swait.ge [sflag:s21], $0x4000  }
0x86: {  	[sflag:s21] =	ssyncset.done $0x0  }
0x87: {  	s23 =	sadd.s32 $0x13C80, s23;
	[sflag:s21] =	ssyncadd.s32 $0xFFFFC000  }
0x88: {  	[spmem:s2] =	stream.indirect.scatter.add.f32 [tilespmem:s18], [sflag:$0x3], $0x80, s23, s20, $0xb8;
	[tilespmem:$0x1D000] =	vst v63  }
0x89: {  	_ =	swait.ge [sflag:s14], $0x4000  }
0x8a: {  	[sflag:s14] =	ssyncset.done $0x0  }
0x8b: {  	[sflag:s14] =	ssyncadd.s32 $0xFFFFC000  }
0x8c: {  	[bflag:$0x0] =	sbarrier.arrive $0xFFFF  }
0x8d: {  	[hbm:s7], [sflag:s15] =	dma.local [spmem:s16], $0x2780  }
0x8e: {  	_ =	swait.ge [sflag:s14], $0x2780  }
0x8f: {  	[sflag:s14] =	ssyncset.done $0x0  }
0x90: {  	[sflag:s14] =	ssyncadd.s32 $0xFFFFD880  }
0x91: {  	[bflag:$0x0] =	sbarrier.arrive $0xFFFF  }
0x92: {  	[spmem:s16], [sflag:s15] =	dma.local [hbm:s5], $0x2780  }
0x93: {  	_ =	swait.ge [sflag:s14], $0x2780  }
0x94: {  	[sflag:s14] =	ssyncset.done $0x0  }
0x95: {  	[sflag:s14] =	ssyncadd.s32 $0xFFFFD880  }
0x96: {  	s29 =	sadd.s32 $0xFFFFF800, s12;
	[bflag:$0x0] =	sbarrier.arrive $0xFFFF  }
0x97: {  	[tilespmem:s17], [sflag:$0x1] =	stream.linear.gather [hbm4b:s29+s3], $0x4000, $0x38;
	[tilespmem:$0x1D000] =	vst v63  }
0x98: {  	_ = 	snop  }
0x99: {  	[tilespmem:s18], [sflag:$0x2] =	stream.linear.gather [hbm4b:s12+s3], $0x4000, $0x38;
	[tilespmem:$0x1D000] =	vst v63  }
0x9a: {  	_ =	swait.ge [sflag:s19], $0x4000  }
0x9b: {  	[sflag:s19] =	ssyncset.done $0x0  }
0x9c: {  	s30 =	simm.s32 $0x13C00;
	[sflag:s19] =	ssyncadd.s32 $0xFFFFC000  }
0x9d: {  	[spmem:s2] =	stream.indirect.scatter.add.f32 [tilespmem:s17], [sflag:$0x3], $0x80, s30, s20, $0xb8;
	[tilespmem:$0x1D000] =	vst v63  }
0x9e: {  	_ =	swait.ge [sflag:s14], $0x4000  }
0x9f: {  	[sflag:s14] =	ssyncset.done $0x0  }
0xa0: {  	[sflag:s14] =	ssyncadd.s32 $0xFFFFC000  }
0xa1: {  	_ =	swait.ge [sflag:s21], $0x4000  }
0xa2: {  	[sflag:s21] =	ssyncset.done $0x0  }
0xa3: {  	s31 =	simm.s32 $0x13C80;
	[sflag:s21] =	ssyncadd.s32 $0xFFFFC000  }
0xa4: {  	[spmem:s2] =	stream.indirect.scatter.add.f32 [tilespmem:s18], [sflag:$0x3], $0x80, s31, s20, $0xb8;
	[tilespmem:$0x1D000] =	vst v63  }
0xa5: {  	s25 =	simm.s32 $0x800;
	_ =	swait.ge [sflag:s14], $0x4000  }
0xa6: {  	s24 =	sadd.s32 $0x1000, s12;
	s23 =	simm.s32 $0x400;
	[sflag:s14] =	ssyncset.done $0x0  }
.LBB2_6:
0xa7: {  	p0 =	sne.s32 s25, $0x4C00;
	s26 =	sadd.s32 $0xFFFFF800, s24;
	[sflag:s14] =	ssyncadd.s32 $0xFFFFC000  }
0xa8: {  	[tilespmem:s17], [sflag:$0x1] =	stream.linear.gather [hbm4b:s26+s3], $0x4000, $0x38;
	[tilespmem:$0x1D000] =	vst v63  }
0xa9: {  	s26 =	smov.u32 s25;
	s25 =	sadd.s32 $0x400, s25  }
0xaa: {  	[tilespmem:s18], [sflag:$0x2] =	stream.linear.gather [hbm4b:s24+s3], $0x4000, $0x38;
	[tilespmem:$0x1D000] =	vst v63  }
0xab: {  	_ =	swait.ge [sflag:s19], $0x4000  }
0xac: {  	s28 =	sshra.s32 s23, $0x2;
	s23 =	smov.u32 s26;
	[sflag:s19] =	ssyncset.done $0x0  }
0xad: {  	s26 =	sadd.s32 $0x13C00, s28;
	[sflag:s19] =	ssyncadd.s32 $0xFFFFC000  }
0xae: {  	[spmem:s2] =	stream.indirect.scatter.add.f32 [tilespmem:s17], [sflag:$0x3], $0x80, s26, s20, $0xb8;
	[tilespmem:$0x1D000] =	vst v63  }
0xaf: {  	_ =	swait.ge [sflag:s14], $0x4000  }
0xb0: {  	[sflag:s14] =	ssyncset.done $0x0  }
0xb1: {  	[sflag:s14] =	ssyncadd.s32 $0xFFFFC000  }
0xb2: {  	_ =	swait.ge [sflag:s21], $0x4000  }
.Ltmp2:
0xb3: {  	[sflag:s21] =	ssyncset.done $0x0;
	(pc) =	sbr.rel @p0 .LBB2_6-.Ltmp2, $4  }
0xb4: {  	s26 =	sadd.s32 $0x13C80, s28;
	[sflag:s21] =	ssyncadd.s32 $0xFFFFC000  }
0xb5: {  	[spmem:s2] =	stream.indirect.scatter.add.f32 [tilespmem:s18], [sflag:$0x3], $0x80, s26, s20, $0xb8;
	[tilespmem:$0x1D000] =	vst v63  }
0xb6: {  	_ =	swait.ge [sflag:s14], $0x4000  }
0xb7: {  	s24 =	sadd.s32 $0x1000, s24;
	[sflag:s14] =	ssyncset.done $0x0  }
0xb8: {  	s25 =	sadd.s32 $0xFFFFF800, s24;
	[sflag:s14] =	ssyncadd.s32 $0xFFFFC000  }
0xb9: {  	[tilespmem:s17], [sflag:$0x1] =	stream.linear.gather [hbm4b:s25+s3], $0x4000, $0x38;
	[tilespmem:$0x1D000] =	vst v63  }
0xba: {  	_ = 	snop  }
0xbb: {  	[tilespmem:s18], [sflag:$0x2] =	stream.linear.gather [hbm4b:s24+s3], $0x4000, $0x38;
	[tilespmem:$0x1D000] =	vst v63  }
0xbc: {  	_ =	swait.ge [sflag:s19], $0x4000  }
0xbd: {  	s23 =	sshra.s32 s23, $0x2;
	[sflag:s19] =	ssyncset.done $0x0  }
0xbe: {  	s31 =	sadd.s32 $0x13C00, s23;
	[sflag:s19] =	ssyncadd.s32 $0xFFFFC000  }
0xbf: {  	[spmem:s2] =	stream.indirect.scatter.add.f32 [tilespmem:s17], [sflag:$0x3], $0x80, s31, s20, $0xb8;
	[tilespmem:$0x1D000] =	vst v63  }
0xc0: {  	_ =	swait.ge [sflag:s14], $0x4000  }
0xc1: {  	[sflag:s14] =	ssyncset.done $0x0  }
0xc2: {  	[sflag:s14] =	ssyncadd.s32 $0xFFFFC000  }
0xc3: {  	_ =	swait.ge [sflag:s21], $0x4000  }
0xc4: {  	[sflag:s21] =	ssyncset.done $0x0  }
0xc5: {  	s23 =	sadd.s32 $0x13C80, s23;
	[sflag:s21] =	ssyncadd.s32 $0xFFFFC000  }
0xc6: {  	[spmem:s2] =	stream.indirect.scatter.add.f32 [tilespmem:s18], [sflag:$0x3], $0x80, s23, s20, $0xb8;
	[tilespmem:$0x1D000] =	vst v63  }
0xc7: {  	_ =	swait.ge [sflag:s14], $0x4000  }
0xc8: {  	[sflag:s14] =	ssyncset.done $0x0  }
0xc9: {  	s22 =	sadd.s32 $0x1, s22;
	[sflag:s14] =	ssyncadd.s32 $0xFFFFC000  }
0xca: {  	p0 =	sne.s32 s22, s9;
	[bflag:$0x0] =	sbarrier.arrive $0xFFFF  }
0xcb: {  	[hbm:s8], [sflag:s15] =	dma.local [spmem:s16], $0x2780  }
.Ltmp3:
0xcc: {  	_ =	swait.ge [sflag:s14], $0x2780;
	(pc) =	sbr.rel @p0 .LBB2_1-.Ltmp3, $3  }
0xcd: {  	[sflag:s14] =	ssyncset.done $0x0  }
0xce: {  	[sflag:s14] =	ssyncadd.s32 $0xFFFFD880  }
0xcf: {  	[bflag:$0x0] =	sbarrier.arrive $0xFFFF;
	_ =	sdelay $0x1  }
0xd0: {  	_ =	sfence.sel $0x180000  }
0xd1: {  	[bflag:$0x0] =	sbarrier.arrive $0xFFFF  }
0xd2: {  	p0 =	sne.s32 s0, $0x0;
	_ =	strace $0x90000056  }
0xd3: {  	s0 =	sadd.s32 @!p0 $0x100000, s1;
	[bflag:$0x2] =	sbarrier.arrive $0xFFFF  }
0xd4: {  	[sflag:s0] =	ssyncadd.tile.s32 @!p0 $0x1;
	_ =	shalt  }
.Lfunc_end2:
_tile_overlayer_lowered:
.L_overlay_start_2:
0xd5: {  	(tag) =	ssettag $0x2  }
0xd6: {  	s0 =	rddreg [dreg:$0x0];
	s2 =	stileid.u32  }
0xd7: {  	s1 =	rddreg [dreg:$0x1];
	p0 =	sne.s32 s2, $0x0  }
0xd8: {  	s3 =	rddreg [dreg:$0x2];
	[bflag:$0x3] =	sbarrier.arrive $0xFFFF;
	s2 =	simm.s32 @!p0 $0x1C03  }
0xd9: {  	[timem:s3], [sflag:s2] =	dma.local @!p0 [hbm:s0], s1  }
0xda: {  	s0 =	simm.s32 @!p0 $0x3  }
0xdb: {  	_ =	swait.ge @!p0 [sflag:s0], s1  }
0xdc: {  	s1 =	ssub.s32 @!p0 $0x0, s1;
	[sflag:s0] =	ssyncset.done @!p0 $0x0  }
0xdd: {  	[sflag:s0] =	ssyncadd.s32 @!p0 s1  }
0xde: {  	[bflag:$0x3] =	sbarrier.arrive $0xFFFF  }
0xdf: {  	_ =	shalt  }

// kernel: kernel.37.cloned.1.call-start
scs
__scs_entry_jumppad:
0x0: {  	(pc) =	sbr.rel $0x88, $3  }
0x1: {  	(tag) =	ssettag $0x0;
	lr =	simm.s32 $0x1  }
0x2: {  	[smem:$0x3F7E] =	sst lr;
	_ =	strace $0xD0000000  }
0x3: {  	_ = 	snop  }
0x4: {  	_ = 	snop  }
0x5: {  	_ = 	snop  }
0x6: {  	_ = 	snop  }
0x7: {  	_ = 	snop  }
__scs_overlays_trampoline_lowered:
0x8: {  	[smem:$0x3F8D] =	sst s0  }
0x9: {  	[smem:$0x3F8E] =	sst s1  }
0xa: {  	[smem:$0x3F8F] =	sst s2  }
0xb: {  	[smem:$0x3F90] =	sst s3  }
0xc: {  	[smem:$0x3F91] =	sst s4  }
0xd: {  	[smem:$0x3F92] =	sst s5  }
0xe: {  	[smem:$0x3F93] =	sst s6  }
0xf: {  	[smem:$0x3F94] =	sst s7  }
0x10: {  	[smem:$0x3F95] =	sst s8  }
0x11: {  	[smem:$0x3F96] =	sst s9;
	s0 =	simm.s32 @!p0 $0x0  }
0x12: {  	s1 =	sld [smem:$0x3F7C];
	s0 =	simm.s32 @p0 $0x1  }
0x13: {  	[smem:$0x3F97] =	sst s0;
	s0 =	simm.s32 @!p1 $0x0  }
0x14: {  	s2 =	sld [smem:$0x3F7B];
	s0 =	simm.s32 @p1 $0x1  }
0x15: {  	[smem:$0x3F98] =	sst s0;
	s0 =	simm.s32 @!p2 $0x0  }
0x16: {  	s3 =	sld [smem:$0x3FDB];
	s0 =	simm.s32 @p2 $0x1  }
0x17: {  	s4 =	simm.s32 $0x1BF5;
	[smem:$0x3F9A] =	sst s0  }
0x18: {  	s0 =	sld [smem:$0x3F7D];
	_ =	swait.ge [sflag:s4], $0x0  }
0x19: {  	s7 =	sld [smem:$0x3F7E]  }
0x1a: {  	s8 =	sadd.s32 $0xFFFFE003, lr  }
0x1b: {  	s9 =	sadd.s32 $0xFFFFFEF7, lr;
	s5 =	simm.s32 $0xFFFFFFFF;
	p2 =	slt.u32 s8, $0xFFFFF086  }
0x1c: {  	p1 =	slt.u32 s9, $0xF7A;
	s5 =	simm.s32 @!p2 $0x0  }
0x1d: {  	s5 =	simm.s32 @p1 $0x1;
	p0 =	seq.s32 s7, s2  }
0x1e: {  	s7 =	smul.u32 @!p0 $0xF7A, s2;
	p2 =	seq.s32 @!p0 s5, $0x0  }
0x1f: {  	s9 =	smul.u32 $0xF7A, s1;
	s8 =	simm.s32 @!p0 $0x1BF5;
	p2 =	por !p2, p0  }
0x20: {  	[sflag:s8] =	ssyncset.s32 @!p0 $0xFFFFF086;
	s6 =	sadd.s32 @!p0 s3, s7;
	s7 =	simm.s32 @!p0 $0x108  }
0x21: {  	s3 =	sadd.s32 s3, s9;
	s6 =	sadd.s32 @!p0 $0x88, s6;
	s7 =	simm.s32 @p2 $0x1082  }
0x22: {  	[simem:s7], [sflag:s8] =	dma.local @!p0 [hbm:s6], $0xF7A  }
0x23: {  	s9 =	sor.u32 $0xD0000000, s2;
	s6 =	simm.s32 $0x108;
	_ =	swait.ge @!p0 [sflag:s8], $0x0  }
0x24: {  	s3 =	sadd.s32 $0x88, s3;
	s6 =	simm.s32 @!p1 $0x1082;
	[sflag:s4] =	ssyncset.s32 $0xFFFFF086  }
0x25: {  	[simem:s6], [sflag:s4] =	dma.local [hbm:s3], $0xF7A  }
0x26: {  	[smem:$0x3F7E] =	sst s1;
	(tag) =	ssettag s2;
	_ =	strace s9  }
0x27: {  	s1 =	sld [smem:$0x3F8E]  }
0x28: {  	s2 =	sld [smem:$0x3F8F]  }
0x29: {  	s4 =	sld [smem:$0x3F91]  }
0x2a: {  	p0 =	seq.s32 s5, $0x0;
	s5 =	sld [smem:$0x3F92]  }
0x2b: {  	s6 =	sld [smem:$0x3F93]  }
0x2c: {  	s7 =	sld [smem:$0x3F94]  }
0x2d: {  	s3 =	simm.s32 $0x108;
	s8 =	sld [smem:$0x3F95]  }
0x2e: {  	s3 =	simm.s32 @!p0 $0x1082;
	s9 =	sld [smem:$0x3F96]  }
0x2f: {  	lr =	sadd.s32 s0, s3;
	s0 =	sld [smem:$0x3F8D]  }
0x30: {  	s3 =	sld [smem:$0x3F90]  }
0x31: {  	[smem:$0x3F99] =	sst s10  }
0x32: {  	s10 =	sld [smem:$0x3F97];
	_ =	sdelay $0x3  }
0x33: {  	p0 =	seq.s32 s10, $0x1;
	s10 =	sld [smem:$0x3F99];
	_ =	sdelay $0x3  }
0x34: {  	[smem:$0x3F99] =	sst s10  }
0x35: {  	s10 =	sld [smem:$0x3F98];
	_ =	sdelay $0x3  }
0x36: {  	p1 =	seq.s32 s10, $0x1;
	s10 =	sld [smem:$0x3F99];
	_ =	sdelay $0x3  }
0x37: {  	[smem:$0x3F99] =	sst s10  }
0x38: {  	s10 =	sld [smem:$0x3F9A]  }
0x39: {  	_ = 	snop;
	(pc) =	sbr.ind lr, $3  }
0x3a: {  	_ = 	snop  }
0x3b: {  	_ = 	snop  }
0x3c: {  	p2 =	seq.s32 s10, $0x1;
	s10 =	sld [smem:$0x3F99]  }
0x3d: {  	_ =	shalt  }
0x3e: {  	_ =	shalt  }
0x3f: {  	_ =	shalt  }
0x40: {  	_ =	shalt  }
0x41: {  	_ =	shalt  }
0x42: {  	_ =	shalt  }
0x43: {  	_ =	shalt  }
0x44: {  	_ =	shalt  }
0x45: {  	_ =	shalt  }
0x46: {  	_ =	shalt  }
0x47: {  	_ =	shalt  }
0x48: {  	_ =	shalt  }
0x49: {  	_ =	shalt  }
0x4a: {  	_ =	shalt  }
0x4b: {  	_ =	shalt  }
0x4c: {  	_ =	shalt  }
0x4d: {  	_ =	shalt  }
0x4e: {  	_ =	shalt  }
0x4f: {  	_ =	shalt  }
0x50: {  	_ =	shalt  }
0x51: {  	_ =	shalt  }
0x52: {  	_ =	shalt  }
0x53: {  	_ =	shalt  }
0x54: {  	_ =	shalt  }
0x55: {  	_ =	shalt  }
0x56: {  	_ =	shalt  }
0x57: {  	_ =	shalt  }
0x58: {  	_ =	shalt  }
0x59: {  	_ =	shalt  }
0x5a: {  	_ =	shalt  }
0x5b: {  	_ =	shalt  }
0x5c: {  	_ =	shalt  }
0x5d: {  	_ =	shalt  }
0x5e: {  	_ =	shalt  }
0x5f: {  	_ =	shalt  }
0x60: {  	_ =	shalt  }
0x61: {  	_ =	shalt  }
0x62: {  	_ =	shalt  }
0x63: {  	_ =	shalt  }
0x64: {  	_ =	shalt  }
0x65: {  	_ =	shalt  }
0x66: {  	_ =	shalt  }
0x67: {  	_ =	shalt  }
0x68: {  	_ =	shalt  }
0x69: {  	_ =	shalt  }
0x6a: {  	_ =	shalt  }
0x6b: {  	_ =	shalt  }
0x6c: {  	_ =	shalt  }
0x6d: {  	_ =	shalt  }
0x6e: {  	_ =	shalt  }
0x6f: {  	_ =	shalt  }
0x70: {  	_ =	shalt  }
0x71: {  	_ =	shalt  }
0x72: {  	_ =	shalt  }
0x73: {  	_ =	shalt  }
0x74: {  	_ =	shalt  }
0x75: {  	_ =	shalt  }
0x76: {  	_ =	shalt  }
0x77: {  	_ =	shalt  }
0x78: {  	_ =	shalt  }
0x79: {  	_ =	shalt  }
0x7a: {  	_ =	shalt  }
0x7b: {  	_ =	shalt  }
0x7c: {  	_ =	shalt  }
0x7d: {  	_ =	shalt  }
0x7e: {  	_ =	shalt  }
0x7f: {  	_ =	shalt  }
0x80: {  	_ =	shalt  }
0x81: {  	_ =	shalt  }
0x82: {  	_ =	shalt  }
0x83: {  	_ =	shalt  }
0x84: {  	_ =	shalt  }
0x85: {  	_ =	shalt  }
0x86: {  	_ =	shalt  }
0x87: {  	_ =	shalt  }
.Lfunc_end0:
.L_simem_size_0:
called_computation.6_lowered:
.L_overlay_start_0:
0x88: {  	s2 =	sld [smem:$0x3FD9]  }
0x89: {  	s3 =	sld [smem:$0x3FFE];
	_ =	sdelay $0x1  }
0x8a: {  	s1 =	srdreg.scid  }
0x8b: {  	s0 =	sand.u32 $0x1, s1  }
0x8c: {  	s16 =	sshll.u32 s0, $0xA;
	s2 =	sadd.s32 s3, s2  }
0x8d: {  	s2 =	sadd.s32 s2, s16  }
0x8e: {  	[smem:$0x3FA5] =	sst s2  }
0x8f: {  	_ = 	snop  }
0x90: {  	(tm) =	ssettm $0x1  }
0x91: {  	s17 =	sld [smem:$0x3FFB];
	_ =	sdelay $0x3  }
0x92: {  	_ =	strace s17  }
0x93: {  	s2 =	sld [smem:$0x3FFC];
	_ =	sdelay $0x3  }
0x94: {  	_ =	strace s2  }
0x95: {  	s2 =	sld [smem:$0x3FFD];
	_ =	sdelay $0x3  }
0x96: {  	_ =	strace s2  }
0x97: {  	_ =	strace $0x8FFFFFFF  }
0x98: {  	s18 =	sld [smem:$0x3FDB];
	_ =	sdelay $0x1  }
0x99: {  	s19 =	simm.s32 $_scs_section_size  }
0x9a: {  	s4 =	simm.s32 $_size__tile_overlayer_lowered;
	s5 =	simm.s32 $_tile_overlayer_lowered  }
0x9b: {  	s22 =	simm.s32 $0x1BFF;
	s21 =	sshll.u32 s5, $0x1;
	s2 =	sadd.s32 s19, s18  }
0x9c: {  	s6 =	simm.s32 $0x0;
	s20 =	sshll.u32 s4, $0x1;
	s4 =	sadd.s32 s21, s2  }
0x9d: {  	[timem:s6], [sflag:s22] =	dma.local [hbm:s4], s20  }
0x9e: {  	_ =	swait.ge [sflag:s22], s20  }
0x9f: {  	s3 =	ssub.s32 $0x0, s20;
	[sflag:s22] =	ssyncset.done $0x0  }
0xa0: {  	[sflag:s22] =	ssyncadd.s32 s3;
	_ =	sdelay $0x1  }
0xa1: {  	s23 =	simm.s32 $0x1B8B  }
0xa2: {  	_ =	swait.ge [sflag:s23], $0x1  }
0xa3: {  	[sflag:s23] =	ssyncset.done $0x0  }
0xa4: {  	s25 =	simm.s32 $0x1B8E;
	s24 =	sld [smem:$0x3FFE];
	[sflag:s23] =	ssyncadd.s32 $0xFFFFFFFF  }
0xa5: {  	s26 =	simm.s32 $execute0_lowered;
	[smem:$0x3FD2] =	sst s25  }
0xa6: {  	s4 =	sshll.u32 s26, $0x1;
	_ =	strace $0x80000058;
	[dreg:$0x1] =	wrdreg $0xFFFFFFFF  }
0xa7: {  	s28 =	simm.s32 $_size_execute0_lowered;
	s2 =	sadd.s32 s2, s4;
	[dreg:$0x0] =	wrdreg $0x0  }
0xa8: {  	s4 =	sshll.u32 s28, $0x1;
	[dreg:$0x2] =	wrdreg s2  }
0xa9: {  	[dreg:$0x3] =	wrdreg s4  }
0xaa: {  	[dreg:$0x4] =	wrdreg $0xC0  }
0xab: {  	_ =	task [dreg:s6], $0x5FFFF  }
0xac: {  	[dreg:$0x1] =	wrdreg $0xFFFFFFFF  }
0xad: {  	[dreg:$0x0] =	wrdreg $0x60  }
0xae: {  	[dreg:$0x2] =	wrdreg s24  }
0xaf: {  	[dreg:$0x3] =	wrdreg $0x9  }
0xb0: {  	_ =	task.clear_ibuf [dreg:s6], $0x4FFFF;
	_ =	strace $0x90000058  }
0xb1: {  	s29 =	simm.s32 $0x9;
	_ =	strace $0x8000005A  }
0xb2: {  	_ =	swait.ge [sflag:s29], $0x1  }
0xb3: {  	[sflag:s29] =	ssyncadd.s32 $0xFFFFFFFF  }
0xb4: {  	_ =	strace $0x9000005A  }
0xb5: {  	_ =	sfence  }
0xb6: {  	s30 =	sld [smem:$0x0];
	_ =	sdelay $0x2  }
0xb7: {  	s31 =	sshll.u32 s1, $0xD;
	s1 =	sshrl.u32 s1, $0x2  }
0xb8: {  	s3 =	sand.u32 $0x4000, s31;
	s1 =	sadd.s32 s1, s30  }
0xb9: {  	s0 =	sor.u32 s3, s0;
	s1 =	sshll.u32 s1, $0x11  }
0xba: {  	s0 =	sor.u32 s1, s0  }
0xbb: {  	s0 =	sadd.s32 $0x8F2B, s0  }
0xbc: {  	[sflag:s0] =	ssyncadd.remote.s32 $0x1  }
0xbd: {  	_ =	sfence.sel $0xFFFF  }
0xbe: {  	[dreg:$0x0] =	wrdreg $0xFFFFFFFF;
	(pc) =	sbr.abs _section_cstart, $3  }
0xbf: {  	[dreg:$0x1] =	wrdreg $0xFFFFFFFF  }
0xc0: {  	_ =	task.clear_ibuf [dreg:s6], $0x2FFFF;
	_ =	strace $0x9FFFFFFF  }
0xc1: {  	(tm) =	ssettm $0x7FFFFFFF  }
tec
execute0_lowered:
.L_overlay_start_1:
0x0: {  	(tag) =	ssettag $0x1  }
0x1: {  	s0 =	rddreg [dreg:$0x0]  }
0x2: {  	s3 =	srdreg.scid;
	s1 =	stileid.u32  }
0x3: {  	s2 =	simm.s32 $0x0;
	s13 =	simm.s32 $0x1000;
	s14 =	simm.s32 $0xD000  }
0x4: {  	s15 =	simm.s32 $0x5000;
	s16 =	simm.s32 $0x11000;
	s17 =	simm.s32 $0x9000  }
0x5: {  	s18 =	simm.s32 $0x15000;
	s19 =	simm.s32 $0x1;
	s20 =	simm.s32 $0x4  }
0x6: {  	s21 =	simm.s32 $0x2;
	s22 =	simm.s32 $0x5;
	s23 =	simm.s32 $0x3  }
0x7: {  	s24 =	simm.s32 $0x6;
	s26 =	simm.s32 $0xE00;
	s28 =	simm.s32 $0x0  }
0x8: {  	s5 =	sand.u32 $0x1, s3;
	s30 =	sshll.u32 s1, $0x1;
	[smem:$0x7FF] =	sst s2  }
0x9: {  	s3 =	sadd.s32 $0x9600, s0;
	s10 =	smul.u32 $0xD000, s1;
	s4 =	sor.u32 s5, s30  }
0xa: {  	s8 =	sadd.s32 $0x30800, s0;
	s6 =	sshll.u32 s4, $0x8;
	s4 =	smul.u32 $0x34000, s4  }
0xb: {  	_ =	strace $0x80000059;
	s7 =	ssub.s32 $0x2, s5;
	s11 =	smul.u32 $0x6800, s5  }
0xc: {  	s9 =	sshrl.u32 s7, $0x1;
	s6 =	sadd.s32 s6, s0;
	s31 =	sshrl.u32 s4, $0x3  }
0xd: {  	s0 =	sadd.s32 $0x100800, s0;
	s9 =	ssub.s32 s7, s9;
	s7 =	sadd.s32 $0x6000, s31  }
0xe: {  	s4 =	sadd.s32 $0x795600, s6;
	s5 =	sadd.s32 $0x793600, s6;
	s6 =	sadd.s32 s8, s7  }
0xf: {  	s8 =	sadd.s32 s10, s8;
	s7 =	sadd.s32 s0, s7;
	s0 =	sadd.s32 s10, s0  }
0x10: {  	s10 =	simm.s32 $0x7;
	s12 =	sadd.s32 s11, s8;
	s8 =	smax.u32 s9, $0x1  }
0x11: {  	s9 =	sadd.s32 s11, s0;
	[dreg:$0x2] =	wrdreg s12;
	s12 =	simm.s32 $0x80  }
.LBB2_1:
0x12: {  	[tilespmem:s2], [sflag:$0x7] =	stream.linear.gather [hbm4b:s4+s2], $0x800, $0x38;
	[tilespmem:$0x19000] =	vst v63  }
0x13: {  	_ =	swait.ge [sflag:s10], $0x800  }
0x14: {  	[sflag:s10] =	ssyncset.done $0x0  }
0x15: {  	s0 =	simm.s32 $0x800;
	[sflag:s10] =	ssyncadd.s32 $0xFFFFF800  }
0x16: {  	[tilespmem:s0], [sflag:$0x7] =	stream.linear.gather [hbm4b:s5+s2], $0x800, $0x38;
	[tilespmem:$0x19000] =	vst v63  }
0x17: {  	_ =	swait.ge [sflag:s10], $0x800  }
0x18: {  	[sflag:s10] =	ssyncset.done $0x0  }
0x19: {  	s25 =	simm.s32 $0x0;
	[sflag:s10] =	ssyncadd.s32 $0xFFFFF800  }
0x1a: {  	[tilespmem:s13], [sflag:$0x1] =	stream.indirect.gather [hbm4b:s3+s12], $0x80, s25, s12, $0xb8;
	[tilespmem:$0x19000] =	vst v63  }
0x1b: {  	s1 =	simm.s32 $0x800  }
0x1c: {  	[tilespmem:s14], [sflag:$0x4] =	stream.indirect.gather [hbm4b:s3+s12], $0x80, s1, s12, $0xb8;
	[tilespmem:$0x19000] =	vst v63  }
0x1d: {  	s11 =	simm.s32 $0x80  }
0x1e: {  	[tilespmem:s15], [sflag:$0x2] =	stream.indirect.gather [hbm4b:s3+s12], $0x80, s11, s12, $0xb8;
	[tilespmem:$0x19000] =	vst v63  }
0x1f: {  	s25 =	simm.s32 $0x880  }
0x20: {  	[tilespmem:s16], [sflag:$0x5] =	stream.indirect.gather [hbm4b:s3+s12], $0x80, s25, s12, $0xb8;
	[tilespmem:$0x19000] =	vst v63  }
0x21: {  	s1 =	simm.s32 $0x100  }
0x22: {  	[tilespmem:s17], [sflag:$0x3] =	stream.indirect.gather [hbm4b:s3+s12], $0x80, s1, s12, $0xb8;
	[tilespmem:$0x19000] =	vst v63  }
0x23: {  	s29 =	simm.s32 $0x900  }
0x24: {  	[tilespmem:s18], [sflag:$0x6] =	stream.indirect.gather [hbm4b:s3+s12], $0x80, s29, s12, $0xb8;
	[tilespmem:$0x19000] =	vst v63  }
0x25: {  	_ =	swait.ge [sflag:s19], $0x4000  }
0x26: {  	s11 =	rddreg [dreg:$0x2];
	[sflag:s19] =	ssyncset.done $0x0  }
0x27: {  	[sflag:s19] =	ssyncadd.s32 $0xFFFFC000;
	s0 =	sadd.s32 $0x0, s11  }
0x28: {  	[hbm4b:s0+s2] =	stream.linear.scatter [tilespmem:s13], [sflag:$0x7], $0x4000, $0x38;
	[tilespmem:$0x19000] =	vst v63  }
0x29: {  	_ =	swait.ge [sflag:s10], $0x4000  }
0x2a: {  	[sflag:s10] =	ssyncset.done $0x0  }
0x2b: {  	[sflag:s10] =	ssyncadd.s32 $0xFFFFC000  }
0x2c: {  	_ =	swait.ge [sflag:s20], $0x4000  }
0x2d: {  	[sflag:s20] =	ssyncset.done $0x0  }
0x2e: {  	s30 =	sadd.s32 $0x0, s9;
	[sflag:s20] =	ssyncadd.s32 $0xFFFFC000  }
0x2f: {  	[hbm4b:s30+s2] =	stream.linear.scatter [tilespmem:s14], [sflag:$0x7], $0x4000, $0x38;
	[tilespmem:$0x19000] =	vst v63  }
0x30: {  	_ =	swait.ge [sflag:s10], $0x4000  }
0x31: {  	[sflag:s10] =	ssyncset.done $0x0  }
0x32: {  	[sflag:s10] =	ssyncadd.s32 $0xFFFFC000  }
0x33: {  	_ =	swait.ge [sflag:s21], $0x4000  }
0x34: {  	[sflag:s21] =	ssyncset.done $0x0  }
0x35: {  	s31 =	sadd.s32 $0x800, s0;
	[sflag:s21] =	ssyncadd.s32 $0xFFFFC000  }
0x36: {  	[hbm4b:s31+s2] =	stream.linear.scatter [tilespmem:s15], [sflag:$0x7], $0x4000, $0x38;
	[tilespmem:$0x19000] =	vst v63  }
0x37: {  	_ =	swait.ge [sflag:s10], $0x4000  }
0x38: {  	[sflag:s10] =	ssyncset.done $0x0  }
0x39: {  	[sflag:s10] =	ssyncadd.s32 $0xFFFFC000  }
0x3a: {  	_ =	swait.ge [sflag:s22], $0x4000  }
0x3b: {  	[sflag:s22] =	ssyncset.done $0x0  }
0x3c: {  	s31 =	sadd.s32 $0x800, s30;
	[sflag:s22] =	ssyncadd.s32 $0xFFFFC000  }
0x3d: {  	[hbm4b:s31+s2] =	stream.linear.scatter [tilespmem:s16], [sflag:$0x7], $0x4000, $0x38;
	[tilespmem:$0x19000] =	vst v63  }
0x3e: {  	_ =	swait.ge [sflag:s10], $0x4000  }
0x3f: {  	[sflag:s10] =	ssyncset.done $0x0  }
0x40: {  	[sflag:s10] =	ssyncadd.s32 $0xFFFFC000  }
0x41: {  	_ =	swait.ge [sflag:s23], $0x4000  }
0x42: {  	[sflag:s23] =	ssyncset.done $0x0  }
0x43: {  	s0 =	sadd.s32 $0x1000, s0;
	[sflag:s23] =	ssyncadd.s32 $0xFFFFC000  }
0x44: {  	[hbm4b:s0+s2] =	stream.linear.scatter [tilespmem:s17], [sflag:$0x7], $0x4000, $0x38;
	[tilespmem:$0x19000] =	vst v63  }
0x45: {  	_ =	swait.ge [sflag:s10], $0x4000  }
0x46: {  	[sflag:s10] =	ssyncset.done $0x0  }
0x47: {  	[sflag:s10] =	ssyncadd.s32 $0xFFFFC000  }
0x48: {  	_ =	swait.ge [sflag:s24], $0x4000  }
0x49: {  	[sflag:s24] =	ssyncset.done $0x0  }
0x4a: {  	s25 =	sadd.s32 $0x1000, s30;
	[sflag:s24] =	ssyncadd.s32 $0xFFFFC000  }
0x4b: {  	[hbm4b:s25+s2] =	stream.linear.scatter [tilespmem:s18], [sflag:$0x7], $0x4000, $0x38;
	[tilespmem:$0x19000] =	vst v63  }
0x4c: {  	s30 =	simm.s32 $0x1800;
	_ =	swait.ge [sflag:s10], $0x4000  }
0x4d: {  	s31 =	simm.s32 $0x280;
	s0 =	simm.s32 $0x3000;
	[sflag:s10] =	ssyncset.done $0x0  }
.LBB2_2:
0x4e: {  	s1 =	sadd.s32 $0xFFFFFF00, s31;
	[sflag:s10] =	ssyncadd.s32 $0xFFFFC000;
	s29 =	sadd.s32 $0x180, s29  }
0x4f: {  	[tilespmem:s13], [sflag:$0x1] =	stream.indirect.gather [hbm4b:s3+s12], $0x80, s1, s12, $0xb8;
	[tilespmem:$0x19000] =	vst v63  }
0x50: {  	s25 =	sadd.s32 $0xFFFFFF00, s29  }
0x51: {  	[tilespmem:s14], [sflag:$0x4] =	stream.indirect.gather [hbm4b:s3+s12], $0x80, s25, s12, $0xb8;
	[tilespmem:$0x19000] =	vst v63  }
0x52: {  	s25 =	sadd.s32 $0xFFFFFF80, s31  }
0x53: {  	[tilespmem:s15], [sflag:$0x2] =	stream.indirect.gather [hbm4b:s3+s12], $0x80, s25, s12, $0xb8;
	[tilespmem:$0x19000] =	vst v63  }
0x54: {  	s25 =	sadd.s32 $0xFFFFFF80, s29  }
0x55: {  	[tilespmem:s16], [sflag:$0x5] =	stream.indirect.gather [hbm4b:s3+s12], $0x80, s25, s12, $0xb8;
	[tilespmem:$0x19000] =	vst v63  }
0x56: {  	_ = 	snop  }
0x57: {  	[tilespmem:s17], [sflag:$0x3] =	stream.indirect.gather [hbm4b:s3+s12], $0x80, s31, s12, $0xb8;
	[tilespmem:$0x19000] =	vst v63  }
0x58: {  	_ = 	snop  }
0x59: {  	[tilespmem:s18], [sflag:$0x6] =	stream.indirect.gather [hbm4b:s3+s12], $0x80, s29, s12, $0xb8;
	[tilespmem:$0x19000] =	vst v63  }
0x5a: {  	_ =	swait.ge [sflag:s19], $0x4000  }
0x5b: {  	s25 =	rddreg [dreg:$0x2];
	[sflag:s19] =	ssyncset.done $0x0  }
0x5c: {  	[sflag:s19] =	ssyncadd.s32 $0xFFFFC000;
	s1 =	sadd.s32 s30, s25  }
0x5d: {  	[hbm4b:s1+s2] =	stream.linear.scatter [tilespmem:s13], [sflag:$0x7], $0x4000, $0x38;
	[tilespmem:$0x19000] =	vst v63  }
0x5e: {  	_ =	swait.ge [sflag:s10], $0x4000  }
0x5f: {  	[sflag:s10] =	ssyncset.done $0x0  }
0x60: {  	[sflag:s10] =	ssyncadd.s32 $0xFFFFC000  }
0x61: {  	_ =	swait.ge [sflag:s20], $0x4000  }
0x62: {  	[sflag:s20] =	ssyncset.done $0x0  }
0x63: {  	s25 =	sadd.s32 s30, s9;
	[sflag:s20] =	ssyncadd.s32 $0xFFFFC000  }
0x64: {  	[hbm4b:s25+s2] =	stream.linear.scatter [tilespmem:s14], [sflag:$0x7], $0x4000, $0x38;
	[tilespmem:$0x19000] =	vst v63  }
0x65: {  	_ =	swait.ge [sflag:s10], $0x4000  }
0x66: {  	[sflag:s10] =	ssyncset.done $0x0  }
0x67: {  	[sflag:s10] =	ssyncadd.s32 $0xFFFFC000  }
0x68: {  	_ =	swait.ge [sflag:s21], $0x4000  }
0x69: {  	s11 =	smov.u32 s0;
	[sflag:s21] =	ssyncset.done $0x0  }
0x6a: {  	s30 =	smov.u32 s11;
	s11 =	sadd.s32 $0x800, s1;
	[sflag:s21] =	ssyncadd.s32 $0xFFFFC000  }
0x6b: {  	[hbm4b:s11+s2] =	stream.linear.scatter [tilespmem:s15], [sflag:$0x7], $0x4000, $0x38;
	[tilespmem:$0x19000] =	vst v63  }
0x6c: {  	_ =	swait.ge [sflag:s10], $0x4000  }
0x6d: {  	[sflag:s10] =	ssyncset.done $0x0  }
0x6e: {  	[sflag:s10] =	ssyncadd.s32 $0xFFFFC000  }
0x6f: {  	_ =	swait.ge [sflag:s22], $0x4000  }
0x70: {  	[sflag:s22] =	ssyncset.done $0x0  }
0x71: {  	s11 =	sadd.s32 $0x800, s25;
	[sflag:s22] =	ssyncadd.s32 $0xFFFFC000  }
0x72: {  	[hbm4b:s11+s2] =	stream.linear.scatter [tilespmem:s16], [sflag:$0x7], $0x4000, $0x38;
	[tilespmem:$0x19000] =	vst v63  }
0x73: {  	_ =	swait.ge [sflag:s10], $0x4000  }
0x74: {  	[sflag:s10] =	ssyncset.done $0x0  }
0x75: {  	[sflag:s10] =	ssyncadd.s32 $0xFFFFC000  }
0x76: {  	_ =	swait.ge [sflag:s23], $0x4000  }
0x77: {  	[sflag:s23] =	ssyncset.done $0x0  }
0x78: {  	s1 =	sadd.s32 $0x1000, s1;
	[sflag:s23] =	ssyncadd.s32 $0xFFFFC000  }
0x79: {  	[hbm4b:s1+s2] =	stream.linear.scatter [tilespmem:s17], [sflag:$0x7], $0x4000, $0x38;
	[tilespmem:$0x19000] =	vst v63  }
0x7a: {  	_ =	swait.ge [sflag:s10], $0x4000  }
0x7b: {  	[sflag:s10] =	ssyncset.done $0x0  }
0x7c: {  	[sflag:s10] =	ssyncadd.s32 $0xFFFFC000  }
0x7d: {  	p0 =	sne.s32 s0, $0x4800;
	_ =	swait.ge [sflag:s24], $0x4000  }
.Ltmp0:
0x7e: {  	[sflag:s24] =	ssyncset.done $0x0;
	(pc) =	sbr.rel @p0 .LBB2_2-.Ltmp0, $4  }
0x7f: {  	s25 =	sadd.s32 $0x1000, s25;
	[sflag:s24] =	ssyncadd.s32 $0xFFFFC000  }
0x80: {  	[hbm4b:s25+s2] =	stream.linear.scatter [tilespmem:s18], [sflag:$0x7], $0x4000, $0x38;
	[tilespmem:$0x19000] =	vst v63  }
0x81: {  	_ =	swait.ge [sflag:s10], $0x4000  }
0x82: {  	s0 =	sadd.s32 $0x1800, s0;
	s31 =	sadd.s32 $0x180, s31;
	[sflag:s10] =	ssyncset.done $0x0  }
0x83: {  	s0 =	sadd.s32 $0xFFFFFF00, s31;
	[sflag:s10] =	ssyncadd.s32 $0xFFFFC000;
	s1 =	sadd.s32 $0x180, s29  }
0x84: {  	[tilespmem:s13], [sflag:$0x1] =	stream.indirect.gather [hbm4b:s3+s12], $0x80, s0, s12, $0xb8;
	[tilespmem:$0x19000] =	vst v63  }
0x85: {  	s11 =	sadd.s32 $0xFFFFFF00, s1  }
0x86: {  	[tilespmem:s14], [sflag:$0x4] =	stream.indirect.gather [hbm4b:s3+s12], $0x80, s11, s12, $0xb8;
	[tilespmem:$0x19000] =	vst v63  }
0x87: {  	s25 =	sadd.s32 $0xFFFFFF80, s31  }
0x88: {  	[tilespmem:s15], [sflag:$0x2] =	stream.indirect.gather [hbm4b:s3+s12], $0x80, s25, s12, $0xb8;
	[tilespmem:$0x19000] =	vst v63  }
0x89: {  	s29 =	sadd.s32 $0xFFFFFF80, s1  }
0x8a: {  	[tilespmem:s16], [sflag:$0x5] =	stream.indirect.gather [hbm4b:s3+s12], $0x80, s29, s12, $0xb8;
	[tilespmem:$0x19000] =	vst v63  }
0x8b: {  	_ = 	snop  }
0x8c: {  	[tilespmem:s17], [sflag:$0x3] =	stream.indirect.gather [hbm4b:s3+s12], $0x80, s31, s12, $0xb8;
	[tilespmem:$0x19000] =	vst v63  }
0x8d: {  	_ = 	snop  }
0x8e: {  	[tilespmem:s18], [sflag:$0x6] =	stream.indirect.gather [hbm4b:s3+s12], $0x80, s1, s12, $0xb8;
	[tilespmem:$0x19000] =	vst v63  }
0x8f: {  	_ =	swait.ge [sflag:s19], $0x4000  }
0x90: {  	s11 =	rddreg [dreg:$0x2];
	[sflag:s19] =	ssyncset.done $0x0  }
0x91: {  	[sflag:s19] =	ssyncadd.s32 $0xFFFFC000;
	s0 =	sadd.s32 s30, s11  }
0x92: {  	[hbm4b:s0+s2] =	stream.linear.scatter [tilespmem:s13], [sflag:$0x7], $0x4000, $0x38;
	[tilespmem:$0x19000] =	vst v63  }
0x93: {  	_ =	swait.ge [sflag:s10], $0x4000  }
0x94: {  	[sflag:s10] =	ssyncset.done $0x0  }
0x95: {  	[sflag:s10] =	ssyncadd.s32 $0xFFFFC000  }
0x96: {  	_ =	swait.ge [sflag:s20], $0x4000  }
0x97: {  	[sflag:s20] =	ssyncset.done $0x0  }
0x98: {  	s25 =	sadd.s32 s30, s9;
	[sflag:s20] =	ssyncadd.s32 $0xFFFFC000  }
0x99: {  	[hbm4b:s25+s2] =	stream.linear.scatter [tilespmem:s14], [sflag:$0x7], $0x4000, $0x38;
	[tilespmem:$0x19000] =	vst v63  }
0x9a: {  	_ =	swait.ge [sflag:s10], $0x4000  }
0x9b: {  	[sflag:s10] =	ssyncset.done $0x0  }
0x9c: {  	[sflag:s10] =	ssyncadd.s32 $0xFFFFC000  }
0x9d: {  	_ =	swait.ge [sflag:s21], $0x4000  }
0x9e: {  	[sflag:s21] =	ssyncset.done $0x0  }
0x9f: {  	s11 =	sadd.s32 $0x800, s0;
	[sflag:s21] =	ssyncadd.s32 $0xFFFFC000  }
0xa0: {  	[hbm4b:s11+s2] =	stream.linear.scatter [tilespmem:s15], [sflag:$0x7], $0x4000, $0x38;
	[tilespmem:$0x19000] =	vst v63  }
0xa1: {  	_ =	swait.ge [sflag:s10], $0x4000  }
0xa2: {  	[sflag:s10] =	ssyncset.done $0x0  }
0xa3: {  	[sflag:s10] =	ssyncadd.s32 $0xFFFFC000  }
0xa4: {  	_ =	swait.ge [sflag:s22], $0x4000  }
0xa5: {  	[sflag:s22] =	ssyncset.done $0x0  }
0xa6: {  	s29 =	sadd.s32 $0x800, s25;
	[sflag:s22] =	ssyncadd.s32 $0xFFFFC000  }
0xa7: {  	[hbm4b:s29+s2] =	stream.linear.scatter [tilespmem:s16], [sflag:$0x7], $0x4000, $0x38;
	[tilespmem:$0x19000] =	vst v63  }
0xa8: {  	_ =	swait.ge [sflag:s10], $0x4000  }
0xa9: {  	[sflag:s10] =	ssyncset.done $0x0  }
0xaa: {  	[sflag:s10] =	ssyncadd.s32 $0xFFFFC000  }
0xab: {  	_ =	swait.ge [sflag:s23], $0x4000  }
0xac: {  	[sflag:s23] =	ssyncset.done $0x0  }
0xad: {  	s0 =	sadd.s32 $0x1000, s0;
	[sflag:s23] =	ssyncadd.s32 $0xFFFFC000  }
0xae: {  	[hbm4b:s0+s2] =	stream.linear.scatter [tilespmem:s17], [sflag:$0x7], $0x4000, $0x38;
	[tilespmem:$0x19000] =	vst v63  }
0xaf: {  	_ =	swait.ge [sflag:s10], $0x4000  }
0xb0: {  	[sflag:s10] =	ssyncset.done $0x0  }
0xb1: {  	[sflag:s10] =	ssyncadd.s32 $0xFFFFC000  }
0xb2: {  	_ =	swait.ge [sflag:s24], $0x4000  }
0xb3: {  	[sflag:s24] =	ssyncset.done $0x0  }
0xb4: {  	s30 =	sadd.s32 $0x1000, s25;
	[sflag:s24] =	ssyncadd.s32 $0xFFFFC000  }
0xb5: {  	[hbm4b:s30+s2] =	stream.linear.scatter [tilespmem:s18], [sflag:$0x7], $0x4000, $0x38;
	[tilespmem:$0x19000] =	vst v63  }
0xb6: {  	_ =	swait.ge [sflag:s10], $0x4000  }
0xb7: {  	[sflag:s10] =	ssyncset.done $0x0  }
0xb8: {  	s31 =	simm.s32 $0x600;
	[sflag:s10] =	ssyncadd.s32 $0xFFFFC000  }
0xb9: {  	[tilespmem:s13], [sflag:$0x1] =	stream.indirect.gather [hbm4b:s3+s12], $0x80, s31, s12, $0xb8;
	[tilespmem:$0x19000] =	vst v63  }
0xba: {  	_ = 	snop  }
0xbb: {  	[tilespmem:s14], [sflag:$0x4] =	stream.indirect.gather [hbm4b:s3+s12], $0x80, s26, s12, $0xb8;
	[tilespmem:$0x19000] =	vst v63  }
0xbc: {  	_ =	swait.ge [sflag:s19], $0x4000  }
0xbd: {  	[sflag:s19] =	ssyncset.done $0x0  }
0xbe: {  	[sflag:s19] =	ssyncadd.s32 $0xFFFFC000  }
0xbf: {  	[hbm4b:s6+s2] =	stream.linear.scatter [tilespmem:s13], [sflag:$0x7], $0x4000, $0x38;
	[tilespmem:$0x19000] =	vst v63  }
0xc0: {  	_ =	swait.ge [sflag:s10], $0x4000  }
0xc1: {  	[sflag:s10] =	ssyncset.done $0x0  }
0xc2: {  	[sflag:s10] =	ssyncadd.s32 $0xFFFFC000  }
0xc3: {  	s28 =	sadd.s32 $0x1, s28;
	_ =	swait.ge [sflag:s20], $0x4000  }
0xc4: {  	p0 =	sne.s32 s28, s8;
	[sflag:s20] =	ssyncset.done $0x0  }
.Ltmp1:
0xc5: {  	[sflag:s20] =	ssyncadd.s32 $0xFFFFC000;
	(pc) =	sbr.rel @p0 .LBB2_1-.Ltmp1, $4  }
0xc6: {  	[hbm4b:s7+s2] =	stream.linear.scatter [tilespmem:s14], [sflag:$0x7], $0x4000, $0x38;
	[tilespmem:$0x19000] =	vst v63  }
0xc7: {  	_ =	swait.ge [sflag:s10], $0x4000  }
0xc8: {  	[sflag:s10] =	ssyncset.done $0x0  }
0xc9: {  	[sflag:s10] =	ssyncadd.s32 $0xFFFFC000  }
0xca: {  	_ =	sfence.sel $0x180000  }
0xcb: {  	[bflag:$0x0] =	sbarrier.arrive $0xFFFF  }
0xcc: {  	_ =	strace $0x90000059  }
0xcd: {  	s0 =	stileid.u32;
	[bflag:$0x2] =	sbarrier.arrive $0xFFFF  }
0xce: {  	p0 =	sne.s32 s0, $0x0;
	s0 =	rddreg [dreg:$0x1]  }
0xcf: {  	s0 =	sadd.s32 @!p0 $0x100000, s0  }
0xd0: {  	[sflag:s0] =	ssyncadd.tile.s32 @!p0 $0x1;
	_ =	shalt  }
.Lfunc_end2:
_tile_overlayer_lowered:
.L_overlay_start_2:
0xd1: {  	(tag) =	ssettag $0x2  }
0xd2: {  	s0 =	rddreg [dreg:$0x0];
	s2 =	stileid.u32  }
0xd3: {  	s1 =	rddreg [dreg:$0x1];
	p0 =	sne.s32 s2, $0x0  }
0xd4: {  	s3 =	rddreg [dreg:$0x2];
	[bflag:$0x3] =	sbarrier.arrive $0xFFFF;
	s2 =	simm.s32 @!p0 $0x1C07  }
0xd5: {  	[timem:s3], [sflag:s2] =	dma.local @!p0 [hbm:s0], s1  }
0xd6: {  	s0 =	simm.s32 @!p0 $0x7  }
0xd7: {  	_ =	swait.ge @!p0 [sflag:s0], s1  }
0xd8: {  	s1 =	ssub.s32 @!p0 $0x0, s1;
	[sflag:s0] =	ssyncset.done @!p0 $0x0  }
0xd9: {  	[sflag:s0] =	ssyncadd.s32 @!p0 s1  }
0xda: {  	[bflag:$0x3] =	sbarrier.arrive $0xFFFF  }
0xdb: {  	_ =	shalt  }

</sc_bundles>
